<compile_context>
chip_gen: v7x
topology: tpu7x:2x2x1
jax: 0.10.2.dev20260603
libtpu: 0.0.44.dev20260713+nightly
codegen_flags: <defaults>
</compile_context>

<pallas_src>
import functools

import jax
import jax.numpy as jnp
from jax import lax
from jax.experimental import pallas as pl
from jax.experimental.pallas import tpu as pltpu
from jax.experimental.pallas import tpu_sc as plsc

N = 50000
E = 800000
B = 1024
DIM = 32
HID = 64
OUT = 64
VOCAB = 100001

NC = 2
NS = 16
NW = NC * NS
L = 16

RPW = 1568
NPAD = NW * RPW
EPW = 25600
EPAD = NW * EPW
ECH2 = 200
NB = 4
CHUNKS = EPW // ECH2
BP = 1152
BPT = BP // NS
DPT = NPAD // NS

f32 = jnp.float32
i32 = jnp.int32

_MESH = plsc.VectorSubcoreMesh(
    core_axis_name="c", subcore_axis_name="s", num_cores=NC, num_subcores=NS
)


def _fill1(ref, n, val):
    def body(i, carry):
        ref[pl.ds(i * L, L)] = jnp.full((L,), val, f32)
        return carry
    lax.fori_loop(0, n // L, body, None)


def _fill2(ref, rows, val):
    def body(i, carry):
        r = i // 2
        o = (i % 2) * L
        ref[r, pl.ds(o, L)] = jnp.full((L,), val, f32)
        return carry
    lax.fori_loop(0, rows * 2, body, None)


def _wid():
    return lax.axis_index("s") * NC + lax.axis_index("c")


@functools.partial(
    pl.kernel,
    out_type=(
        (jax.ShapeDtypeStruct((NPAD, DIM), f32),) * 3
        + (jax.ShapeDtypeStruct((NC * BP,), f32),) * 3
        + (jax.ShapeDtypeStruct((NC * BP,), f32),) * 3
    ),
    mesh=_MESH,
    compiler_params=pltpu.CompilerParams(use_tc_tiling_on_sc=False),
    scratch_types=[
        pltpu.VMEM((RPW,), i32),
        pltpu.VMEM((RPW,), i32),
        pltpu.VMEM((RPW, DIM), f32),
        pltpu.VMEM((RPW,), f32),
        pltpu.VMEM((RPW,), f32),
        pltpu.VMEM((80,), f32),
        pltpu.VMEM_SHARED((BP,), f32),
        pltpu.VMEM_SHARED((BP,), f32),
        pltpu.VMEM_SHARED((BP,), f32),
        pltpu.VMEM_SHARED((BP,), f32),
        pltpu.VMEM_SHARED((BP,), f32),
        pltpu.VMEM_SHARED((BP,), f32),
        pltpu.SemaphoreType.DMA,
        pltpu.SemaphoreType.DMA,
    ],
)
def _k1(xu, xi, xc, bu, bi, bc, z1d, emb, nw,
        fU, fI, fC, wU, wI, wC, cU, cI, cC,
        xidx, bidx, frows, nrows, ones, tmp,
        w0, w1, w2, c0, c1, c2, sem, sem2):
    s = lax.axis_index("s")
    c = lax.axis_index("c")
    wid = _wid()
    xs = (xu, xi, xc)
    bs = (bu, bi, bc)
    wsp = (w0, w1, w2)
    csp = (c0, c1, c2)
    feats = (fU, fI, fC)
    wouts = (wU, wI, wC)
    couts = (cU, cI, cC)

    _fill1(ones, RPW, 1.0)
    for v in range(3):
        pltpu.sync_copy(z1d.at[pl.ds(0, BPT)], wsp[v].at[pl.ds(s * BPT, BPT)])
        pltpu.sync_copy(z1d.at[pl.ds(0, BPT)], csp[v].at[pl.ds(s * BPT, BPT)])
    plsc.subcore_barrier()

    for v in range(3):
        pltpu.sync_copy(xs[v].at[pl.ds(wid * RPW, RPW)], xidx)
        pltpu.sync_copy(bs[v].at[pl.ds(wid * RPW, RPW)], bidx)
        g1 = pltpu.async_copy(emb.at[xidx], frows, sem)
        g2 = pltpu.async_copy(nw.at[xidx], nrows, sem2)
        g1.wait()
        pltpu.sync_copy(frows, feats[v].at[pl.ds(wid * RPW, RPW)])
        g2.wait()
        pltpu.async_copy(nrows, wsp[v].at[bidx], sem, add=True).wait()
        pltpu.async_copy(ones, csp[v].at[bidx], sem, add=True).wait()

    plsc.subcore_barrier()
    for v in range(3):
        pltpu.sync_copy(wsp[v].at[pl.ds(s * BPT, BPT)], tmp.at[pl.ds(0, BPT)])
        pltpu.sync_copy(
            tmp.at[pl.ds(0, BPT)], wouts[v].at[pl.ds(c * BP + s * BPT, BPT)])
        pltpu.sync_copy(csp[v].at[pl.ds(s * BPT, BPT)], tmp.at[pl.ds(0, BPT)])
        pltpu.sync_copy(
            tmp.at[pl.ds(0, BPT)], couts[v].at[pl.ds(c * BP + s * BPT, BPT)])


@functools.partial(
    pl.kernel,
    out_type=(
        (jax.ShapeDtypeStruct((NC, NPAD, DIM), f32),) * 3
        + (jax.ShapeDtypeStruct((NC * NPAD,), f32),) * 3
    ),
    mesh=_MESH,
    compiler_params=pltpu.CompilerParams(use_tc_tiling_on_sc=False),
    scratch_types=(
        [pltpu.VMEM((ECH2,), i32)] * NB
        + [pltpu.VMEM((ECH2,), i32)] * NB
        + [pltpu.VMEM((ECH2, DIM), f32)] * NB
        + [
            pltpu.VMEM((ECH2,), f32),
            pltpu.VMEM_SHARED((NPAD, DIM), f32),
            pltpu.VMEM_SHARED((NPAD,), f32),
        ]
        + [pltpu.SemaphoreType.DMA] * NB
        + [pltpu.SemaphoreType.DMA] * NB
        + [pltpu.SemaphoreType.DMA]
    ),
)
def _k2(srcu, dstu, srci, dsti, srcc, dstc, fU, fI, fC, z2d, z1d,
        aU, aI, aC, dU, dI, dC,
        s0, s1, s2, s3, t0, t1, t2, t3, r0, r1, r2, r3,
        ones, aggsp, degsp,
        g0, g1, g2, g3, q0, q1, q2, q3, isem):
    s = lax.axis_index("s")
    c = lax.axis_index("c")
    wid = _wid()
    srcb = (s0, s1, s2, s3)
    dstb = (t0, t1, t2, t3)
    rowb = (r0, r1, r2, r3)
    gsem = (g0, g1, g2, g3)
    ssem = (q0, q1, q2, q3)
    _fill1(ones, ECH2, 1.0)

    for v, (srcr, dstr, feat, aout, dout) in enumerate(
        zip((srcu, srci, srcc), (dstu, dsti, dstc),
            (fU, fI, fC), (aU, aI, aC), (dU, dI, dC))
    ):
        pltpu.sync_copy(z2d, aggsp.at[pl.ds(s * DPT, DPT)])
        pltpu.sync_copy(z1d, degsp.at[pl.ds(s * DPT, DPT)])
        plsc.subcore_barrier()

        def idx_load(j, p):
            eb = wid * EPW + j * ECH2
            d1 = pltpu.async_copy(srcr.at[pl.ds(eb, ECH2)], srcb[p], isem)
            d2 = pltpu.async_copy(dstr.at[pl.ds(eb, ECH2)], dstb[p], isem)
            d1.wait()
            d2.wait()

        def issue_gather(p):
            pltpu.async_copy(feat.at[srcb[p]], rowb[p], gsem[p])

        def wait_gather(p):
            pltpu.make_async_copy(feat.at[srcb[p]], rowb[p], gsem[p]).wait()

        def issue_scatter(p):
            pltpu.async_copy(rowb[p], aggsp.at[dstb[p]], ssem[p], add=True)
            pltpu.async_copy(ones, degsp.at[dstb[p]], ssem[p], add=True)

        def wait_scatter(p):
            pltpu.make_async_copy(rowb[p], aggsp.at[dstb[p]], ssem[p]).wait()
            pltpu.make_async_copy(ones, degsp.at[dstb[p]], ssem[p]).wait()

        for p in range(NB):
            idx_load(p, p)
            issue_gather(p)
        wait_gather(0)
        issue_scatter(0)

        def round_body(r, carry):
            for p in range(NB):
                j = NB + r * NB + p
                wait_scatter(p)
                idx_load(j, p)
                issue_gather(p)
                p3 = (p + 1) % NB
                wait_gather(p3)
                issue_scatter(p3)
            return carry

        lax.fori_loop(0, (CHUNKS - NB) // NB, round_body, None)

        for t in range(3):
            p3 = (CHUNKS - 3 + t) % NB
            wait_gather(p3)
            issue_scatter(p3)
        for p in range(NB):
            wait_scatter(p)

        plsc.subcore_barrier()
        pltpu.sync_copy(aggsp.at[pl.ds(s * DPT, DPT)],
                        aout.at[c, pl.ds(s * DPT, DPT)])
        pltpu.sync_copy(degsp.at[pl.ds(s * DPT, DPT)],
                        dout.at[pl.ds(c * NPAD + s * DPT, DPT)])
        plsc.subcore_barrier()


_TR = 1792


def _k3_body(fu, fi, fc, au, ai, ac, du, di, dc,
             W1u, b1u, W2u, b2u, W1i, b1i, W2i, b2i, W1c, b1c, W2c, b2c,
             hu, hi, hc):
    views = (
        (fu, au, du, W1u, b1u, W2u, b2u, hu),
        (fi, ai, di, W1i, b1i, W2i, b2i, hi),
        (fc, ac, dc, W1c, b1c, W2c, b2c, hc),
    )
    for f, a, d, W1, b1, W2, b2, h in views:
        x = f[...]
        agg = a[0] + a[1]
        deg = jnp.maximum(d[0] + d[1], 1.0)
        z = x + agg / deg[:, None]
        t = jnp.dot(z, W1[...], precision=lax.Precision.HIGHEST,
                    preferred_element_type=f32) + b1[...]
        t = jnp.maximum(t, 0.0)
        h[...] = jnp.dot(t, W2[...], precision=lax.Precision.HIGHEST,
                         preferred_element_type=f32) + b2[...]


def _k3(fU, fI, fC, aU, aI, aC, dU, dI, dC, gw):
    fspec = pl.BlockSpec((_TR, DIM), lambda i: (i, 0))
    aspec = pl.BlockSpec((NC, _TR, DIM), lambda i: (0, i, 0))
    dspec = pl.BlockSpec((NC, _TR), lambda i: (0, i))
    wspecs = [
        pl.BlockSpec((DIM, HID), lambda i: (0, 0)),
        pl.BlockSpec((HID,), lambda i: (0,)),
        pl.BlockSpec((HID, DIM), lambda i: (0, 0)),
        pl.BlockSpec((DIM,), lambda i: (0,)),
    ] * 3
    return pl.pallas_call(
        _k3_body,
        grid=(NPAD // _TR,),
        in_specs=[fspec] * 3 + [aspec] * 3 + [dspec] * 3 + wspecs,
        out_specs=[fspec] * 3,
        out_shape=(jax.ShapeDtypeStruct((NPAD, DIM), f32),) * 3,
    )(fU, fI, fC, aU, aI, aC, dU, dI, dC, *gw)


@functools.partial(
    pl.kernel,
    out_type=(jax.ShapeDtypeStruct((NC, BP, DIM), f32),) * 3,
    mesh=_MESH,
    compiler_params=pltpu.CompilerParams(use_tc_tiling_on_sc=False),
    scratch_types=[
        pltpu.VMEM((RPW,), i32),
        pltpu.VMEM((RPW, DIM), f32),
        pltpu.VMEM((BPT, DIM), f32),
        pltpu.VMEM((BPT, DIM), f32),
        pltpu.VMEM_SHARED((BP, DIM), f32),
        pltpu.VMEM_SHARED((BP, DIM), f32),
        pltpu.VMEM_SHARED((BP, DIM), f32),
        pltpu.SemaphoreType.DMA,
    ],
)
def _k4(hU, hI, hC, bu, bi, bc, sU, sI, sC,
        bidx, hrows, zb2, ft2, s0, s1, s2, sem):
    s = lax.axis_index("s")
    c = lax.axis_index("c")
    wid = _wid()
    ssp = (s0, s1, s2)
    souts = (sU, sI, sC)
    bs = (bu, bi, bc)
    _fill2(zb2, BPT, 0.0)
    for v in range(3):
        pltpu.sync_copy(zb2, ssp[v].at[pl.ds(s * BPT, BPT)])
    plsc.subcore_barrier()
    for v, h in enumerate((hU, hI, hC)):
        pltpu.sync_copy(bs[v].at[pl.ds(wid * RPW, RPW)], bidx)
        pltpu.sync_copy(h.at[pl.ds(wid * RPW, RPW)], hrows)
        pltpu.async_copy(hrows, ssp[v].at[bidx], sem, add=True).wait()
    plsc.subcore_barrier()
    for v in range(3):
        pltpu.sync_copy(ssp[v].at[pl.ds(s * BPT, BPT)], ft2)
        pltpu.sync_copy(ft2, souts[v].at[c, pl.ds(s * BPT, BPT)])


def _k5_body(sU, sI, sC, cU, cI, cC, wuR, wiR, wcR,
             Fu1, fub1, Fu2, fub2, Fi1, fib1, Fi2, fib2,
             Du1, Du2, Di1, Di2, y_ref, scal_ref):
    def pool(s_ref, c_ref):
        sm = (s_ref[0] + s_ref[1])[:B]
        cn = jnp.maximum(c_ref[:B] + c_ref[BP:BP + B], 1.0)
        return sm / cn[:, None]

    gU = pool(sU, cU)
    gI = pool(sI, cI)
    gC = pool(sC, cC)

    def mlp2(x, W1, b1, W2, b2):
        t = jnp.dot(x, W1[...], precision=lax.Precision.HIGHEST,
                    preferred_element_type=f32) + b1[...]
        t = jnp.maximum(t, 0.0)
        return jnp.dot(t, W2[...], precision=lax.Precision.HIGHEST,
                       preferred_element_type=f32) + b2[...]

    ua = mlp2(gU * gC, Fu1, fub1, Fu2, fub2)
    ia = mlp2(gI * gC, Fi1, fib1, Fi2, fib2)
    u_in, u_ex = ua[:, : OUT // 2], ua[:, OUT // 2:]
    i_in, i_ex = ia[:, : OUT // 2], ia[:, OUT // 2:]
    res = jnp.sum((u_in + u_ex) * (i_in + i_ex), axis=1)
    wu = wuR[:B] + wuR[BP:BP + B]
    wi = wiR[:B] + wiR[BP:BP + B]
    wc = wcR[:B] + wcR[BP:BP + B]
    y_ref[...] = jax.nn.sigmoid(res + wu + wi + wc)

    def disent(z_in, z_ex, D1, D2):
        t = jnp.maximum(
            jnp.dot(z_in, D1[...], precision=lax.Precision.HIGHEST,
                    preferred_element_type=f32), 0.0)
        mu = jnp.dot(t, D2[...], precision=lax.Precision.HIGHEST,
                     preferred_element_type=f32)
        rolled = jnp.concatenate([z_ex[B - 1:], z_ex[: B - 1]], axis=0)
        pos = -jnp.mean((mu - z_ex) ** 2)
        neg = -jnp.mean((mu - rolled) ** 2)
        return pos, neg

    u_pos, u_neg = disent(u_in, u_ex, Du1, Du2)
    i_pos, i_neg = disent(i_in, i_ex, Di1, Di2)
    scal_ref[...] = jnp.stack([u_pos, u_neg, i_pos, i_neg])


def _k5(sU, sI, sC, cU, cI, cC, wu, wi, wc, hw):
    return pl.pallas_call(
        _k5_body,
        out_shape=(
            jax.ShapeDtypeStruct((B,), f32),
            jax.ShapeDtypeStruct((4,), f32),
        ),
    )(sU, sI, sC, cU, cI, cC, wu, wi, wc, *hw)


def kernel(x_user, edge_index_user, batch_user, x_item, edge_index_item,
           batch_item, x_cont, edge_index_cont, batch_cont, index, emb,
           node_w, gu_W1, gu_b1, gu_W2, gu_b2, gi_W1, gi_b1, gi_W2, gi_b2,
           gc_W1, gc_b1, gc_W2, gc_b2, Fu1, fub1, Fu2, fub2, Fi1, fib1,
           Fi2, fib2, Du1, Du2, Di1, Di2):
    del index

    def prep_x(x):
        return jnp.concatenate([x.astype(i32), jnp.zeros((NPAD - N,), i32)])

    def prep_b(b):
        return jnp.concatenate(
            [b.astype(i32), jnp.full((NPAD - N,), B, i32)])

    xu, xi, xc = prep_x(x_user), prep_x(x_item), prep_x(x_cont)
    bu, bi, bc = prep_b(batch_user), prep_b(batch_item), prep_b(batch_cont)

    esrcpad = jnp.zeros((EPAD - E,), i32)
    edstpad = jnp.full((EPAD - E,), NPAD - 1, i32)

    def prep_ei(ei):
        ei = ei.astype(i32)
        return (jnp.concatenate([ei[0], esrcpad]),
                jnp.concatenate([ei[1], edstpad]))

    srcu, dstu = prep_ei(edge_index_user)
    srci, dsti = prep_ei(edge_index_item)
    srcc, dstc = prep_ei(edge_index_cont)
    nwflat = node_w[:, 0]

    z2d = jnp.zeros((DPT, DIM), f32)
    z1d = jnp.zeros((DPT,), f32)
    (fU, fI, fC, wU, wI, wC, cU, cI, cC) = _k1(
        xu, xi, xc, bu, bi, bc, z1d, emb, nwflat)
    aU, aI, aC, dU, dI, dC = _k2(
        srcu, dstu, srci, dsti, srcc, dstc, fU, fI, fC, z2d, z1d)
    hU, hI, hC = _k3(
        fU, fI, fC, aU, aI, aC,
        dU.reshape(NC, NPAD), dI.reshape(NC, NPAD), dC.reshape(NC, NPAD),
        (gu_W1, gu_b1, gu_W2, gu_b2,
         gi_W1, gi_b1, gi_W2, gi_b2,
         gc_W1, gc_b1, gc_W2, gc_b2))
    sU, sI, sC = _k4(hU, hI, hC, bu, bi, bc)
    y, scal = _k5(
        sU, sI, sC, cU, cI, cC, wU, wI, wC,
        (Fu1, fub1, Fu2, fub2, Fi1, fib1, Fi2, fib2, Du1, Du2, Di1, Di2))
    z = jnp.float32(0.0)
    return (y, z, z, scal[0], scal[1], scal[2], scal[3])

# --- scband reference (transcript-rebuilt; emitter-appended) ---
"""Pipeline reference for scband-iedr-75488345194761 (READ-ONLY COPY).

The authoritative reference and input builder live on the scoring server;
editing this copy changes nothing except your own understanding.
"""

import jax, jax.numpy as jnp
import numpy as np

N = 50000
E = 800000
B = 1024
DIM = 32
HID = 64
OUT = 64
VOCAB = 100001


def _mlp2(x, W1, b1, W2, b2):
    return jax.nn.relu(x @ W1 + b1) @ W2 + b2


def _gnn(x, edge_index, W1, b1, W2, b2):
    src = edge_index[0]
    dst = edge_index[1]
    msgs = x[src]
    agg = jax.ops.segment_sum(msgs, dst, num_segments=N)
    deg = jax.ops.segment_sum(jnp.ones((E,), jnp.float32), dst, num_segments=N)
    agg = agg / jnp.clip(deg, 1.0)[:, None]
    h = jax.nn.relu((x + agg) @ W1 + b1)
    return h @ W2 + b2


def _mean_pool(x, seg):
    s = jax.ops.segment_sum(x, seg, num_segments=B)
    c = jax.ops.segment_sum(jnp.ones((x.shape[0],), jnp.float32), seg, num_segments=B)
    return s / jnp.clip(c, 1.0)[:, None]


def _disent(z_in, z_ex, D1, D2):
    mu = jax.nn.relu(z_in @ D1) @ D2
    pos = -jnp.mean((mu - z_ex) ** 2)
    neg = -jnp.mean((mu - jnp.roll(z_ex, 1, axis=0)) ** 2)
    return pos, neg


def setup_inputs(seed: int = 0):
    key = jax.random.key(seed)
    ks = jax.random.split(key, 40)
    inp = {}
    inp['x_user'] = jax.random.randint(ks[0], (N,), 0, VOCAB - 1)
    inp['edge_index_user'] = jax.random.randint(ks[1], (2, E), 0, N)
    inp['batch_user'] = jnp.sort(jax.random.randint(ks[2], (N,), 0, B))
    inp['x_item'] = jax.random.randint(ks[3], (N,), 0, VOCAB - 1)
    inp['edge_index_item'] = jax.random.randint(ks[4], (2, E), 0, N)
    inp['batch_item'] = jnp.sort(jax.random.randint(ks[5], (N,), 0, B))
    inp['x_cont'] = jax.random.randint(ks[6], (N,), 0, VOCAB - 1)
    inp['edge_index_cont'] = jax.random.randint(ks[7], (2, E), 0, N)
    inp['batch_cont'] = jnp.sort(jax.random.randint(ks[8], (N,), 0, B))
    inp['index'] = 100
    inp['emb'] = jax.random.normal(ks[9], (VOCAB, DIM), jnp.float32) + 1.0
    inp['node_w'] = jax.random.normal(ks[10], (VOCAB, 1), jnp.float32) * 0.01

    def lin(k, fan_in, shape):
        return jax.random.uniform(k, shape, jnp.float32, -1.0, 1.0) / np.sqrt(fan_in)

    for prefix, base in [('gu', 11), ('gi', 15), ('gc', 19)]:
        inp[prefix + '_W1'] = lin(ks[base], DIM, (DIM, HID))
        inp[prefix + '_b1'] = lin(ks[base + 1], DIM, (HID,))
        inp[prefix + '_W2'] = lin(ks[base + 2], HID, (HID, DIM))
        inp[prefix + '_b2'] = lin(ks[base + 3], HID, (DIM,))
    inp['Fu1'] = lin(ks[23], DIM, (DIM, HID))
    inp['fub1'] = lin(ks[24], DIM, (HID,))
    inp['Fu2'] = lin(ks[25], HID, (HID, OUT))
    inp['fub2'] = lin(ks[26], HID, (OUT,))
    inp['Fi1'] = lin(ks[27], DIM, (DIM, HID))
    inp['fib1'] = lin(ks[28], DIM, (HID,))
    inp['Fi2'] = lin(ks[29], HID, (HID, OUT))
    inp['fib2'] = lin(ks[30], HID, (OUT,))
    inp['Du1'] = lin(ks[31], OUT // 2, (OUT // 2, HID))
    inp['Du2'] = lin(ks[32], HID, (HID, OUT // 2))
    inp['Di1'] = lin(ks[33], OUT // 2, (OUT // 2, HID))
    inp['Di2'] = lin(ks[34], HID, (HID, OUT // 2))
    return inp


def reference(x_user, edge_index_user, batch_user, x_item, edge_index_item, batch_item,
              x_cont, edge_index_cont, batch_cont, index,
              emb, node_w,
              gu_W1, gu_b1, gu_W2, gu_b2,
              gi_W1, gi_b1, gi_W2, gi_b2,
              gc_W1, gc_b1, gc_W2, gc_b2,
              Fu1, fub1, Fu2, fub2, Fi1, fib1, Fi2, fib2,
              Du1, Du2, Di1, Di2):
    # node weights -> per-graph additive bias (global_add_pool)
    wu = jax.ops.segment_sum(node_w[x_user][:, 0], batch_user, num_segments=B)
    wi = jax.ops.segment_sum(node_w[x_item][:, 0], batch_item, num_segments=B)
    wc = jax.ops.segment_sum(node_w[x_cont][:, 0], batch_cont, num_segments=B)
    # feature embedding lookup + GNN message passing per view
    hu = _gnn(emb[x_user], edge_index_user, gu_W1, gu_b1, gu_W2, gu_b2)
    hi = _gnn(emb[x_item], edge_index_item, gi_W1, gi_b1, gi_W2, gi_b2)
    hc = _gnn(emb[x_cont], edge_index_cont, gc_W1, gc_b1, gc_W2, gc_b2)
    gU = _mean_pool(hu, batch_user)
    gI = _mean_pool(hi, batch_item)
    gC = _mean_pool(hc, batch_cont)
    # merge == 'prod'
    user_all = _mlp2(gU * gC, Fu1, fub1, Fu2, fub2)
    item_all = _mlp2(gI * gC, Fi1, fib1, Fi2, fib2)
    # split == True
    user_in, user_ex = user_all[:, :OUT // 2], user_all[:, OUT // 2:]
    item_in, item_ex = item_all[:, :OUT // 2], item_all[:, OUT // 2:]
    res = jnp.sum((user_in + user_ex) * (item_in + item_ex), axis=1)
    y = jax.nn.sigmoid(res + wu + wi + wc)
    u_pos, u_neg = _disent(user_in, user_ex, Du1, Du2)
    i_pos, i_neg = _disent(item_in, item_ex, Di1, Di2)
    # cl_w == 0 -> contrastive losses are zero
    return (y, jnp.float32(0.0), jnp.float32(0.0), u_pos, u_neg, i_pos, i_neg)

if __name__ == "__main__":
    import jax
    _d = setup_inputs()
    print(jax.jit(kernel)(*tuple(_d.values())))

</pallas_src>

<mosaic_0001>
#map = affine_map<(d0, d1) -> (0)>
#map1 = affine_map<(d0, d1) -> (0, 0)>
module attributes {stable_mosaic.version = 14 : i64} {
  func.func @_k1(%arg0: i32, %arg1: i32, %arg2: memref<50176xi32, #tpu.memory_space<hbm>>, %arg3: memref<50176xi32, #tpu.memory_space<hbm>>, %arg4: memref<50176xi32, #tpu.memory_space<hbm>>, %arg5: memref<50176xi32, #tpu.memory_space<hbm>>, %arg6: memref<50176xi32, #tpu.memory_space<hbm>>, %arg7: memref<50176xi32, #tpu.memory_space<hbm>>, %arg8: memref<3136xf32, #tpu.memory_space<hbm>>, %arg9: memref<100001x32xf32, #tpu.memory_space<hbm>>, %arg10: memref<100001xf32, #tpu.memory_space<hbm>>, %arg11: memref<50176x32xf32, #tpu.memory_space<hbm>>, %arg12: memref<50176x32xf32, #tpu.memory_space<hbm>>, %arg13: memref<50176x32xf32, #tpu.memory_space<hbm>>, %arg14: memref<2304xf32, #tpu.memory_space<hbm>>, %arg15: memref<2304xf32, #tpu.memory_space<hbm>>, %arg16: memref<2304xf32, #tpu.memory_space<hbm>>, %arg17: memref<2304xf32, #tpu.memory_space<hbm>>, %arg18: memref<2304xf32, #tpu.memory_space<hbm>>, %arg19: memref<2304xf32, #tpu.memory_space<hbm>>, %arg20: memref<1568xi32, #tpu.memory_space<vmem>>, %arg21: memref<1568xi32, #tpu.memory_space<vmem>>, %arg22: memref<1568x32xf32, #tpu.memory_space<vmem>>, %arg23: memref<1568xf32, #tpu.memory_space<vmem>>, %arg24: memref<1568xf32, #tpu.memory_space<vmem>>, %arg25: memref<80xf32, #tpu.memory_space<vmem>>, %arg26: memref<1152xf32, #tpu.memory_space<vmem_shared>>, %arg27: memref<1152xf32, #tpu.memory_space<vmem_shared>>, %arg28: memref<1152xf32, #tpu.memory_space<vmem_shared>>, %arg29: memref<1152xf32, #tpu.memory_space<vmem_shared>>, %arg30: memref<1152xf32, #tpu.memory_space<vmem_shared>>, %arg31: memref<1152xf32, #tpu.memory_space<vmem_shared>>, %arg32: memref<!tpu.dma_semaphore, #tpu.memory_space<semaphore_mem>>, %arg33: memref<!tpu.dma_semaphore, #tpu.memory_space<semaphore_mem>>) attributes {dimension_semantics = [#tpu.dimension_semantics<core_parallel>, #tpu.dimension_semantics<subcore_parallel>], iteration_bounds = array<i64: 2, 16>, scalar_prefetch = 0 : i64, scratch_operands = 14 : i64, tpu.core_type = #tpu.core_type<sc_vector_subcore>, window_params = [{transform_indices = #map}, {transform_indices = #map}, {transform_indices = #map}, {transform_indices = #map}, {transform_indices = #map}, {transform_indices = #map}, {transform_indices = #map}, {transform_indices = #map1}, {transform_indices = #map}, {transform_indices = #map1}, {transform_indices = #map1}, {transform_indices = #map1}, {transform_indices = #map}, {transform_indices = #map}, {transform_indices = #map}, {transform_indices = #map}, {transform_indices = #map}, {transform_indices = #map}]} {
    %mul3A = arith.constant 2 : i32
    %mul3A_0 = arith.muli %arg1, %mul3A : i32
    %add3A = arith.addi %mul3A_0, %arg0 : i32
    %scan3A = arith.constant 0 : i32
    %scan3A_1 = arith.constant 98 : i32
    %scan3A_2 = arith.addi %scan3A, %scan3A_1 : i32
    %scan3A_3 = arith.constant 1 : i32
    scf.for %scan3A_130 = %scan3A to %scan3A_2 step %scan3A_3  : i32 {
      %broadcast_in_dim3A = arith.constant 1.000000e+00 : f32
      %broadcast_in_dim3A_131 = vector.broadcast %broadcast_in_dim3A : f32 to vector<16xf32>
      %mul3A_132 = arith.constant 16 : i32
      %mul3A_133 = arith.muli %scan3A_130, %mul3A_132 : i32
      %swap3A = arith.index_cast %mul3A_133 : i32 to index
      %swap3A_134 = tpu.vector_load %arg24[%swap3A] {strides = array<i32>} : memref<1568xf32, #tpu.memory_space<vmem>>, vector<16xf32>,
      %swap3A_135 = vector.shape_cast %swap3A_134 : vector<16xf32> to vector<16xf32>
      %swap3A_136 = vector.shape_cast %broadcast_in_dim3A_131 : vector<16xf32> to vector<16xf32>
      tpu.vector_store %arg24[%swap3A], %swap3A_136 {strides = array<i32>} : memref<1568xf32, #tpu.memory_space<vmem>>, vector<16xf32>,
    }
    %scan3A_4 = arith.constant 98 : i32
    %mul3A_5 = arith.constant 72 : i32
    %mul3A_6 = arith.muli %arg1, %mul3A_5 : i32
    "tpu.region"() ({
      %run_scoped3A = tpu.sem_alloc : memref<!tpu.dma_semaphore, #tpu.memory_space<semaphore_mem>>
      %dma_start3A_130 = tpu.memref_slice %arg26[%mul3A_6] : memref<1152xf32, #tpu.memory_space<vmem_shared>> -> memref<72xf32, #tpu.memory_space<vmem_shared>>
      %dma_start3A_131 = arith.constant 0 : i32
      %dma_start3A_132 = tpu.memref_slice %arg8[%dma_start3A_131] : memref<3136xf32, #tpu.memory_space<hbm>> -> memref<72xf32, #tpu.memory_space<hbm>>
      tpu.enqueue_dma source(%dma_start3A_132 : memref<72xf32, #tpu.memory_space<hbm>>) target(%dma_start3A_130 : memref<72xf32, #tpu.memory_space<vmem_shared>>) target_semaphore(%run_scoped3A : memref<!tpu.dma_semaphore, #tpu.memory_space<semaphore_mem>>)
      %dma_wait3A_133 = tpu.memref_slice %arg26[%mul3A_6] : memref<1152xf32, #tpu.memory_space<vmem_shared>> -> memref<72xf32, #tpu.memory_space<vmem_shared>>
      %dma_wait3A_134 = arith.constant 0 : i32
      %dma_wait3A_135 = tpu.memref_slice %arg8[%dma_wait3A_134] : memref<3136xf32, #tpu.memory_space<hbm>> -> memref<72xf32, #tpu.memory_space<hbm>>
      tpu.wait_dma2 semaphore(%run_scoped3A : memref<!tpu.dma_semaphore, #tpu.memory_space<semaphore_mem>>) src(%dma_wait3A_135 : memref<72xf32, #tpu.memory_space<hbm>>) dst(%dma_wait3A_133 : memref<72xf32, #tpu.memory_space<vmem_shared>>)
      tpu.yield
    }) : () -> ()
    %mul3A_7 = arith.constant 72 : i32
    %mul3A_8 = arith.muli %arg1, %mul3A_7 : i32
    "tpu.region"() ({
      %run_scoped3A = tpu.sem_alloc : memref<!tpu.dma_semaphore, #tpu.memory_space<semaphore_mem>>
      %dma_start3A_130 = tpu.memref_slice %arg29[%mul3A_8] : memref<1152xf32, #tpu.memory_space<vmem_shared>> -> memref<72xf32, #tpu.memory_space<vmem_shared>>
      %dma_start3A_131 = arith.constant 0 : i32
      %dma_start3A_132 = tpu.memref_slice %arg8[%dma_start3A_131] : memref<3136xf32, #tpu.memory_space<hbm>> -> memref<72xf32, #tpu.memory_space<hbm>>
      tpu.enqueue_dma source(%dma_start3A_132 : memref<72xf32, #tpu.memory_space<hbm>>) target(%dma_start3A_130 : memref<72xf32, #tpu.memory_space<vmem_shared>>) target_semaphore(%run_scoped3A : memref<!tpu.dma_semaphore, #tpu.memory_space<semaphore_mem>>)
      %dma_wait3A_133 = tpu.memref_slice %arg29[%mul3A_8] : memref<1152xf32, #tpu.memory_space<vmem_shared>> -> memref<72xf32, #tpu.memory_space<vmem_shared>>
      %dma_wait3A_134 = arith.constant 0 : i32
      %dma_wait3A_135 = tpu.memref_slice %arg8[%dma_wait3A_134] : memref<3136xf32, #tpu.memory_space<hbm>> -> memref<72xf32, #tpu.memory_space<hbm>>
      tpu.wait_dma2 semaphore(%run_scoped3A : memref<!tpu.dma_semaphore, #tpu.memory_space<semaphore_mem>>) src(%dma_wait3A_135 : memref<72xf32, #tpu.memory_space<hbm>>) dst(%dma_wait3A_133 : memref<72xf32, #tpu.memory_space<vmem_shared>>)
      tpu.yield
    }) : () -> ()
    %mul3A_9 = arith.constant 72 : i32
    %mul3A_10 = arith.muli %arg1, %mul3A_9 : i32
    "tpu.region"() ({
      %run_scoped3A = tpu.sem_alloc : memref<!tpu.dma_semaphore, #tpu.memory_space<semaphore_mem>>
      %dma_start3A_130 = tpu.memref_slice %arg27[%mul3A_10] : memref<1152xf32, #tpu.memory_space<vmem_shared>> -> memref<72xf32, #tpu.memory_space<vmem_shared>>
      %dma_start3A_131 = arith.constant 0 : i32
      %dma_start3A_132 = tpu.memref_slice %arg8[%dma_start3A_131] : memref<3136xf32, #tpu.memory_space<hbm>> -> memref<72xf32, #tpu.memory_space<hbm>>
      tpu.enqueue_dma source(%dma_start3A_132 : memref<72xf32, #tpu.memory_space<hbm>>) target(%dma_start3A_130 : memref<72xf32, #tpu.memory_space<vmem_shared>>) target_semaphore(%run_scoped3A : memref<!tpu.dma_semaphore, #tpu.memory_space<semaphore_mem>>)
      %dma_wait3A_133 = tpu.memref_slice %arg27[%mul3A_10] : memref<1152xf32, #tpu.memory_space<vmem_shared>> -> memref<72xf32, #tpu.memory_space<vmem_shared>>
      %dma_wait3A_134 = arith.constant 0 : i32
      %dma_wait3A_135 = tpu.memref_slice %arg8[%dma_wait3A_134] : memref<3136xf32, #tpu.memory_space<hbm>> -> memref<72xf32, #tpu.memory_space<hbm>>
      tpu.wait_dma2 semaphore(%run_scoped3A : memref<!tpu.dma_semaphore, #tpu.memory_space<semaphore_mem>>) src(%dma_wait3A_135 : memref<72xf32, #tpu.memory_space<hbm>>) dst(%dma_wait3A_133 : memref<72xf32, #tpu.memory_space<vmem_shared>>)
      tpu.yield
    }) : () -> ()
    %mul3A_11 = arith.constant 72 : i32
    %mul3A_12 = arith.muli %arg1, %mul3A_11 : i32
    "tpu.region"() ({
      %run_scoped3A = tpu.sem_alloc : memref<!tpu.dma_semaphore, #tpu.memory_space<semaphore_mem>>
      %dma_start3A_130 = tpu.memref_slice %arg30[%mul3A_12] : memref<1152xf32, #tpu.memory_space<vmem_shared>> -> memref<72xf32, #tpu.memory_space<vmem_shared>>
      %dma_start3A_131 = arith.constant 0 : i32
      %dma_start3A_132 = tpu.memref_slice %arg8[%dma_start3A_131] : memref<3136xf32, #tpu.memory_space<hbm>> -> memref<72xf32, #tpu.memory_space<hbm>>
      tpu.enqueue_dma source(%dma_start3A_132 : memref<72xf32, #tpu.memory_space<hbm>>) target(%dma_start3A_130 : memref<72xf32, #tpu.memory_space<vmem_shared>>) target_semaphore(%run_scoped3A : memref<!tpu.dma_semaphore, #tpu.memory_space<semaphore_mem>>)
      %dma_wait3A_133 = tpu.memref_slice %arg30[%mul3A_12] : memref<1152xf32, #tpu.memory_space<vmem_shared>> -> memref<72xf32, #tpu.memory_space<vmem_shared>>
      %dma_wait3A_134 = arith.constant 0 : i32
      %dma_wait3A_135 = tpu.memref_slice %arg8[%dma_wait3A_134] : memref<3136xf32, #tpu.memory_space<hbm>> -> memref<72xf32, #tpu.memory_space<hbm>>
      tpu.wait_dma2 semaphore(%run_scoped3A : memref<!tpu.dma_semaphore, #tpu.memory_space<semaphore_mem>>) src(%dma_wait3A_135 : memref<72xf32, #tpu.memory_space<hbm>>) dst(%dma_wait3A_133 : memref<72xf32, #tpu.memory_space<vmem_shared>>)
      tpu.yield
    }) : () -> ()
    %mul3A_13 = arith.constant 72 : i32
    %mul3A_14 = arith.muli %arg1, %mul3A_13 : i32
    "tpu.region"() ({
      %run_scoped3A = tpu.sem_alloc : memref<!tpu.dma_semaphore, #tpu.memory_space<semaphore_mem>>
      %dma_start3A_130 = tpu.memref_slice %arg28[%mul3A_14] : memref<1152xf32, #tpu.memory_space<vmem_shared>> -> memref<72xf32, #tpu.memory_space<vmem_shared>>
      %dma_start3A_131 = arith.constant 0 : i32
      %dma_start3A_132 = tpu.memref_slice %arg8[%dma_start3A_131] : memref<3136xf32, #tpu.memory_space<hbm>> -> memref<72xf32, #tpu.memory_space<hbm>>
      tpu.enqueue_dma source(%dma_start3A_132 : memref<72xf32, #tpu.memory_space<hbm>>) target(%dma_start3A_130 : memref<72xf32, #tpu.memory_space<vmem_shared>>) target_semaphore(%run_scoped3A : memref<!tpu.dma_semaphore, #tpu.memory_space<semaphore_mem>>)
      %dma_wait3A_133 = tpu.memref_slice %arg28[%mul3A_14] : memref<1152xf32, #tpu.memory_space<vmem_shared>> -> memref<72xf32, #tpu.memory_space<vmem_shared>>
      %dma_wait3A_134 = arith.constant 0 : i32
      %dma_wait3A_135 = tpu.memref_slice %arg8[%dma_wait3A_134] : memref<3136xf32, #tpu.memory_space<hbm>> -> memref<72xf32, #tpu.memory_space<hbm>>
      tpu.wait_dma2 semaphore(%run_scoped3A : memref<!tpu.dma_semaphore, #tpu.memory_space<semaphore_mem>>) src(%dma_wait3A_135 : memref<72xf32, #tpu.memory_space<hbm>>) dst(%dma_wait3A_133 : memref<72xf32, #tpu.memory_space<vmem_shared>>)
      tpu.yield
    }) : () -> ()
    %mul3A_15 = arith.constant 72 : i32
    %mul3A_16 = arith.muli %arg1, %mul3A_15 : i32
    "tpu.region"() ({
      %run_scoped3A = tpu.sem_alloc : memref<!tpu.dma_semaphore, #tpu.memory_space<semaphore_mem>>
      %dma_start3A_130 = tpu.memref_slice %arg31[%mul3A_16] : memref<1152xf32, #tpu.memory_space<vmem_shared>> -> memref<72xf32, #tpu.memory_space<vmem_shared>>
      %dma_start3A_131 = arith.constant 0 : i32
      %dma_start3A_132 = tpu.memref_slice %arg8[%dma_start3A_131] : memref<3136xf32, #tpu.memory_space<hbm>> -> memref<72xf32, #tpu.memory_space<hbm>>
      tpu.enqueue_dma source(%dma_start3A_132 : memref<72xf32, #tpu.memory_space<hbm>>) target(%dma_start3A_130 : memref<72xf32, #tpu.memory_space<vmem_shared>>) target_semaphore(%run_scoped3A : memref<!tpu.dma_semaphore, #tpu.memory_space<semaphore_mem>>)
      %dma_wait3A_133 = tpu.memref_slice %arg31[%mul3A_16] : memref<1152xf32, #tpu.memory_space<vmem_shared>> -> memref<72xf32, #tpu.memory_space<vmem_shared>>
      %dma_wait3A_134 = arith.constant 0 : i32
      %dma_wait3A_135 = tpu.memref_slice %arg8[%dma_wait3A_134] : memref<3136xf32, #tpu.memory_space<hbm>> -> memref<72xf32, #tpu.memory_space<hbm>>
      tpu.wait_dma2 semaphore(%run_scoped3A : memref<!tpu.dma_semaphore, #tpu.memory_space<semaphore_mem>>) src(%dma_wait3A_135 : memref<72xf32, #tpu.memory_space<hbm>>) dst(%dma_wait3A_133 : memref<72xf32, #tpu.memory_space<vmem_shared>>)
      tpu.yield
    }) : () -> ()
    %barrier3A = arith.constant 0 : index
    tpu.barrier barrier_id(%barrier3A)
    %mul3A_17 = arith.constant 1568 : i32
    %mul3A_18 = arith.muli %add3A, %mul3A_17 : i32
    "tpu.region"() ({
      %run_scoped3A = tpu.sem_alloc : memref<!tpu.dma_semaphore, #tpu.memory_space<semaphore_mem>>
      %dma_start3A_130 = tpu.memref_slice %arg2[%mul3A_18] : memref<50176xi32, #tpu.memory_space<hbm>> -> memref<1568xi32, #tpu.memory_space<hbm>>
      %dma_start3A_131 = tpu.memref_slice %arg2[%mul3A_18] : memref<50176xi32, #tpu.memory_space<hbm>> -> memref<1568xi32, #tpu.memory_space<hbm>>
      tpu.enqueue_dma source(%dma_start3A_131 : memref<1568xi32, #tpu.memory_space<hbm>>) target(%arg20 : memref<1568xi32, #tpu.memory_space<vmem>>) target_semaphore(%run_scoped3A : memref<!tpu.dma_semaphore, #tpu.memory_space<semaphore_mem>>)
      %dma_wait3A_132 = tpu.memref_slice %arg2[%mul3A_18] : memref<50176xi32, #tpu.memory_space<hbm>> -> memref<1568xi32, #tpu.memory_space<hbm>>
      %dma_wait3A_133 = tpu.memref_slice %arg2[%mul3A_18] : memref<50176xi32, #tpu.memory_space<hbm>> -> memref<1568xi32, #tpu.memory_space<hbm>>
      tpu.wait_dma2 semaphore(%run_scoped3A : memref<!tpu.dma_semaphore, #tpu.memory_space<semaphore_mem>>) src(%dma_wait3A_133 : memref<1568xi32, #tpu.memory_space<hbm>>) dst(%arg20 : memref<1568xi32, #tpu.memory_space<vmem>>)
      tpu.yield
    }) : () -> ()
    %mul3A_19 = arith.constant 1568 : i32
    %mul3A_20 = arith.muli %add3A, %mul3A_19 : i32
    "tpu.region"() ({
      %run_scoped3A = tpu.sem_alloc : memref<!tpu.dma_semaphore, #tpu.memory_space<semaphore_mem>>
      %dma_start3A_130 = tpu.memref_slice %arg5[%mul3A_20] : memref<50176xi32, #tpu.memory_space<hbm>> -> memref<1568xi32, #tpu.memory_space<hbm>>
      %dma_start3A_131 = tpu.memref_slice %arg5[%mul3A_20] : memref<50176xi32, #tpu.memory_space<hbm>> -> memref<1568xi32, #tpu.memory_space<hbm>>
      tpu.enqueue_dma source(%dma_start3A_131 : memref<1568xi32, #tpu.memory_space<hbm>>) target(%arg21 : memref<1568xi32, #tpu.memory_space<vmem>>) target_semaphore(%run_scoped3A : memref<!tpu.dma_semaphore, #tpu.memory_space<semaphore_mem>>)
      %dma_wait3A_132 = tpu.memref_slice %arg5[%mul3A_20] : memref<50176xi32, #tpu.memory_space<hbm>> -> memref<1568xi32, #tpu.memory_space<hbm>>
      %dma_wait3A_133 = tpu.memref_slice %arg5[%mul3A_20] : memref<50176xi32, #tpu.memory_space<hbm>> -> memref<1568xi32, #tpu.memory_space<hbm>>
      tpu.wait_dma2 semaphore(%run_scoped3A : memref<!tpu.dma_semaphore, #tpu.memory_space<semaphore_mem>>) src(%dma_wait3A_133 : memref<1568xi32, #tpu.memory_space<hbm>>) dst(%arg21 : memref<1568xi32, #tpu.memory_space<vmem>>)
      tpu.yield
    }) : () -> ()
    %dma_start3A = arith.constant 0 : i32
    %dma_start3A_21 = arith.constant 0 : i32
    %dma_start3A_22 = tpu.memref_slice %arg9[%dma_start3A, %dma_start3A_21] : memref<100001x32xf32, #tpu.memory_space<hbm>> -> memref<100001x32xf32, #tpu.memory_space<hbm>>
    tpu.enqueue_indirect_dma source(%dma_start3A_22 : memref<100001x32xf32, #tpu.memory_space<hbm>>) target(%arg22 : memref<1568x32xf32, #tpu.memory_space<vmem>>) offsets(%arg20 : memref<1568xi32, #tpu.memory_space<vmem>>) semaphore(%arg32 : memref<!tpu.dma_semaphore, #tpu.memory_space<semaphore_mem>>)
    %dma_start3A_23 = arith.constant 0 : i32
    %dma_start3A_24 = tpu.memref_slice %arg10[%dma_start3A_23] : memref<100001xf32, #tpu.memory_space<hbm>> -> memref<100001xf32, #tpu.memory_space<hbm>>
    tpu.enqueue_indirect_dma source(%dma_start3A_24 : memref<100001xf32, #tpu.memory_space<hbm>>) target(%arg23 : memref<1568xf32, #tpu.memory_space<vmem>>) offsets(%arg20 : memref<1568xi32, #tpu.memory_space<vmem>>) semaphore(%arg33 : memref<!tpu.dma_semaphore, #tpu.memory_space<semaphore_mem>>)
    %dma_wait3A = arith.constant 0 : i32
    %dma_wait3A_25 = arith.constant 0 : i32
    %dma_wait3A_26 = tpu.memref_slice %arg9[%dma_wait3A, %dma_wait3A_25] : memref<100001x32xf32, #tpu.memory_space<hbm>> -> memref<100001x32xf32, #tpu.memory_space<hbm>>
    tpu.wait_indirect_dma semaphore(%arg32 : memref<!tpu.dma_semaphore, #tpu.memory_space<semaphore_mem>>) src(%dma_wait3A_26 : memref<100001x32xf32, #tpu.memory_space<hbm>>) dst(%arg22 : memref<1568x32xf32, #tpu.memory_space<vmem>>)
    %mul3A_27 = arith.constant 1568 : i32
    %mul3A_28 = arith.muli %add3A, %mul3A_27 : i32
    "tpu.region"() ({
      %run_scoped3A = tpu.sem_alloc : memref<!tpu.dma_semaphore, #tpu.memory_space<semaphore_mem>>
      %dma_start3A_130 = arith.constant 0 : i32
      %dma_start3A_131 = tpu.memref_slice %arg11[%mul3A_28, %dma_start3A_130] : memref<50176x32xf32, #tpu.memory_space<hbm>> -> memref<1568x32xf32, #tpu.memory_space<hbm>>
      %dma_start3A_132 = arith.constant 0 : i32
      %dma_start3A_133 = tpu.memref_slice %arg11[%mul3A_28, %dma_start3A_132] : memref<50176x32xf32, #tpu.memory_space<hbm>> -> memref<1568x32xf32, #tpu.memory_space<hbm>>
      tpu.enqueue_dma source(%arg22 : memref<1568x32xf32, #tpu.memory_space<vmem>>) target(%dma_start3A_133 : memref<1568x32xf32, #tpu.memory_space<hbm>>) target_semaphore(%run_scoped3A : memref<!tpu.dma_semaphore, #tpu.memory_space<semaphore_mem>>)
      %dma_wait3A_134 = arith.constant 0 : i32
      %dma_wait3A_135 = tpu.memref_slice %arg11[%mul3A_28, %dma_wait3A_134] : memref<50176x32xf32, #tpu.memory_space<hbm>> -> memref<1568x32xf32, #tpu.memory_space<hbm>>
      %dma_wait3A_136 = arith.constant 0 : i32
      %dma_wait3A_137 = tpu.memref_slice %arg11[%mul3A_28, %dma_wait3A_136] : memref<50176x32xf32, #tpu.memory_space<hbm>> -> memref<1568x32xf32, #tpu.memory_space<hbm>>
      tpu.wait_dma2 semaphore(%run_scoped3A : memref<!tpu.dma_semaphore, #tpu.memory_space<semaphore_mem>>) src(%arg22 : memref<1568x32xf32, #tpu.memory_space<vmem>>) dst(%dma_wait3A_137 : memref<1568x32xf32, #tpu.memory_space<hbm>>)
      tpu.yield
    }) : () -> ()
    %dma_wait3A_29 = arith.constant 0 : i32
    %dma_wait3A_30 = tpu.memref_slice %arg10[%dma_wait3A_29] : memref<100001xf32, #tpu.memory_space<hbm>> -> memref<100001xf32, #tpu.memory_space<hbm>>
    tpu.wait_indirect_dma semaphore(%arg33 : memref<!tpu.dma_semaphore, #tpu.memory_space<semaphore_mem>>) src(%dma_wait3A_30 : memref<100001xf32, #tpu.memory_space<hbm>>) dst(%arg23 : memref<1568xf32, #tpu.memory_space<vmem>>)
    %dma_start3A_31 = arith.constant 0 : i32
    %dma_start3A_32 = tpu.memref_slice %arg26[%dma_start3A_31] : memref<1152xf32, #tpu.memory_space<vmem_shared>> -> memref<1152xf32, #tpu.memory_space<vmem_shared>>
    tpu.enqueue_indirect_dma source(%arg23 : memref<1568xf32, #tpu.memory_space<vmem>>) target(%dma_start3A_32 : memref<1152xf32, #tpu.memory_space<vmem_shared>>) offsets(%arg21 : memref<1568xi32, #tpu.memory_space<vmem>>) semaphore(%arg32 : memref<!tpu.dma_semaphore, #tpu.memory_space<semaphore_mem>>) {add = true}
    %dma_wait3A_33 = arith.constant 0 : i32
    %dma_wait3A_34 = tpu.memref_slice %arg26[%dma_wait3A_33] : memref<1152xf32, #tpu.memory_space<vmem_shared>> -> memref<1152xf32, #tpu.memory_space<vmem_shared>>
    tpu.wait_indirect_dma semaphore(%arg32 : memref<!tpu.dma_semaphore, #tpu.memory_space<semaphore_mem>>) src(%arg23 : memref<1568xf32, #tpu.memory_space<vmem>>) dst(%dma_wait3A_34 : memref<1152xf32, #tpu.memory_space<vmem_shared>>)
    %dma_start3A_35 = arith.constant 0 : i32
    %dma_start3A_36 = tpu.memref_slice %arg29[%dma_start3A_35] : memref<1152xf32, #tpu.memory_space<vmem_shared>> -> memref<1152xf32, #tpu.memory_space<vmem_shared>>
    tpu.enqueue_indirect_dma source(%arg24 : memref<1568xf32, #tpu.memory_space<vmem>>) target(%dma_start3A_36 : memref<1152xf32, #tpu.memory_space<vmem_shared>>) offsets(%arg21 : memref<1568xi32, #tpu.memory_space<vmem>>) semaphore(%arg32 : memref<!tpu.dma_semaphore, #tpu.memory_space<semaphore_mem>>) {add = true}
    %dma_wait3A_37 = arith.constant 0 : i32
    %dma_wait3A_38 = tpu.memref_slice %arg29[%dma_wait3A_37] : memref<1152xf32, #tpu.memory_space<vmem_shared>> -> memref<1152xf32, #tpu.memory_space<vmem_shared>>
    tpu.wait_indirect_dma semaphore(%arg32 : memref<!tpu.dma_semaphore, #tpu.memory_space<semaphore_mem>>) src(%arg24 : memref<1568xf32, #tpu.memory_space<vmem>>) dst(%dma_wait3A_38 : memref<1152xf32, #tpu.memory_space<vmem_shared>>)
    %mul3A_39 = arith.constant 1568 : i32
    %mul3A_40 = arith.muli %add3A, %mul3A_39 : i32
    "tpu.region"() ({
      %run_scoped3A = tpu.sem_alloc : memref<!tpu.dma_semaphore, #tpu.memory_space<semaphore_mem>>
      %dma_start3A_130 = tpu.memref_slice %arg3[%mul3A_40] : memref<50176xi32, #tpu.memory_space<hbm>> -> memref<1568xi32, #tpu.memory_space<hbm>>
      %dma_start3A_131 = tpu.memref_slice %arg3[%mul3A_40] : memref<50176xi32, #tpu.memory_space<hbm>> -> memref<1568xi32, #tpu.memory_space<hbm>>
      tpu.enqueue_dma source(%dma_start3A_131 : memref<1568xi32, #tpu.memory_space<hbm>>) target(%arg20 : memref<1568xi32, #tpu.memory_space<vmem>>) target_semaphore(%run_scoped3A : memref<!tpu.dma_semaphore, #tpu.memory_space<semaphore_mem>>)
      %dma_wait3A_132 = tpu.memref_slice %arg3[%mul3A_40] : memref<50176xi32, #tpu.memory_space<hbm>> -> memref<1568xi32, #tpu.memory_space<hbm>>
      %dma_wait3A_133 = tpu.memref_slice %arg3[%mul3A_40] : memref<50176xi32, #tpu.memory_space<hbm>> -> memref<1568xi32, #tpu.memory_space<hbm>>
      tpu.wait_dma2 semaphore(%run_scoped3A : memref<!tpu.dma_semaphore, #tpu.memory_space<semaphore_mem>>) src(%dma_wait3A_133 : memref<1568xi32, #tpu.memory_space<hbm>>) dst(%arg20 : memref<1568xi32, #tpu.memory_space<vmem>>)
      tpu.yield
    }) : () -> ()
    %mul3A_41 = arith.constant 1568 : i32
    %mul3A_42 = arith.muli %add3A, %mul3A_41 : i32
    "tpu.region"() ({
      %run_scoped3A = tpu.sem_alloc : memref<!tpu.dma_semaphore, #tpu.memory_space<semaphore_mem>>
      %dma_start3A_130 = tpu.memref_slice %arg6[%mul3A_42] : memref<50176xi32, #tpu.memory_space<hbm>> -> memref<1568xi32, #tpu.memory_space<hbm>>
      %dma_start3A_131 = tpu.memref_slice %arg6[%mul3A_42] : memref<50176xi32, #tpu.memory_space<hbm>> -> memref<1568xi32, #tpu.memory_space<hbm>>
      tpu.enqueue_dma source(%dma_start3A_131 : memref<1568xi32, #tpu.memory_space<hbm>>) target(%arg21 : memref<1568xi32, #tpu.memory_space<vmem>>) target_semaphore(%run_scoped3A : memref<!tpu.dma_semaphore, #tpu.memory_space<semaphore_mem>>)
      %dma_wait3A_132 = tpu.memref_slice %arg6[%mul3A_42] : memref<50176xi32, #tpu.memory_space<hbm>> -> memref<1568xi32, #tpu.memory_space<hbm>>
      %dma_wait3A_133 = tpu.memref_slice %arg6[%mul3A_42] : memref<50176xi32, #tpu.memory_space<hbm>> -> memref<1568xi32, #tpu.memory_space<hbm>>
      tpu.wait_dma2 semaphore(%run_scoped3A : memref<!tpu.dma_semaphore, #tpu.memory_space<semaphore_mem>>) src(%dma_wait3A_133 : memref<1568xi32, #tpu.memory_space<hbm>>) dst(%arg21 : memref<1568xi32, #tpu.memory_space<vmem>>)
      tpu.yield
    }) : () -> ()
    %dma_start3A_43 = arith.constant 0 : i32
    %dma_start3A_44 = arith.constant 0 : i32
    %dma_start3A_45 = tpu.memref_slice %arg9[%dma_start3A_43, %dma_start3A_44] : memref<100001x32xf32, #tpu.memory_space<hbm>> -> memref<100001x32xf32, #tpu.memory_space<hbm>>
    tpu.enqueue_indirect_dma source(%dma_start3A_45 : memref<100001x32xf32, #tpu.memory_space<hbm>>) target(%arg22 : memref<1568x32xf32, #tpu.memory_space<vmem>>) offsets(%arg20 : memref<1568xi32, #tpu.memory_space<vmem>>) semaphore(%arg32 : memref<!tpu.dma_semaphore, #tpu.memory_space<semaphore_mem>>)
    %dma_start3A_46 = arith.constant 0 : i32
    %dma_start3A_47 = tpu.memref_slice %arg10[%dma_start3A_46] : memref<100001xf32, #tpu.memory_space<hbm>> -> memref<100001xf32, #tpu.memory_space<hbm>>
    tpu.enqueue_indirect_dma source(%dma_start3A_47 : memref<100001xf32, #tpu.memory_space<hbm>>) target(%arg23 : memref<1568xf32, #tpu.memory_space<vmem>>) offsets(%arg20 : memref<1568xi32, #tpu.memory_space<vmem>>) semaphore(%arg33 : memref<!tpu.dma_semaphore, #tpu.memory_space<semaphore_mem>>)
    %dma_wait3A_48 = arith.constant 0 : i32
    %dma_wait3A_49 = arith.constant 0 : i32
    %dma_wait3A_50 = tpu.memref_slice %arg9[%dma_wait3A_48, %dma_wait3A_49] : memref<100001x32xf32, #tpu.memory_space<hbm>> -> memref<100001x32xf32, #tpu.memory_space<hbm>>
    tpu.wait_indirect_dma semaphore(%arg32 : memref<!tpu.dma_semaphore, #tpu.memory_space<semaphore_mem>>) src(%dma_wait3A_50 : memref<100001x32xf32, #tpu.memory_space<hbm>>) dst(%arg22 : memref<1568x32xf32, #tpu.memory_space<vmem>>)
    %mul3A_51 = arith.constant 1568 : i32
    %mul3A_52 = arith.muli %add3A, %mul3A_51 : i32
    "tpu.region"() ({
      %run_scoped3A = tpu.sem_alloc : memref<!tpu.dma_semaphore, #tpu.memory_space<semaphore_mem>>
      %dma_start3A_130 = arith.constant 0 : i32
      %dma_start3A_131 = tpu.memref_slice %arg12[%mul3A_52, %dma_start3A_130] : memref<50176x32xf32, #tpu.memory_space<hbm>> -> memref<1568x32xf32, #tpu.memory_space<hbm>>
      %dma_start3A_132 = arith.constant 0 : i32
      %dma_start3A_133 = tpu.memref_slice %arg12[%mul3A_52, %dma_start3A_132] : memref<50176x32xf32, #tpu.memory_space<hbm>> -> memref<1568x32xf32, #tpu.memory_space<hbm>>
      tpu.enqueue_dma source(%arg22 : memref<1568x32xf32, #tpu.memory_space<vmem>>) target(%dma_start3A_133 : memref<1568x32xf32, #tpu.memory_space<hbm>>) target_semaphore(%run_scoped3A : memref<!tpu.dma_semaphore, #tpu.memory_space<semaphore_mem>>)
      %dma_wait3A_134 = arith.constant 0 : i32
      %dma_wait3A_135 = tpu.memref_slice %arg12[%mul3A_52, %dma_wait3A_134] : memref<50176x32xf32, #tpu.memory_space<hbm>> -> memref<1568x32xf32, #tpu.memory_space<hbm>>
      %dma_wait3A_136 = arith.constant 0 : i32
      %dma_wait3A_137 = tpu.memref_slice %arg12[%mul3A_52, %dma_wait3A_136] : memref<50176x32xf32, #tpu.memory_space<hbm>> -> memref<1568x32xf32, #tpu.memory_space<hbm>>
      tpu.wait_dma2 semaphore(%run_scoped3A : memref<!tpu.dma_semaphore, #tpu.memory_space<semaphore_mem>>) src(%arg22 : memref<1568x32xf32, #tpu.memory_space<vmem>>) dst(%dma_wait3A_137 : memref<1568x32xf32, #tpu.memory_space<hbm>>)
      tpu.yield
    }) : () -> ()
    %dma_wait3A_53 = arith.constant 0 : i32
    %dma_wait3A_54 = tpu.memref_slice %arg10[%dma_wait3A_53] : memref<100001xf32, #tpu.memory_space<hbm>> -> memref<100001xf32, #tpu.memory_space<hbm>>
    tpu.wait_indirect_dma semaphore(%arg33 : memref<!tpu.dma_semaphore, #tpu.memory_space<semaphore_mem>>) src(%dma_wait3A_54 : memref<100001xf32, #tpu.memory_space<hbm>>) dst(%arg23 : memref<1568xf32, #tpu.memory_space<vmem>>)
    %dma_start3A_55 = arith.constant 0 : i32
    %dma_start3A_56 = tpu.memref_slice %arg27[%dma_start3A_55] : memref<1152xf32, #tpu.memory_space<vmem_shared>> -> memref<1152xf32, #tpu.memory_space<vmem_shared>>
    tpu.enqueue_indirect_dma source(%arg23 : memref<1568xf32, #tpu.memory_space<vmem>>) target(%dma_start3A_56 : memref<1152xf32, #tpu.memory_space<vmem_shared>>) offsets(%arg21 : memref<1568xi32, #tpu.memory_space<vmem>>) semaphore(%arg32 : memref<!tpu.dma_semaphore, #tpu.memory_space<semaphore_mem>>) {add = true}
    %dma_wait3A_57 = arith.constant 0 : i32
    %dma_wait3A_58 = tpu.memref_slice %arg27[%dma_wait3A_57] : memref<1152xf32, #tpu.memory_space<vmem_shared>> -> memref<1152xf32, #tpu.memory_space<vmem_shared>>
    tpu.wait_indirect_dma semaphore(%arg32 : memref<!tpu.dma_semaphore, #tpu.memory_space<semaphore_mem>>) src(%arg23 : memref<1568xf32, #tpu.memory_space<vmem>>) dst(%dma_wait3A_58 : memref<1152xf32, #tpu.memory_space<vmem_shared>>)
    %dma_start3A_59 = arith.constant 0 : i32
    %dma_start3A_60 = tpu.memref_slice %arg30[%dma_start3A_59] : memref<1152xf32, #tpu.memory_space<vmem_shared>> -> memref<1152xf32, #tpu.memory_space<vmem_shared>>
    tpu.enqueue_indirect_dma source(%arg24 : memref<1568xf32, #tpu.memory_space<vmem>>) target(%dma_start3A_60 : memref<1152xf32, #tpu.memory_space<vmem_shared>>) offsets(%arg21 : memref<1568xi32, #tpu.memory_space<vmem>>) semaphore(%arg32 : memref<!tpu.dma_semaphore, #tpu.memory_space<semaphore_mem>>) {add = true}
    %dma_wait3A_61 = arith.constant 0 : i32
    %dma_wait3A_62 = tpu.memref_slice %arg30[%dma_wait3A_61] : memref<1152xf32, #tpu.memory_space<vmem_shared>> -> memref<1152xf32, #tpu.memory_space<vmem_shared>>
    tpu.wait_indirect_dma semaphore(%arg32 : memref<!tpu.dma_semaphore, #tpu.memory_space<semaphore_mem>>) src(%arg24 : memref<1568xf32, #tpu.memory_space<vmem>>) dst(%dma_wait3A_62 : memref<1152xf32, #tpu.memory_space<vmem_shared>>)
    %mul3A_63 = arith.constant 1568 : i32
    %mul3A_64 = arith.muli %add3A, %mul3A_63 : i32
    "tpu.region"() ({
      %run_scoped3A = tpu.sem_alloc : memref<!tpu.dma_semaphore, #tpu.memory_space<semaphore_mem>>
      %dma_start3A_130 = tpu.memref_slice %arg4[%mul3A_64] : memref<50176xi32, #tpu.memory_space<hbm>> -> memref<1568xi32, #tpu.memory_space<hbm>>
      %dma_start3A_131 = tpu.memref_slice %arg4[%mul3A_64] : memref<50176xi32, #tpu.memory_space<hbm>> -> memref<1568xi32, #tpu.memory_space<hbm>>
      tpu.enqueue_dma source(%dma_start3A_131 : memref<1568xi32, #tpu.memory_space<hbm>>) target(%arg20 : memref<1568xi32, #tpu.memory_space<vmem>>) target_semaphore(%run_scoped3A : memref<!tpu.dma_semaphore, #tpu.memory_space<semaphore_mem>>)
      %dma_wait3A_132 = tpu.memref_slice %arg4[%mul3A_64] : memref<50176xi32, #tpu.memory_space<hbm>> -> memref<1568xi32, #tpu.memory_space<hbm>>
      %dma_wait3A_133 = tpu.memref_slice %arg4[%mul3A_64] : memref<50176xi32, #tpu.memory_space<hbm>> -> memref<1568xi32, #tpu.memory_space<hbm>>
      tpu.wait_dma2 semaphore(%run_scoped3A : memref<!tpu.dma_semaphore, #tpu.memory_space<semaphore_mem>>) src(%dma_wait3A_133 : memref<1568xi32, #tpu.memory_space<hbm>>) dst(%arg20 : memref<1568xi32, #tpu.memory_space<vmem>>)
      tpu.yield
    }) : () -> ()
    %mul3A_65 = arith.constant 1568 : i32
    %mul3A_66 = arith.muli %add3A, %mul3A_65 : i32
    "tpu.region"() ({
      %run_scoped3A = tpu.sem_alloc : memref<!tpu.dma_semaphore, #tpu.memory_space<semaphore_mem>>
      %dma_start3A_130 = tpu.memref_slice %arg7[%mul3A_66] : memref<50176xi32, #tpu.memory_space<hbm>> -> memref<1568xi32, #tpu.memory_space<hbm>>
      %dma_start3A_131 = tpu.memref_slice %arg7[%mul3A_66] : memref<50176xi32, #tpu.memory_space<hbm>> -> memref<1568xi32, #tpu.memory_space<hbm>>
      tpu.enqueue_dma source(%dma_start3A_131 : memref<1568xi32, #tpu.memory_space<hbm>>) target(%arg21 : memref<1568xi32, #tpu.memory_space<vmem>>) target_semaphore(%run_scoped3A : memref<!tpu.dma_semaphore, #tpu.memory_space<semaphore_mem>>)
      %dma_wait3A_132 = tpu.memref_slice %arg7[%mul3A_66] : memref<50176xi32, #tpu.memory_space<hbm>> -> memref<1568xi32, #tpu.memory_space<hbm>>
      %dma_wait3A_133 = tpu.memref_slice %arg7[%mul3A_66] : memref<50176xi32, #tpu.memory_space<hbm>> -> memref<1568xi32, #tpu.memory_space<hbm>>
      tpu.wait_dma2 semaphore(%run_scoped3A : memref<!tpu.dma_semaphore, #tpu.memory_space<semaphore_mem>>) src(%dma_wait3A_133 : memref<1568xi32, #tpu.memory_space<hbm>>) dst(%arg21 : memref<1568xi32, #tpu.memory_space<vmem>>)
      tpu.yield
    }) : () -> ()
    %dma_start3A_67 = arith.constant 0 : i32
    %dma_start3A_68 = arith.constant 0 : i32
    %dma_start3A_69 = tpu.memref_slice %arg9[%dma_start3A_67, %dma_start3A_68] : memref<100001x32xf32, #tpu.memory_space<hbm>> -> memref<100001x32xf32, #tpu.memory_space<hbm>>
    tpu.enqueue_indirect_dma source(%dma_start3A_69 : memref<100001x32xf32, #tpu.memory_space<hbm>>) target(%arg22 : memref<1568x32xf32, #tpu.memory_space<vmem>>) offsets(%arg20 : memref<1568xi32, #tpu.memory_space<vmem>>) semaphore(%arg32 : memref<!tpu.dma_semaphore, #tpu.memory_space<semaphore_mem>>)
    %dma_start3A_70 = arith.constant 0 : i32
    %dma_start3A_71 = tpu.memref_slice %arg10[%dma_start3A_70] : memref<100001xf32, #tpu.memory_space<hbm>> -> memref<100001xf32, #tpu.memory_space<hbm>>
    tpu.enqueue_indirect_dma source(%dma_start3A_71 : memref<100001xf32, #tpu.memory_space<hbm>>) target(%arg23 : memref<1568xf32, #tpu.memory_space<vmem>>) offsets(%arg20 : memref<1568xi32, #tpu.memory_space<vmem>>) semaphore(%arg33 : memref<!tpu.dma_semaphore, #tpu.memory_space<semaphore_mem>>)
    %dma_wait3A_72 = arith.constant 0 : i32
    %dma_wait3A_73 = arith.constant 0 : i32
    %dma_wait3A_74 = tpu.memref_slice %arg9[%dma_wait3A_72, %dma_wait3A_73] : memref<100001x32xf32, #tpu.memory_space<hbm>> -> memref<100001x32xf32, #tpu.memory_space<hbm>>
    tpu.wait_indirect_dma semaphore(%arg32 : memref<!tpu.dma_semaphore, #tpu.memory_space<semaphore_mem>>) src(%dma_wait3A_74 : memref<100001x32xf32, #tpu.memory_space<hbm>>) dst(%arg22 : memref<1568x32xf32, #tpu.memory_space<vmem>>)
    %mul3A_75 = arith.constant 1568 : i32
    %mul3A_76 = arith.muli %add3A, %mul3A_75 : i32
    "tpu.region"() ({
      %run_scoped3A = tpu.sem_alloc : memref<!tpu.dma_semaphore, #tpu.memory_space<semaphore_mem>>
      %dma_start3A_130 = arith.constant 0 : i32
      %dma_start3A_131 = tpu.memref_slice %arg13[%mul3A_76, %dma_start3A_130] : memref<50176x32xf32, #tpu.memory_space<hbm>> -> memref<1568x32xf32, #tpu.memory_space<hbm>>
      %dma_start3A_132 = arith.constant 0 : i32
      %dma_start3A_133 = tpu.memref_slice %arg13[%mul3A_76, %dma_start3A_132] : memref<50176x32xf32, #tpu.memory_space<hbm>> -> memref<1568x32xf32, #tpu.memory_space<hbm>>
      tpu.enqueue_dma source(%arg22 : memref<1568x32xf32, #tpu.memory_space<vmem>>) target(%dma_start3A_133 : memref<1568x32xf32, #tpu.memory_space<hbm>>) target_semaphore(%run_scoped3A : memref<!tpu.dma_semaphore, #tpu.memory_space<semaphore_mem>>)
      %dma_wait3A_134 = arith.constant 0 : i32
      %dma_wait3A_135 = tpu.memref_slice %arg13[%mul3A_76, %dma_wait3A_134] : memref<50176x32xf32, #tpu.memory_space<hbm>> -> memref<1568x32xf32, #tpu.memory_space<hbm>>
      %dma_wait3A_136 = arith.constant 0 : i32
      %dma_wait3A_137 = tpu.memref_slice %arg13[%mul3A_76, %dma_wait3A_136] : memref<50176x32xf32, #tpu.memory_space<hbm>> -> memref<1568x32xf32, #tpu.memory_space<hbm>>
      tpu.wait_dma2 semaphore(%run_scoped3A : memref<!tpu.dma_semaphore, #tpu.memory_space<semaphore_mem>>) src(%arg22 : memref<1568x32xf32, #tpu.memory_space<vmem>>) dst(%dma_wait3A_137 : memref<1568x32xf32, #tpu.memory_space<hbm>>)
      tpu.yield
    }) : () -> ()
    %dma_wait3A_77 = arith.constant 0 : i32
    %dma_wait3A_78 = tpu.memref_slice %arg10[%dma_wait3A_77] : memref<100001xf32, #tpu.memory_space<hbm>> -> memref<100001xf32, #tpu.memory_space<hbm>>
    tpu.wait_indirect_dma semaphore(%arg33 : memref<!tpu.dma_semaphore, #tpu.memory_space<semaphore_mem>>) src(%dma_wait3A_78 : memref<100001xf32, #tpu.memory_space<hbm>>) dst(%arg23 : memref<1568xf32, #tpu.memory_space<vmem>>)
    %dma_start3A_79 = arith.constant 0 : i32
    %dma_start3A_80 = tpu.memref_slice %arg28[%dma_start3A_79] : memref<1152xf32, #tpu.memory_space<vmem_shared>> -> memref<1152xf32, #tpu.memory_space<vmem_shared>>
    tpu.enqueue_indirect_dma source(%arg23 : memref<1568xf32, #tpu.memory_space<vmem>>) target(%dma_start3A_80 : memref<1152xf32, #tpu.memory_space<vmem_shared>>) offsets(%arg21 : memref<1568xi32, #tpu.memory_space<vmem>>) semaphore(%arg32 : memref<!tpu.dma_semaphore, #tpu.memory_space<semaphore_mem>>) {add = true}
    %dma_wait3A_81 = arith.constant 0 : i32
    %dma_wait3A_82 = tpu.memref_slice %arg28[%dma_wait3A_81] : memref<1152xf32, #tpu.memory_space<vmem_shared>> -> memref<1152xf32, #tpu.memory_space<vmem_shared>>
    tpu.wait_indirect_dma semaphore(%arg32 : memref<!tpu.dma_semaphore, #tpu.memory_space<semaphore_mem>>) src(%arg23 : memref<1568xf32, #tpu.memory_space<vmem>>) dst(%dma_wait3A_82 : memref<1152xf32, #tpu.memory_space<vmem_shared>>)
    %dma_start3A_83 = arith.constant 0 : i32
    %dma_start3A_84 = tpu.memref_slice %arg31[%dma_start3A_83] : memref<1152xf32, #tpu.memory_space<vmem_shared>> -> memref<1152xf32, #tpu.memory_space<vmem_shared>>
    tpu.enqueue_indirect_dma source(%arg24 : memref<1568xf32, #tpu.memory_space<vmem>>) target(%dma_start3A_84 : memref<1152xf32, #tpu.memory_space<vmem_shared>>) offsets(%arg21 : memref<1568xi32, #tpu.memory_space<vmem>>) semaphore(%arg32 : memref<!tpu.dma_semaphore, #tpu.memory_space<semaphore_mem>>) {add = true}
    %dma_wait3A_85 = arith.constant 0 : i32
    %dma_wait3A_86 = tpu.memref_slice %arg31[%dma_wait3A_85] : memref<1152xf32, #tpu.memory_space<vmem_shared>> -> memref<1152xf32, #tpu.memory_space<vmem_shared>>
    tpu.wait_indirect_dma semaphore(%arg32 : memref<!tpu.dma_semaphore, #tpu.memory_space<semaphore_mem>>) src(%arg24 : memref<1568xf32, #tpu.memory_space<vmem>>) dst(%dma_wait3A_86 : memref<1152xf32, #tpu.memory_space<vmem_shared>>)
    %barrier3A_87 = arith.constant 0 : index
    tpu.barrier barrier_id(%barrier3A_87)
    %mul3A_88 = arith.constant 72 : i32
    %mul3A_89 = arith.muli %arg1, %mul3A_88 : i32
    "tpu.region"() ({
      %run_scoped3A = tpu.sem_alloc : memref<!tpu.dma_semaphore, #tpu.memory_space<semaphore_mem>>
      %dma_start3A_130 = arith.constant 0 : i32
      %dma_start3A_131 = tpu.memref_slice %arg25[%dma_start3A_130] : memref<80xf32, #tpu.memory_space<vmem>> -> memref<72xf32, #tpu.memory_space<vmem>>
      %dma_start3A_132 = tpu.memref_slice %arg26[%mul3A_89] : memref<1152xf32, #tpu.memory_space<vmem_shared>> -> memref<72xf32, #tpu.memory_space<vmem_shared>>
      %dma_start3A_133 = arith.constant 0 : i32
      %dma_start3A_134 = tpu.memref_slice %arg25[%dma_start3A_133] : memref<80xf32, #tpu.memory_space<vmem>> -> memref<72xf32, #tpu.memory_space<vmem>>
      %dma_start3A_135 = tpu.memref_slice %arg26[%mul3A_89] : memref<1152xf32, #tpu.memory_space<vmem_shared>> -> memref<72xf32, #tpu.memory_space<vmem_shared>>
      tpu.enqueue_dma source(%dma_start3A_135 : memref<72xf32, #tpu.memory_space<vmem_shared>>) target(%dma_start3A_134 : memref<72xf32, #tpu.memory_space<vmem>>) target_semaphore(%run_scoped3A : memref<!tpu.dma_semaphore, #tpu.memory_space<semaphore_mem>>)
      %dma_wait3A_136 = arith.constant 0 : i32
      %dma_wait3A_137 = tpu.memref_slice %arg25[%dma_wait3A_136] : memref<80xf32, #tpu.memory_space<vmem>> -> memref<72xf32, #tpu.memory_space<vmem>>
      %dma_wait3A_138 = tpu.memref_slice %arg26[%mul3A_89] : memref<1152xf32, #tpu.memory_space<vmem_shared>> -> memref<72xf32, #tpu.memory_space<vmem_shared>>
      %dma_wait3A_139 = arith.constant 0 : i32
      %dma_wait3A_140 = tpu.memref_slice %arg25[%dma_wait3A_139] : memref<80xf32, #tpu.memory_space<vmem>> -> memref<72xf32, #tpu.memory_space<vmem>>
      %dma_wait3A_141 = tpu.memref_slice %arg26[%mul3A_89] : memref<1152xf32, #tpu.memory_space<vmem_shared>> -> memref<72xf32, #tpu.memory_space<vmem_shared>>
      tpu.wait_dma2 semaphore(%run_scoped3A : memref<!tpu.dma_semaphore, #tpu.memory_space<semaphore_mem>>) src(%dma_wait3A_141 : memref<72xf32, #tpu.memory_space<vmem_shared>>) dst(%dma_wait3A_140 : memref<72xf32, #tpu.memory_space<vmem>>)
      tpu.yield
    }) : () -> ()
    %mul3A_90 = arith.constant 1152 : i32
    %mul3A_91 = arith.muli %arg0, %mul3A_90 : i32
    %mul3A_92 = arith.constant 72 : i32
    %mul3A_93 = arith.muli %arg1, %mul3A_92 : i32
    %add3A_94 = arith.addi %mul3A_91, %mul3A_93 : i32
    "tpu.region"() ({
      %run_scoped3A = tpu.sem_alloc : memref<!tpu.dma_semaphore, #tpu.memory_space<semaphore_mem>>
      %dma_start3A_130 = arith.constant 0 : i32
      %dma_start3A_131 = tpu.memref_slice %arg25[%dma_start3A_130] : memref<80xf32, #tpu.memory_space<vmem>> -> memref<72xf32, #tpu.memory_space<vmem>>
      %dma_start3A_132 = tpu.memref_slice %arg14[%add3A_94] : memref<2304xf32, #tpu.memory_space<hbm>> -> memref<72xf32, #tpu.memory_space<hbm>>
      %dma_start3A_133 = tpu.memref_slice %arg14[%add3A_94] : memref<2304xf32, #tpu.memory_space<hbm>> -> memref<72xf32, #tpu.memory_space<hbm>>
      %dma_start3A_134 = arith.constant 0 : i32
      %dma_start3A_135 = tpu.memref_slice %arg25[%dma_start3A_134] : memref<80xf32, #tpu.memory_space<vmem>> -> memref<72xf32, #tpu.memory_space<vmem>>
      tpu.enqueue_dma source(%dma_start3A_135 : memref<72xf32, #tpu.memory_space<vmem>>) target(%dma_start3A_133 : memref<72xf32, #tpu.memory_space<hbm>>) target_semaphore(%run_scoped3A : memref<!tpu.dma_semaphore, #tpu.memory_space<semaphore_mem>>)
      %dma_wait3A_136 = arith.constant 0 : i32
      %dma_wait3A_137 = tpu.memref_slice %arg25[%dma_wait3A_136] : memref<80xf32, #tpu.memory_space<vmem>> -> memref<72xf32, #tpu.memory_space<vmem>>
      %dma_wait3A_138 = tpu.memref_slice %arg14[%add3A_94] : memref<2304xf32, #tpu.memory_space<hbm>> -> memref<72xf32, #tpu.memory_space<hbm>>
      %dma_wait3A_139 = tpu.memref_slice %arg14[%add3A_94] : memref<2304xf32, #tpu.memory_space<hbm>> -> memref<72xf32, #tpu.memory_space<hbm>>
      %dma_wait3A_140 = arith.constant 0 : i32
      %dma_wait3A_141 = tpu.memref_slice %arg25[%dma_wait3A_140] : memref<80xf32, #tpu.memory_space<vmem>> -> memref<72xf32, #tpu.memory_space<vmem>>
      tpu.wait_dma2 semaphore(%run_scoped3A : memref<!tpu.dma_semaphore, #tpu.memory_space<semaphore_mem>>) src(%dma_wait3A_141 : memref<72xf32, #tpu.memory_space<vmem>>) dst(%dma_wait3A_139 : memref<72xf32, #tpu.memory_space<hbm>>)
      tpu.yield
    }) : () -> ()
    %mul3A_95 = arith.constant 72 : i32
    %mul3A_96 = arith.muli %arg1, %mul3A_95 : i32
    "tpu.region"() ({
      %run_scoped3A = tpu.sem_alloc : memref<!tpu.dma_semaphore, #tpu.memory_space<semaphore_mem>>
      %dma_start3A_130 = arith.constant 0 : i32
      %dma_start3A_131 = tpu.memref_slice %arg25[%dma_start3A_130] : memref<80xf32, #tpu.memory_space<vmem>> -> memref<72xf32, #tpu.memory_space<vmem>>
      %dma_start3A_132 = tpu.memref_slice %arg29[%mul3A_96] : memref<1152xf32, #tpu.memory_space<vmem_shared>> -> memref<72xf32, #tpu.memory_space<vmem_shared>>
      %dma_start3A_133 = arith.constant 0 : i32
      %dma_start3A_134 = tpu.memref_slice %arg25[%dma_start3A_133] : memref<80xf32, #tpu.memory_space<vmem>> -> memref<72xf32, #tpu.memory_space<vmem>>
      %dma_start3A_135 = tpu.memref_slice %arg29[%mul3A_96] : memref<1152xf32, #tpu.memory_space<vmem_shared>> -> memref<72xf32, #tpu.memory_space<vmem_shared>>
      tpu.enqueue_dma source(%dma_start3A_135 : memref<72xf32, #tpu.memory_space<vmem_shared>>) target(%dma_start3A_134 : memref<72xf32, #tpu.memory_space<vmem>>) target_semaphore(%run_scoped3A : memref<!tpu.dma_semaphore, #tpu.memory_space<semaphore_mem>>)
      %dma_wait3A_136 = arith.constant 0 : i32
      %dma_wait3A_137 = tpu.memref_slice %arg25[%dma_wait3A_136] : memref<80xf32, #tpu.memory_space<vmem>> -> memref<72xf32, #tpu.memory_space<vmem>>
      %dma_wait3A_138 = tpu.memref_slice %arg29[%mul3A_96] : memref<1152xf32, #tpu.memory_space<vmem_shared>> -> memref<72xf32, #tpu.memory_space<vmem_shared>>
      %dma_wait3A_139 = arith.constant 0 : i32
      %dma_wait3A_140 = tpu.memref_slice %arg25[%dma_wait3A_139] : memref<80xf32, #tpu.memory_space<vmem>> -> memref<72xf32, #tpu.memory_space<vmem>>
      %dma_wait3A_141 = tpu.memref_slice %arg29[%mul3A_96] : memref<1152xf32, #tpu.memory_space<vmem_shared>> -> memref<72xf32, #tpu.memory_space<vmem_shared>>
      tpu.wait_dma2 semaphore(%run_scoped3A : memref<!tpu.dma_semaphore, #tpu.memory_space<semaphore_mem>>) src(%dma_wait3A_141 : memref<72xf32, #tpu.memory_space<vmem_shared>>) dst(%dma_wait3A_140 : memref<72xf32, #tpu.memory_space<vmem>>)
      tpu.yield
    }) : () -> ()
    %mul3A_97 = arith.constant 1152 : i32
    %mul3A_98 = arith.muli %arg0, %mul3A_97 : i32
    %mul3A_99 = arith.constant 72 : i32
    %mul3A_100 = arith.muli %arg1, %mul3A_99 : i32
    %add3A_101 = arith.addi %mul3A_98, %mul3A_100 : i32
    "tpu.region"() ({
      %run_scoped3A = tpu.sem_alloc : memref<!tpu.dma_semaphore, #tpu.memory_space<semaphore_mem>>
      %dma_start3A_130 = arith.constant 0 : i32
      %dma_start3A_131 = tpu.memref_slice %arg25[%dma_start3A_130] : memref<80xf32, #tpu.memory_space<vmem>> -> memref<72xf32, #tpu.memory_space<vmem>>
      %dma_start3A_132 = tpu.memref_slice %arg17[%add3A_101] : memref<2304xf32, #tpu.memory_space<hbm>> -> memref<72xf32, #tpu.memory_space<hbm>>
      %dma_start3A_133 = tpu.memref_slice %arg17[%add3A_101] : memref<2304xf32, #tpu.memory_space<hbm>> -> memref<72xf32, #tpu.memory_space<hbm>>
      %dma_start3A_134 = arith.constant 0 : i32
      %dma_start3A_135 = tpu.memref_slice %arg25[%dma_start3A_134] : memref<80xf32, #tpu.memory_space<vmem>> -> memref<72xf32, #tpu.memory_space<vmem>>
      tpu.enqueue_dma source(%dma_start3A_135 : memref<72xf32, #tpu.memory_space<vmem>>) target(%dma_start3A_133 : memref<72xf32, #tpu.memory_space<hbm>>) target_semaphore(%run_scoped3A : memref<!tpu.dma_semaphore, #tpu.memory_space<semaphore_mem>>)
      %dma_wait3A_136 = arith.constant 0 : i32
      %dma_wait3A_137 = tpu.memref_slice %arg25[%dma_wait3A_136] : memref<80xf32, #tpu.memory_space<vmem>> -> memref<72xf32, #tpu.memory_space<vmem>>
      %dma_wait3A_138 = tpu.memref_slice %arg17[%add3A_101] : memref<2304xf32, #tpu.memory_space<hbm>> -> memref<72xf32, #tpu.memory_space<hbm>>
      %dma_wait3A_139 = tpu.memref_slice %arg17[%add3A_101] : memref<2304xf32, #tpu.memory_space<hbm>> -> memref<72xf32, #tpu.memory_space<hbm>>
      %dma_wait3A_140 = arith.constant 0 : i32
      %dma_wait3A_141 = tpu.memref_slice %arg25[%dma_wait3A_140] : memref<80xf32, #tpu.memory_space<vmem>> -> memref<72xf32, #tpu.memory_space<vmem>>
      tpu.wait_dma2 semaphore(%run_scoped3A : memref<!tpu.dma_semaphore, #tpu.memory_space<semaphore_mem>>) src(%dma_wait3A_141 : memref<72xf32, #tpu.memory_space<vmem>>) dst(%dma_wait3A_139 : memref<72xf32, #tpu.memory_space<hbm>>)
      tpu.yield
    }) : () -> ()
    %mul3A_102 = arith.constant 72 : i32
    %mul3A_103 = arith.muli %arg1, %mul3A_102 : i32
    "tpu.region"() ({
      %run_scoped3A = tpu.sem_alloc : memref<!tpu.dma_semaphore, #tpu.memory_space<semaphore_mem>>
      %dma_start3A_130 = arith.constant 0 : i32
      %dma_start3A_131 = tpu.memref_slice %arg25[%dma_start3A_130] : memref<80xf32, #tpu.memory_space<vmem>> -> memref<72xf32, #tpu.memory_space<vmem>>
      %dma_start3A_132 = tpu.memref_slice %arg27[%mul3A_103] : memref<1152xf32, #tpu.memory_space<vmem_shared>> -> memref<72xf32, #tpu.memory_space<vmem_shared>>
      %dma_start3A_133 = arith.constant 0 : i32
      %dma_start3A_134 = tpu.memref_slice %arg25[%dma_start3A_133] : memref<80xf32, #tpu.memory_space<vmem>> -> memref<72xf32, #tpu.memory_space<vmem>>
      %dma_start3A_135 = tpu.memref_slice %arg27[%mul3A_103] : memref<1152xf32, #tpu.memory_space<vmem_shared>> -> memref<72xf32, #tpu.memory_space<vmem_shared>>
      tpu.enqueue_dma source(%dma_start3A_135 : memref<72xf32, #tpu.memory_space<vmem_shared>>) target(%dma_start3A_134 : memref<72xf32, #tpu.memory_space<vmem>>) target_semaphore(%run_scoped3A : memref<!tpu.dma_semaphore, #tpu.memory_space<semaphore_mem>>)
      %dma_wait3A_136 = arith.constant 0 : i32
      %dma_wait3A_137 = tpu.memref_slice %arg25[%dma_wait3A_136] : memref<80xf32, #tpu.memory_space<vmem>> -> memref<72xf32, #tpu.memory_space<vmem>>
      %dma_wait3A_138 = tpu.memref_slice %arg27[%mul3A_103] : memref<1152xf32, #tpu.memory_space<vmem_shared>> -> memref<72xf32, #tpu.memory_space<vmem_shared>>
      %dma_wait3A_139 = arith.constant 0 : i32
      %dma_wait3A_140 = tpu.memref_slice %arg25[%dma_wait3A_139] : memref<80xf32, #tpu.memory_space<vmem>> -> memref<72xf32, #tpu.memory_space<vmem>>
      %dma_wait3A_141 = tpu.memref_slice %arg27[%mul3A_103] : memref<1152xf32, #tpu.memory_space<vmem_shared>> -> memref<72xf32, #tpu.memory_space<vmem_shared>>
      tpu.wait_dma2 semaphore(%run_scoped3A : memref<!tpu.dma_semaphore, #tpu.memory_space<semaphore_mem>>) src(%dma_wait3A_141 : memref<72xf32, #tpu.memory_space<vmem_shared>>) dst(%dma_wait3A_140 : memref<72xf32, #tpu.memory_space<vmem>>)
      tpu.yield
    }) : () -> ()
    %mul3A_104 = arith.constant 1152 : i32
    %mul3A_105 = arith.muli %arg0, %mul3A_104 : i32
    %mul3A_106 = arith.constant 72 : i32
    %mul3A_107 = arith.muli %arg1, %mul3A_106 : i32
    %add3A_108 = arith.addi %mul3A_105, %mul3A_107 : i32
    "tpu.region"() ({
      %run_scoped3A = tpu.sem_alloc : memref<!tpu.dma_semaphore, #tpu.memory_space<semaphore_mem>>
      %dma_start3A_130 = arith.constant 0 : i32
      %dma_start3A_131 = tpu.memref_slice %arg25[%dma_start3A_130] : memref<80xf32, #tpu.memory_space<vmem>> -> memref<72xf32, #tpu.memory_space<vmem>>
      %dma_start3A_132 = tpu.memref_slice %arg15[%add3A_108] : memref<2304xf32, #tpu.memory_space<hbm>> -> memref<72xf32, #tpu.memory_space<hbm>>
      %dma_start3A_133 = tpu.memref_slice %arg15[%add3A_108] : memref<2304xf32, #tpu.memory_space<hbm>> -> memref<72xf32, #tpu.memory_space<hbm>>
      %dma_start3A_134 = arith.constant 0 : i32
      %dma_start3A_135 = tpu.memref_slice %arg25[%dma_start3A_134] : memref<80xf32, #tpu.memory_space<vmem>> -> memref<72xf32, #tpu.memory_space<vmem>>
      tpu.enqueue_dma source(%dma_start3A_135 : memref<72xf32, #tpu.memory_space<vmem>>) target(%dma_start3A_133 : memref<72xf32, #tpu.memory_space<hbm>>) target_semaphore(%run_scoped3A : memref<!tpu.dma_semaphore, #tpu.memory_space<semaphore_mem>>)
      %dma_wait3A_136 = arith.constant 0 : i32
      %dma_wait3A_137 = tpu.memref_slice %arg25[%dma_wait3A_136] : memref<80xf32, #tpu.memory_space<vmem>> -> memref<72xf32, #tpu.memory_space<vmem>>
      %dma_wait3A_138 = tpu.memref_slice %arg15[%add3A_108] : memref<2304xf32, #tpu.memory_space<hbm>> -> memref<72xf32, #tpu.memory_space<hbm>>
      %dma_wait3A_139 = tpu.memref_slice %arg15[%add3A_108] : memref<2304xf32, #tpu.memory_space<hbm>> -> memref<72xf32, #tpu.memory_space<hbm>>
      %dma_wait3A_140 = arith.constant 0 : i32
      %dma_wait3A_141 = tpu.memref_slice %arg25[%dma_wait3A_140] : memref<80xf32, #tpu.memory_space<vmem>> -> memref<72xf32, #tpu.memory_space<vmem>>
      tpu.wait_dma2 semaphore(%run_scoped3A : memref<!tpu.dma_semaphore, #tpu.memory_space<semaphore_mem>>) src(%dma_wait3A_141 : memref<72xf32, #tpu.memory_space<vmem>>) dst(%dma_wait3A_139 : memref<72xf32, #tpu.memory_space<hbm>>)
      tpu.yield
    }) : () -> ()
    %mul3A_109 = arith.constant 72 : i32
    %mul3A_110 = arith.muli %arg1, %mul3A_109 : i32
    "tpu.region"() ({
      %run_scoped3A = tpu.sem_alloc : memref<!tpu.dma_semaphore, #tpu.memory_space<semaphore_mem>>
      %dma_start3A_130 = arith.constant 0 : i32
      %dma_start3A_131 = tpu.memref_slice %arg25[%dma_start3A_130] : memref<80xf32, #tpu.memory_space<vmem>> -> memref<72xf32, #tpu.memory_space<vmem>>
      %dma_start3A_132 = tpu.memref_slice %arg30[%mul3A_110] : memref<1152xf32, #tpu.memory_space<vmem_shared>> -> memref<72xf32, #tpu.memory_space<vmem_shared>>
      %dma_start3A_133 = arith.constant 0 : i32
      %dma_start3A_134 = tpu.memref_slice %arg25[%dma_start3A_133] : memref<80xf32, #tpu.memory_space<vmem>> -> memref<72xf32, #tpu.memory_space<vmem>>
      %dma_start3A_135 = tpu.memref_slice %arg30[%mul3A_110] : memref<1152xf32, #tpu.memory_space<vmem_shared>> -> memref<72xf32, #tpu.memory_space<vmem_shared>>
      tpu.enqueue_dma source(%dma_start3A_135 : memref<72xf32, #tpu.memory_space<vmem_shared>>) target(%dma_start3A_134 : memref<72xf32, #tpu.memory_space<vmem>>) target_semaphore(%run_scoped3A : memref<!tpu.dma_semaphore, #tpu.memory_space<semaphore_mem>>)
      %dma_wait3A_136 = arith.constant 0 : i32
      %dma_wait3A_137 = tpu.memref_slice %arg25[%dma_wait3A_136] : memref<80xf32, #tpu.memory_space<vmem>> -> memref<72xf32, #tpu.memory_space<vmem>>
      %dma_wait3A_138 = tpu.memref_slice %arg30[%mul3A_110] : memref<1152xf32, #tpu.memory_space<vmem_shared>> -> memref<72xf32, #tpu.memory_space<vmem_shared>>
      %dma_wait3A_139 = arith.constant 0 : i32
      %dma_wait3A_140 = tpu.memref_slice %arg25[%dma_wait3A_139] : memref<80xf32, #tpu.memory_space<vmem>> -> memref<72xf32, #tpu.memory_space<vmem>>
      %dma_wait3A_141 = tpu.memref_slice %arg30[%mul3A_110] : memref<1152xf32, #tpu.memory_space<vmem_shared>> -> memref<72xf32, #tpu.memory_space<vmem_shared>>
      tpu.wait_dma2 semaphore(%run_scoped3A : memref<!tpu.dma_semaphore, #tpu.memory_space<semaphore_mem>>) src(%dma_wait3A_141 : memref<72xf32, #tpu.memory_space<vmem_shared>>) dst(%dma_wait3A_140 : memref<72xf32, #tpu.memory_space<vmem>>)
      tpu.yield
    }) : () -> ()
    %mul3A_111 = arith.constant 1152 : i32
    %mul3A_112 = arith.muli %arg0, %mul3A_111 : i32
    %mul3A_113 = arith.constant 72 : i32
    %mul3A_114 = arith.muli %arg1, %mul3A_113 : i32
    %add3A_115 = arith.addi %mul3A_112, %mul3A_114 : i32
    "tpu.region"() ({
      %run_scoped3A = tpu.sem_alloc : memref<!tpu.dma_semaphore, #tpu.memory_space<semaphore_mem>>
      %dma_start3A_130 = arith.constant 0 : i32
      %dma_start3A_131 = tpu.memref_slice %arg25[%dma_start3A_130] : memref<80xf32, #tpu.memory_space<vmem>> -> memref<72xf32, #tpu.memory_space<vmem>>
      %dma_start3A_132 = tpu.memref_slice %arg18[%add3A_115] : memref<2304xf32, #tpu.memory_space<hbm>> -> memref<72xf32, #tpu.memory_space<hbm>>
      %dma_start3A_133 = tpu.memref_slice %arg18[%add3A_115] : memref<2304xf32, #tpu.memory_space<hbm>> -> memref<72xf32, #tpu.memory_space<hbm>>
      %dma_start3A_134 = arith.constant 0 : i32
      %dma_start3A_135 = tpu.memref_slice %arg25[%dma_start3A_134] : memref<80xf32, #tpu.memory_space<vmem>> -> memref<72xf32, #tpu.memory_space<vmem>>
      tpu.enqueue_dma source(%dma_start3A_135 : memref<72xf32, #tpu.memory_space<vmem>>) target(%dma_start3A_133 : memref<72xf32, #tpu.memory_space<hbm>>) target_semaphore(%run_scoped3A : memref<!tpu.dma_semaphore, #tpu.memory_space<semaphore_mem>>)
      %dma_wait3A_136 = arith.constant 0 : i32
      %dma_wait3A_137 = tpu.memref_slice %arg25[%dma_wait3A_136] : memref<80xf32, #tpu.memory_space<vmem>> -> memref<72xf32, #tpu.memory_space<vmem>>
      %dma_wait3A_138 = tpu.memref_slice %arg18[%add3A_115] : memref<2304xf32, #tpu.memory_space<hbm>> -> memref<72xf32, #tpu.memory_space<hbm>>
      %dma_wait3A_139 = tpu.memref_slice %arg18[%add3A_115] : memref<2304xf32, #tpu.memory_space<hbm>> -> memref<72xf32, #tpu.memory_space<hbm>>
      %dma_wait3A_140 = arith.constant 0 : i32
      %dma_wait3A_141 = tpu.memref_slice %arg25[%dma_wait3A_140] : memref<80xf32, #tpu.memory_space<vmem>> -> memref<72xf32, #tpu.memory_space<vmem>>
      tpu.wait_dma2 semaphore(%run_scoped3A : memref<!tpu.dma_semaphore, #tpu.memory_space<semaphore_mem>>) src(%dma_wait3A_141 : memref<72xf32, #tpu.memory_space<vmem>>) dst(%dma_wait3A_139 : memref<72xf32, #tpu.memory_space<hbm>>)
      tpu.yield
    }) : () -> ()
    %mul3A_116 = arith.constant 72 : i32
    %mul3A_117 = arith.muli %arg1, %mul3A_116 : i32
    "tpu.region"() ({
      %run_scoped3A = tpu.sem_alloc : memref<!tpu.dma_semaphore, #tpu.memory_space<semaphore_mem>>
      %dma_start3A_130 = arith.constant 0 : i32
      %dma_start3A_131 = tpu.memref_slice %arg25[%dma_start3A_130] : memref<80xf32, #tpu.memory_space<vmem>> -> memref<72xf32, #tpu.memory_space<vmem>>
      %dma_start3A_132 = tpu.memref_slice %arg28[%mul3A_117] : memref<1152xf32, #tpu.memory_space<vmem_shared>> -> memref<72xf32, #tpu.memory_space<vmem_shared>>
      %dma_start3A_133 = arith.constant 0 : i32
      %dma_start3A_134 = tpu.memref_slice %arg25[%dma_start3A_133] : memref<80xf32, #tpu.memory_space<vmem>> -> memref<72xf32, #tpu.memory_space<vmem>>
      %dma_start3A_135 = tpu.memref_slice %arg28[%mul3A_117] : memref<1152xf32, #tpu.memory_space<vmem_shared>> -> memref<72xf32, #tpu.memory_space<vmem_shared>>
      tpu.enqueue_dma source(%dma_start3A_135 : memref<72xf32, #tpu.memory_space<vmem_shared>>) target(%dma_start3A_134 : memref<72xf32, #tpu.memory_space<vmem>>) target_semaphore(%run_scoped3A : memref<!tpu.dma_semaphore, #tpu.memory_space<semaphore_mem>>)
      %dma_wait3A_136 = arith.constant 0 : i32
      %dma_wait3A_137 = tpu.memref_slice %arg25[%dma_wait3A_136] : memref<80xf32, #tpu.memory_space<vmem>> -> memref<72xf32, #tpu.memory_space<vmem>>
      %dma_wait3A_138 = tpu.memref_slice %arg28[%mul3A_117] : memref<1152xf32, #tpu.memory_space<vmem_shared>> -> memref<72xf32, #tpu.memory_space<vmem_shared>>
      %dma_wait3A_139 = arith.constant 0 : i32
      %dma_wait3A_140 = tpu.memref_slice %arg25[%dma_wait3A_139] : memref<80xf32, #tpu.memory_space<vmem>> -> memref<72xf32, #tpu.memory_space<vmem>>
      %dma_wait3A_141 = tpu.memref_slice %arg28[%mul3A_117] : memref<1152xf32, #tpu.memory_space<vmem_shared>> -> memref<72xf32, #tpu.memory_space<vmem_shared>>
      tpu.wait_dma2 semaphore(%run_scoped3A : memref<!tpu.dma_semaphore, #tpu.memory_space<semaphore_mem>>) src(%dma_wait3A_141 : memref<72xf32, #tpu.memory_space<vmem_shared>>) dst(%dma_wait3A_140 : memref<72xf32, #tpu.memory_space<vmem>>)
      tpu.yield
    }) : () -> ()
    %mul3A_118 = arith.constant 1152 : i32
    %mul3A_119 = arith.muli %arg0, %mul3A_118 : i32
    %mul3A_120 = arith.constant 72 : i32
    %mul3A_121 = arith.muli %arg1, %mul3A_120 : i32
    %add3A_122 = arith.addi %mul3A_119, %mul3A_121 : i32
    "tpu.region"() ({
      %run_scoped3A = tpu.sem_alloc : memref<!tpu.dma_semaphore, #tpu.memory_space<semaphore_mem>>
      %dma_start3A_130 = arith.constant 0 : i32
      %dma_start3A_131 = tpu.memref_slice %arg25[%dma_start3A_130] : memref<80xf32, #tpu.memory_space<vmem>> -> memref<72xf32, #tpu.memory_space<vmem>>
      %dma_start3A_132 = tpu.memref_slice %arg16[%add3A_122] : memref<2304xf32, #tpu.memory_space<hbm>> -> memref<72xf32, #tpu.memory_space<hbm>>
      %dma_start3A_133 = tpu.memref_slice %arg16[%add3A_122] : memref<2304xf32, #tpu.memory_space<hbm>> -> memref<72xf32, #tpu.memory_space<hbm>>
      %dma_start3A_134 = arith.constant 0 : i32
      %dma_start3A_135 = tpu.memref_slice %arg25[%dma_start3A_134] : memref<80xf32, #tpu.memory_space<vmem>> -> memref<72xf32, #tpu.memory_space<vmem>>
      tpu.enqueue_dma source(%dma_start3A_135 : memref<72xf32, #tpu.memory_space<vmem>>) target(%dma_start3A_133 : memref<72xf32, #tpu.memory_space<hbm>>) target_semaphore(%run_scoped3A : memref<!tpu.dma_semaphore, #tpu.memory_space<semaphore_mem>>)
      %dma_wait3A_136 = arith.constant 0 : i32
      %dma_wait3A_137 = tpu.memref_slice %arg25[%dma_wait3A_136] : memref<80xf32, #tpu.memory_space<vmem>> -> memref<72xf32, #tpu.memory_space<vmem>>
      %dma_wait3A_138 = tpu.memref_slice %arg16[%add3A_122] : memref<2304xf32, #tpu.memory_space<hbm>> -> memref<72xf32, #tpu.memory_space<hbm>>
      %dma_wait3A_139 = tpu.memref_slice %arg16[%add3A_122] : memref<2304xf32, #tpu.memory_space<hbm>> -> memref<72xf32, #tpu.memory_space<hbm>>
      %dma_wait3A_140 = arith.constant 0 : i32
      %dma_wait3A_141 = tpu.memref_slice %arg25[%dma_wait3A_140] : memref<80xf32, #tpu.memory_space<vmem>> -> memref<72xf32, #tpu.memory_space<vmem>>
      tpu.wait_dma2 semaphore(%run_scoped3A : memref<!tpu.dma_semaphore, #tpu.memory_space<semaphore_mem>>) src(%dma_wait3A_141 : memref<72xf32, #tpu.memory_space<vmem>>) dst(%dma_wait3A_139 : memref<72xf32, #tpu.memory_space<hbm>>)
      tpu.yield
    }) : () -> ()
    %mul3A_123 = arith.constant 72 : i32
    %mul3A_124 = arith.muli %arg1, %mul3A_123 : i32
    "tpu.region"() ({
      %run_scoped3A = tpu.sem_alloc : memref<!tpu.dma_semaphore, #tpu.memory_space<semaphore_mem>>
      %dma_start3A_130 = arith.constant 0 : i32
      %dma_start3A_131 = tpu.memref_slice %arg25[%dma_start3A_130] : memref<80xf32, #tpu.memory_space<vmem>> -> memref<72xf32, #tpu.memory_space<vmem>>
      %dma_start3A_132 = tpu.memref_slice %arg31[%mul3A_124] : memref<1152xf32, #tpu.memory_space<vmem_shared>> -> memref<72xf32, #tpu.memory_space<vmem_shared>>
      %dma_start3A_133 = arith.constant 0 : i32
      %dma_start3A_134 = tpu.memref_slice %arg25[%dma_start3A_133] : memref<80xf32, #tpu.memory_space<vmem>> -> memref<72xf32, #tpu.memory_space<vmem>>
      %dma_start3A_135 = tpu.memref_slice %arg31[%mul3A_124] : memref<1152xf32, #tpu.memory_space<vmem_shared>> -> memref<72xf32, #tpu.memory_space<vmem_shared>>
      tpu.enqueue_dma source(%dma_start3A_135 : memref<72xf32, #tpu.memory_space<vmem_shared>>) target(%dma_start3A_134 : memref<72xf32, #tpu.memory_space<vmem>>) target_semaphore(%run_scoped3A : memref<!tpu.dma_semaphore, #tpu.memory_space<semaphore_mem>>)
      %dma_wait3A_136 = arith.constant 0 : i32
      %dma_wait3A_137 = tpu.memref_slice %arg25[%dma_wait3A_136] : memref<80xf32, #tpu.memory_space<vmem>> -> memref<72xf32, #tpu.memory_space<vmem>>
      %dma_wait3A_138 = tpu.memref_slice %arg31[%mul3A_124] : memref<1152xf32, #tpu.memory_space<vmem_shared>> -> memref<72xf32, #tpu.memory_space<vmem_shared>>
      %dma_wait3A_139 = arith.constant 0 : i32
      %dma_wait3A_140 = tpu.memref_slice %arg25[%dma_wait3A_139] : memref<80xf32, #tpu.memory_space<vmem>> -> memref<72xf32, #tpu.memory_space<vmem>>
      %dma_wait3A_141 = tpu.memref_slice %arg31[%mul3A_124] : memref<1152xf32, #tpu.memory_space<vmem_shared>> -> memref<72xf32, #tpu.memory_space<vmem_shared>>
      tpu.wait_dma2 semaphore(%run_scoped3A : memref<!tpu.dma_semaphore, #tpu.memory_space<semaphore_mem>>) src(%dma_wait3A_141 : memref<72xf32, #tpu.memory_space<vmem_shared>>) dst(%dma_wait3A_140 : memref<72xf32, #tpu.memory_space<vmem>>)
      tpu.yield
    }) : () -> ()
    %mul3A_125 = arith.constant 1152 : i32
    %mul3A_126 = arith.muli %arg0, %mul3A_125 : i32
    %mul3A_127 = arith.constant 72 : i32
    %mul3A_128 = arith.muli %arg1, %mul3A_127 : i32
    %add3A_129 = arith.addi %mul3A_126, %mul3A_128 : i32
    "tpu.region"() ({
      %run_scoped3A = tpu.sem_alloc : memref<!tpu.dma_semaphore, #tpu.memory_space<semaphore_mem>>
      %dma_start3A_130 = arith.constant 0 : i32
      %dma_start3A_131 = tpu.memref_slice %arg25[%dma_start3A_130] : memref<80xf32, #tpu.memory_space<vmem>> -> memref<72xf32, #tpu.memory_space<vmem>>
      %dma_start3A_132 = tpu.memref_slice %arg19[%add3A_129] : memref<2304xf32, #tpu.memory_space<hbm>> -> memref<72xf32, #tpu.memory_space<hbm>>
      %dma_start3A_133 = tpu.memref_slice %arg19[%add3A_129] : memref<2304xf32, #tpu.memory_space<hbm>> -> memref<72xf32, #tpu.memory_space<hbm>>
      %dma_start3A_134 = arith.constant 0 : i32
      %dma_start3A_135 = tpu.memref_slice %arg25[%dma_start3A_134] : memref<80xf32, #tpu.memory_space<vmem>> -> memref<72xf32, #tpu.memory_space<vmem>>
      tpu.enqueue_dma source(%dma_start3A_135 : memref<72xf32, #tpu.memory_space<vmem>>) target(%dma_start3A_133 : memref<72xf32, #tpu.memory_space<hbm>>) target_semaphore(%run_scoped3A : memref<!tpu.dma_semaphore, #tpu.memory_space<semaphore_mem>>)
      %dma_wait3A_136 = arith.constant 0 : i32
      %dma_wait3A_137 = tpu.memref_slice %arg25[%dma_wait3A_136] : memref<80xf32, #tpu.memory_space<vmem>> -> memref<72xf32, #tpu.memory_space<vmem>>
      %dma_wait3A_138 = tpu.memref_slice %arg19[%add3A_129] : memref<2304xf32, #tpu.memory_space<hbm>> -> memref<72xf32, #tpu.memory_space<hbm>>
      %dma_wait3A_139 = tpu.memref_slice %arg19[%add3A_129] : memref<2304xf32, #tpu.memory_space<hbm>> -> memref<72xf32, #tpu.memory_space<hbm>>
      %dma_wait3A_140 = arith.constant 0 : i32
      %dma_wait3A_141 = tpu.memref_slice %arg25[%dma_wait3A_140] : memref<80xf32, #tpu.memory_space<vmem>> -> memref<72xf32, #tpu.memory_space<vmem>>
      tpu.wait_dma2 semaphore(%run_scoped3A : memref<!tpu.dma_semaphore, #tpu.memory_space<semaphore_mem>>) src(%dma_wait3A_141 : memref<72xf32, #tpu.memory_space<vmem>>) dst(%dma_wait3A_139 : memref<72xf32, #tpu.memory_space<hbm>>)
      tpu.yield
    }) : () -> ()
    return
  }
}

#map = affine_map<(d0, d1) -> (0)>
#map1 = affine_map<(d0, d1) -> (0, 0)>
#map2 = affine_map<(d0, d1) -> (0, 0, 0)>
module attributes {stable_mosaic.version = 14 : i64} {
  func.func @_k2(%arg0: i32, %arg1: i32, %arg2: memref<819200xi32, #tpu.memory_space<hbm>>, %arg3: memref<819200xi32, #tpu.memory_space<hbm>>, %arg4: memref<819200xi32, #tpu.memory_space<hbm>>, %arg5: memref<819200xi32, #tpu.memory_space<hbm>>, %arg6: memref<819200xi32, #tpu.memory_space<hbm>>, %arg7: memref<819200xi32, #tpu.memory_space<hbm>>, %arg8: memref<50176x32xf32, #tpu.memory_space<hbm>>, %arg9: memref<50176x32xf32, #tpu.memory_space<hbm>>, %arg10: memref<50176x32xf32, #tpu.memory_space<hbm>>, %arg11: memref<3136x32xf32, #tpu.memory_space<hbm>>, %arg12: memref<3136xf32, #tpu.memory_space<hbm>>, %arg13: memref<2x50176x32xf32, #tpu.memory_space<hbm>>, %arg14: memref<2x50176x32xf32, #tpu.memory_space<hbm>>, %arg15: memref<2x50176x32xf32, #tpu.memory_space<hbm>>, %arg16: memref<100352xf32, #tpu.memory_space<hbm>>, %arg17: memref<100352xf32, #tpu.memory_space<hbm>>, %arg18: memref<100352xf32, #tpu.memory_space<hbm>>, %arg19: memref<200xi32, #tpu.memory_space<vmem>>, %arg20: memref<200xi32, #tpu.memory_space<vmem>>, %arg21: memref<200xi32, #tpu.memory_space<vmem>>, %arg22: memref<200xi32, #tpu.memory_space<vmem>>, %arg23: memref<200xi32, #tpu.memory_space<vmem>>, %arg24: memref<200xi32, #tpu.memory_space<vmem>>, %arg25: memref<200xi32, #tpu.memory_space<vmem>>, %arg26: memref<200xi32, #tpu.memory_space<vmem>>, %arg27: memref<200x32xf32, #tpu.memory_space<vmem>>, %arg28: memref<200x32xf32, #tpu.memory_space<vmem>>, %arg29: memref<200x32xf32, #tpu.memory_space<vmem>>, %arg30: memref<200x32xf32, #tpu.memory_space<vmem>>, %arg31: memref<200xf32, #tpu.memory_space<vmem>>, %arg32: memref<50176x32xf32, #tpu.memory_space<vmem_shared>>, %arg33: memref<50176xf32, #tpu.memory_space<vmem_shared>>, %arg34: memref<!tpu.dma_semaphore, #tpu.memory_space<semaphore_mem>>, %arg35: memref<!tpu.dma_semaphore, #tpu.memory_space<semaphore_mem>>, %arg36: memref<!tpu.dma_semaphore, #tpu.memory_space<semaphore_mem>>, %arg37: memref<!tpu.dma_semaphore, #tpu.memory_space<semaphore_mem>>, %arg38: memref<!tpu.dma_semaphore, #tpu.memory_space<semaphore_mem>>, %arg39: memref<!tpu.dma_semaphore, #tpu.memory_space<semaphore_mem>>, %arg40: memref<!tpu.dma_semaphore, #tpu.memory_space<semaphore_mem>>, %arg41: memref<!tpu.dma_semaphore, #tpu.memory_space<semaphore_mem>>, %arg42: memref<!tpu.dma_semaphore, #tpu.memory_space<semaphore_mem>>) attributes {dimension_semantics = [#tpu.dimension_semantics<core_parallel>, #tpu.dimension_semantics<subcore_parallel>], iteration_bounds = array<i64: 2, 16>, scalar_prefetch = 0 : i64, scratch_operands = 24 : i64, tpu.core_type = #tpu.core_type<sc_vector_subcore>, window_params = [{transform_indices = #map}, {transform_indices = #map}, {transform_indices = #map}, {transform_indices = #map}, {transform_indices = #map}, {transform_indices = #map}, {transform_indices = #map1}, {transform_indices = #map1}, {transform_indices = #map1}, {transform_indices = #map1}, {transform_indices = #map}, {transform_indices = #map2}, {transform_indices = #map2}, {transform_indices = #map2}, {transform_indices = #map}, {transform_indices = #map}, {transform_indices = #map}]} {
    %mul3A = arith.constant 2 : i32
    %mul3A_0 = arith.muli %arg1, %mul3A : i32
    %add3A = arith.addi %mul3A_0, %arg0 : i32
    %scan3A = arith.constant 0 : i32
    %scan3A_1 = arith.constant 12 : i32
    %scan3A_2 = arith.addi %scan3A, %scan3A_1 : i32
    %scan3A_3 = arith.constant 1 : i32
    scf.for %scan3A_407 = %scan3A to %scan3A_2 step %scan3A_3  : i32 {
      %broadcast_in_dim3A = arith.constant 1.000000e+00 : f32
      %broadcast_in_dim3A_408 = vector.broadcast %broadcast_in_dim3A : f32 to vector<16xf32>
      %mul3A_409 = arith.constant 16 : i32
      %mul3A_410 = arith.muli %scan3A_407, %mul3A_409 : i32
      %swap3A = arith.index_cast %mul3A_410 : i32 to index
      %swap3A_411 = tpu.vector_load %arg31[%swap3A] {strides = array<i32>} : memref<200xf32, #tpu.memory_space<vmem>>, vector<16xf32>,
      %swap3A_412 = vector.shape_cast %swap3A_411 : vector<16xf32> to vector<16xf32>
      %swap3A_413 = vector.shape_cast %broadcast_in_dim3A_408 : vector<16xf32> to vector<16xf32>
      tpu.vector_store %arg31[%swap3A], %swap3A_413 {strides = array<i32>} : memref<200xf32, #tpu.memory_space<vmem>>, vector<16xf32>,
    }
    %scan3A_4 = arith.constant 12 : i32
    %mul3A_5 = arith.constant 3136 : i32
    %mul3A_6 = arith.muli %arg1, %mul3A_5 : i32
    "tpu.region"() ({
      %run_scoped3A = tpu.sem_alloc : memref<!tpu.dma_semaphore, #tpu.memory_space<semaphore_mem>>
      %dma_start3A_407 = arith.constant 0 : i32
      %dma_start3A_408 = tpu.memref_slice %arg32[%mul3A_6, %dma_start3A_407] : memref<50176x32xf32, #tpu.memory_space<vmem_shared>> -> memref<3136x32xf32, #tpu.memory_space<vmem_shared>>
      tpu.enqueue_dma source(%arg11 : memref<3136x32xf32, #tpu.memory_space<hbm>>) target(%dma_start3A_408 : memref<3136x32xf32, #tpu.memory_space<vmem_shared>>) target_semaphore(%run_scoped3A : memref<!tpu.dma_semaphore, #tpu.memory_space<semaphore_mem>>)
      %dma_wait3A_409 = arith.constant 0 : i32
      %dma_wait3A_410 = tpu.memref_slice %arg32[%mul3A_6, %dma_wait3A_409] : memref<50176x32xf32, #tpu.memory_space<vmem_shared>> -> memref<3136x32xf32, #tpu.memory_space<vmem_shared>>
      tpu.wait_dma2 semaphore(%run_scoped3A : memref<!tpu.dma_semaphore, #tpu.memory_space<semaphore_mem>>) src(%arg11 : memref<3136x32xf32, #tpu.memory_space<hbm>>) dst(%dma_wait3A_410 : memref<3136x32xf32, #tpu.memory_space<vmem_shared>>)
      tpu.yield
    }) : () -> ()
    %mul3A_7 = arith.constant 3136 : i32
    %mul3A_8 = arith.muli %arg1, %mul3A_7 : i32
    "tpu.region"() ({
      %run_scoped3A = tpu.sem_alloc : memref<!tpu.dma_semaphore, #tpu.memory_space<semaphore_mem>>
      %dma_start3A_407 = tpu.memref_slice %arg33[%mul3A_8] : memref<50176xf32, #tpu.memory_space<vmem_shared>> -> memref<3136xf32, #tpu.memory_space<vmem_shared>>
      tpu.enqueue_dma source(%arg12 : memref<3136xf32, #tpu.memory_space<hbm>>) target(%dma_start3A_407 : memref<3136xf32, #tpu.memory_space<vmem_shared>>) target_semaphore(%run_scoped3A : memref<!tpu.dma_semaphore, #tpu.memory_space<semaphore_mem>>)
      %dma_wait3A_408 = tpu.memref_slice %arg33[%mul3A_8] : memref<50176xf32, #tpu.memory_space<vmem_shared>> -> memref<3136xf32, #tpu.memory_space<vmem_shared>>
      tpu.wait_dma2 semaphore(%run_scoped3A : memref<!tpu.dma_semaphore, #tpu.memory_space<semaphore_mem>>) src(%arg12 : memref<3136xf32, #tpu.memory_space<hbm>>) dst(%dma_wait3A_408 : memref<3136xf32, #tpu.memory_space<vmem_shared>>)
      tpu.yield
    }) : () -> ()
    %barrier3A = arith.constant 0 : index
    tpu.barrier barrier_id(%barrier3A)
    %mul3A_9 = arith.constant 25600 : i32
    %mul3A_10 = arith.muli %add3A, %mul3A_9 : i32
    %add3A_11 = arith.constant 0 : i32
    %add3A_12 = arith.addi %mul3A_10, %add3A_11 : i32
    %dma_start3A = tpu.memref_slice %arg2[%add3A_12] : memref<819200xi32, #tpu.memory_space<hbm>> -> memref<200xi32, #tpu.memory_space<hbm>>
    %dma_start3A_13 = tpu.memref_slice %arg2[%add3A_12] : memref<819200xi32, #tpu.memory_space<hbm>> -> memref<200xi32, #tpu.memory_space<hbm>>
    tpu.enqueue_dma source(%dma_start3A_13 : memref<200xi32, #tpu.memory_space<hbm>>) target(%arg19 : memref<200xi32, #tpu.memory_space<vmem>>) target_semaphore(%arg42 : memref<!tpu.dma_semaphore, #tpu.memory_space<semaphore_mem>>)
    %dma_start3A_14 = tpu.memref_slice %arg3[%add3A_12] : memref<819200xi32, #tpu.memory_space<hbm>> -> memref<200xi32, #tpu.memory_space<hbm>>
    %dma_start3A_15 = tpu.memref_slice %arg3[%add3A_12] : memref<819200xi32, #tpu.memory_space<hbm>> -> memref<200xi32, #tpu.memory_space<hbm>>
    tpu.enqueue_dma source(%dma_start3A_15 : memref<200xi32, #tpu.memory_space<hbm>>) target(%arg23 : memref<200xi32, #tpu.memory_space<vmem>>) target_semaphore(%arg42 : memref<!tpu.dma_semaphore, #tpu.memory_space<semaphore_mem>>)
    %dma_wait3A = tpu.memref_slice %arg2[%add3A_12] : memref<819200xi32, #tpu.memory_space<hbm>> -> memref<200xi32, #tpu.memory_space<hbm>>
    %dma_wait3A_16 = tpu.memref_slice %arg2[%add3A_12] : memref<819200xi32, #tpu.memory_space<hbm>> -> memref<200xi32, #tpu.memory_space<hbm>>
    tpu.wait_dma2 semaphore(%arg42 : memref<!tpu.dma_semaphore, #tpu.memory_space<semaphore_mem>>) src(%dma_wait3A_16 : memref<200xi32, #tpu.memory_space<hbm>>) dst(%arg19 : memref<200xi32, #tpu.memory_space<vmem>>)
    %dma_wait3A_17 = tpu.memref_slice %arg3[%add3A_12] : memref<819200xi32, #tpu.memory_space<hbm>> -> memref<200xi32, #tpu.memory_space<hbm>>
    %dma_wait3A_18 = tpu.memref_slice %arg3[%add3A_12] : memref<819200xi32, #tpu.memory_space<hbm>> -> memref<200xi32, #tpu.memory_space<hbm>>
    tpu.wait_dma2 semaphore(%arg42 : memref<!tpu.dma_semaphore, #tpu.memory_space<semaphore_mem>>) src(%dma_wait3A_18 : memref<200xi32, #tpu.memory_space<hbm>>) dst(%arg23 : memref<200xi32, #tpu.memory_space<vmem>>)
    %dma_start3A_19 = arith.constant 0 : i32
    %dma_start3A_20 = arith.constant 0 : i32
    %dma_start3A_21 = tpu.memref_slice %arg8[%dma_start3A_19, %dma_start3A_20] : memref<50176x32xf32, #tpu.memory_space<hbm>> -> memref<50176x32xf32, #tpu.memory_space<hbm>>
    tpu.enqueue_indirect_dma source(%dma_start3A_21 : memref<50176x32xf32, #tpu.memory_space<hbm>>) target(%arg27 : memref<200x32xf32, #tpu.memory_space<vmem>>) offsets(%arg19 : memref<200xi32, #tpu.memory_space<vmem>>) semaphore(%arg34 : memref<!tpu.dma_semaphore, #tpu.memory_space<semaphore_mem>>)
    %mul3A_22 = arith.constant 25600 : i32
    %mul3A_23 = arith.muli %add3A, %mul3A_22 : i32
    %add3A_24 = arith.constant 200 : i32
    %add3A_25 = arith.addi %mul3A_23, %add3A_24 : i32
    %dma_start3A_26 = tpu.memref_slice %arg2[%add3A_25] : memref<819200xi32, #tpu.memory_space<hbm>> -> memref<200xi32, #tpu.memory_space<hbm>>
    %dma_start3A_27 = tpu.memref_slice %arg2[%add3A_25] : memref<819200xi32, #tpu.memory_space<hbm>> -> memref<200xi32, #tpu.memory_space<hbm>>
    tpu.enqueue_dma source(%dma_start3A_27 : memref<200xi32, #tpu.memory_space<hbm>>) target(%arg20 : memref<200xi32, #tpu.memory_space<vmem>>) target_semaphore(%arg42 : memref<!tpu.dma_semaphore, #tpu.memory_space<semaphore_mem>>)
    %dma_start3A_28 = tpu.memref_slice %arg3[%add3A_25] : memref<819200xi32, #tpu.memory_space<hbm>> -> memref<200xi32, #tpu.memory_space<hbm>>
    %dma_start3A_29 = tpu.memref_slice %arg3[%add3A_25] : memref<819200xi32, #tpu.memory_space<hbm>> -> memref<200xi32, #tpu.memory_space<hbm>>
    tpu.enqueue_dma source(%dma_start3A_29 : memref<200xi32, #tpu.memory_space<hbm>>) target(%arg24 : memref<200xi32, #tpu.memory_space<vmem>>) target_semaphore(%arg42 : memref<!tpu.dma_semaphore, #tpu.memory_space<semaphore_mem>>)
    %dma_wait3A_30 = tpu.memref_slice %arg2[%add3A_25] : memref<819200xi32, #tpu.memory_space<hbm>> -> memref<200xi32, #tpu.memory_space<hbm>>
    %dma_wait3A_31 = tpu.memref_slice %arg2[%add3A_25] : memref<819200xi32, #tpu.memory_space<hbm>> -> memref<200xi32, #tpu.memory_space<hbm>>
    tpu.wait_dma2 semaphore(%arg42 : memref<!tpu.dma_semaphore, #tpu.memory_space<semaphore_mem>>) src(%dma_wait3A_31 : memref<200xi32, #tpu.memory_space<hbm>>) dst(%arg20 : memref<200xi32, #tpu.memory_space<vmem>>)
    %dma_wait3A_32 = tpu.memref_slice %arg3[%add3A_25] : memref<819200xi32, #tpu.memory_space<hbm>> -> memref<200xi32, #tpu.memory_space<hbm>>
    %dma_wait3A_33 = tpu.memref_slice %arg3[%add3A_25] : memref<819200xi32, #tpu.memory_space<hbm>> -> memref<200xi32, #tpu.memory_space<hbm>>
    tpu.wait_dma2 semaphore(%arg42 : memref<!tpu.dma_semaphore, #tpu.memory_space<semaphore_mem>>) src(%dma_wait3A_33 : memref<200xi32, #tpu.memory_space<hbm>>) dst(%arg24 : memref<200xi32, #tpu.memory_space<vmem>>)
    %dma_start3A_34 = arith.constant 0 : i32
    %dma_start3A_35 = arith.constant 0 : i32
    %dma_start3A_36 = tpu.memref_slice %arg8[%dma_start3A_34, %dma_start3A_35] : memref<50176x32xf32, #tpu.memory_space<hbm>> -> memref<50176x32xf32, #tpu.memory_space<hbm>>
    tpu.enqueue_indirect_dma source(%dma_start3A_36 : memref<50176x32xf32, #tpu.memory_space<hbm>>) target(%arg28 : memref<200x32xf32, #tpu.memory_space<vmem>>) offsets(%arg20 : memref<200xi32, #tpu.memory_space<vmem>>) semaphore(%arg35 : memref<!tpu.dma_semaphore, #tpu.memory_space<semaphore_mem>>)
    %mul3A_37 = arith.constant 25600 : i32
    %mul3A_38 = arith.muli %add3A, %mul3A_37 : i32
    %add3A_39 = arith.constant 400 : i32
    %add3A_40 = arith.addi %mul3A_38, %add3A_39 : i32
    %dma_start3A_41 = tpu.memref_slice %arg2[%add3A_40] : memref<819200xi32, #tpu.memory_space<hbm>> -> memref<200xi32, #tpu.memory_space<hbm>>
    %dma_start3A_42 = tpu.memref_slice %arg2[%add3A_40] : memref<819200xi32, #tpu.memory_space<hbm>> -> memref<200xi32, #tpu.memory_space<hbm>>
    tpu.enqueue_dma source(%dma_start3A_42 : memref<200xi32, #tpu.memory_space<hbm>>) target(%arg21 : memref<200xi32, #tpu.memory_space<vmem>>) target_semaphore(%arg42 : memref<!tpu.dma_semaphore, #tpu.memory_space<semaphore_mem>>)
    %dma_start3A_43 = tpu.memref_slice %arg3[%add3A_40] : memref<819200xi32, #tpu.memory_space<hbm>> -> memref<200xi32, #tpu.memory_space<hbm>>
    %dma_start3A_44 = tpu.memref_slice %arg3[%add3A_40] : memref<819200xi32, #tpu.memory_space<hbm>> -> memref<200xi32, #tpu.memory_space<hbm>>
    tpu.enqueue_dma source(%dma_start3A_44 : memref<200xi32, #tpu.memory_space<hbm>>) target(%arg25 : memref<200xi32, #tpu.memory_space<vmem>>) target_semaphore(%arg42 : memref<!tpu.dma_semaphore, #tpu.memory_space<semaphore_mem>>)
    %dma_wait3A_45 = tpu.memref_slice %arg2[%add3A_40] : memref<819200xi32, #tpu.memory_space<hbm>> -> memref<200xi32, #tpu.memory_space<hbm>>
    %dma_wait3A_46 = tpu.memref_slice %arg2[%add3A_40] : memref<819200xi32, #tpu.memory_space<hbm>> -> memref<200xi32, #tpu.memory_space<hbm>>
    tpu.wait_dma2 semaphore(%arg42 : memref<!tpu.dma_semaphore, #tpu.memory_space<semaphore_mem>>) src(%dma_wait3A_46 : memref<200xi32, #tpu.memory_space<hbm>>) dst(%arg21 : memref<200xi32, #tpu.memory_space<vmem>>)
    %dma_wait3A_47 = tpu.memref_slice %arg3[%add3A_40] : memref<819200xi32, #tpu.memory_space<hbm>> -> memref<200xi32, #tpu.memory_space<hbm>>
    %dma_wait3A_48 = tpu.memref_slice %arg3[%add3A_40] : memref<819200xi32, #tpu.memory_space<hbm>> -> memref<200xi32, #tpu.memory_space<hbm>>
    tpu.wait_dma2 semaphore(%arg42 : memref<!tpu.dma_semaphore, #tpu.memory_space<semaphore_mem>>) src(%dma_wait3A_48 : memref<200xi32, #tpu.memory_space<hbm>>) dst(%arg25 : memref<200xi32, #tpu.memory_space<vmem>>)
    %dma_start3A_49 = arith.constant 0 : i32
    %dma_start3A_50 = arith.constant 0 : i32
    %dma_start3A_51 = tpu.memref_slice %arg8[%dma_start3A_49, %dma_start3A_50] : memref<50176x32xf32, #tpu.memory_space<hbm>> -> memref<50176x32xf32, #tpu.memory_space<hbm>>
    tpu.enqueue_indirect_dma source(%dma_start3A_51 : memref<50176x32xf32, #tpu.memory_space<hbm>>) target(%arg29 : memref<200x32xf32, #tpu.memory_space<vmem>>) offsets(%arg21 : memref<200xi32, #tpu.memory_space<vmem>>) semaphore(%arg36 : memref<!tpu.dma_semaphore, #tpu.memory_space<semaphore_mem>>)
    %mul3A_52 = arith.constant 25600 : i32
    %mul3A_53 = arith.muli %add3A, %mul3A_52 : i32
    %add3A_54 = arith.constant 600 : i32
    %add3A_55 = arith.addi %mul3A_53, %add3A_54 : i32
    %dma_start3A_56 = tpu.memref_slice %arg2[%add3A_55] : memref<819200xi32, #tpu.memory_space<hbm>> -> memref<200xi32, #tpu.memory_space<hbm>>
    %dma_start3A_57 = tpu.memref_slice %arg2[%add3A_55] : memref<819200xi32, #tpu.memory_space<hbm>> -> memref<200xi32, #tpu.memory_space<hbm>>
    tpu.enqueue_dma source(%dma_start3A_57 : memref<200xi32, #tpu.memory_space<hbm>>) target(%arg22 : memref<200xi32, #tpu.memory_space<vmem>>) target_semaphore(%arg42 : memref<!tpu.dma_semaphore, #tpu.memory_space<semaphore_mem>>)
    %dma_start3A_58 = tpu.memref_slice %arg3[%add3A_55] : memref<819200xi32, #tpu.memory_space<hbm>> -> memref<200xi32, #tpu.memory_space<hbm>>
    %dma_start3A_59 = tpu.memref_slice %arg3[%add3A_55] : memref<819200xi32, #tpu.memory_space<hbm>> -> memref<200xi32, #tpu.memory_space<hbm>>
    tpu.enqueue_dma source(%dma_start3A_59 : memref<200xi32, #tpu.memory_space<hbm>>) target(%arg26 : memref<200xi32, #tpu.memory_space<vmem>>) target_semaphore(%arg42 : memref<!tpu.dma_semaphore, #tpu.memory_space<semaphore_mem>>)
    %dma_wait3A_60 = tpu.memref_slice %arg2[%add3A_55] : memref<819200xi32, #tpu.memory_space<hbm>> -> memref<200xi32, #tpu.memory_space<hbm>>
    %dma_wait3A_61 = tpu.memref_slice %arg2[%add3A_55] : memref<819200xi32, #tpu.memory_space<hbm>> -> memref<200xi32, #tpu.memory_space<hbm>>
    tpu.wait_dma2 semaphore(%arg42 : memref<!tpu.dma_semaphore, #tpu.memory_space<semaphore_mem>>) src(%dma_wait3A_61 : memref<200xi32, #tpu.memory_space<hbm>>) dst(%arg22 : memref<200xi32, #tpu.memory_space<vmem>>)
    %dma_wait3A_62 = tpu.memref_slice %arg3[%add3A_55] : memref<819200xi32, #tpu.memory_space<hbm>> -> memref<200xi32, #tpu.memory_space<hbm>>
    %dma_wait3A_63 = tpu.memref_slice %arg3[%add3A_55] : memref<819200xi32, #tpu.memory_space<hbm>> -> memref<200xi32, #tpu.memory_space<hbm>>
    tpu.wait_dma2 semaphore(%arg42 : memref<!tpu.dma_semaphore, #tpu.memory_space<semaphore_mem>>) src(%dma_wait3A_63 : memref<200xi32, #tpu.memory_space<hbm>>) dst(%arg26 : memref<200xi32, #tpu.memory_space<vmem>>)
    %dma_start3A_64 = arith.constant 0 : i32
    %dma_start3A_65 = arith.constant 0 : i32
    %dma_start3A_66 = tpu.memref_slice %arg8[%dma_start3A_64, %dma_start3A_65] : memref<50176x32xf32, #tpu.memory_space<hbm>> -> memref<50176x32xf32, #tpu.memory_space<hbm>>
    tpu.enqueue_indirect_dma source(%dma_start3A_66 : memref<50176x32xf32, #tpu.memory_space<hbm>>) target(%arg30 : memref<200x32xf32, #tpu.memory_space<vmem>>) offsets(%arg22 : memref<200xi32, #tpu.memory_space<vmem>>) semaphore(%arg37 : memref<!tpu.dma_semaphore, #tpu.memory_space<semaphore_mem>>)
    %dma_wait3A_67 = arith.constant 0 : i32
    %dma_wait3A_68 = arith.constant 0 : i32
    %dma_wait3A_69 = tpu.memref_slice %arg8[%dma_wait3A_67, %dma_wait3A_68] : memref<50176x32xf32, #tpu.memory_space<hbm>> -> memref<50176x32xf32, #tpu.memory_space<hbm>>
    tpu.wait_indirect_dma semaphore(%arg34 : memref<!tpu.dma_semaphore, #tpu.memory_space<semaphore_mem>>) src(%dma_wait3A_69 : memref<50176x32xf32, #tpu.memory_space<hbm>>) dst(%arg27 : memref<200x32xf32, #tpu.memory_space<vmem>>)
    %dma_start3A_70 = arith.constant 0 : i32
    %dma_start3A_71 = arith.constant 0 : i32
    %dma_start3A_72 = tpu.memref_slice %arg32[%dma_start3A_70, %dma_start3A_71] : memref<50176x32xf32, #tpu.memory_space<vmem_shared>> -> memref<50176x32xf32, #tpu.memory_space<vmem_shared>>
    tpu.enqueue_indirect_dma source(%arg27 : memref<200x32xf32, #tpu.memory_space<vmem>>) target(%dma_start3A_72 : memref<50176x32xf32, #tpu.memory_space<vmem_shared>>) offsets(%arg23 : memref<200xi32, #tpu.memory_space<vmem>>) semaphore(%arg38 : memref<!tpu.dma_semaphore, #tpu.memory_space<semaphore_mem>>) {add = true}
    %dma_start3A_73 = arith.constant 0 : i32
    %dma_start3A_74 = tpu.memref_slice %arg33[%dma_start3A_73] : memref<50176xf32, #tpu.memory_space<vmem_shared>> -> memref<50176xf32, #tpu.memory_space<vmem_shared>>
    tpu.enqueue_indirect_dma source(%arg31 : memref<200xf32, #tpu.memory_space<vmem>>) target(%dma_start3A_74 : memref<50176xf32, #tpu.memory_space<vmem_shared>>) offsets(%arg23 : memref<200xi32, #tpu.memory_space<vmem>>) semaphore(%arg38 : memref<!tpu.dma_semaphore, #tpu.memory_space<semaphore_mem>>) {add = true}
    %scan3A_75 = arith.constant 0 : i32
    %scan3A_76 = arith.constant 31 : i32
    %scan3A_77 = arith.addi %scan3A_75, %scan3A_76 : i32
    %scan3A_78 = arith.constant 1 : i32
    scf.for %scan3A_407 = %scan3A_75 to %scan3A_77 step %scan3A_78  : i32 {
      %mul3A_408 = arith.constant 4 : i32
      %mul3A_409 = arith.muli %scan3A_407, %mul3A_408 : i32
      %add3A_410 = arith.constant 4 : i32
      %add3A_411 = arith.addi %add3A_410, %mul3A_409 : i32
      %add3A_412 = arith.constant 0 : i32
      %add3A_413 = arith.addi %add3A_411, %add3A_412 : i32
      %dma_wait3A_414 = arith.constant 0 : i32
      %dma_wait3A_415 = arith.constant 0 : i32
      %dma_wait3A_416 = tpu.memref_slice %arg32[%dma_wait3A_414, %dma_wait3A_415] : memref<50176x32xf32, #tpu.memory_space<vmem_shared>> -> memref<50176x32xf32, #tpu.memory_space<vmem_shared>>
      tpu.wait_indirect_dma semaphore(%arg38 : memref<!tpu.dma_semaphore, #tpu.memory_space<semaphore_mem>>) src(%arg27 : memref<200x32xf32, #tpu.memory_space<vmem>>) dst(%dma_wait3A_416 : memref<50176x32xf32, #tpu.memory_space<vmem_shared>>)
      %dma_wait3A_417 = arith.constant 0 : i32
      %dma_wait3A_418 = tpu.memref_slice %arg33[%dma_wait3A_417] : memref<50176xf32, #tpu.memory_space<vmem_shared>> -> memref<50176xf32, #tpu.memory_space<vmem_shared>>
      tpu.wait_indirect_dma semaphore(%arg38 : memref<!tpu.dma_semaphore, #tpu.memory_space<semaphore_mem>>) src(%arg31 : memref<200xf32, #tpu.memory_space<vmem>>) dst(%dma_wait3A_418 : memref<50176xf32, #tpu.memory_space<vmem_shared>>)
      %mul3A_419 = arith.constant 25600 : i32
      %mul3A_420 = arith.muli %add3A, %mul3A_419 : i32
      %mul3A_421 = arith.constant 200 : i32
      %mul3A_422 = arith.muli %add3A_413, %mul3A_421 : i32
      %add3A_423 = arith.addi %mul3A_420, %mul3A_422 : i32
      %dma_start3A_424 = tpu.memref_slice %arg2[%add3A_423] : memref<819200xi32, #tpu.memory_space<hbm>> -> memref<200xi32, #tpu.memory_space<hbm>>
      %dma_start3A_425 = tpu.memref_slice %arg2[%add3A_423] : memref<819200xi32, #tpu.memory_space<hbm>> -> memref<200xi32, #tpu.memory_space<hbm>>
      tpu.enqueue_dma source(%dma_start3A_425 : memref<200xi32, #tpu.memory_space<hbm>>) target(%arg19 : memref<200xi32, #tpu.memory_space<vmem>>) target_semaphore(%arg42 : memref<!tpu.dma_semaphore, #tpu.memory_space<semaphore_mem>>)
      %dma_start3A_426 = tpu.memref_slice %arg3[%add3A_423] : memref<819200xi32, #tpu.memory_space<hbm>> -> memref<200xi32, #tpu.memory_space<hbm>>
      %dma_start3A_427 = tpu.memref_slice %arg3[%add3A_423] : memref<819200xi32, #tpu.memory_space<hbm>> -> memref<200xi32, #tpu.memory_space<hbm>>
      tpu.enqueue_dma source(%dma_start3A_427 : memref<200xi32, #tpu.memory_space<hbm>>) target(%arg23 : memref<200xi32, #tpu.memory_space<vmem>>) target_semaphore(%arg42 : memref<!tpu.dma_semaphore, #tpu.memory_space<semaphore_mem>>)
      %dma_wait3A_428 = tpu.memref_slice %arg2[%add3A_423] : memref<819200xi32, #tpu.memory_space<hbm>> -> memref<200xi32, #tpu.memory_space<hbm>>
      %dma_wait3A_429 = tpu.memref_slice %arg2[%add3A_423] : memref<819200xi32, #tpu.memory_space<hbm>> -> memref<200xi32, #tpu.memory_space<hbm>>
      tpu.wait_dma2 semaphore(%arg42 : memref<!tpu.dma_semaphore, #tpu.memory_space<semaphore_mem>>) src(%dma_wait3A_429 : memref<200xi32, #tpu.memory_space<hbm>>) dst(%arg19 : memref<200xi32, #tpu.memory_space<vmem>>)
      %dma_wait3A_430 = tpu.memref_slice %arg3[%add3A_423] : memref<819200xi32, #tpu.memory_space<hbm>> -> memref<200xi32, #tpu.memory_space<hbm>>
      %dma_wait3A_431 = tpu.memref_slice %arg3[%add3A_423] : memref<819200xi32, #tpu.memory_space<hbm>> -> memref<200xi32, #tpu.memory_space<hbm>>
      tpu.wait_dma2 semaphore(%arg42 : memref<!tpu.dma_semaphore, #tpu.memory_space<semaphore_mem>>) src(%dma_wait3A_431 : memref<200xi32, #tpu.memory_space<hbm>>) dst(%arg23 : memref<200xi32, #tpu.memory_space<vmem>>)
      %dma_start3A_432 = arith.constant 0 : i32
      %dma_start3A_433 = arith.constant 0 : i32
      %dma_start3A_434 = tpu.memref_slice %arg8[%dma_start3A_432, %dma_start3A_433] : memref<50176x32xf32, #tpu.memory_space<hbm>> -> memref<50176x32xf32, #tpu.memory_space<hbm>>
      tpu.enqueue_indirect_dma source(%dma_start3A_434 : memref<50176x32xf32, #tpu.memory_space<hbm>>) target(%arg27 : memref<200x32xf32, #tpu.memory_space<vmem>>) offsets(%arg19 : memref<200xi32, #tpu.memory_space<vmem>>) semaphore(%arg34 : memref<!tpu.dma_semaphore, #tpu.memory_space<semaphore_mem>>)
      %dma_wait3A_435 = arith.constant 0 : i32
      %dma_wait3A_436 = arith.constant 0 : i32
      %dma_wait3A_437 = tpu.memref_slice %arg8[%dma_wait3A_435, %dma_wait3A_436] : memref<50176x32xf32, #tpu.memory_space<hbm>> -> memref<50176x32xf32, #tpu.memory_space<hbm>>
      tpu.wait_indirect_dma semaphore(%arg35 : memref<!tpu.dma_semaphore, #tpu.memory_space<semaphore_mem>>) src(%dma_wait3A_437 : memref<50176x32xf32, #tpu.memory_space<hbm>>) dst(%arg28 : memref<200x32xf32, #tpu.memory_space<vmem>>)
      %dma_start3A_438 = arith.constant 0 : i32
      %dma_start3A_439 = arith.constant 0 : i32
      %dma_start3A_440 = tpu.memref_slice %arg32[%dma_start3A_438, %dma_start3A_439] : memref<50176x32xf32, #tpu.memory_space<vmem_shared>> -> memref<50176x32xf32, #tpu.memory_space<vmem_shared>>
      tpu.enqueue_indirect_dma source(%arg28 : memref<200x32xf32, #tpu.memory_space<vmem>>) target(%dma_start3A_440 : memref<50176x32xf32, #tpu.memory_space<vmem_shared>>) offsets(%arg24 : memref<200xi32, #tpu.memory_space<vmem>>) semaphore(%arg39 : memref<!tpu.dma_semaphore, #tpu.memory_space<semaphore_mem>>) {add = true}
      %dma_start3A_441 = arith.constant 0 : i32
      %dma_start3A_442 = tpu.memref_slice %arg33[%dma_start3A_441] : memref<50176xf32, #tpu.memory_space<vmem_shared>> -> memref<50176xf32, #tpu.memory_space<vmem_shared>>
      tpu.enqueue_indirect_dma source(%arg31 : memref<200xf32, #tpu.memory_space<vmem>>) target(%dma_start3A_442 : memref<50176xf32, #tpu.memory_space<vmem_shared>>) offsets(%arg24 : memref<200xi32, #tpu.memory_space<vmem>>) semaphore(%arg39 : memref<!tpu.dma_semaphore, #tpu.memory_space<semaphore_mem>>) {add = true}
      %mul3A_443 = arith.constant 4 : i32
      %mul3A_444 = arith.muli %scan3A_407, %mul3A_443 : i32
      %add3A_445 = arith.constant 4 : i32
      %add3A_446 = arith.addi %add3A_445, %mul3A_444 : i32
      %add3A_447 = arith.constant 1 : i32
      %add3A_448 = arith.addi %add3A_446, %add3A_447 : i32
      %dma_wait3A_449 = arith.constant 0 : i32
      %dma_wait3A_450 = arith.constant 0 : i32
      %dma_wait3A_451 = tpu.memref_slice %arg32[%dma_wait3A_449, %dma_wait3A_450] : memref<50176x32xf32, #tpu.memory_space<vmem_shared>> -> memref<50176x32xf32, #tpu.memory_space<vmem_shared>>
      tpu.wait_indirect_dma semaphore(%arg39 : memref<!tpu.dma_semaphore, #tpu.memory_space<semaphore_mem>>) src(%arg28 : memref<200x32xf32, #tpu.memory_space<vmem>>) dst(%dma_wait3A_451 : memref<50176x32xf32, #tpu.memory_space<vmem_shared>>)
      %dma_wait3A_452 = arith.constant 0 : i32
      %dma_wait3A_453 = tpu.memref_slice %arg33[%dma_wait3A_452] : memref<50176xf32, #tpu.memory_space<vmem_shared>> -> memref<50176xf32, #tpu.memory_space<vmem_shared>>
      tpu.wait_indirect_dma semaphore(%arg39 : memref<!tpu.dma_semaphore, #tpu.memory_space<semaphore_mem>>) src(%arg31 : memref<200xf32, #tpu.memory_space<vmem>>) dst(%dma_wait3A_453 : memref<50176xf32, #tpu.memory_space<vmem_shared>>)
      %mul3A_454 = arith.constant 25600 : i32
      %mul3A_455 = arith.muli %add3A, %mul3A_454 : i32
      %mul3A_456 = arith.constant 200 : i32
      %mul3A_457 = arith.muli %add3A_448, %mul3A_456 : i32
      %add3A_458 = arith.addi %mul3A_455, %mul3A_457 : i32
      %dma_start3A_459 = tpu.memref_slice %arg2[%add3A_458] : memref<819200xi32, #tpu.memory_space<hbm>> -> memref<200xi32, #tpu.memory_space<hbm>>
      %dma_start3A_460 = tpu.memref_slice %arg2[%add3A_458] : memref<819200xi32, #tpu.memory_space<hbm>> -> memref<200xi32, #tpu.memory_space<hbm>>
      tpu.enqueue_dma source(%dma_start3A_460 : memref<200xi32, #tpu.memory_space<hbm>>) target(%arg20 : memref<200xi32, #tpu.memory_space<vmem>>) target_semaphore(%arg42 : memref<!tpu.dma_semaphore, #tpu.memory_space<semaphore_mem>>)
      %dma_start3A_461 = tpu.memref_slice %arg3[%add3A_458] : memref<819200xi32, #tpu.memory_space<hbm>> -> memref<200xi32, #tpu.memory_space<hbm>>
      %dma_start3A_462 = tpu.memref_slice %arg3[%add3A_458] : memref<819200xi32, #tpu.memory_space<hbm>> -> memref<200xi32, #tpu.memory_space<hbm>>
      tpu.enqueue_dma source(%dma_start3A_462 : memref<200xi32, #tpu.memory_space<hbm>>) target(%arg24 : memref<200xi32, #tpu.memory_space<vmem>>) target_semaphore(%arg42 : memref<!tpu.dma_semaphore, #tpu.memory_space<semaphore_mem>>)
      %dma_wait3A_463 = tpu.memref_slice %arg2[%add3A_458] : memref<819200xi32, #tpu.memory_space<hbm>> -> memref<200xi32, #tpu.memory_space<hbm>>
      %dma_wait3A_464 = tpu.memref_slice %arg2[%add3A_458] : memref<819200xi32, #tpu.memory_space<hbm>> -> memref<200xi32, #tpu.memory_space<hbm>>
      tpu.wait_dma2 semaphore(%arg42 : memref<!tpu.dma_semaphore, #tpu.memory_space<semaphore_mem>>) src(%dma_wait3A_464 : memref<200xi32, #tpu.memory_space<hbm>>) dst(%arg20 : memref<200xi32, #tpu.memory_space<vmem>>)
      %dma_wait3A_465 = tpu.memref_slice %arg3[%add3A_458] : memref<819200xi32, #tpu.memory_space<hbm>> -> memref<200xi32, #tpu.memory_space<hbm>>
      %dma_wait3A_466 = tpu.memref_slice %arg3[%add3A_458] : memref<819200xi32, #tpu.memory_space<hbm>> -> memref<200xi32, #tpu.memory_space<hbm>>
      tpu.wait_dma2 semaphore(%arg42 : memref<!tpu.dma_semaphore, #tpu.memory_space<semaphore_mem>>) src(%dma_wait3A_466 : memref<200xi32, #tpu.memory_space<hbm>>) dst(%arg24 : memref<200xi32, #tpu.memory_space<vmem>>)
      %dma_start3A_467 = arith.constant 0 : i32
      %dma_start3A_468 = arith.constant 0 : i32
      %dma_start3A_469 = tpu.memref_slice %arg8[%dma_start3A_467, %dma_start3A_468] : memref<50176x32xf32, #tpu.memory_space<hbm>> -> memref<50176x32xf32, #tpu.memory_space<hbm>>
      tpu.enqueue_indirect_dma source(%dma_start3A_469 : memref<50176x32xf32, #tpu.memory_space<hbm>>) target(%arg28 : memref<200x32xf32, #tpu.memory_space<vmem>>) offsets(%arg20 : memref<200xi32, #tpu.memory_space<vmem>>) semaphore(%arg35 : memref<!tpu.dma_semaphore, #tpu.memory_space<semaphore_mem>>)
      %dma_wait3A_470 = arith.constant 0 : i32
      %dma_wait3A_471 = arith.constant 0 : i32
      %dma_wait3A_472 = tpu.memref_slice %arg8[%dma_wait3A_470, %dma_wait3A_471] : memref<50176x32xf32, #tpu.memory_space<hbm>> -> memref<50176x32xf32, #tpu.memory_space<hbm>>
      tpu.wait_indirect_dma semaphore(%arg36 : memref<!tpu.dma_semaphore, #tpu.memory_space<semaphore_mem>>) src(%dma_wait3A_472 : memref<50176x32xf32, #tpu.memory_space<hbm>>) dst(%arg29 : memref<200x32xf32, #tpu.memory_space<vmem>>)
      %dma_start3A_473 = arith.constant 0 : i32
      %dma_start3A_474 = arith.constant 0 : i32
      %dma_start3A_475 = tpu.memref_slice %arg32[%dma_start3A_473, %dma_start3A_474] : memref<50176x32xf32, #tpu.memory_space<vmem_shared>> -> memref<50176x32xf32, #tpu.memory_space<vmem_shared>>
      tpu.enqueue_indirect_dma source(%arg29 : memref<200x32xf32, #tpu.memory_space<vmem>>) target(%dma_start3A_475 : memref<50176x32xf32, #tpu.memory_space<vmem_shared>>) offsets(%arg25 : memref<200xi32, #tpu.memory_space<vmem>>) semaphore(%arg40 : memref<!tpu.dma_semaphore, #tpu.memory_space<semaphore_mem>>) {add = true}
      %dma_start3A_476 = arith.constant 0 : i32
      %dma_start3A_477 = tpu.memref_slice %arg33[%dma_start3A_476] : memref<50176xf32, #tpu.memory_space<vmem_shared>> -> memref<50176xf32, #tpu.memory_space<vmem_shared>>
      tpu.enqueue_indirect_dma source(%arg31 : memref<200xf32, #tpu.memory_space<vmem>>) target(%dma_start3A_477 : memref<50176xf32, #tpu.memory_space<vmem_shared>>) offsets(%arg25 : memref<200xi32, #tpu.memory_space<vmem>>) semaphore(%arg40 : memref<!tpu.dma_semaphore, #tpu.memory_space<semaphore_mem>>) {add = true}
      %mul3A_478 = arith.constant 4 : i32
      %mul3A_479 = arith.muli %scan3A_407, %mul3A_478 : i32
      %add3A_480 = arith.constant 4 : i32
      %add3A_481 = arith.addi %add3A_480, %mul3A_479 : i32
      %add3A_482 = arith.constant 2 : i32
      %add3A_483 = arith.addi %add3A_481, %add3A_482 : i32
      %dma_wait3A_484 = arith.constant 0 : i32
      %dma_wait3A_485 = arith.constant 0 : i32
      %dma_wait3A_486 = tpu.memref_slice %arg32[%dma_wait3A_484, %dma_wait3A_485] : memref<50176x32xf32, #tpu.memory_space<vmem_shared>> -> memref<50176x32xf32, #tpu.memory_space<vmem_shared>>
      tpu.wait_indirect_dma semaphore(%arg40 : memref<!tpu.dma_semaphore, #tpu.memory_space<semaphore_mem>>) src(%arg29 : memref<200x32xf32, #tpu.memory_space<vmem>>) dst(%dma_wait3A_486 : memref<50176x32xf32, #tpu.memory_space<vmem_shared>>)
      %dma_wait3A_487 = arith.constant 0 : i32
      %dma_wait3A_488 = tpu.memref_slice %arg33[%dma_wait3A_487] : memref<50176xf32, #tpu.memory_space<vmem_shared>> -> memref<50176xf32, #tpu.memory_space<vmem_shared>>
      tpu.wait_indirect_dma semaphore(%arg40 : memref<!tpu.dma_semaphore, #tpu.memory_space<semaphore_mem>>) src(%arg31 : memref<200xf32, #tpu.memory_space<vmem>>) dst(%dma_wait3A_488 : memref<50176xf32, #tpu.memory_space<vmem_shared>>)
      %mul3A_489 = arith.constant 25600 : i32
      %mul3A_490 = arith.muli %add3A, %mul3A_489 : i32
      %mul3A_491 = arith.constant 200 : i32
      %mul3A_492 = arith.muli %add3A_483, %mul3A_491 : i32
      %add3A_493 = arith.addi %mul3A_490, %mul3A_492 : i32
      %dma_start3A_494 = tpu.memref_slice %arg2[%add3A_493] : memref<819200xi32, #tpu.memory_space<hbm>> -> memref<200xi32, #tpu.memory_space<hbm>>
      %dma_start3A_495 = tpu.memref_slice %arg2[%add3A_493] : memref<819200xi32, #tpu.memory_space<hbm>> -> memref<200xi32, #tpu.memory_space<hbm>>
      tpu.enqueue_dma source(%dma_start3A_495 : memref<200xi32, #tpu.memory_space<hbm>>) target(%arg21 : memref<200xi32, #tpu.memory_space<vmem>>) target_semaphore(%arg42 : memref<!tpu.dma_semaphore, #tpu.memory_space<semaphore_mem>>)
      %dma_start3A_496 = tpu.memref_slice %arg3[%add3A_493] : memref<819200xi32, #tpu.memory_space<hbm>> -> memref<200xi32, #tpu.memory_space<hbm>>
      %dma_start3A_497 = tpu.memref_slice %arg3[%add3A_493] : memref<819200xi32, #tpu.memory_space<hbm>> -> memref<200xi32, #tpu.memory_space<hbm>>
      tpu.enqueue_dma source(%dma_start3A_497 : memref<200xi32, #tpu.memory_space<hbm>>) target(%arg25 : memref<200xi32, #tpu.memory_space<vmem>>) target_semaphore(%arg42 : memref<!tpu.dma_semaphore, #tpu.memory_space<semaphore_mem>>)
      %dma_wait3A_498 = tpu.memref_slice %arg2[%add3A_493] : memref<819200xi32, #tpu.memory_space<hbm>> -> memref<200xi32, #tpu.memory_space<hbm>>
      %dma_wait3A_499 = tpu.memref_slice %arg2[%add3A_493] : memref<819200xi32, #tpu.memory_space<hbm>> -> memref<200xi32, #tpu.memory_space<hbm>>
      tpu.wait_dma2 semaphore(%arg42 : memref<!tpu.dma_semaphore, #tpu.memory_space<semaphore_mem>>) src(%dma_wait3A_499 : memref<200xi32, #tpu.memory_space<hbm>>) dst(%arg21 : memref<200xi32, #tpu.memory_space<vmem>>)
      %dma_wait3A_500 = tpu.memref_slice %arg3[%add3A_493] : memref<819200xi32, #tpu.memory_space<hbm>> -> memref<200xi32, #tpu.memory_space<hbm>>
      %dma_wait3A_501 = tpu.memref_slice %arg3[%add3A_493] : memref<819200xi32, #tpu.memory_space<hbm>> -> memref<200xi32, #tpu.memory_space<hbm>>
      tpu.wait_dma2 semaphore(%arg42 : memref<!tpu.dma_semaphore, #tpu.memory_space<semaphore_mem>>) src(%dma_wait3A_501 : memref<200xi32, #tpu.memory_space<hbm>>) dst(%arg25 : memref<200xi32, #tpu.memory_space<vmem>>)
      %dma_start3A_502 = arith.constant 0 : i32
      %dma_start3A_503 = arith.constant 0 : i32
      %dma_start3A_504 = tpu.memref_slice %arg8[%dma_start3A_502, %dma_start3A_503] : memref<50176x32xf32, #tpu.memory_space<hbm>> -> memref<50176x32xf32, #tpu.memory_space<hbm>>
      tpu.enqueue_indirect_dma source(%dma_start3A_504 : memref<50176x32xf32, #tpu.memory_space<hbm>>) target(%arg29 : memref<200x32xf32, #tpu.memory_space<vmem>>) offsets(%arg21 : memref<200xi32, #tpu.memory_space<vmem>>) semaphore(%arg36 : memref<!tpu.dma_semaphore, #tpu.memory_space<semaphore_mem>>)
      %dma_wait3A_505 = arith.constant 0 : i32
      %dma_wait3A_506 = arith.constant 0 : i32
      %dma_wait3A_507 = tpu.memref_slice %arg8[%dma_wait3A_505, %dma_wait3A_506] : memref<50176x32xf32, #tpu.memory_space<hbm>> -> memref<50176x32xf32, #tpu.memory_space<hbm>>
      tpu.wait_indirect_dma semaphore(%arg37 : memref<!tpu.dma_semaphore, #tpu.memory_space<semaphore_mem>>) src(%dma_wait3A_507 : memref<50176x32xf32, #tpu.memory_space<hbm>>) dst(%arg30 : memref<200x32xf32, #tpu.memory_space<vmem>>)
      %dma_start3A_508 = arith.constant 0 : i32
      %dma_start3A_509 = arith.constant 0 : i32
      %dma_start3A_510 = tpu.memref_slice %arg32[%dma_start3A_508, %dma_start3A_509] : memref<50176x32xf32, #tpu.memory_space<vmem_shared>> -> memref<50176x32xf32, #tpu.memory_space<vmem_shared>>
      tpu.enqueue_indirect_dma source(%arg30 : memref<200x32xf32, #tpu.memory_space<vmem>>) target(%dma_start3A_510 : memref<50176x32xf32, #tpu.memory_space<vmem_shared>>) offsets(%arg26 : memref<200xi32, #tpu.memory_space<vmem>>) semaphore(%arg41 : memref<!tpu.dma_semaphore, #tpu.memory_space<semaphore_mem>>) {add = true}
      %dma_start3A_511 = arith.constant 0 : i32
      %dma_start3A_512 = tpu.memref_slice %arg33[%dma_start3A_511] : memref<50176xf32, #tpu.memory_space<vmem_shared>> -> memref<50176xf32, #tpu.memory_space<vmem_shared>>
      tpu.enqueue_indirect_dma source(%arg31 : memref<200xf32, #tpu.memory_space<vmem>>) target(%dma_start3A_512 : memref<50176xf32, #tpu.memory_space<vmem_shared>>) offsets(%arg26 : memref<200xi32, #tpu.memory_space<vmem>>) semaphore(%arg41 : memref<!tpu.dma_semaphore, #tpu.memory_space<semaphore_mem>>) {add = true}
      %mul3A_513 = arith.constant 4 : i32
      %mul3A_514 = arith.muli %scan3A_407, %mul3A_513 : i32
      %add3A_515 = arith.constant 4 : i32
      %add3A_516 = arith.addi %add3A_515, %mul3A_514 : i32
      %add3A_517 = arith.constant 3 : i32
      %add3A_518 = arith.addi %add3A_516, %add3A_517 : i32
      %dma_wait3A_519 = arith.constant 0 : i32
      %dma_wait3A_520 = arith.constant 0 : i32
      %dma_wait3A_521 = tpu.memref_slice %arg32[%dma_wait3A_519, %dma_wait3A_520] : memref<50176x32xf32, #tpu.memory_space<vmem_shared>> -> memref<50176x32xf32, #tpu.memory_space<vmem_shared>>
      tpu.wait_indirect_dma semaphore(%arg41 : memref<!tpu.dma_semaphore, #tpu.memory_space<semaphore_mem>>) src(%arg30 : memref<200x32xf32, #tpu.memory_space<vmem>>) dst(%dma_wait3A_521 : memref<50176x32xf32, #tpu.memory_space<vmem_shared>>)
      %dma_wait3A_522 = arith.constant 0 : i32
      %dma_wait3A_523 = tpu.memref_slice %arg33[%dma_wait3A_522] : memref<50176xf32, #tpu.memory_space<vmem_shared>> -> memref<50176xf32, #tpu.memory_space<vmem_shared>>
      tpu.wait_indirect_dma semaphore(%arg41 : memref<!tpu.dma_semaphore, #tpu.memory_space<semaphore_mem>>) src(%arg31 : memref<200xf32, #tpu.memory_space<vmem>>) dst(%dma_wait3A_523 : memref<50176xf32, #tpu.memory_space<vmem_shared>>)
      %mul3A_524 = arith.constant 25600 : i32
      %mul3A_525 = arith.muli %add3A, %mul3A_524 : i32
      %mul3A_526 = arith.constant 200 : i32
      %mul3A_527 = arith.muli %add3A_518, %mul3A_526 : i32
      %add3A_528 = arith.addi %mul3A_525, %mul3A_527 : i32
      %dma_start3A_529 = tpu.memref_slice %arg2[%add3A_528] : memref<819200xi32, #tpu.memory_space<hbm>> -> memref<200xi32, #tpu.memory_space<hbm>>
      %dma_start3A_530 = tpu.memref_slice %arg2[%add3A_528] : memref<819200xi32, #tpu.memory_space<hbm>> -> memref<200xi32, #tpu.memory_space<hbm>>
      tpu.enqueue_dma source(%dma_start3A_530 : memref<200xi32, #tpu.memory_space<hbm>>) target(%arg22 : memref<200xi32, #tpu.memory_space<vmem>>) target_semaphore(%arg42 : memref<!tpu.dma_semaphore, #tpu.memory_space<semaphore_mem>>)
      %dma_start3A_531 = tpu.memref_slice %arg3[%add3A_528] : memref<819200xi32, #tpu.memory_space<hbm>> -> memref<200xi32, #tpu.memory_space<hbm>>
      %dma_start3A_532 = tpu.memref_slice %arg3[%add3A_528] : memref<819200xi32, #tpu.memory_space<hbm>> -> memref<200xi32, #tpu.memory_space<hbm>>
      tpu.enqueue_dma source(%dma_start3A_532 : memref<200xi32, #tpu.memory_space<hbm>>) target(%arg26 : memref<200xi32, #tpu.memory_space<vmem>>) target_semaphore(%arg42 : memref<!tpu.dma_semaphore, #tpu.memory_space<semaphore_mem>>)
      %dma_wait3A_533 = tpu.memref_slice %arg2[%add3A_528] : memref<819200xi32, #tpu.memory_space<hbm>> -> memref<200xi32, #tpu.memory_space<hbm>>
      %dma_wait3A_534 = tpu.memref_slice %arg2[%add3A_528] : memref<819200xi32, #tpu.memory_space<hbm>> -> memref<200xi32, #tpu.memory_space<hbm>>
      tpu.wait_dma2 semaphore(%arg42 : memref<!tpu.dma_semaphore, #tpu.memory_space<semaphore_mem>>) src(%dma_wait3A_534 : memref<200xi32, #tpu.memory_space<hbm>>) dst(%arg22 : memref<200xi32, #tpu.memory_space<vmem>>)
      %dma_wait3A_535 = tpu.memref_slice %arg3[%add3A_528] : memref<819200xi32, #tpu.memory_space<hbm>> -> memref<200xi32, #tpu.memory_space<hbm>>
      %dma_wait3A_536 = tpu.memref_slice %arg3[%add3A_528] : memref<819200xi32, #tpu.memory_space<hbm>> -> memref<200xi32, #tpu.memory_space<hbm>>
      tpu.wait_dma2 semaphore(%arg42 : memref<!tpu.dma_semaphore, #tpu.memory_space<semaphore_mem>>) src(%dma_wait3A_536 : memref<200xi32, #tpu.memory_space<hbm>>) dst(%arg26 : memref<200xi32, #tpu.memory_space<vmem>>)
      %dma_start3A_537 = arith.constant 0 : i32
      %dma_start3A_538 = arith.constant 0 : i32
      %dma_start3A_539 = tpu.memref_slice %arg8[%dma_start3A_537, %dma_start3A_538] : memref<50176x32xf32, #tpu.memory_space<hbm>> -> memref<50176x32xf32, #tpu.memory_space<hbm>>
      tpu.enqueue_indirect_dma source(%dma_start3A_539 : memref<50176x32xf32, #tpu.memory_space<hbm>>) target(%arg30 : memref<200x32xf32, #tpu.memory_space<vmem>>) offsets(%arg22 : memref<200xi32, #tpu.memory_space<vmem>>) semaphore(%arg37 : memref<!tpu.dma_semaphore, #tpu.memory_space<semaphore_mem>>)
      %dma_wait3A_540 = arith.constant 0 : i32
      %dma_wait3A_541 = arith.constant 0 : i32
      %dma_wait3A_542 = tpu.memref_slice %arg8[%dma_wait3A_540, %dma_wait3A_541] : memref<50176x32xf32, #tpu.memory_space<hbm>> -> memref<50176x32xf32, #tpu.memory_space<hbm>>
      tpu.wait_indirect_dma semaphore(%arg34 : memref<!tpu.dma_semaphore, #tpu.memory_space<semaphore_mem>>) src(%dma_wait3A_542 : memref<50176x32xf32, #tpu.memory_space<hbm>>) dst(%arg27 : memref<200x32xf32, #tpu.memory_space<vmem>>)
      %dma_start3A_543 = arith.constant 0 : i32
      %dma_start3A_544 = arith.constant 0 : i32
      %dma_start3A_545 = tpu.memref_slice %arg32[%dma_start3A_543, %dma_start3A_544] : memref<50176x32xf32, #tpu.memory_space<vmem_shared>> -> memref<50176x32xf32, #tpu.memory_space<vmem_shared>>
      tpu.enqueue_indirect_dma source(%arg27 : memref<200x32xf32, #tpu.memory_space<vmem>>) target(%dma_start3A_545 : memref<50176x32xf32, #tpu.memory_space<vmem_shared>>) offsets(%arg23 : memref<200xi32, #tpu.memory_space<vmem>>) semaphore(%arg38 : memref<!tpu.dma_semaphore, #tpu.memory_space<semaphore_mem>>) {add = true}
      %dma_start3A_546 = arith.constant 0 : i32
      %dma_start3A_547 = tpu.memref_slice %arg33[%dma_start3A_546] : memref<50176xf32, #tpu.memory_space<vmem_shared>> -> memref<50176xf32, #tpu.memory_space<vmem_shared>>
      tpu.enqueue_indirect_dma source(%arg31 : memref<200xf32, #tpu.memory_space<vmem>>) target(%dma_start3A_547 : memref<50176xf32, #tpu.memory_space<vmem_shared>>) offsets(%arg23 : memref<200xi32, #tpu.memory_space<vmem>>) semaphore(%arg38 : memref<!tpu.dma_semaphore, #tpu.memory_space<semaphore_mem>>) {add = true}
    }
    %scan3A_79 = arith.constant 31 : i32
    %dma_wait3A_80 = arith.constant 0 : i32
    %dma_wait3A_81 = arith.constant 0 : i32
    %dma_wait3A_82 = tpu.memref_slice %arg8[%dma_wait3A_80, %dma_wait3A_81] : memref<50176x32xf32, #tpu.memory_space<hbm>> -> memref<50176x32xf32, #tpu.memory_space<hbm>>
    tpu.wait_indirect_dma semaphore(%arg35 : memref<!tpu.dma_semaphore, #tpu.memory_space<semaphore_mem>>) src(%dma_wait3A_82 : memref<50176x32xf32, #tpu.memory_space<hbm>>) dst(%arg28 : memref<200x32xf32, #tpu.memory_space<vmem>>)
    %dma_start3A_83 = arith.constant 0 : i32
    %dma_start3A_84 = arith.constant 0 : i32
    %dma_start3A_85 = tpu.memref_slice %arg32[%dma_start3A_83, %dma_start3A_84] : memref<50176x32xf32, #tpu.memory_space<vmem_shared>> -> memref<50176x32xf32, #tpu.memory_space<vmem_shared>>
    tpu.enqueue_indirect_dma source(%arg28 : memref<200x32xf32, #tpu.memory_space<vmem>>) target(%dma_start3A_85 : memref<50176x32xf32, #tpu.memory_space<vmem_shared>>) offsets(%arg24 : memref<200xi32, #tpu.memory_space<vmem>>) semaphore(%arg39 : memref<!tpu.dma_semaphore, #tpu.memory_space<semaphore_mem>>) {add = true}
    %dma_start3A_86 = arith.constant 0 : i32
    %dma_start3A_87 = tpu.memref_slice %arg33[%dma_start3A_86] : memref<50176xf32, #tpu.memory_space<vmem_shared>> -> memref<50176xf32, #tpu.memory_space<vmem_shared>>
    tpu.enqueue_indirect_dma source(%arg31 : memref<200xf32, #tpu.memory_space<vmem>>) target(%dma_start3A_87 : memref<50176xf32, #tpu.memory_space<vmem_shared>>) offsets(%arg24 : memref<200xi32, #tpu.memory_space<vmem>>) semaphore(%arg39 : memref<!tpu.dma_semaphore, #tpu.memory_space<semaphore_mem>>) {add = true}
    %dma_wait3A_88 = arith.constant 0 : i32
    %dma_wait3A_89 = arith.constant 0 : i32
    %dma_wait3A_90 = tpu.memref_slice %arg8[%dma_wait3A_88, %dma_wait3A_89] : memref<50176x32xf32, #tpu.memory_space<hbm>> -> memref<50176x32xf32, #tpu.memory_space<hbm>>
    tpu.wait_indirect_dma semaphore(%arg36 : memref<!tpu.dma_semaphore, #tpu.memory_space<semaphore_mem>>) src(%dma_wait3A_90 : memref<50176x32xf32, #tpu.memory_space<hbm>>) dst(%arg29 : memref<200x32xf32, #tpu.memory_space<vmem>>)
    %dma_start3A_91 = arith.constant 0 : i32
    %dma_start3A_92 = arith.constant 0 : i32
    %dma_start3A_93 = tpu.memref_slice %arg32[%dma_start3A_91, %dma_start3A_92] : memref<50176x32xf32, #tpu.memory_space<vmem_shared>> -> memref<50176x32xf32, #tpu.memory_space<vmem_shared>>
    tpu.enqueue_indirect_dma source(%arg29 : memref<200x32xf32, #tpu.memory_space<vmem>>) target(%dma_start3A_93 : memref<50176x32xf32, #tpu.memory_space<vmem_shared>>) offsets(%arg25 : memref<200xi32, #tpu.memory_space<vmem>>) semaphore(%arg40 : memref<!tpu.dma_semaphore, #tpu.memory_space<semaphore_mem>>) {add = true}
    %dma_start3A_94 = arith.constant 0 : i32
    %dma_start3A_95 = tpu.memref_slice %arg33[%dma_start3A_94] : memref<50176xf32, #tpu.memory_space<vmem_shared>> -> memref<50176xf32, #tpu.memory_space<vmem_shared>>
    tpu.enqueue_indirect_dma source(%arg31 : memref<200xf32, #tpu.memory_space<vmem>>) target(%dma_start3A_95 : memref<50176xf32, #tpu.memory_space<vmem_shared>>) offsets(%arg25 : memref<200xi32, #tpu.memory_space<vmem>>) semaphore(%arg40 : memref<!tpu.dma_semaphore, #tpu.memory_space<semaphore_mem>>) {add = true}
    %dma_wait3A_96 = arith.constant 0 : i32
    %dma_wait3A_97 = arith.constant 0 : i32
    %dma_wait3A_98 = tpu.memref_slice %arg8[%dma_wait3A_96, %dma_wait3A_97] : memref<50176x32xf32, #tpu.memory_space<hbm>> -> memref<50176x32xf32, #tpu.memory_space<hbm>>
    tpu.wait_indirect_dma semaphore(%arg37 : memref<!tpu.dma_semaphore, #tpu.memory_space<semaphore_mem>>) src(%dma_wait3A_98 : memref<50176x32xf32, #tpu.memory_space<hbm>>) dst(%arg30 : memref<200x32xf32, #tpu.memory_space<vmem>>)
    %dma_start3A_99 = arith.constant 0 : i32
    %dma_start3A_100 = arith.constant 0 : i32
    %dma_start3A_101 = tpu.memref_slice %arg32[%dma_start3A_99, %dma_start3A_100] : memref<50176x32xf32, #tpu.memory_space<vmem_shared>> -> memref<50176x32xf32, #tpu.memory_space<vmem_shared>>
    tpu.enqueue_indirect_dma source(%arg30 : memref<200x32xf32, #tpu.memory_space<vmem>>) target(%dma_start3A_101 : memref<50176x32xf32, #tpu.memory_space<vmem_shared>>) offsets(%arg26 : memref<200xi32, #tpu.memory_space<vmem>>) semaphore(%arg41 : memref<!tpu.dma_semaphore, #tpu.memory_space<semaphore_mem>>) {add = true}
    %dma_start3A_102 = arith.constant 0 : i32
    %dma_start3A_103 = tpu.memref_slice %arg33[%dma_start3A_102] : memref<50176xf32, #tpu.memory_space<vmem_shared>> -> memref<50176xf32, #tpu.memory_space<vmem_shared>>
    tpu.enqueue_indirect_dma source(%arg31 : memref<200xf32, #tpu.memory_space<vmem>>) target(%dma_start3A_103 : memref<50176xf32, #tpu.memory_space<vmem_shared>>) offsets(%arg26 : memref<200xi32, #tpu.memory_space<vmem>>) semaphore(%arg41 : memref<!tpu.dma_semaphore, #tpu.memory_space<semaphore_mem>>) {add = true}
    %dma_wait3A_104 = arith.constant 0 : i32
    %dma_wait3A_105 = arith.constant 0 : i32
    %dma_wait3A_106 = tpu.memref_slice %arg32[%dma_wait3A_104, %dma_wait3A_105] : memref<50176x32xf32, #tpu.memory_space<vmem_shared>> -> memref<50176x32xf32, #tpu.memory_space<vmem_shared>>
    tpu.wait_indirect_dma semaphore(%arg38 : memref<!tpu.dma_semaphore, #tpu.memory_space<semaphore_mem>>) src(%arg27 : memref<200x32xf32, #tpu.memory_space<vmem>>) dst(%dma_wait3A_106 : memref<50176x32xf32, #tpu.memory_space<vmem_shared>>)
    %dma_wait3A_107 = arith.constant 0 : i32
    %dma_wait3A_108 = tpu.memref_slice %arg33[%dma_wait3A_107] : memref<50176xf32, #tpu.memory_space<vmem_shared>> -> memref<50176xf32, #tpu.memory_space<vmem_shared>>
    tpu.wait_indirect_dma semaphore(%arg38 : memref<!tpu.dma_semaphore, #tpu.memory_space<semaphore_mem>>) src(%arg31 : memref<200xf32, #tpu.memory_space<vmem>>) dst(%dma_wait3A_108 : memref<50176xf32, #tpu.memory_space<vmem_shared>>)
    %dma_wait3A_109 = arith.constant 0 : i32
    %dma_wait3A_110 = arith.constant 0 : i32
    %dma_wait3A_111 = tpu.memref_slice %arg32[%dma_wait3A_109, %dma_wait3A_110] : memref<50176x32xf32, #tpu.memory_space<vmem_shared>> -> memref<50176x32xf32, #tpu.memory_space<vmem_shared>>
    tpu.wait_indirect_dma semaphore(%arg39 : memref<!tpu.dma_semaphore, #tpu.memory_space<semaphore_mem>>) src(%arg28 : memref<200x32xf32, #tpu.memory_space<vmem>>) dst(%dma_wait3A_111 : memref<50176x32xf32, #tpu.memory_space<vmem_shared>>)
    %dma_wait3A_112 = arith.constant 0 : i32
    %dma_wait3A_113 = tpu.memref_slice %arg33[%dma_wait3A_112] : memref<50176xf32, #tpu.memory_space<vmem_shared>> -> memref<50176xf32, #tpu.memory_space<vmem_shared>>
    tpu.wait_indirect_dma semaphore(%arg39 : memref<!tpu.dma_semaphore, #tpu.memory_space<semaphore_mem>>) src(%arg31 : memref<200xf32, #tpu.memory_space<vmem>>) dst(%dma_wait3A_113 : memref<50176xf32, #tpu.memory_space<vmem_shared>>)
    %dma_wait3A_114 = arith.constant 0 : i32
    %dma_wait3A_115 = arith.constant 0 : i32
    %dma_wait3A_116 = tpu.memref_slice %arg32[%dma_wait3A_114, %dma_wait3A_115] : memref<50176x32xf32, #tpu.memory_space<vmem_shared>> -> memref<50176x32xf32, #tpu.memory_space<vmem_shared>>
    tpu.wait_indirect_dma semaphore(%arg40 : memref<!tpu.dma_semaphore, #tpu.memory_space<semaphore_mem>>) src(%arg29 : memref<200x32xf32, #tpu.memory_space<vmem>>) dst(%dma_wait3A_116 : memref<50176x32xf32, #tpu.memory_space<vmem_shared>>)
    %dma_wait3A_117 = arith.constant 0 : i32
    %dma_wait3A_118 = tpu.memref_slice %arg33[%dma_wait3A_117] : memref<50176xf32, #tpu.memory_space<vmem_shared>> -> memref<50176xf32, #tpu.memory_space<vmem_shared>>
    tpu.wait_indirect_dma semaphore(%arg40 : memref<!tpu.dma_semaphore, #tpu.memory_space<semaphore_mem>>) src(%arg31 : memref<200xf32, #tpu.memory_space<vmem>>) dst(%dma_wait3A_118 : memref<50176xf32, #tpu.memory_space<vmem_shared>>)
    %dma_wait3A_119 = arith.constant 0 : i32
    %dma_wait3A_120 = arith.constant 0 : i32
    %dma_wait3A_121 = tpu.memref_slice %arg32[%dma_wait3A_119, %dma_wait3A_120] : memref<50176x32xf32, #tpu.memory_space<vmem_shared>> -> memref<50176x32xf32, #tpu.memory_space<vmem_shared>>
    tpu.wait_indirect_dma semaphore(%arg41 : memref<!tpu.dma_semaphore, #tpu.memory_space<semaphore_mem>>) src(%arg30 : memref<200x32xf32, #tpu.memory_space<vmem>>) dst(%dma_wait3A_121 : memref<50176x32xf32, #tpu.memory_space<vmem_shared>>)
    %dma_wait3A_122 = arith.constant 0 : i32
    %dma_wait3A_123 = tpu.memref_slice %arg33[%dma_wait3A_122] : memref<50176xf32, #tpu.memory_space<vmem_shared>> -> memref<50176xf32, #tpu.memory_space<vmem_shared>>
    tpu.wait_indirect_dma semaphore(%arg41 : memref<!tpu.dma_semaphore, #tpu.memory_space<semaphore_mem>>) src(%arg31 : memref<200xf32, #tpu.memory_space<vmem>>) dst(%dma_wait3A_123 : memref<50176xf32, #tpu.memory_space<vmem_shared>>)
    %barrier3A_124 = arith.constant 0 : index
    tpu.barrier barrier_id(%barrier3A_124)
    %mul3A_125 = arith.constant 3136 : i32
    %mul3A_126 = arith.muli %arg1, %mul3A_125 : i32
    %mul3A_127 = arith.constant 3136 : i32
    %mul3A_128 = arith.muli %arg1, %mul3A_127 : i32
    "tpu.region"() ({
      %run_scoped3A = tpu.sem_alloc : memref<!tpu.dma_semaphore, #tpu.memory_space<semaphore_mem>>
      %dma_start3A_407 = arith.constant 0 : i32
      %dma_start3A_408 = tpu.memref_slice %arg13[%arg0, %mul3A_128, %dma_start3A_407] : memref<2x50176x32xf32, #tpu.memory_space<hbm>> -> memref<1x3136x32xf32, #tpu.memory_space<hbm>>
      %dma_start3A_409 = tpu.memref_squeeze %dma_start3A_408 : memref<1x3136x32xf32, #tpu.memory_space<hbm>> -> memref<3136x32xf32, #tpu.memory_space<hbm>>
      %dma_start3A_410 = arith.constant 0 : i32
      %dma_start3A_411 = tpu.memref_slice %arg32[%mul3A_126, %dma_start3A_410] : memref<50176x32xf32, #tpu.memory_space<vmem_shared>> -> memref<3136x32xf32, #tpu.memory_space<vmem_shared>>
      tpu.enqueue_dma source(%dma_start3A_411 : memref<3136x32xf32, #tpu.memory_space<vmem_shared>>) target(%dma_start3A_409 : memref<3136x32xf32, #tpu.memory_space<hbm>>) target_semaphore(%run_scoped3A : memref<!tpu.dma_semaphore, #tpu.memory_space<semaphore_mem>>)
      %dma_wait3A_412 = arith.constant 0 : i32
      %dma_wait3A_413 = tpu.memref_slice %arg13[%arg0, %mul3A_128, %dma_wait3A_412] : memref<2x50176x32xf32, #tpu.memory_space<hbm>> -> memref<1x3136x32xf32, #tpu.memory_space<hbm>>
      %dma_wait3A_414 = tpu.memref_squeeze %dma_wait3A_413 : memref<1x3136x32xf32, #tpu.memory_space<hbm>> -> memref<3136x32xf32, #tpu.memory_space<hbm>>
      %dma_wait3A_415 = arith.constant 0 : i32
      %dma_wait3A_416 = tpu.memref_slice %arg32[%mul3A_126, %dma_wait3A_415] : memref<50176x32xf32, #tpu.memory_space<vmem_shared>> -> memref<3136x32xf32, #tpu.memory_space<vmem_shared>>
      tpu.wait_dma2 semaphore(%run_scoped3A : memref<!tpu.dma_semaphore, #tpu.memory_space<semaphore_mem>>) src(%dma_wait3A_416 : memref<3136x32xf32, #tpu.memory_space<vmem_shared>>) dst(%dma_wait3A_414 : memref<3136x32xf32, #tpu.memory_space<hbm>>)
      tpu.yield
    }) : () -> ()
    %mul3A_129 = arith.constant 3136 : i32
    %mul3A_130 = arith.muli %arg1, %mul3A_129 : i32
    %mul3A_131 = arith.constant 50176 : i32
    %mul3A_132 = arith.muli %arg0, %mul3A_131 : i32
    %mul3A_133 = arith.constant 3136 : i32
    %mul3A_134 = arith.muli %arg1, %mul3A_133 : i32
    %add3A_135 = arith.addi %mul3A_132, %mul3A_134 : i32
    "tpu.region"() ({
      %run_scoped3A = tpu.sem_alloc : memref<!tpu.dma_semaphore, #tpu.memory_space<semaphore_mem>>
      %dma_start3A_407 = tpu.memref_slice %arg16[%add3A_135] : memref<100352xf32, #tpu.memory_space<hbm>> -> memref<3136xf32, #tpu.memory_space<hbm>>
      %dma_start3A_408 = tpu.memref_slice %arg33[%mul3A_130] : memref<50176xf32, #tpu.memory_space<vmem_shared>> -> memref<3136xf32, #tpu.memory_space<vmem_shared>>
      tpu.enqueue_dma source(%dma_start3A_408 : memref<3136xf32, #tpu.memory_space<vmem_shared>>) target(%dma_start3A_407 : memref<3136xf32, #tpu.memory_space<hbm>>) target_semaphore(%run_scoped3A : memref<!tpu.dma_semaphore, #tpu.memory_space<semaphore_mem>>)
      %dma_wait3A_409 = tpu.memref_slice %arg16[%add3A_135] : memref<100352xf32, #tpu.memory_space<hbm>> -> memref<3136xf32, #tpu.memory_space<hbm>>
      %dma_wait3A_410 = tpu.memref_slice %arg33[%mul3A_130] : memref<50176xf32, #tpu.memory_space<vmem_shared>> -> memref<3136xf32, #tpu.memory_space<vmem_shared>>
      tpu.wait_dma2 semaphore(%run_scoped3A : memref<!tpu.dma_semaphore, #tpu.memory_space<semaphore_mem>>) src(%dma_wait3A_410 : memref<3136xf32, #tpu.memory_space<vmem_shared>>) dst(%dma_wait3A_409 : memref<3136xf32, #tpu.memory_space<hbm>>)
      tpu.yield
    }) : () -> ()
    %barrier3A_136 = arith.constant 0 : index
    tpu.barrier barrier_id(%barrier3A_136)
    %mul3A_137 = arith.constant 3136 : i32
    %mul3A_138 = arith.muli %arg1, %mul3A_137 : i32
    "tpu.region"() ({
      %run_scoped3A = tpu.sem_alloc : memref<!tpu.dma_semaphore, #tpu.memory_space<semaphore_mem>>
      %dma_start3A_407 = arith.constant 0 : i32
      %dma_start3A_408 = tpu.memref_slice %arg32[%mul3A_138, %dma_start3A_407] : memref<50176x32xf32, #tpu.memory_space<vmem_shared>> -> memref<3136x32xf32, #tpu.memory_space<vmem_shared>>
      tpu.enqueue_dma source(%arg11 : memref<3136x32xf32, #tpu.memory_space<hbm>>) target(%dma_start3A_408 : memref<3136x32xf32, #tpu.memory_space<vmem_shared>>) target_semaphore(%run_scoped3A : memref<!tpu.dma_semaphore, #tpu.memory_space<semaphore_mem>>)
      %dma_wait3A_409 = arith.constant 0 : i32
      %dma_wait3A_410 = tpu.memref_slice %arg32[%mul3A_138, %dma_wait3A_409] : memref<50176x32xf32, #tpu.memory_space<vmem_shared>> -> memref<3136x32xf32, #tpu.memory_space<vmem_shared>>
      tpu.wait_dma2 semaphore(%run_scoped3A : memref<!tpu.dma_semaphore, #tpu.memory_space<semaphore_mem>>) src(%arg11 : memref<3136x32xf32, #tpu.memory_space<hbm>>) dst(%dma_wait3A_410 : memref<3136x32xf32, #tpu.memory_space<vmem_shared>>)
      tpu.yield
    }) : () -> ()
    %mul3A_139 = arith.constant 3136 : i32
    %mul3A_140 = arith.muli %arg1, %mul3A_139 : i32
    "tpu.region"() ({
      %run_scoped3A = tpu.sem_alloc : memref<!tpu.dma_semaphore, #tpu.memory_space<semaphore_mem>>
      %dma_start3A_407 = tpu.memref_slice %arg33[%mul3A_140] : memref<50176xf32, #tpu.memory_space<vmem_shared>> -> memref<3136xf32, #tpu.memory_space<vmem_shared>>
      tpu.enqueue_dma source(%arg12 : memref<3136xf32, #tpu.memory_space<hbm>>) target(%dma_start3A_407 : memref<3136xf32, #tpu.memory_space<vmem_shared>>) target_semaphore(%run_scoped3A : memref<!tpu.dma_semaphore, #tpu.memory_space<semaphore_mem>>)
      %dma_wait3A_408 = tpu.memref_slice %arg33[%mul3A_140] : memref<50176xf32, #tpu.memory_space<vmem_shared>> -> memref<3136xf32, #tpu.memory_space<vmem_shared>>
      tpu.wait_dma2 semaphore(%run_scoped3A : memref<!tpu.dma_semaphore, #tpu.memory_space<semaphore_mem>>) src(%arg12 : memref<3136xf32, #tpu.memory_space<hbm>>) dst(%dma_wait3A_408 : memref<3136xf32, #tpu.memory_space<vmem_shared>>)
      tpu.yield
    }) : () -> ()
    %barrier3A_141 = arith.constant 0 : index
    tpu.barrier barrier_id(%barrier3A_141)
    %mul3A_142 = arith.constant 25600 : i32
    %mul3A_143 = arith.muli %add3A, %mul3A_142 : i32
    %add3A_144 = arith.constant 0 : i32
    %add3A_145 = arith.addi %mul3A_143, %add3A_144 : i32
    %dma_start3A_146 = tpu.memref_slice %arg4[%add3A_145] : memref<819200xi32, #tpu.memory_space<hbm>> -> memref<200xi32, #tpu.memory_space<hbm>>
    %dma_start3A_147 = tpu.memref_slice %arg4[%add3A_145] : memref<819200xi32, #tpu.memory_space<hbm>> -> memref<200xi32, #tpu.memory_space<hbm>>
    tpu.enqueue_dma source(%dma_start3A_147 : memref<200xi32, #tpu.memory_space<hbm>>) target(%arg19 : memref<200xi32, #tpu.memory_space<vmem>>) target_semaphore(%arg42 : memref<!tpu.dma_semaphore, #tpu.memory_space<semaphore_mem>>)
    %dma_start3A_148 = tpu.memref_slice %arg5[%add3A_145] : memref<819200xi32, #tpu.memory_space<hbm>> -> memref<200xi32, #tpu.memory_space<hbm>>
    %dma_start3A_149 = tpu.memref_slice %arg5[%add3A_145] : memref<819200xi32, #tpu.memory_space<hbm>> -> memref<200xi32, #tpu.memory_space<hbm>>
    tpu.enqueue_dma source(%dma_start3A_149 : memref<200xi32, #tpu.memory_space<hbm>>) target(%arg23 : memref<200xi32, #tpu.memory_space<vmem>>) target_semaphore(%arg42 : memref<!tpu.dma_semaphore, #tpu.memory_space<semaphore_mem>>)
    %dma_wait3A_150 = tpu.memref_slice %arg4[%add3A_145] : memref<819200xi32, #tpu.memory_space<hbm>> -> memref<200xi32, #tpu.memory_space<hbm>>
    %dma_wait3A_151 = tpu.memref_slice %arg4[%add3A_145] : memref<819200xi32, #tpu.memory_space<hbm>> -> memref<200xi32, #tpu.memory_space<hbm>>
    tpu.wait_dma2 semaphore(%arg42 : memref<!tpu.dma_semaphore, #tpu.memory_space<semaphore_mem>>) src(%dma_wait3A_151 : memref<200xi32, #tpu.memory_space<hbm>>) dst(%arg19 : memref<200xi32, #tpu.memory_space<vmem>>)
    %dma_wait3A_152 = tpu.memref_slice %arg5[%add3A_145] : memref<819200xi32, #tpu.memory_space<hbm>> -> memref<200xi32, #tpu.memory_space<hbm>>
    %dma_wait3A_153 = tpu.memref_slice %arg5[%add3A_145] : memref<819200xi32, #tpu.memory_space<hbm>> -> memref<200xi32, #tpu.memory_space<hbm>>
    tpu.wait_dma2 semaphore(%arg42 : memref<!tpu.dma_semaphore, #tpu.memory_space<semaphore_mem>>) src(%dma_wait3A_153 : memref<200xi32, #tpu.memory_space<hbm>>) dst(%arg23 : memref<200xi32, #tpu.memory_space<vmem>>)
    %dma_start3A_154 = arith.constant 0 : i32
    %dma_start3A_155 = arith.constant 0 : i32
    %dma_start3A_156 = tpu.memref_slice %arg9[%dma_start3A_154, %dma_start3A_155] : memref<50176x32xf32, #tpu.memory_space<hbm>> -> memref<50176x32xf32, #tpu.memory_space<hbm>>
    tpu.enqueue_indirect_dma source(%dma_start3A_156 : memref<50176x32xf32, #tpu.memory_space<hbm>>) target(%arg27 : memref<200x32xf32, #tpu.memory_space<vmem>>) offsets(%arg19 : memref<200xi32, #tpu.memory_space<vmem>>) semaphore(%arg34 : memref<!tpu.dma_semaphore, #tpu.memory_space<semaphore_mem>>)
    %mul3A_157 = arith.constant 25600 : i32
    %mul3A_158 = arith.muli %add3A, %mul3A_157 : i32
    %add3A_159 = arith.constant 200 : i32
    %add3A_160 = arith.addi %mul3A_158, %add3A_159 : i32
    %dma_start3A_161 = tpu.memref_slice %arg4[%add3A_160] : memref<819200xi32, #tpu.memory_space<hbm>> -> memref<200xi32, #tpu.memory_space<hbm>>
    %dma_start3A_162 = tpu.memref_slice %arg4[%add3A_160] : memref<819200xi32, #tpu.memory_space<hbm>> -> memref<200xi32, #tpu.memory_space<hbm>>
    tpu.enqueue_dma source(%dma_start3A_162 : memref<200xi32, #tpu.memory_space<hbm>>) target(%arg20 : memref<200xi32, #tpu.memory_space<vmem>>) target_semaphore(%arg42 : memref<!tpu.dma_semaphore, #tpu.memory_space<semaphore_mem>>)
    %dma_start3A_163 = tpu.memref_slice %arg5[%add3A_160] : memref<819200xi32, #tpu.memory_space<hbm>> -> memref<200xi32, #tpu.memory_space<hbm>>
    %dma_start3A_164 = tpu.memref_slice %arg5[%add3A_160] : memref<819200xi32, #tpu.memory_space<hbm>> -> memref<200xi32, #tpu.memory_space<hbm>>
    tpu.enqueue_dma source(%dma_start3A_164 : memref<200xi32, #tpu.memory_space<hbm>>) target(%arg24 : memref<200xi32, #tpu.memory_space<vmem>>) target_semaphore(%arg42 : memref<!tpu.dma_semaphore, #tpu.memory_space<semaphore_mem>>)
    %dma_wait3A_165 = tpu.memref_slice %arg4[%add3A_160] : memref<819200xi32, #tpu.memory_space<hbm>> -> memref<200xi32, #tpu.memory_space<hbm>>
    %dma_wait3A_166 = tpu.memref_slice %arg4[%add3A_160] : memref<819200xi32, #tpu.memory_space<hbm>> -> memref<200xi32, #tpu.memory_space<hbm>>
    tpu.wait_dma2 semaphore(%arg42 : memref<!tpu.dma_semaphore, #tpu.memory_space<semaphore_mem>>) src(%dma_wait3A_166 : memref<200xi32, #tpu.memory_space<hbm>>) dst(%arg20 : memref<200xi32, #tpu.memory_space<vmem>>)
    %dma_wait3A_167 = tpu.memref_slice %arg5[%add3A_160] : memref<819200xi32, #tpu.memory_space<hbm>> -> memref<200xi32, #tpu.memory_space<hbm>>
    %dma_wait3A_168 = tpu.memref_slice %arg5[%add3A_160] : memref<819200xi32, #tpu.memory_space<hbm>> -> memref<200xi32, #tpu.memory_space<hbm>>
    tpu.wait_dma2 semaphore(%arg42 : memref<!tpu.dma_semaphore, #tpu.memory_space<semaphore_mem>>) src(%dma_wait3A_168 : memref<200xi32, #tpu.memory_space<hbm>>) dst(%arg24 : memref<200xi32, #tpu.memory_space<vmem>>)
    %dma_start3A_169 = arith.constant 0 : i32
    %dma_start3A_170 = arith.constant 0 : i32
    %dma_start3A_171 = tpu.memref_slice %arg9[%dma_start3A_169, %dma_start3A_170] : memref<50176x32xf32, #tpu.memory_space<hbm>> -> memref<50176x32xf32, #tpu.memory_space<hbm>>
    tpu.enqueue_indirect_dma source(%dma_start3A_171 : memref<50176x32xf32, #tpu.memory_space<hbm>>) target(%arg28 : memref<200x32xf32, #tpu.memory_space<vmem>>) offsets(%arg20 : memref<200xi32, #tpu.memory_space<vmem>>) semaphore(%arg35 : memref<!tpu.dma_semaphore, #tpu.memory_space<semaphore_mem>>)
    %mul3A_172 = arith.constant 25600 : i32
    %mul3A_173 = arith.muli %add3A, %mul3A_172 : i32
    %add3A_174 = arith.constant 400 : i32
    %add3A_175 = arith.addi %mul3A_173, %add3A_174 : i32
    %dma_start3A_176 = tpu.memref_slice %arg4[%add3A_175] : memref<819200xi32, #tpu.memory_space<hbm>> -> memref<200xi32, #tpu.memory_space<hbm>>
    %dma_start3A_177 = tpu.memref_slice %arg4[%add3A_175] : memref<819200xi32, #tpu.memory_space<hbm>> -> memref<200xi32, #tpu.memory_space<hbm>>
    tpu.enqueue_dma source(%dma_start3A_177 : memref<200xi32, #tpu.memory_space<hbm>>) target(%arg21 : memref<200xi32, #tpu.memory_space<vmem>>) target_semaphore(%arg42 : memref<!tpu.dma_semaphore, #tpu.memory_space<semaphore_mem>>)
    %dma_start3A_178 = tpu.memref_slice %arg5[%add3A_175] : memref<819200xi32, #tpu.memory_space<hbm>> -> memref<200xi32, #tpu.memory_space<hbm>>
    %dma_start3A_179 = tpu.memref_slice %arg5[%add3A_175] : memref<819200xi32, #tpu.memory_space<hbm>> -> memref<200xi32, #tpu.memory_space<hbm>>
    tpu.enqueue_dma source(%dma_start3A_179 : memref<200xi32, #tpu.memory_space<hbm>>) target(%arg25 : memref<200xi32, #tpu.memory_space<vmem>>) target_semaphore(%arg42 : memref<!tpu.dma_semaphore, #tpu.memory_space<semaphore_mem>>)
    %dma_wait3A_180 = tpu.memref_slice %arg4[%add3A_175] : memref<819200xi32, #tpu.memory_space<hbm>> -> memref<200xi32, #tpu.memory_space<hbm>>
    %dma_wait3A_181 = tpu.memref_slice %arg4[%add3A_175] : memref<819200xi32, #tpu.memory_space<hbm>> -> memref<200xi32, #tpu.memory_space<hbm>>
    tpu.wait_dma2 semaphore(%arg42 : memref<!tpu.dma_semaphore, #tpu.memory_space<semaphore_mem>>) src(%dma_wait3A_181 : memref<200xi32, #tpu.memory_space<hbm>>) dst(%arg21 : memref<200xi32, #tpu.memory_space<vmem>>)
    %dma_wait3A_182 = tpu.memref_slice %arg5[%add3A_175] : memref<819200xi32, #tpu.memory_space<hbm>> -> memref<200xi32, #tpu.memory_space<hbm>>
    %dma_wait3A_183 = tpu.memref_slice %arg5[%add3A_175] : memref<819200xi32, #tpu.memory_space<hbm>> -> memref<200xi32, #tpu.memory_space<hbm>>
    tpu.wait_dma2 semaphore(%arg42 : memref<!tpu.dma_semaphore, #tpu.memory_space<semaphore_mem>>) src(%dma_wait3A_183 : memref<200xi32, #tpu.memory_space<hbm>>) dst(%arg25 : memref<200xi32, #tpu.memory_space<vmem>>)
    %dma_start3A_184 = arith.constant 0 : i32
    %dma_start3A_185 = arith.constant 0 : i32
    %dma_start3A_186 = tpu.memref_slice %arg9[%dma_start3A_184, %dma_start3A_185] : memref<50176x32xf32, #tpu.memory_space<hbm>> -> memref<50176x32xf32, #tpu.memory_space<hbm>>
    tpu.enqueue_indirect_dma source(%dma_start3A_186 : memref<50176x32xf32, #tpu.memory_space<hbm>>) target(%arg29 : memref<200x32xf32, #tpu.memory_space<vmem>>) offsets(%arg21 : memref<200xi32, #tpu.memory_space<vmem>>) semaphore(%arg36 : memref<!tpu.dma_semaphore, #tpu.memory_space<semaphore_mem>>)
    %mul3A_187 = arith.constant 25600 : i32
    %mul3A_188 = arith.muli %add3A, %mul3A_187 : i32
    %add3A_189 = arith.constant 600 : i32
    %add3A_190 = arith.addi %mul3A_188, %add3A_189 : i32
    %dma_start3A_191 = tpu.memref_slice %arg4[%add3A_190] : memref<819200xi32, #tpu.memory_space<hbm>> -> memref<200xi32, #tpu.memory_space<hbm>>
    %dma_start3A_192 = tpu.memref_slice %arg4[%add3A_190] : memref<819200xi32, #tpu.memory_space<hbm>> -> memref<200xi32, #tpu.memory_space<hbm>>
    tpu.enqueue_dma source(%dma_start3A_192 : memref<200xi32, #tpu.memory_space<hbm>>) target(%arg22 : memref<200xi32, #tpu.memory_space<vmem>>) target_semaphore(%arg42 : memref<!tpu.dma_semaphore, #tpu.memory_space<semaphore_mem>>)
    %dma_start3A_193 = tpu.memref_slice %arg5[%add3A_190] : memref<819200xi32, #tpu.memory_space<hbm>> -> memref<200xi32, #tpu.memory_space<hbm>>
    %dma_start3A_194 = tpu.memref_slice %arg5[%add3A_190] : memref<819200xi32, #tpu.memory_space<hbm>> -> memref<200xi32, #tpu.memory_space<hbm>>
    tpu.enqueue_dma source(%dma_start3A_194 : memref<200xi32, #tpu.memory_space<hbm>>) target(%arg26 : memref<200xi32, #tpu.memory_space<vmem>>) target_semaphore(%arg42 : memref<!tpu.dma_semaphore, #tpu.memory_space<semaphore_mem>>)
    %dma_wait3A_195 = tpu.memref_slice %arg4[%add3A_190] : memref<819200xi32, #tpu.memory_space<hbm>> -> memref<200xi32, #tpu.memory_space<hbm>>
    %dma_wait3A_196 = tpu.memref_slice %arg4[%add3A_190] : memref<819200xi32, #tpu.memory_space<hbm>> -> memref<200xi32, #tpu.memory_space<hbm>>
    tpu.wait_dma2 semaphore(%arg42 : memref<!tpu.dma_semaphore, #tpu.memory_space<semaphore_mem>>) src(%dma_wait3A_196 : memref<200xi32, #tpu.memory_space<hbm>>) dst(%arg22 : memref<200xi32, #tpu.memory_space<vmem>>)
    %dma_wait3A_197 = tpu.memref_slice %arg5[%add3A_190] : memref<819200xi32, #tpu.memory_space<hbm>> -> memref<200xi32, #tpu.memory_space<hbm>>
    %dma_wait3A_198 = tpu.memref_slice %arg5[%add3A_190] : memref<819200xi32, #tpu.memory_space<hbm>> -> memref<200xi32, #tpu.memory_space<hbm>>
    tpu.wait_dma2 semaphore(%arg42 : memref<!tpu.dma_semaphore, #tpu.memory_space<semaphore_mem>>) src(%dma_wait3A_198 : memref<200xi32, #tpu.memory_space<hbm>>) dst(%arg26 : memref<200xi32, #tpu.memory_space<vmem>>)
    %dma_start3A_199 = arith.constant 0 : i32
    %dma_start3A_200 = arith.constant 0 : i32
    %dma_start3A_201 = tpu.memref_slice %arg9[%dma_start3A_199, %dma_start3A_200] : memref<50176x32xf32, #tpu.memory_space<hbm>> -> memref<50176x32xf32, #tpu.memory_space<hbm>>
    tpu.enqueue_indirect_dma source(%dma_start3A_201 : memref<50176x32xf32, #tpu.memory_space<hbm>>) target(%arg30 : memref<200x32xf32, #tpu.memory_space<vmem>>) offsets(%arg22 : memref<200xi32, #tpu.memory_space<vmem>>) semaphore(%arg37 : memref<!tpu.dma_semaphore, #tpu.memory_space<semaphore_mem>>)
    %dma_wait3A_202 = arith.constant 0 : i32
    %dma_wait3A_203 = arith.constant 0 : i32
    %dma_wait3A_204 = tpu.memref_slice %arg9[%dma_wait3A_202, %dma_wait3A_203] : memref<50176x32xf32, #tpu.memory_space<hbm>> -> memref<50176x32xf32, #tpu.memory_space<hbm>>
    tpu.wait_indirect_dma semaphore(%arg34 : memref<!tpu.dma_semaphore, #tpu.memory_space<semaphore_mem>>) src(%dma_wait3A_204 : memref<50176x32xf32, #tpu.memory_space<hbm>>) dst(%arg27 : memref<200x32xf32, #tpu.memory_space<vmem>>)
    %dma_start3A_205 = arith.constant 0 : i32
    %dma_start3A_206 = arith.constant 0 : i32
    %dma_start3A_207 = tpu.memref_slice %arg32[%dma_start3A_205, %dma_start3A_206] : memref<50176x32xf32, #tpu.memory_space<vmem_shared>> -> memref<50176x32xf32, #tpu.memory_space<vmem_shared>>
    tpu.enqueue_indirect_dma source(%arg27 : memref<200x32xf32, #tpu.memory_space<vmem>>) target(%dma_start3A_207 : memref<50176x32xf32, #tpu.memory_space<vmem_shared>>) offsets(%arg23 : memref<200xi32, #tpu.memory_space<vmem>>) semaphore(%arg38 : memref<!tpu.dma_semaphore, #tpu.memory_space<semaphore_mem>>) {add = true}
    %dma_start3A_208 = arith.constant 0 : i32
    %dma_start3A_209 = tpu.memref_slice %arg33[%dma_start3A_208] : memref<50176xf32, #tpu.memory_space<vmem_shared>> -> memref<50176xf32, #tpu.memory_space<vmem_shared>>
    tpu.enqueue_indirect_dma source(%arg31 : memref<200xf32, #tpu.memory_space<vmem>>) target(%dma_start3A_209 : memref<50176xf32, #tpu.memory_space<vmem_shared>>) offsets(%arg23 : memref<200xi32, #tpu.memory_space<vmem>>) semaphore(%arg38 : memref<!tpu.dma_semaphore, #tpu.memory_space<semaphore_mem>>) {add = true}
    %scan3A_210 = arith.constant 0 : i32
    %scan3A_211 = arith.constant 31 : i32
    %scan3A_212 = arith.addi %scan3A_210, %scan3A_211 : i32
    %scan3A_213 = arith.constant 1 : i32
    scf.for %scan3A_407 = %scan3A_210 to %scan3A_212 step %scan3A_213  : i32 {
      %mul3A_408 = arith.constant 4 : i32
      %mul3A_409 = arith.muli %scan3A_407, %mul3A_408 : i32
      %add3A_410 = arith.constant 4 : i32
      %add3A_411 = arith.addi %add3A_410, %mul3A_409 : i32
      %add3A_412 = arith.constant 0 : i32
      %add3A_413 = arith.addi %add3A_411, %add3A_412 : i32
      %dma_wait3A_414 = arith.constant 0 : i32
      %dma_wait3A_415 = arith.constant 0 : i32
      %dma_wait3A_416 = tpu.memref_slice %arg32[%dma_wait3A_414, %dma_wait3A_415] : memref<50176x32xf32, #tpu.memory_space<vmem_shared>> -> memref<50176x32xf32, #tpu.memory_space<vmem_shared>>
      tpu.wait_indirect_dma semaphore(%arg38 : memref<!tpu.dma_semaphore, #tpu.memory_space<semaphore_mem>>) src(%arg27 : memref<200x32xf32, #tpu.memory_space<vmem>>) dst(%dma_wait3A_416 : memref<50176x32xf32, #tpu.memory_space<vmem_shared>>)
      %dma_wait3A_417 = arith.constant 0 : i32
      %dma_wait3A_418 = tpu.memref_slice %arg33[%dma_wait3A_417] : memref<50176xf32, #tpu.memory_space<vmem_shared>> -> memref<50176xf32, #tpu.memory_space<vmem_shared>>
      tpu.wait_indirect_dma semaphore(%arg38 : memref<!tpu.dma_semaphore, #tpu.memory_space<semaphore_mem>>) src(%arg31 : memref<200xf32, #tpu.memory_space<vmem>>) dst(%dma_wait3A_418 : memref<50176xf32, #tpu.memory_space<vmem_shared>>)
      %mul3A_419 = arith.constant 25600 : i32
      %mul3A_420 = arith.muli %add3A, %mul3A_419 : i32
      %mul3A_421 = arith.constant 200 : i32
      %mul3A_422 = arith.muli %add3A_413, %mul3A_421 : i32
      %add3A_423 = arith.addi %mul3A_420, %mul3A_422 : i32
      %dma_start3A_424 = tpu.memref_slice %arg4[%add3A_423] : memref<819200xi32, #tpu.memory_space<hbm>> -> memref<200xi32, #tpu.memory_space<hbm>>
      %dma_start3A_425 = tpu.memref_slice %arg4[%add3A_423] : memref<819200xi32, #tpu.memory_space<hbm>> -> memref<200xi32, #tpu.memory_space<hbm>>
      tpu.enqueue_dma source(%dma_start3A_425 : memref<200xi32, #tpu.memory_space<hbm>>) target(%arg19 : memref<200xi32, #tpu.memory_space<vmem>>) target_semaphore(%arg42 : memref<!tpu.dma_semaphore, #tpu.memory_space<semaphore_mem>>)
      %dma_start3A_426 = tpu.memref_slice %arg5[%add3A_423] : memref<819200xi32, #tpu.memory_space<hbm>> -> memref<200xi32, #tpu.memory_space<hbm>>
      %dma_start3A_427 = tpu.memref_slice %arg5[%add3A_423] : memref<819200xi32, #tpu.memory_space<hbm>> -> memref<200xi32, #tpu.memory_space<hbm>>
      tpu.enqueue_dma source(%dma_start3A_427 : memref<200xi32, #tpu.memory_space<hbm>>) target(%arg23 : memref<200xi32, #tpu.memory_space<vmem>>) target_semaphore(%arg42 : memref<!tpu.dma_semaphore, #tpu.memory_space<semaphore_mem>>)
      %dma_wait3A_428 = tpu.memref_slice %arg4[%add3A_423] : memref<819200xi32, #tpu.memory_space<hbm>> -> memref<200xi32, #tpu.memory_space<hbm>>
      %dma_wait3A_429 = tpu.memref_slice %arg4[%add3A_423] : memref<819200xi32, #tpu.memory_space<hbm>> -> memref<200xi32, #tpu.memory_space<hbm>>
      tpu.wait_dma2 semaphore(%arg42 : memref<!tpu.dma_semaphore, #tpu.memory_space<semaphore_mem>>) src(%dma_wait3A_429 : memref<200xi32, #tpu.memory_space<hbm>>) dst(%arg19 : memref<200xi32, #tpu.memory_space<vmem>>)
      %dma_wait3A_430 = tpu.memref_slice %arg5[%add3A_423] : memref<819200xi32, #tpu.memory_space<hbm>> -> memref<200xi32, #tpu.memory_space<hbm>>
      %dma_wait3A_431 = tpu.memref_slice %arg5[%add3A_423] : memref<819200xi32, #tpu.memory_space<hbm>> -> memref<200xi32, #tpu.memory_space<hbm>>
      tpu.wait_dma2 semaphore(%arg42 : memref<!tpu.dma_semaphore, #tpu.memory_space<semaphore_mem>>) src(%dma_wait3A_431 : memref<200xi32, #tpu.memory_space<hbm>>) dst(%arg23 : memref<200xi32, #tpu.memory_space<vmem>>)
      %dma_start3A_432 = arith.constant 0 : i32
      %dma_start3A_433 = arith.constant 0 : i32
      %dma_start3A_434 = tpu.memref_slice %arg9[%dma_start3A_432, %dma_start3A_433] : memref<50176x32xf32, #tpu.memory_space<hbm>> -> memref<50176x32xf32, #tpu.memory_space<hbm>>
      tpu.enqueue_indirect_dma source(%dma_start3A_434 : memref<50176x32xf32, #tpu.memory_space<hbm>>) target(%arg27 : memref<200x32xf32, #tpu.memory_space<vmem>>) offsets(%arg19 : memref<200xi32, #tpu.memory_space<vmem>>) semaphore(%arg34 : memref<!tpu.dma_semaphore, #tpu.memory_space<semaphore_mem>>)
      %dma_wait3A_435 = arith.constant 0 : i32
      %dma_wait3A_436 = arith.constant 0 : i32
      %dma_wait3A_437 = tpu.memref_slice %arg9[%dma_wait3A_435, %dma_wait3A_436] : memref<50176x32xf32, #tpu.memory_space<hbm>> -> memref<50176x32xf32, #tpu.memory_space<hbm>>
      tpu.wait_indirect_dma semaphore(%arg35 : memref<!tpu.dma_semaphore, #tpu.memory_space<semaphore_mem>>) src(%dma_wait3A_437 : memref<50176x32xf32, #tpu.memory_space<hbm>>) dst(%arg28 : memref<200x32xf32, #tpu.memory_space<vmem>>)
      %dma_start3A_438 = arith.constant 0 : i32
      %dma_start3A_439 = arith.constant 0 : i32
      %dma_start3A_440 = tpu.memref_slice %arg32[%dma_start3A_438, %dma_start3A_439] : memref<50176x32xf32, #tpu.memory_space<vmem_shared>> -> memref<50176x32xf32, #tpu.memory_space<vmem_shared>>
      tpu.enqueue_indirect_dma source(%arg28 : memref<200x32xf32, #tpu.memory_space<vmem>>) target(%dma_start3A_440 : memref<50176x32xf32, #tpu.memory_space<vmem_shared>>) offsets(%arg24 : memref<200xi32, #tpu.memory_space<vmem>>) semaphore(%arg39 : memref<!tpu.dma_semaphore, #tpu.memory_space<semaphore_mem>>) {add = true}
      %dma_start3A_441 = arith.constant 0 : i32
      %dma_start3A_442 = tpu.memref_slice %arg33[%dma_start3A_441] : memref<50176xf32, #tpu.memory_space<vmem_shared>> -> memref<50176xf32, #tpu.memory_space<vmem_shared>>
      tpu.enqueue_indirect_dma source(%arg31 : memref<200xf32, #tpu.memory_space<vmem>>) target(%dma_start3A_442 : memref<50176xf32, #tpu.memory_space<vmem_shared>>) offsets(%arg24 : memref<200xi32, #tpu.memory_space<vmem>>) semaphore(%arg39 : memref<!tpu.dma_semaphore, #tpu.memory_space<semaphore_mem>>) {add = true}
      %mul3A_443 = arith.constant 4 : i32
      %mul3A_444 = arith.muli %scan3A_407, %mul3A_443 : i32
      %add3A_445 = arith.constant 4 : i32
      %add3A_446 = arith.addi %add3A_445, %mul3A_444 : i32
      %add3A_447 = arith.constant 1 : i32
      %add3A_448 = arith.addi %add3A_446, %add3A_447 : i32
      %dma_wait3A_449 = arith.constant 0 : i32
      %dma_wait3A_450 = arith.constant 0 : i32
      %dma_wait3A_451 = tpu.memref_slice %arg32[%dma_wait3A_449, %dma_wait3A_450] : memref<50176x32xf32, #tpu.memory_space<vmem_shared>> -> memref<50176x32xf32, #tpu.memory_space<vmem_shared>>
      tpu.wait_indirect_dma semaphore(%arg39 : memref<!tpu.dma_semaphore, #tpu.memory_space<semaphore_mem>>) src(%arg28 : memref<200x32xf32, #tpu.memory_space<vmem>>) dst(%dma_wait3A_451 : memref<50176x32xf32, #tpu.memory_space<vmem_shared>>)
      %dma_wait3A_452 = arith.constant 0 : i32
      %dma_wait3A_453 = tpu.memref_slice %arg33[%dma_wait3A_452] : memref<50176xf32, #tpu.memory_space<vmem_shared>> -> memref<50176xf32, #tpu.memory_space<vmem_shared>>
      tpu.wait_indirect_dma semaphore(%arg39 : memref<!tpu.dma_semaphore, #tpu.memory_space<semaphore_mem>>) src(%arg31 : memref<200xf32, #tpu.memory_space<vmem>>) dst(%dma_wait3A_453 : memref<50176xf32, #tpu.memory_space<vmem_shared>>)
      %mul3A_454 = arith.constant 25600 : i32
      %mul3A_455 = arith.muli %add3A, %mul3A_454 : i32
      %mul3A_456 = arith.constant 200 : i32
      %mul3A_457 = arith.muli %add3A_448, %mul3A_456 : i32
      %add3A_458 = arith.addi %mul3A_455, %mul3A_457 : i32
      %dma_start3A_459 = tpu.memref_slice %arg4[%add3A_458] : memref<819200xi32, #tpu.memory_space<hbm>> -> memref<200xi32, #tpu.memory_space<hbm>>
      %dma_start3A_460 = tpu.memref_slice %arg4[%add3A_458] : memref<819200xi32, #tpu.memory_space<hbm>> -> memref<200xi32, #tpu.memory_space<hbm>>
      tpu.enqueue_dma source(%dma_start3A_460 : memref<200xi32, #tpu.memory_space<hbm>>) target(%arg20 : memref<200xi32, #tpu.memory_space<vmem>>) target_semaphore(%arg42 : memref<!tpu.dma_semaphore, #tpu.memory_space<semaphore_mem>>)
      %dma_start3A_461 = tpu.memref_slice %arg5[%add3A_458] : memref<819200xi32, #tpu.memory_space<hbm>> -> memref<200xi32, #tpu.memory_space<hbm>>
      %dma_start3A_462 = tpu.memref_slice %arg5[%add3A_458] : memref<819200xi32, #tpu.memory_space<hbm>> -> memref<200xi32, #tpu.memory_space<hbm>>
      tpu.enqueue_dma source(%dma_start3A_462 : memref<200xi32, #tpu.memory_space<hbm>>) target(%arg24 : memref<200xi32, #tpu.memory_space<vmem>>) target_semaphore(%arg42 : memref<!tpu.dma_semaphore, #tpu.memory_space<semaphore_mem>>)
      %dma_wait3A_463 = tpu.memref_slice %arg4[%add3A_458] : memref<819200xi32, #tpu.memory_space<hbm>> -> memref<200xi32, #tpu.memory_space<hbm>>
      %dma_wait3A_464 = tpu.memref_slice %arg4[%add3A_458] : memref<819200xi32, #tpu.memory_space<hbm>> -> memref<200xi32, #tpu.memory_space<hbm>>
      tpu.wait_dma2 semaphore(%arg42 : memref<!tpu.dma_semaphore, #tpu.memory_space<semaphore_mem>>) src(%dma_wait3A_464 : memref<200xi32, #tpu.memory_space<hbm>>) dst(%arg20 : memref<200xi32, #tpu.memory_space<vmem>>)
      %dma_wait3A_465 = tpu.memref_slice %arg5[%add3A_458] : memref<819200xi32, #tpu.memory_space<hbm>> -> memref<200xi32, #tpu.memory_space<hbm>>
      %dma_wait3A_466 = tpu.memref_slice %arg5[%add3A_458] : memref<819200xi32, #tpu.memory_space<hbm>> -> memref<200xi32, #tpu.memory_space<hbm>>
      tpu.wait_dma2 semaphore(%arg42 : memref<!tpu.dma_semaphore, #tpu.memory_space<semaphore_mem>>) src(%dma_wait3A_466 : memref<200xi32, #tpu.memory_space<hbm>>) dst(%arg24 : memref<200xi32, #tpu.memory_space<vmem>>)
      %dma_start3A_467 = arith.constant 0 : i32
      %dma_start3A_468 = arith.constant 0 : i32
      %dma_start3A_469 = tpu.memref_slice %arg9[%dma_start3A_467, %dma_start3A_468] : memref<50176x32xf32, #tpu.memory_space<hbm>> -> memref<50176x32xf32, #tpu.memory_space<hbm>>
      tpu.enqueue_indirect_dma source(%dma_start3A_469 : memref<50176x32xf32, #tpu.memory_space<hbm>>) target(%arg28 : memref<200x32xf32, #tpu.memory_space<vmem>>) offsets(%arg20 : memref<200xi32, #tpu.memory_space<vmem>>) semaphore(%arg35 : memref<!tpu.dma_semaphore, #tpu.memory_space<semaphore_mem>>)
      %dma_wait3A_470 = arith.constant 0 : i32
      %dma_wait3A_471 = arith.constant 0 : i32
      %dma_wait3A_472 = tpu.memref_slice %arg9[%dma_wait3A_470, %dma_wait3A_471] : memref<50176x32xf32, #tpu.memory_space<hbm>> -> memref<50176x32xf32, #tpu.memory_space<hbm>>
      tpu.wait_indirect_dma semaphore(%arg36 : memref<!tpu.dma_semaphore, #tpu.memory_space<semaphore_mem>>) src(%dma_wait3A_472 : memref<50176x32xf32, #tpu.memory_space<hbm>>) dst(%arg29 : memref<200x32xf32, #tpu.memory_space<vmem>>)
      %dma_start3A_473 = arith.constant 0 : i32
      %dma_start3A_474 = arith.constant 0 : i32
      %dma_start3A_475 = tpu.memref_slice %arg32[%dma_start3A_473, %dma_start3A_474] : memref<50176x32xf32, #tpu.memory_space<vmem_shared>> -> memref<50176x32xf32, #tpu.memory_space<vmem_shared>>
      tpu.enqueue_indirect_dma source(%arg29 : memref<200x32xf32, #tpu.memory_space<vmem>>) target(%dma_start3A_475 : memref<50176x32xf32, #tpu.memory_space<vmem_shared>>) offsets(%arg25 : memref<200xi32, #tpu.memory_space<vmem>>) semaphore(%arg40 : memref<!tpu.dma_semaphore, #tpu.memory_space<semaphore_mem>>) {add = true}
      %dma_start3A_476 = arith.constant 0 : i32
      %dma_start3A_477 = tpu.memref_slice %arg33[%dma_start3A_476] : memref<50176xf32, #tpu.memory_space<vmem_shared>> -> memref<50176xf32, #tpu.memory_space<vmem_shared>>
      tpu.enqueue_indirect_dma source(%arg31 : memref<200xf32, #tpu.memory_space<vmem>>) target(%dma_start3A_477 : memref<50176xf32, #tpu.memory_space<vmem_shared>>) offsets(%arg25 : memref<200xi32, #tpu.memory_space<vmem>>) semaphore(%arg40 : memref<!tpu.dma_semaphore, #tpu.memory_space<semaphore_mem>>) {add = true}
      %mul3A_478 = arith.constant 4 : i32
      %mul3A_479 = arith.muli %scan3A_407, %mul3A_478 : i32
      %add3A_480 = arith.constant 4 : i32
      %add3A_481 = arith.addi %add3A_480, %mul3A_479 : i32
      %add3A_482 = arith.constant 2 : i32
      %add3A_483 = arith.addi %add3A_481, %add3A_482 : i32
      %dma_wait3A_484 = arith.constant 0 : i32
      %dma_wait3A_485 = arith.constant 0 : i32
      %dma_wait3A_486 = tpu.memref_slice %arg32[%dma_wait3A_484, %dma_wait3A_485] : memref<50176x32xf32, #tpu.memory_space<vmem_shared>> -> memref<50176x32xf32, #tpu.memory_space<vmem_shared>>
      tpu.wait_indirect_dma semaphore(%arg40 : memref<!tpu.dma_semaphore, #tpu.memory_space<semaphore_mem>>) src(%arg29 : memref<200x32xf32, #tpu.memory_space<vmem>>) dst(%dma_wait3A_486 : memref<50176x32xf32, #tpu.memory_space<vmem_shared>>)
      %dma_wait3A_487 = arith.constant 0 : i32
      %dma_wait3A_488 = tpu.memref_slice %arg33[%dma_wait3A_487] : memref<50176xf32, #tpu.memory_space<vmem_shared>> -> memref<50176xf32, #tpu.memory_space<vmem_shared>>
      tpu.wait_indirect_dma semaphore(%arg40 : memref<!tpu.dma_semaphore, #tpu.memory_space<semaphore_mem>>) src(%arg31 : memref<200xf32, #tpu.memory_space<vmem>>) dst(%dma_wait3A_488 : memref<50176xf32, #tpu.memory_space<vmem_shared>>)
      %mul3A_489 = arith.constant 25600 : i32
      %mul3A_490 = arith.muli %add3A, %mul3A_489 : i32
      %mul3A_491 = arith.constant 200 : i32
      %mul3A_492 = arith.muli %add3A_483, %mul3A_491 : i32
      %add3A_493 = arith.addi %mul3A_490, %mul3A_492 : i32
      %dma_start3A_494 = tpu.memref_slice %arg4[%add3A_493] : memref<819200xi32, #tpu.memory_space<hbm>> -> memref<200xi32, #tpu.memory_space<hbm>>
      %dma_start3A_495 = tpu.memref_slice %arg4[%add3A_493] : memref<819200xi32, #tpu.memory_space<hbm>> -> memref<200xi32, #tpu.memory_space<hbm>>
      tpu.enqueue_dma source(%dma_start3A_495 : memref<200xi32, #tpu.memory_space<hbm>>) target(%arg21 : memref<200xi32, #tpu.memory_space<vmem>>) target_semaphore(%arg42 : memref<!tpu.dma_semaphore, #tpu.memory_space<semaphore_mem>>)
      %dma_start3A_496 = tpu.memref_slice %arg5[%add3A_493] : memref<819200xi32, #tpu.memory_space<hbm>> -> memref<200xi32, #tpu.memory_space<hbm>>
      %dma_start3A_497 = tpu.memref_slice %arg5[%add3A_493] : memref<819200xi32, #tpu.memory_space<hbm>> -> memref<200xi32, #tpu.memory_space<hbm>>
      tpu.enqueue_dma source(%dma_start3A_497 : memref<200xi32, #tpu.memory_space<hbm>>) target(%arg25 : memref<200xi32, #tpu.memory_space<vmem>>) target_semaphore(%arg42 : memref<!tpu.dma_semaphore, #tpu.memory_space<semaphore_mem>>)
      %dma_wait3A_498 = tpu.memref_slice %arg4[%add3A_493] : memref<819200xi32, #tpu.memory_space<hbm>> -> memref<200xi32, #tpu.memory_space<hbm>>
      %dma_wait3A_499 = tpu.memref_slice %arg4[%add3A_493] : memref<819200xi32, #tpu.memory_space<hbm>> -> memref<200xi32, #tpu.memory_space<hbm>>
      tpu.wait_dma2 semaphore(%arg42 : memref<!tpu.dma_semaphore, #tpu.memory_space<semaphore_mem>>) src(%dma_wait3A_499 : memref<200xi32, #tpu.memory_space<hbm>>) dst(%arg21 : memref<200xi32, #tpu.memory_space<vmem>>)
      %dma_wait3A_500 = tpu.memref_slice %arg5[%add3A_493] : memref<819200xi32, #tpu.memory_space<hbm>> -> memref<200xi32, #tpu.memory_space<hbm>>
      %dma_wait3A_501 = tpu.memref_slice %arg5[%add3A_493] : memref<819200xi32, #tpu.memory_space<hbm>> -> memref<200xi32, #tpu.memory_space<hbm>>
      tpu.wait_dma2 semaphore(%arg42 : memref<!tpu.dma_semaphore, #tpu.memory_space<semaphore_mem>>) src(%dma_wait3A_501 : memref<200xi32, #tpu.memory_space<hbm>>) dst(%arg25 : memref<200xi32, #tpu.memory_space<vmem>>)
      %dma_start3A_502 = arith.constant 0 : i32
      %dma_start3A_503 = arith.constant 0 : i32
      %dma_start3A_504 = tpu.memref_slice %arg9[%dma_start3A_502, %dma_start3A_503] : memref<50176x32xf32, #tpu.memory_space<hbm>> -> memref<50176x32xf32, #tpu.memory_space<hbm>>
      tpu.enqueue_indirect_dma source(%dma_start3A_504 : memref<50176x32xf32, #tpu.memory_space<hbm>>) target(%arg29 : memref<200x32xf32, #tpu.memory_space<vmem>>) offsets(%arg21 : memref<200xi32, #tpu.memory_space<vmem>>) semaphore(%arg36 : memref<!tpu.dma_semaphore, #tpu.memory_space<semaphore_mem>>)
      %dma_wait3A_505 = arith.constant 0 : i32
      %dma_wait3A_506 = arith.constant 0 : i32
      %dma_wait3A_507 = tpu.memref_slice %arg9[%dma_wait3A_505, %dma_wait3A_506] : memref<50176x32xf32, #tpu.memory_space<hbm>> -> memref<50176x32xf32, #tpu.memory_space<hbm>>
      tpu.wait_indirect_dma semaphore(%arg37 : memref<!tpu.dma_semaphore, #tpu.memory_space<semaphore_mem>>) src(%dma_wait3A_507 : memref<50176x32xf32, #tpu.memory_space<hbm>>) dst(%arg30 : memref<200x32xf32, #tpu.memory_space<vmem>>)
      %dma_start3A_508 = arith.constant 0 : i32
      %dma_start3A_509 = arith.constant 0 : i32
      %dma_start3A_510 = tpu.memref_slice %arg32[%dma_start3A_508, %dma_start3A_509] : memref<50176x32xf32, #tpu.memory_space<vmem_shared>> -> memref<50176x32xf32, #tpu.memory_space<vmem_shared>>
      tpu.enqueue_indirect_dma source(%arg30 : memref<200x32xf32, #tpu.memory_space<vmem>>) target(%dma_start3A_510 : memref<50176x32xf32, #tpu.memory_space<vmem_shared>>) offsets(%arg26 : memref<200xi32, #tpu.memory_space<vmem>>) semaphore(%arg41 : memref<!tpu.dma_semaphore, #tpu.memory_space<semaphore_mem>>) {add = true}
      %dma_start3A_511 = arith.constant 0 : i32
      %dma_start3A_512 = tpu.memref_slice %arg33[%dma_start3A_511] : memref<50176xf32, #tpu.memory_space<vmem_shared>> -> memref<50176xf32, #tpu.memory_space<vmem_shared>>
      tpu.enqueue_indirect_dma source(%arg31 : memref<200xf32, #tpu.memory_space<vmem>>) target(%dma_start3A_512 : memref<50176xf32, #tpu.memory_space<vmem_shared>>) offsets(%arg26 : memref<200xi32, #tpu.memory_space<vmem>>) semaphore(%arg41 : memref<!tpu.dma_semaphore, #tpu.memory_space<semaphore_mem>>) {add = true}
      %mul3A_513 = arith.constant 4 : i32
      %mul3A_514 = arith.muli %scan3A_407, %mul3A_513 : i32
      %add3A_515 = arith.constant 4 : i32
      %add3A_516 = arith.addi %add3A_515, %mul3A_514 : i32
      %add3A_517 = arith.constant 3 : i32
      %add3A_518 = arith.addi %add3A_516, %add3A_517 : i32
      %dma_wait3A_519 = arith.constant 0 : i32
      %dma_wait3A_520 = arith.constant 0 : i32
      %dma_wait3A_521 = tpu.memref_slice %arg32[%dma_wait3A_519, %dma_wait3A_520] : memref<50176x32xf32, #tpu.memory_space<vmem_shared>> -> memref<50176x32xf32, #tpu.memory_space<vmem_shared>>
      tpu.wait_indirect_dma semaphore(%arg41 : memref<!tpu.dma_semaphore, #tpu.memory_space<semaphore_mem>>) src(%arg30 : memref<200x32xf32, #tpu.memory_space<vmem>>) dst(%dma_wait3A_521 : memref<50176x32xf32, #tpu.memory_space<vmem_shared>>)
      %dma_wait3A_522 = arith.constant 0 : i32
      %dma_wait3A_523 = tpu.memref_slice %arg33[%dma_wait3A_522] : memref<50176xf32, #tpu.memory_space<vmem_shared>> -> memref<50176xf32, #tpu.memory_space<vmem_shared>>
      tpu.wait_indirect_dma semaphore(%arg41 : memref<!tpu.dma_semaphore, #tpu.memory_space<semaphore_mem>>) src(%arg31 : memref<200xf32, #tpu.memory_space<vmem>>) dst(%dma_wait3A_523 : memref<50176xf32, #tpu.memory_space<vmem_shared>>)
      %mul3A_524 = arith.constant 25600 : i32
      %mul3A_525 = arith.muli %add3A, %mul3A_524 : i32
      %mul3A_526 = arith.constant 200 : i32
      %mul3A_527 = arith.muli %add3A_518, %mul3A_526 : i32
      %add3A_528 = arith.addi %mul3A_525, %mul3A_527 : i32
      %dma_start3A_529 = tpu.memref_slice %arg4[%add3A_528] : memref<819200xi32, #tpu.memory_space<hbm>> -> memref<200xi32, #tpu.memory_space<hbm>>
      %dma_start3A_530 = tpu.memref_slice %arg4[%add3A_528] : memref<819200xi32, #tpu.memory_space<hbm>> -> memref<200xi32, #tpu.memory_space<hbm>>
      tpu.enqueue_dma source(%dma_start3A_530 : memref<200xi32, #tpu.memory_space<hbm>>) target(%arg22 : memref<200xi32, #tpu.memory_space<vmem>>) target_semaphore(%arg42 : memref<!tpu.dma_semaphore, #tpu.memory_space<semaphore_mem>>)
      %dma_start3A_531 = tpu.memref_slice %arg5[%add3A_528] : memref<819200xi32, #tpu.memory_space<hbm>> -> memref<200xi32, #tpu.memory_space<hbm>>
      %dma_start3A_532 = tpu.memref_slice %arg5[%add3A_528] : memref<819200xi32, #tpu.memory_space<hbm>> -> memref<200xi32, #tpu.memory_space<hbm>>
      tpu.enqueue_dma source(%dma_start3A_532 : memref<200xi32, #tpu.memory_space<hbm>>) target(%arg26 : memref<200xi32, #tpu.memory_space<vmem>>) target_semaphore(%arg42 : memref<!tpu.dma_semaphore, #tpu.memory_space<semaphore_mem>>)
      %dma_wait3A_533 = tpu.memref_slice %arg4[%add3A_528] : memref<819200xi32, #tpu.memory_space<hbm>> -> memref<200xi32, #tpu.memory_space<hbm>>
      %dma_wait3A_534 = tpu.memref_slice %arg4[%add3A_528] : memref<819200xi32, #tpu.memory_space<hbm>> -> memref<200xi32, #tpu.memory_space<hbm>>
      tpu.wait_dma2 semaphore(%arg42 : memref<!tpu.dma_semaphore, #tpu.memory_space<semaphore_mem>>) src(%dma_wait3A_534 : memref<200xi32, #tpu.memory_space<hbm>>) dst(%arg22 : memref<200xi32, #tpu.memory_space<vmem>>)
      %dma_wait3A_535 = tpu.memref_slice %arg5[%add3A_528] : memref<819200xi32, #tpu.memory_space<hbm>> -> memref<200xi32, #tpu.memory_space<hbm>>
      %dma_wait3A_536 = tpu.memref_slice %arg5[%add3A_528] : memref<819200xi32, #tpu.memory_space<hbm>> -> memref<200xi32, #tpu.memory_space<hbm>>
      tpu.wait_dma2 semaphore(%arg42 : memref<!tpu.dma_semaphore, #tpu.memory_space<semaphore_mem>>) src(%dma_wait3A_536 : memref<200xi32, #tpu.memory_space<hbm>>) dst(%arg26 : memref<200xi32, #tpu.memory_space<vmem>>)
      %dma_start3A_537 = arith.constant 0 : i32
      %dma_start3A_538 = arith.constant 0 : i32
      %dma_start3A_539 = tpu.memref_slice %arg9[%dma_start3A_537, %dma_start3A_538] : memref<50176x32xf32, #tpu.memory_space<hbm>> -> memref<50176x32xf32, #tpu.memory_space<hbm>>
      tpu.enqueue_indirect_dma source(%dma_start3A_539 : memref<50176x32xf32, #tpu.memory_space<hbm>>) target(%arg30 : memref<200x32xf32, #tpu.memory_space<vmem>>) offsets(%arg22 : memref<200xi32, #tpu.memory_space<vmem>>) semaphore(%arg37 : memref<!tpu.dma_semaphore, #tpu.memory_space<semaphore_mem>>)
      %dma_wait3A_540 = arith.constant 0 : i32
      %dma_wait3A_541 = arith.constant 0 : i32
      %dma_wait3A_542 = tpu.memref_slice %arg9[%dma_wait3A_540, %dma_wait3A_541] : memref<50176x32xf32, #tpu.memory_space<hbm>> -> memref<50176x32xf32, #tpu.memory_space<hbm>>
      tpu.wait_indirect_dma semaphore(%arg34 : memref<!tpu.dma_semaphore, #tpu.memory_space<semaphore_mem>>) src(%dma_wait3A_542 : memref<50176x32xf32, #tpu.memory_space<hbm>>) dst(%arg27 : memref<200x32xf32, #tpu.memory_space<vmem>>)
      %dma_start3A_543 = arith.constant 0 : i32
      %dma_start3A_544 = arith.constant 0 : i32
      %dma_start3A_545 = tpu.memref_slice %arg32[%dma_start3A_543, %dma_start3A_544] : memref<50176x32xf32, #tpu.memory_space<vmem_shared>> -> memref<50176x32xf32, #tpu.memory_space<vmem_shared>>
      tpu.enqueue_indirect_dma source(%arg27 : memref<200x32xf32, #tpu.memory_space<vmem>>) target(%dma_start3A_545 : memref<50176x32xf32, #tpu.memory_space<vmem_shared>>) offsets(%arg23 : memref<200xi32, #tpu.memory_space<vmem>>) semaphore(%arg38 : memref<!tpu.dma_semaphore, #tpu.memory_space<semaphore_mem>>) {add = true}
      %dma_start3A_546 = arith.constant 0 : i32
      %dma_start3A_547 = tpu.memref_slice %arg33[%dma_start3A_546] : memref<50176xf32, #tpu.memory_space<vmem_shared>> -> memref<50176xf32, #tpu.memory_space<vmem_shared>>
      tpu.enqueue_indirect_dma source(%arg31 : memref<200xf32, #tpu.memory_space<vmem>>) target(%dma_start3A_547 : memref<50176xf32, #tpu.memory_space<vmem_shared>>) offsets(%arg23 : memref<200xi32, #tpu.memory_space<vmem>>) semaphore(%arg38 : memref<!tpu.dma_semaphore, #tpu.memory_space<semaphore_mem>>) {add = true}
    }
    %scan3A_214 = arith.constant 31 : i32
    %dma_wait3A_215 = arith.constant 0 : i32
    %dma_wait3A_216 = arith.constant 0 : i32
    %dma_wait3A_217 = tpu.memref_slice %arg9[%dma_wait3A_215, %dma_wait3A_216] : memref<50176x32xf32, #tpu.memory_space<hbm>> -> memref<50176x32xf32, #tpu.memory_space<hbm>>
    tpu.wait_indirect_dma semaphore(%arg35 : memref<!tpu.dma_semaphore, #tpu.memory_space<semaphore_mem>>) src(%dma_wait3A_217 : memref<50176x32xf32, #tpu.memory_space<hbm>>) dst(%arg28 : memref<200x32xf32, #tpu.memory_space<vmem>>)
    %dma_start3A_218 = arith.constant 0 : i32
    %dma_start3A_219 = arith.constant 0 : i32
    %dma_start3A_220 = tpu.memref_slice %arg32[%dma_start3A_218, %dma_start3A_219] : memref<50176x32xf32, #tpu.memory_space<vmem_shared>> -> memref<50176x32xf32, #tpu.memory_space<vmem_shared>>
    tpu.enqueue_indirect_dma source(%arg28 : memref<200x32xf32, #tpu.memory_space<vmem>>) target(%dma_start3A_220 : memref<50176x32xf32, #tpu.memory_space<vmem_shared>>) offsets(%arg24 : memref<200xi32, #tpu.memory_space<vmem>>) semaphore(%arg39 : memref<!tpu.dma_semaphore, #tpu.memory_space<semaphore_mem>>) {add = true}
    %dma_start3A_221 = arith.constant 0 : i32
    %dma_start3A_222 = tpu.memref_slice %arg33[%dma_start3A_221] : memref<50176xf32, #tpu.memory_space<vmem_shared>> -> memref<50176xf32, #tpu.memory_space<vmem_shared>>
    tpu.enqueue_indirect_dma source(%arg31 : memref<200xf32, #tpu.memory_space<vmem>>) target(%dma_start3A_222 : memref<50176xf32, #tpu.memory_space<vmem_shared>>) offsets(%arg24 : memref<200xi32, #tpu.memory_space<vmem>>) semaphore(%arg39 : memref<!tpu.dma_semaphore, #tpu.memory_space<semaphore_mem>>) {add = true}
    %dma_wait3A_223 = arith.constant 0 : i32
    %dma_wait3A_224 = arith.constant 0 : i32
    %dma_wait3A_225 = tpu.memref_slice %arg9[%dma_wait3A_223, %dma_wait3A_224] : memref<50176x32xf32, #tpu.memory_space<hbm>> -> memref<50176x32xf32, #tpu.memory_space<hbm>>
    tpu.wait_indirect_dma semaphore(%arg36 : memref<!tpu.dma_semaphore, #tpu.memory_space<semaphore_mem>>) src(%dma_wait3A_225 : memref<50176x32xf32, #tpu.memory_space<hbm>>) dst(%arg29 : memref<200x32xf32, #tpu.memory_space<vmem>>)
    %dma_start3A_226 = arith.constant 0 : i32
    %dma_start3A_227 = arith.constant 0 : i32
    %dma_start3A_228 = tpu.memref_slice %arg32[%dma_start3A_226, %dma_start3A_227] : memref<50176x32xf32, #tpu.memory_space<vmem_shared>> -> memref<50176x32xf32, #tpu.memory_space<vmem_shared>>
    tpu.enqueue_indirect_dma source(%arg29 : memref<200x32xf32, #tpu.memory_space<vmem>>) target(%dma_start3A_228 : memref<50176x32xf32, #tpu.memory_space<vmem_shared>>) offsets(%arg25 : memref<200xi32, #tpu.memory_space<vmem>>) semaphore(%arg40 : memref<!tpu.dma_semaphore, #tpu.memory_space<semaphore_mem>>) {add = true}
    %dma_start3A_229 = arith.constant 0 : i32
    %dma_start3A_230 = tpu.memref_slice %arg33[%dma_start3A_229] : memref<50176xf32, #tpu.memory_space<vmem_shared>> -> memref<50176xf32, #tpu.memory_space<vmem_shared>>
    tpu.enqueue_indirect_dma source(%arg31 : memref<200xf32, #tpu.memory_space<vmem>>) target(%dma_start3A_230 : memref<50176xf32, #tpu.memory_space<vmem_shared>>) offsets(%arg25 : memref<200xi32, #tpu.memory_space<vmem>>) semaphore(%arg40 : memref<!tpu.dma_semaphore, #tpu.memory_space<semaphore_mem>>) {add = true}
    %dma_wait3A_231 = arith.constant 0 : i32
    %dma_wait3A_232 = arith.constant 0 : i32
    %dma_wait3A_233 = tpu.memref_slice %arg9[%dma_wait3A_231, %dma_wait3A_232] : memref<50176x32xf32, #tpu.memory_space<hbm>> -> memref<50176x32xf32, #tpu.memory_space<hbm>>
    tpu.wait_indirect_dma semaphore(%arg37 : memref<!tpu.dma_semaphore, #tpu.memory_space<semaphore_mem>>) src(%dma_wait3A_233 : memref<50176x32xf32, #tpu.memory_space<hbm>>) dst(%arg30 : memref<200x32xf32, #tpu.memory_space<vmem>>)
    %dma_start3A_234 = arith.constant 0 : i32
    %dma_start3A_235 = arith.constant 0 : i32
    %dma_start3A_236 = tpu.memref_slice %arg32[%dma_start3A_234, %dma_start3A_235] : memref<50176x32xf32, #tpu.memory_space<vmem_shared>> -> memref<50176x32xf32, #tpu.memory_space<vmem_shared>>
    tpu.enqueue_indirect_dma source(%arg30 : memref<200x32xf32, #tpu.memory_space<vmem>>) target(%dma_start3A_236 : memref<50176x32xf32, #tpu.memory_space<vmem_shared>>) offsets(%arg26 : memref<200xi32, #tpu.memory_space<vmem>>) semaphore(%arg41 : memref<!tpu.dma_semaphore, #tpu.memory_space<semaphore_mem>>) {add = true}
    %dma_start3A_237 = arith.constant 0 : i32
    %dma_start3A_238 = tpu.memref_slice %arg33[%dma_start3A_237] : memref<50176xf32, #tpu.memory_space<vmem_shared>> -> memref<50176xf32, #tpu.memory_space<vmem_shared>>
    tpu.enqueue_indirect_dma source(%arg31 : memref<200xf32, #tpu.memory_space<vmem>>) target(%dma_start3A_238 : memref<50176xf32, #tpu.memory_space<vmem_shared>>) offsets(%arg26 : memref<200xi32, #tpu.memory_space<vmem>>) semaphore(%arg41 : memref<!tpu.dma_semaphore, #tpu.memory_space<semaphore_mem>>) {add = true}
    %dma_wait3A_239 = arith.constant 0 : i32
    %dma_wait3A_240 = arith.constant 0 : i32
    %dma_wait3A_241 = tpu.memref_slice %arg32[%dma_wait3A_239, %dma_wait3A_240] : memref<50176x32xf32, #tpu.memory_space<vmem_shared>> -> memref<50176x32xf32, #tpu.memory_space<vmem_shared>>
    tpu.wait_indirect_dma semaphore(%arg38 : memref<!tpu.dma_semaphore, #tpu.memory_space<semaphore_mem>>) src(%arg27 : memref<200x32xf32, #tpu.memory_space<vmem>>) dst(%dma_wait3A_241 : memref<50176x32xf32, #tpu.memory_space<vmem_shared>>)
    %dma_wait3A_242 = arith.constant 0 : i32
    %dma_wait3A_243 = tpu.memref_slice %arg33[%dma_wait3A_242] : memref<50176xf32, #tpu.memory_space<vmem_shared>> -> memref<50176xf32, #tpu.memory_space<vmem_shared>>
    tpu.wait_indirect_dma semaphore(%arg38 : memref<!tpu.dma_semaphore, #tpu.memory_space<semaphore_mem>>) src(%arg31 : memref<200xf32, #tpu.memory_space<vmem>>) dst(%dma_wait3A_243 : memref<50176xf32, #tpu.memory_space<vmem_shared>>)
    %dma_wait3A_244 = arith.constant 0 : i32
    %dma_wait3A_245 = arith.constant 0 : i32
    %dma_wait3A_246 = tpu.memref_slice %arg32[%dma_wait3A_244, %dma_wait3A_245] : memref<50176x32xf32, #tpu.memory_space<vmem_shared>> -> memref<50176x32xf32, #tpu.memory_space<vmem_shared>>
    tpu.wait_indirect_dma semaphore(%arg39 : memref<!tpu.dma_semaphore, #tpu.memory_space<semaphore_mem>>) src(%arg28 : memref<200x32xf32, #tpu.memory_space<vmem>>) dst(%dma_wait3A_246 : memref<50176x32xf32, #tpu.memory_space<vmem_shared>>)
    %dma_wait3A_247 = arith.constant 0 : i32
    %dma_wait3A_248 = tpu.memref_slice %arg33[%dma_wait3A_247] : memref<50176xf32, #tpu.memory_space<vmem_shared>> -> memref<50176xf32, #tpu.memory_space<vmem_shared>>
    tpu.wait_indirect_dma semaphore(%arg39 : memref<!tpu.dma_semaphore, #tpu.memory_space<semaphore_mem>>) src(%arg31 : memref<200xf32, #tpu.memory_space<vmem>>) dst(%dma_wait3A_248 : memref<50176xf32, #tpu.memory_space<vmem_shared>>)
    %dma_wait3A_249 = arith.constant 0 : i32
    %dma_wait3A_250 = arith.constant 0 : i32
    %dma_wait3A_251 = tpu.memref_slice %arg32[%dma_wait3A_249, %dma_wait3A_250] : memref<50176x32xf32, #tpu.memory_space<vmem_shared>> -> memref<50176x32xf32, #tpu.memory_space<vmem_shared>>
    tpu.wait_indirect_dma semaphore(%arg40 : memref<!tpu.dma_semaphore, #tpu.memory_space<semaphore_mem>>) src(%arg29 : memref<200x32xf32, #tpu.memory_space<vmem>>) dst(%dma_wait3A_251 : memref<50176x32xf32, #tpu.memory_space<vmem_shared>>)
    %dma_wait3A_252 = arith.constant 0 : i32
    %dma_wait3A_253 = tpu.memref_slice %arg33[%dma_wait3A_252] : memref<50176xf32, #tpu.memory_space<vmem_shared>> -> memref<50176xf32, #tpu.memory_space<vmem_shared>>
    tpu.wait_indirect_dma semaphore(%arg40 : memref<!tpu.dma_semaphore, #tpu.memory_space<semaphore_mem>>) src(%arg31 : memref<200xf32, #tpu.memory_space<vmem>>) dst(%dma_wait3A_253 : memref<50176xf32, #tpu.memory_space<vmem_shared>>)
    %dma_wait3A_254 = arith.constant 0 : i32
    %dma_wait3A_255 = arith.constant 0 : i32
    %dma_wait3A_256 = tpu.memref_slice %arg32[%dma_wait3A_254, %dma_wait3A_255] : memref<50176x32xf32, #tpu.memory_space<vmem_shared>> -> memref<50176x32xf32, #tpu.memory_space<vmem_shared>>
    tpu.wait_indirect_dma semaphore(%arg41 : memref<!tpu.dma_semaphore, #tpu.memory_space<semaphore_mem>>) src(%arg30 : memref<200x32xf32, #tpu.memory_space<vmem>>) dst(%dma_wait3A_256 : memref<50176x32xf32, #tpu.memory_space<vmem_shared>>)
    %dma_wait3A_257 = arith.constant 0 : i32
    %dma_wait3A_258 = tpu.memref_slice %arg33[%dma_wait3A_257] : memref<50176xf32, #tpu.memory_space<vmem_shared>> -> memref<50176xf32, #tpu.memory_space<vmem_shared>>
    tpu.wait_indirect_dma semaphore(%arg41 : memref<!tpu.dma_semaphore, #tpu.memory_space<semaphore_mem>>) src(%arg31 : memref<200xf32, #tpu.memory_space<vmem>>) dst(%dma_wait3A_258 : memref<50176xf32, #tpu.memory_space<vmem_shared>>)
    %barrier3A_259 = arith.constant 0 : index
    tpu.barrier barrier_id(%barrier3A_259)
    %mul3A_260 = arith.constant 3136 : i32
    %mul3A_261 = arith.muli %arg1, %mul3A_260 : i32
    %mul3A_262 = arith.constant 3136 : i32
    %mul3A_263 = arith.muli %arg1, %mul3A_262 : i32
    "tpu.region"() ({
      %run_scoped3A = tpu.sem_alloc : memref<!tpu.dma_semaphore, #tpu.memory_space<semaphore_mem>>
      %dma_start3A_407 = arith.constant 0 : i32
      %dma_start3A_408 = tpu.memref_slice %arg14[%arg0, %mul3A_263, %dma_start3A_407] : memref<2x50176x32xf32, #tpu.memory_space<hbm>> -> memref<1x3136x32xf32, #tpu.memory_space<hbm>>
      %dma_start3A_409 = tpu.memref_squeeze %dma_start3A_408 : memref<1x3136x32xf32, #tpu.memory_space<hbm>> -> memref<3136x32xf32, #tpu.memory_space<hbm>>
      %dma_start3A_410 = arith.constant 0 : i32
      %dma_start3A_411 = tpu.memref_slice %arg32[%mul3A_261, %dma_start3A_410] : memref<50176x32xf32, #tpu.memory_space<vmem_shared>> -> memref<3136x32xf32, #tpu.memory_space<vmem_shared>>
      tpu.enqueue_dma source(%dma_start3A_411 : memref<3136x32xf32, #tpu.memory_space<vmem_shared>>) target(%dma_start3A_409 : memref<3136x32xf32, #tpu.memory_space<hbm>>) target_semaphore(%run_scoped3A : memref<!tpu.dma_semaphore, #tpu.memory_space<semaphore_mem>>)
      %dma_wait3A_412 = arith.constant 0 : i32
      %dma_wait3A_413 = tpu.memref_slice %arg14[%arg0, %mul3A_263, %dma_wait3A_412] : memref<2x50176x32xf32, #tpu.memory_space<hbm>> -> memref<1x3136x32xf32, #tpu.memory_space<hbm>>
      %dma_wait3A_414 = tpu.memref_squeeze %dma_wait3A_413 : memref<1x3136x32xf32, #tpu.memory_space<hbm>> -> memref<3136x32xf32, #tpu.memory_space<hbm>>
      %dma_wait3A_415 = arith.constant 0 : i32
      %dma_wait3A_416 = tpu.memref_slice %arg32[%mul3A_261, %dma_wait3A_415] : memref<50176x32xf32, #tpu.memory_space<vmem_shared>> -> memref<3136x32xf32, #tpu.memory_space<vmem_shared>>
      tpu.wait_dma2 semaphore(%run_scoped3A : memref<!tpu.dma_semaphore, #tpu.memory_space<semaphore_mem>>) src(%dma_wait3A_416 : memref<3136x32xf32, #tpu.memory_space<vmem_shared>>) dst(%dma_wait3A_414 : memref<3136x32xf32, #tpu.memory_space<hbm>>)
      tpu.yield
    }) : () -> ()
    %mul3A_264 = arith.constant 3136 : i32
    %mul3A_265 = arith.muli %arg1, %mul3A_264 : i32
    %mul3A_266 = arith.constant 50176 : i32
    %mul3A_267 = arith.muli %arg0, %mul3A_266 : i32
    %mul3A_268 = arith.constant 3136 : i32
    %mul3A_269 = arith.muli %arg1, %mul3A_268 : i32
    %add3A_270 = arith.addi %mul3A_267, %mul3A_269 : i32
    "tpu.region"() ({
      %run_scoped3A = tpu.sem_alloc : memref<!tpu.dma_semaphore, #tpu.memory_space<semaphore_mem>>
      %dma_start3A_407 = tpu.memref_slice %arg17[%add3A_270] : memref<100352xf32, #tpu.memory_space<hbm>> -> memref<3136xf32, #tpu.memory_space<hbm>>
      %dma_start3A_408 = tpu.memref_slice %arg33[%mul3A_265] : memref<50176xf32, #tpu.memory_space<vmem_shared>> -> memref<3136xf32, #tpu.memory_space<vmem_shared>>
      tpu.enqueue_dma source(%dma_start3A_408 : memref<3136xf32, #tpu.memory_space<vmem_shared>>) target(%dma_start3A_407 : memref<3136xf32, #tpu.memory_space<hbm>>) target_semaphore(%run_scoped3A : memref<!tpu.dma_semaphore, #tpu.memory_space<semaphore_mem>>)
      %dma_wait3A_409 = tpu.memref_slice %arg17[%add3A_270] : memref<100352xf32, #tpu.memory_space<hbm>> -> memref<3136xf32, #tpu.memory_space<hbm>>
      %dma_wait3A_410 = tpu.memref_slice %arg33[%mul3A_265] : memref<50176xf32, #tpu.memory_space<vmem_shared>> -> memref<3136xf32, #tpu.memory_space<vmem_shared>>
      tpu.wait_dma2 semaphore(%run_scoped3A : memref<!tpu.dma_semaphore, #tpu.memory_space<semaphore_mem>>) src(%dma_wait3A_410 : memref<3136xf32, #tpu.memory_space<vmem_shared>>) dst(%dma_wait3A_409 : memref<3136xf32, #tpu.memory_space<hbm>>)
      tpu.yield
    }) : () -> ()
    %barrier3A_271 = arith.constant 0 : index
    tpu.barrier barrier_id(%barrier3A_271)
    %mul3A_272 = arith.constant 3136 : i32
    %mul3A_273 = arith.muli %arg1, %mul3A_272 : i32
    "tpu.region"() ({
      %run_scoped3A = tpu.sem_alloc : memref<!tpu.dma_semaphore, #tpu.memory_space<semaphore_mem>>
      %dma_start3A_407 = arith.constant 0 : i32
      %dma_start3A_408 = tpu.memref_slice %arg32[%mul3A_273, %dma_start3A_407] : memref<50176x32xf32, #tpu.memory_space<vmem_shared>> -> memref<3136x32xf32, #tpu.memory_space<vmem_shared>>
      tpu.enqueue_dma source(%arg11 : memref<3136x32xf32, #tpu.memory_space<hbm>>) target(%dma_start3A_408 : memref<3136x32xf32, #tpu.memory_space<vmem_shared>>) target_semaphore(%run_scoped3A : memref<!tpu.dma_semaphore, #tpu.memory_space<semaphore_mem>>)
      %dma_wait3A_409 = arith.constant 0 : i32
      %dma_wait3A_410 = tpu.memref_slice %arg32[%mul3A_273, %dma_wait3A_409] : memref<50176x32xf32, #tpu.memory_space<vmem_shared>> -> memref<3136x32xf32, #tpu.memory_space<vmem_shared>>
      tpu.wait_dma2 semaphore(%run_scoped3A : memref<!tpu.dma_semaphore, #tpu.memory_space<semaphore_mem>>) src(%arg11 : memref<3136x32xf32, #tpu.memory_space<hbm>>) dst(%dma_wait3A_410 : memref<3136x32xf32, #tpu.memory_space<vmem_shared>>)
      tpu.yield
    }) : () -> ()
    %mul3A_274 = arith.constant 3136 : i32
    %mul3A_275 = arith.muli %arg1, %mul3A_274 : i32
    "tpu.region"() ({
      %run_scoped3A = tpu.sem_alloc : memref<!tpu.dma_semaphore, #tpu.memory_space<semaphore_mem>>
      %dma_start3A_407 = tpu.memref_slice %arg33[%mul3A_275] : memref<50176xf32, #tpu.memory_space<vmem_shared>> -> memref<3136xf32, #tpu.memory_space<vmem_shared>>
      tpu.enqueue_dma source(%arg12 : memref<3136xf32, #tpu.memory_space<hbm>>) target(%dma_start3A_407 : memref<3136xf32, #tpu.memory_space<vmem_shared>>) target_semaphore(%run_scoped3A : memref<!tpu.dma_semaphore, #tpu.memory_space<semaphore_mem>>)
      %dma_wait3A_408 = tpu.memref_slice %arg33[%mul3A_275] : memref<50176xf32, #tpu.memory_space<vmem_shared>> -> memref<3136xf32, #tpu.memory_space<vmem_shared>>
      tpu.wait_dma2 semaphore(%run_scoped3A : memref<!tpu.dma_semaphore, #tpu.memory_space<semaphore_mem>>) src(%arg12 : memref<3136xf32, #tpu.memory_space<hbm>>) dst(%dma_wait3A_408 : memref<3136xf32, #tpu.memory_space<vmem_shared>>)
      tpu.yield
    }) : () -> ()
    %barrier3A_276 = arith.constant 0 : index
    tpu.barrier barrier_id(%barrier3A_276)
    %mul3A_277 = arith.constant 25600 : i32
    %mul3A_278 = arith.muli %add3A, %mul3A_277 : i32
    %add3A_279 = arith.constant 0 : i32
    %add3A_280 = arith.addi %mul3A_278, %add3A_279 : i32
    %dma_start3A_281 = tpu.memref_slice %arg6[%add3A_280] : memref<819200xi32, #tpu.memory_space<hbm>> -> memref<200xi32, #tpu.memory_space<hbm>>
    %dma_start3A_282 = tpu.memref_slice %arg6[%add3A_280] : memref<819200xi32, #tpu.memory_space<hbm>> -> memref<200xi32, #tpu.memory_space<hbm>>
    tpu.enqueue_dma source(%dma_start3A_282 : memref<200xi32, #tpu.memory_space<hbm>>) target(%arg19 : memref<200xi32, #tpu.memory_space<vmem>>) target_semaphore(%arg42 : memref<!tpu.dma_semaphore, #tpu.memory_space<semaphore_mem>>)
    %dma_start3A_283 = tpu.memref_slice %arg7[%add3A_280] : memref<819200xi32, #tpu.memory_space<hbm>> -> memref<200xi32, #tpu.memory_space<hbm>>
    %dma_start3A_284 = tpu.memref_slice %arg7[%add3A_280] : memref<819200xi32, #tpu.memory_space<hbm>> -> memref<200xi32, #tpu.memory_space<hbm>>
    tpu.enqueue_dma source(%dma_start3A_284 : memref<200xi32, #tpu.memory_space<hbm>>) target(%arg23 : memref<200xi32, #tpu.memory_space<vmem>>) target_semaphore(%arg42 : memref<!tpu.dma_semaphore, #tpu.memory_space<semaphore_mem>>)
    %dma_wait3A_285 = tpu.memref_slice %arg6[%add3A_280] : memref<819200xi32, #tpu.memory_space<hbm>> -> memref<200xi32, #tpu.memory_space<hbm>>
    %dma_wait3A_286 = tpu.memref_slice %arg6[%add3A_280] : memref<819200xi32, #tpu.memory_space<hbm>> -> memref<200xi32, #tpu.memory_space<hbm>>
    tpu.wait_dma2 semaphore(%arg42 : memref<!tpu.dma_semaphore, #tpu.memory_space<semaphore_mem>>) src(%dma_wait3A_286 : memref<200xi32, #tpu.memory_space<hbm>>) dst(%arg19 : memref<200xi32, #tpu.memory_space<vmem>>)
    %dma_wait3A_287 = tpu.memref_slice %arg7[%add3A_280] : memref<819200xi32, #tpu.memory_space<hbm>> -> memref<200xi32, #tpu.memory_space<hbm>>
    %dma_wait3A_288 = tpu.memref_slice %arg7[%add3A_280] : memref<819200xi32, #tpu.memory_space<hbm>> -> memref<200xi32, #tpu.memory_space<hbm>>
    tpu.wait_dma2 semaphore(%arg42 : memref<!tpu.dma_semaphore, #tpu.memory_space<semaphore_mem>>) src(%dma_wait3A_288 : memref<200xi32, #tpu.memory_space<hbm>>) dst(%arg23 : memref<200xi32, #tpu.memory_space<vmem>>)
    %dma_start3A_289 = arith.constant 0 : i32
    %dma_start3A_290 = arith.constant 0 : i32
    %dma_start3A_291 = tpu.memref_slice %arg10[%dma_start3A_289, %dma_start3A_290] : memref<50176x32xf32, #tpu.memory_space<hbm>> -> memref<50176x32xf32, #tpu.memory_space<hbm>>
    tpu.enqueue_indirect_dma source(%dma_start3A_291 : memref<50176x32xf32, #tpu.memory_space<hbm>>) target(%arg27 : memref<200x32xf32, #tpu.memory_space<vmem>>) offsets(%arg19 : memref<200xi32, #tpu.memory_space<vmem>>) semaphore(%arg34 : memref<!tpu.dma_semaphore, #tpu.memory_space<semaphore_mem>>)
    %mul3A_292 = arith.constant 25600 : i32
    %mul3A_293 = arith.muli %add3A, %mul3A_292 : i32
    %add3A_294 = arith.constant 200 : i32
    %add3A_295 = arith.addi %mul3A_293, %add3A_294 : i32
    %dma_start3A_296 = tpu.memref_slice %arg6[%add3A_295] : memref<819200xi32, #tpu.memory_space<hbm>> -> memref<200xi32, #tpu.memory_space<hbm>>
    %dma_start3A_297 = tpu.memref_slice %arg6[%add3A_295] : memref<819200xi32, #tpu.memory_space<hbm>> -> memref<200xi32, #tpu.memory_space<hbm>>
    tpu.enqueue_dma source(%dma_start3A_297 : memref<200xi32, #tpu.memory_space<hbm>>) target(%arg20 : memref<200xi32, #tpu.memory_space<vmem>>) target_semaphore(%arg42 : memref<!tpu.dma_semaphore, #tpu.memory_space<semaphore_mem>>)
    %dma_start3A_298 = tpu.memref_slice %arg7[%add3A_295] : memref<819200xi32, #tpu.memory_space<hbm>> -> memref<200xi32, #tpu.memory_space<hbm>>
    %dma_start3A_299 = tpu.memref_slice %arg7[%add3A_295] : memref<819200xi32, #tpu.memory_space<hbm>> -> memref<200xi32, #tpu.memory_space<hbm>>
    tpu.enqueue_dma source(%dma_start3A_299 : memref<200xi32, #tpu.memory_space<hbm>>) target(%arg24 : memref<200xi32, #tpu.memory_space<vmem>>) target_semaphore(%arg42 : memref<!tpu.dma_semaphore, #tpu.memory_space<semaphore_mem>>)
    %dma_wait3A_300 = tpu.memref_slice %arg6[%add3A_295] : memref<819200xi32, #tpu.memory_space<hbm>> -> memref<200xi32, #tpu.memory_space<hbm>>
    %dma_wait3A_301 = tpu.memref_slice %arg6[%add3A_295] : memref<819200xi32, #tpu.memory_space<hbm>> -> memref<200xi32, #tpu.memory_space<hbm>>
    tpu.wait_dma2 semaphore(%arg42 : memref<!tpu.dma_semaphore, #tpu.memory_space<semaphore_mem>>) src(%dma_wait3A_301 : memref<200xi32, #tpu.memory_space<hbm>>) dst(%arg20 : memref<200xi32, #tpu.memory_space<vmem>>)
    %dma_wait3A_302 = tpu.memref_slice %arg7[%add3A_295] : memref<819200xi32, #tpu.memory_space<hbm>> -> memref<200xi32, #tpu.memory_space<hbm>>
    %dma_wait3A_303 = tpu.memref_slice %arg7[%add3A_295] : memref<819200xi32, #tpu.memory_space<hbm>> -> memref<200xi32, #tpu.memory_space<hbm>>
    tpu.wait_dma2 semaphore(%arg42 : memref<!tpu.dma_semaphore, #tpu.memory_space<semaphore_mem>>) src(%dma_wait3A_303 : memref<200xi32, #tpu.memory_space<hbm>>) dst(%arg24 : memref<200xi32, #tpu.memory_space<vmem>>)
    %dma_start3A_304 = arith.constant 0 : i32
    %dma_start3A_305 = arith.constant 0 : i32
    %dma_start3A_306 = tpu.memref_slice %arg10[%dma_start3A_304, %dma_start3A_305] : memref<50176x32xf32, #tpu.memory_space<hbm>> -> memref<50176x32xf32, #tpu.memory_space<hbm>>
    tpu.enqueue_indirect_dma source(%dma_start3A_306 : memref<50176x32xf32, #tpu.memory_space<hbm>>) target(%arg28 : memref<200x32xf32, #tpu.memory_space<vmem>>) offsets(%arg20 : memref<200xi32, #tpu.memory_space<vmem>>) semaphore(%arg35 : memref<!tpu.dma_semaphore, #tpu.memory_space<semaphore_mem>>)
    %mul3A_307 = arith.constant 25600 : i32
    %mul3A_308 = arith.muli %add3A, %mul3A_307 : i32
    %add3A_309 = arith.constant 400 : i32
    %add3A_310 = arith.addi %mul3A_308, %add3A_309 : i32
    %dma_start3A_311 = tpu.memref_slice %arg6[%add3A_310] : memref<819200xi32, #tpu.memory_space<hbm>> -> memref<200xi32, #tpu.memory_space<hbm>>
    %dma_start3A_312 = tpu.memref_slice %arg6[%add3A_310] : memref<819200xi32, #tpu.memory_space<hbm>> -> memref<200xi32, #tpu.memory_space<hbm>>
    tpu.enqueue_dma source(%dma_start3A_312 : memref<200xi32, #tpu.memory_space<hbm>>) target(%arg21 : memref<200xi32, #tpu.memory_space<vmem>>) target_semaphore(%arg42 : memref<!tpu.dma_semaphore, #tpu.memory_space<semaphore_mem>>)
    %dma_start3A_313 = tpu.memref_slice %arg7[%add3A_310] : memref<819200xi32, #tpu.memory_space<hbm>> -> memref<200xi32, #tpu.memory_space<hbm>>
    %dma_start3A_314 = tpu.memref_slice %arg7[%add3A_310] : memref<819200xi32, #tpu.memory_space<hbm>> -> memref<200xi32, #tpu.memory_space<hbm>>
    tpu.enqueue_dma source(%dma_start3A_314 : memref<200xi32, #tpu.memory_space<hbm>>) target(%arg25 : memref<200xi32, #tpu.memory_space<vmem>>) target_semaphore(%arg42 : memref<!tpu.dma_semaphore, #tpu.memory_space<semaphore_mem>>)
    %dma_wait3A_315 = tpu.memref_slice %arg6[%add3A_310] : memref<819200xi32, #tpu.memory_space<hbm>> -> memref<200xi32, #tpu.memory_space<hbm>>
    %dma_wait3A_316 = tpu.memref_slice %arg6[%add3A_310] : memref<819200xi32, #tpu.memory_space<hbm>> -> memref<200xi32, #tpu.memory_space<hbm>>
    tpu.wait_dma2 semaphore(%arg42 : memref<!tpu.dma_semaphore, #tpu.memory_space<semaphore_mem>>) src(%dma_wait3A_316 : memref<200xi32, #tpu.memory_space<hbm>>) dst(%arg21 : memref<200xi32, #tpu.memory_space<vmem>>)
    %dma_wait3A_317 = tpu.memref_slice %arg7[%add3A_310] : memref<819200xi32, #tpu.memory_space<hbm>> -> memref<200xi32, #tpu.memory_space<hbm>>
    %dma_wait3A_318 = tpu.memref_slice %arg7[%add3A_310] : memref<819200xi32, #tpu.memory_space<hbm>> -> memref<200xi32, #tpu.memory_space<hbm>>
    tpu.wait_dma2 semaphore(%arg42 : memref<!tpu.dma_semaphore, #tpu.memory_space<semaphore_mem>>) src(%dma_wait3A_318 : memref<200xi32, #tpu.memory_space<hbm>>) dst(%arg25 : memref<200xi32, #tpu.memory_space<vmem>>)
    %dma_start3A_319 = arith.constant 0 : i32
    %dma_start3A_320 = arith.constant 0 : i32
    %dma_start3A_321 = tpu.memref_slice %arg10[%dma_start3A_319, %dma_start3A_320] : memref<50176x32xf32, #tpu.memory_space<hbm>> -> memref<50176x32xf32, #tpu.memory_space<hbm>>
    tpu.enqueue_indirect_dma source(%dma_start3A_321 : memref<50176x32xf32, #tpu.memory_space<hbm>>) target(%arg29 : memref<200x32xf32, #tpu.memory_space<vmem>>) offsets(%arg21 : memref<200xi32, #tpu.memory_space<vmem>>) semaphore(%arg36 : memref<!tpu.dma_semaphore, #tpu.memory_space<semaphore_mem>>)
    %mul3A_322 = arith.constant 25600 : i32
    %mul3A_323 = arith.muli %add3A, %mul3A_322 : i32
    %add3A_324 = arith.constant 600 : i32
    %add3A_325 = arith.addi %mul3A_323, %add3A_324 : i32
    %dma_start3A_326 = tpu.memref_slice %arg6[%add3A_325] : memref<819200xi32, #tpu.memory_space<hbm>> -> memref<200xi32, #tpu.memory_space<hbm>>
    %dma_start3A_327 = tpu.memref_slice %arg6[%add3A_325] : memref<819200xi32, #tpu.memory_space<hbm>> -> memref<200xi32, #tpu.memory_space<hbm>>
    tpu.enqueue_dma source(%dma_start3A_327 : memref<200xi32, #tpu.memory_space<hbm>>) target(%arg22 : memref<200xi32, #tpu.memory_space<vmem>>) target_semaphore(%arg42 : memref<!tpu.dma_semaphore, #tpu.memory_space<semaphore_mem>>)
    %dma_start3A_328 = tpu.memref_slice %arg7[%add3A_325] : memref<819200xi32, #tpu.memory_space<hbm>> -> memref<200xi32, #tpu.memory_space<hbm>>
    %dma_start3A_329 = tpu.memref_slice %arg7[%add3A_325] : memref<819200xi32, #tpu.memory_space<hbm>> -> memref<200xi32, #tpu.memory_space<hbm>>
    tpu.enqueue_dma source(%dma_start3A_329 : memref<200xi32, #tpu.memory_space<hbm>>) target(%arg26 : memref<200xi32, #tpu.memory_space<vmem>>) target_semaphore(%arg42 : memref<!tpu.dma_semaphore, #tpu.memory_space<semaphore_mem>>)
    %dma_wait3A_330 = tpu.memref_slice %arg6[%add3A_325] : memref<819200xi32, #tpu.memory_space<hbm>> -> memref<200xi32, #tpu.memory_space<hbm>>
    %dma_wait3A_331 = tpu.memref_slice %arg6[%add3A_325] : memref<819200xi32, #tpu.memory_space<hbm>> -> memref<200xi32, #tpu.memory_space<hbm>>
    tpu.wait_dma2 semaphore(%arg42 : memref<!tpu.dma_semaphore, #tpu.memory_space<semaphore_mem>>) src(%dma_wait3A_331 : memref<200xi32, #tpu.memory_space<hbm>>) dst(%arg22 : memref<200xi32, #tpu.memory_space<vmem>>)
    %dma_wait3A_332 = tpu.memref_slice %arg7[%add3A_325] : memref<819200xi32, #tpu.memory_space<hbm>> -> memref<200xi32, #tpu.memory_space<hbm>>
    %dma_wait3A_333 = tpu.memref_slice %arg7[%add3A_325] : memref<819200xi32, #tpu.memory_space<hbm>> -> memref<200xi32, #tpu.memory_space<hbm>>
    tpu.wait_dma2 semaphore(%arg42 : memref<!tpu.dma_semaphore, #tpu.memory_space<semaphore_mem>>) src(%dma_wait3A_333 : memref<200xi32, #tpu.memory_space<hbm>>) dst(%arg26 : memref<200xi32, #tpu.memory_space<vmem>>)
    %dma_start3A_334 = arith.constant 0 : i32
    %dma_start3A_335 = arith.constant 0 : i32
    %dma_start3A_336 = tpu.memref_slice %arg10[%dma_start3A_334, %dma_start3A_335] : memref<50176x32xf32, #tpu.memory_space<hbm>> -> memref<50176x32xf32, #tpu.memory_space<hbm>>
    tpu.enqueue_indirect_dma source(%dma_start3A_336 : memref<50176x32xf32, #tpu.memory_space<hbm>>) target(%arg30 : memref<200x32xf32, #tpu.memory_space<vmem>>) offsets(%arg22 : memref<200xi32, #tpu.memory_space<vmem>>) semaphore(%arg37 : memref<!tpu.dma_semaphore, #tpu.memory_space<semaphore_mem>>)
    %dma_wait3A_337 = arith.constant 0 : i32
    %dma_wait3A_338 = arith.constant 0 : i32
    %dma_wait3A_339 = tpu.memref_slice %arg10[%dma_wait3A_337, %dma_wait3A_338] : memref<50176x32xf32, #tpu.memory_space<hbm>> -> memref<50176x32xf32, #tpu.memory_space<hbm>>
    tpu.wait_indirect_dma semaphore(%arg34 : memref<!tpu.dma_semaphore, #tpu.memory_space<semaphore_mem>>) src(%dma_wait3A_339 : memref<50176x32xf32, #tpu.memory_space<hbm>>) dst(%arg27 : memref<200x32xf32, #tpu.memory_space<vmem>>)
    %dma_start3A_340 = arith.constant 0 : i32
    %dma_start3A_341 = arith.constant 0 : i32
    %dma_start3A_342 = tpu.memref_slice %arg32[%dma_start3A_340, %dma_start3A_341] : memref<50176x32xf32, #tpu.memory_space<vmem_shared>> -> memref<50176x32xf32, #tpu.memory_space<vmem_shared>>
    tpu.enqueue_indirect_dma source(%arg27 : memref<200x32xf32, #tpu.memory_space<vmem>>) target(%dma_start3A_342 : memref<50176x32xf32, #tpu.memory_space<vmem_shared>>) offsets(%arg23 : memref<200xi32, #tpu.memory_space<vmem>>) semaphore(%arg38 : memref<!tpu.dma_semaphore, #tpu.memory_space<semaphore_mem>>) {add = true}
    %dma_start3A_343 = arith.constant 0 : i32
    %dma_start3A_344 = tpu.memref_slice %arg33[%dma_start3A_343] : memref<50176xf32, #tpu.memory_space<vmem_shared>> -> memref<50176xf32, #tpu.memory_space<vmem_shared>>
    tpu.enqueue_indirect_dma source(%arg31 : memref<200xf32, #tpu.memory_space<vmem>>) target(%dma_start3A_344 : memref<50176xf32, #tpu.memory_space<vmem_shared>>) offsets(%arg23 : memref<200xi32, #tpu.memory_space<vmem>>) semaphore(%arg38 : memref<!tpu.dma_semaphore, #tpu.memory_space<semaphore_mem>>) {add = true}
    %scan3A_345 = arith.constant 0 : i32
    %scan3A_346 = arith.constant 31 : i32
    %scan3A_347 = arith.addi %scan3A_345, %scan3A_346 : i32
    %scan3A_348 = arith.constant 1 : i32
    scf.for %scan3A_407 = %scan3A_345 to %scan3A_347 step %scan3A_348  : i32 {
      %mul3A_408 = arith.constant 4 : i32
      %mul3A_409 = arith.muli %scan3A_407, %mul3A_408 : i32
      %add3A_410 = arith.constant 4 : i32
      %add3A_411 = arith.addi %add3A_410, %mul3A_409 : i32
      %add3A_412 = arith.constant 0 : i32
      %add3A_413 = arith.addi %add3A_411, %add3A_412 : i32
      %dma_wait3A_414 = arith.constant 0 : i32
      %dma_wait3A_415 = arith.constant 0 : i32
      %dma_wait3A_416 = tpu.memref_slice %arg32[%dma_wait3A_414, %dma_wait3A_415] : memref<50176x32xf32, #tpu.memory_space<vmem_shared>> -> memref<50176x32xf32, #tpu.memory_space<vmem_shared>>
      tpu.wait_indirect_dma semaphore(%arg38 : memref<!tpu.dma_semaphore, #tpu.memory_space<semaphore_mem>>) src(%arg27 : memref<200x32xf32, #tpu.memory_space<vmem>>) dst(%dma_wait3A_416 : memref<50176x32xf32, #tpu.memory_space<vmem_shared>>)
      %dma_wait3A_417 = arith.constant 0 : i32
      %dma_wait3A_418 = tpu.memref_slice %arg33[%dma_wait3A_417] : memref<50176xf32, #tpu.memory_space<vmem_shared>> -> memref<50176xf32, #tpu.memory_space<vmem_shared>>
      tpu.wait_indirect_dma semaphore(%arg38 : memref<!tpu.dma_semaphore, #tpu.memory_space<semaphore_mem>>) src(%arg31 : memref<200xf32, #tpu.memory_space<vmem>>) dst(%dma_wait3A_418 : memref<50176xf32, #tpu.memory_space<vmem_shared>>)
      %mul3A_419 = arith.constant 25600 : i32
      %mul3A_420 = arith.muli %add3A, %mul3A_419 : i32
      %mul3A_421 = arith.constant 200 : i32
      %mul3A_422 = arith.muli %add3A_413, %mul3A_421 : i32
      %add3A_423 = arith.addi %mul3A_420, %mul3A_422 : i32
      %dma_start3A_424 = tpu.memref_slice %arg6[%add3A_423] : memref<819200xi32, #tpu.memory_space<hbm>> -> memref<200xi32, #tpu.memory_space<hbm>>
      %dma_start3A_425 = tpu.memref_slice %arg6[%add3A_423] : memref<819200xi32, #tpu.memory_space<hbm>> -> memref<200xi32, #tpu.memory_space<hbm>>
      tpu.enqueue_dma source(%dma_start3A_425 : memref<200xi32, #tpu.memory_space<hbm>>) target(%arg19 : memref<200xi32, #tpu.memory_space<vmem>>) target_semaphore(%arg42 : memref<!tpu.dma_semaphore, #tpu.memory_space<semaphore_mem>>)
      %dma_start3A_426 = tpu.memref_slice %arg7[%add3A_423] : memref<819200xi32, #tpu.memory_space<hbm>> -> memref<200xi32, #tpu.memory_space<hbm>>
      %dma_start3A_427 = tpu.memref_slice %arg7[%add3A_423] : memref<819200xi32, #tpu.memory_space<hbm>> -> memref<200xi32, #tpu.memory_space<hbm>>
      tpu.enqueue_dma source(%dma_start3A_427 : memref<200xi32, #tpu.memory_space<hbm>>) target(%arg23 : memref<200xi32, #tpu.memory_space<vmem>>) target_semaphore(%arg42 : memref<!tpu.dma_semaphore, #tpu.memory_space<semaphore_mem>>)
      %dma_wait3A_428 = tpu.memref_slice %arg6[%add3A_423] : memref<819200xi32, #tpu.memory_space<hbm>> -> memref<200xi32, #tpu.memory_space<hbm>>
      %dma_wait3A_429 = tpu.memref_slice %arg6[%add3A_423] : memref<819200xi32, #tpu.memory_space<hbm>> -> memref<200xi32, #tpu.memory_space<hbm>>
      tpu.wait_dma2 semaphore(%arg42 : memref<!tpu.dma_semaphore, #tpu.memory_space<semaphore_mem>>) src(%dma_wait3A_429 : memref<200xi32, #tpu.memory_space<hbm>>) dst(%arg19 : memref<200xi32, #tpu.memory_space<vmem>>)
      %dma_wait3A_430 = tpu.memref_slice %arg7[%add3A_423] : memref<819200xi32, #tpu.memory_space<hbm>> -> memref<200xi32, #tpu.memory_space<hbm>>
      %dma_wait3A_431 = tpu.memref_slice %arg7[%add3A_423] : memref<819200xi32, #tpu.memory_space<hbm>> -> memref<200xi32, #tpu.memory_space<hbm>>
      tpu.wait_dma2 semaphore(%arg42 : memref<!tpu.dma_semaphore, #tpu.memory_space<semaphore_mem>>) src(%dma_wait3A_431 : memref<200xi32, #tpu.memory_space<hbm>>) dst(%arg23 : memref<200xi32, #tpu.memory_space<vmem>>)
      %dma_start3A_432 = arith.constant 0 : i32
      %dma_start3A_433 = arith.constant 0 : i32
      %dma_start3A_434 = tpu.memref_slice %arg10[%dma_start3A_432, %dma_start3A_433] : memref<50176x32xf32, #tpu.memory_space<hbm>> -> memref<50176x32xf32, #tpu.memory_space<hbm>>
      tpu.enqueue_indirect_dma source(%dma_start3A_434 : memref<50176x32xf32, #tpu.memory_space<hbm>>) target(%arg27 : memref<200x32xf32, #tpu.memory_space<vmem>>) offsets(%arg19 : memref<200xi32, #tpu.memory_space<vmem>>) semaphore(%arg34 : memref<!tpu.dma_semaphore, #tpu.memory_space<semaphore_mem>>)
      %dma_wait3A_435 = arith.constant 0 : i32
      %dma_wait3A_436 = arith.constant 0 : i32
      %dma_wait3A_437 = tpu.memref_slice %arg10[%dma_wait3A_435, %dma_wait3A_436] : memref<50176x32xf32, #tpu.memory_space<hbm>> -> memref<50176x32xf32, #tpu.memory_space<hbm>>
      tpu.wait_indirect_dma semaphore(%arg35 : memref<!tpu.dma_semaphore, #tpu.memory_space<semaphore_mem>>) src(%dma_wait3A_437 : memref<50176x32xf32, #tpu.memory_space<hbm>>) dst(%arg28 : memref<200x32xf32, #tpu.memory_space<vmem>>)
      %dma_start3A_438 = arith.constant 0 : i32
      %dma_start3A_439 = arith.constant 0 : i32
      %dma_start3A_440 = tpu.memref_slice %arg32[%dma_start3A_438, %dma_start3A_439] : memref<50176x32xf32, #tpu.memory_space<vmem_shared>> -> memref<50176x32xf32, #tpu.memory_space<vmem_shared>>
      tpu.enqueue_indirect_dma source(%arg28 : memref<200x32xf32, #tpu.memory_space<vmem>>) target(%dma_start3A_440 : memref<50176x32xf32, #tpu.memory_space<vmem_shared>>) offsets(%arg24 : memref<200xi32, #tpu.memory_space<vmem>>) semaphore(%arg39 : memref<!tpu.dma_semaphore, #tpu.memory_space<semaphore_mem>>) {add = true}
      %dma_start3A_441 = arith.constant 0 : i32
      %dma_start3A_442 = tpu.memref_slice %arg33[%dma_start3A_441] : memref<50176xf32, #tpu.memory_space<vmem_shared>> -> memref<50176xf32, #tpu.memory_space<vmem_shared>>
      tpu.enqueue_indirect_dma source(%arg31 : memref<200xf32, #tpu.memory_space<vmem>>) target(%dma_start3A_442 : memref<50176xf32, #tpu.memory_space<vmem_shared>>) offsets(%arg24 : memref<200xi32, #tpu.memory_space<vmem>>) semaphore(%arg39 : memref<!tpu.dma_semaphore, #tpu.memory_space<semaphore_mem>>) {add = true}
      %mul3A_443 = arith.constant 4 : i32
      %mul3A_444 = arith.muli %scan3A_407, %mul3A_443 : i32
      %add3A_445 = arith.constant 4 : i32
      %add3A_446 = arith.addi %add3A_445, %mul3A_444 : i32
      %add3A_447 = arith.constant 1 : i32
      %add3A_448 = arith.addi %add3A_446, %add3A_447 : i32
      %dma_wait3A_449 = arith.constant 0 : i32
      %dma_wait3A_450 = arith.constant 0 : i32
      %dma_wait3A_451 = tpu.memref_slice %arg32[%dma_wait3A_449, %dma_wait3A_450] : memref<50176x32xf32, #tpu.memory_space<vmem_shared>> -> memref<50176x32xf32, #tpu.memory_space<vmem_shared>>
      tpu.wait_indirect_dma semaphore(%arg39 : memref<!tpu.dma_semaphore, #tpu.memory_space<semaphore_mem>>) src(%arg28 : memref<200x32xf32, #tpu.memory_space<vmem>>) dst(%dma_wait3A_451 : memref<50176x32xf32, #tpu.memory_space<vmem_shared>>)
      %dma_wait3A_452 = arith.constant 0 : i32
      %dma_wait3A_453 = tpu.memref_slice %arg33[%dma_wait3A_452] : memref<50176xf32, #tpu.memory_space<vmem_shared>> -> memref<50176xf32, #tpu.memory_space<vmem_shared>>
      tpu.wait_indirect_dma semaphore(%arg39 : memref<!tpu.dma_semaphore, #tpu.memory_space<semaphore_mem>>) src(%arg31 : memref<200xf32, #tpu.memory_space<vmem>>) dst(%dma_wait3A_453 : memref<50176xf32, #tpu.memory_space<vmem_shared>>)
      %mul3A_454 = arith.constant 25600 : i32
      %mul3A_455 = arith.muli %add3A, %mul3A_454 : i32
      %mul3A_456 = arith.constant 200 : i32
      %mul3A_457 = arith.muli %add3A_448, %mul3A_456 : i32
      %add3A_458 = arith.addi %mul3A_455, %mul3A_457 : i32
      %dma_start3A_459 = tpu.memref_slice %arg6[%add3A_458] : memref<819200xi32, #tpu.memory_space<hbm>> -> memref<200xi32, #tpu.memory_space<hbm>>
      %dma_start3A_460 = tpu.memref_slice %arg6[%add3A_458] : memref<819200xi32, #tpu.memory_space<hbm>> -> memref<200xi32, #tpu.memory_space<hbm>>
      tpu.enqueue_dma source(%dma_start3A_460 : memref<200xi32, #tpu.memory_space<hbm>>) target(%arg20 : memref<200xi32, #tpu.memory_space<vmem>>) target_semaphore(%arg42 : memref<!tpu.dma_semaphore, #tpu.memory_space<semaphore_mem>>)
      %dma_start3A_461 = tpu.memref_slice %arg7[%add3A_458] : memref<819200xi32, #tpu.memory_space<hbm>> -> memref<200xi32, #tpu.memory_space<hbm>>
      %dma_start3A_462 = tpu.memref_slice %arg7[%add3A_458] : memref<819200xi32, #tpu.memory_space<hbm>> -> memref<200xi32, #tpu.memory_space<hbm>>
      tpu.enqueue_dma source(%dma_start3A_462 : memref<200xi32, #tpu.memory_space<hbm>>) target(%arg24 : memref<200xi32, #tpu.memory_space<vmem>>) target_semaphore(%arg42 : memref<!tpu.dma_semaphore, #tpu.memory_space<semaphore_mem>>)
      %dma_wait3A_463 = tpu.memref_slice %arg6[%add3A_458] : memref<819200xi32, #tpu.memory_space<hbm>> -> memref<200xi32, #tpu.memory_space<hbm>>
      %dma_wait3A_464 = tpu.memref_slice %arg6[%add3A_458] : memref<819200xi32, #tpu.memory_space<hbm>> -> memref<200xi32, #tpu.memory_space<hbm>>
      tpu.wait_dma2 semaphore(%arg42 : memref<!tpu.dma_semaphore, #tpu.memory_space<semaphore_mem>>) src(%dma_wait3A_464 : memref<200xi32, #tpu.memory_space<hbm>>) dst(%arg20 : memref<200xi32, #tpu.memory_space<vmem>>)
      %dma_wait3A_465 = tpu.memref_slice %arg7[%add3A_458] : memref<819200xi32, #tpu.memory_space<hbm>> -> memref<200xi32, #tpu.memory_space<hbm>>
      %dma_wait3A_466 = tpu.memref_slice %arg7[%add3A_458] : memref<819200xi32, #tpu.memory_space<hbm>> -> memref<200xi32, #tpu.memory_space<hbm>>
      tpu.wait_dma2 semaphore(%arg42 : memref<!tpu.dma_semaphore, #tpu.memory_space<semaphore_mem>>) src(%dma_wait3A_466 : memref<200xi32, #tpu.memory_space<hbm>>) dst(%arg24 : memref<200xi32, #tpu.memory_space<vmem>>)
      %dma_start3A_467 = arith.constant 0 : i32
      %dma_start3A_468 = arith.constant 0 : i32
      %dma_start3A_469 = tpu.memref_slice %arg10[%dma_start3A_467, %dma_start3A_468] : memref<50176x32xf32, #tpu.memory_space<hbm>> -> memref<50176x32xf32, #tpu.memory_space<hbm>>
      tpu.enqueue_indirect_dma source(%dma_start3A_469 : memref<50176x32xf32, #tpu.memory_space<hbm>>) target(%arg28 : memref<200x32xf32, #tpu.memory_space<vmem>>) offsets(%arg20 : memref<200xi32, #tpu.memory_space<vmem>>) semaphore(%arg35 : memref<!tpu.dma_semaphore, #tpu.memory_space<semaphore_mem>>)
      %dma_wait3A_470 = arith.constant 0 : i32
      %dma_wait3A_471 = arith.constant 0 : i32
      %dma_wait3A_472 = tpu.memref_slice %arg10[%dma_wait3A_470, %dma_wait3A_471] : memref<50176x32xf32, #tpu.memory_space<hbm>> -> memref<50176x32xf32, #tpu.memory_space<hbm>>
      tpu.wait_indirect_dma semaphore(%arg36 : memref<!tpu.dma_semaphore, #tpu.memory_space<semaphore_mem>>) src(%dma_wait3A_472 : memref<50176x32xf32, #tpu.memory_space<hbm>>) dst(%arg29 : memref<200x32xf32, #tpu.memory_space<vmem>>)
      %dma_start3A_473 = arith.constant 0 : i32
      %dma_start3A_474 = arith.constant 0 : i32
      %dma_start3A_475 = tpu.memref_slice %arg32[%dma_start3A_473, %dma_start3A_474] : memref<50176x32xf32, #tpu.memory_space<vmem_shared>> -> memref<50176x32xf32, #tpu.memory_space<vmem_shared>>
      tpu.enqueue_indirect_dma source(%arg29 : memref<200x32xf32, #tpu.memory_space<vmem>>) target(%dma_start3A_475 : memref<50176x32xf32, #tpu.memory_space<vmem_shared>>) offsets(%arg25 : memref<200xi32, #tpu.memory_space<vmem>>) semaphore(%arg40 : memref<!tpu.dma_semaphore, #tpu.memory_space<semaphore_mem>>) {add = true}
      %dma_start3A_476 = arith.constant 0 : i32
      %dma_start3A_477 = tpu.memref_slice %arg33[%dma_start3A_476] : memref<50176xf32, #tpu.memory_space<vmem_shared>> -> memref<50176xf32, #tpu.memory_space<vmem_shared>>
      tpu.enqueue_indirect_dma source(%arg31 : memref<200xf32, #tpu.memory_space<vmem>>) target(%dma_start3A_477 : memref<50176xf32, #tpu.memory_space<vmem_shared>>) offsets(%arg25 : memref<200xi32, #tpu.memory_space<vmem>>) semaphore(%arg40 : memref<!tpu.dma_semaphore, #tpu.memory_space<semaphore_mem>>) {add = true}
      %mul3A_478 = arith.constant 4 : i32
      %mul3A_479 = arith.muli %scan3A_407, %mul3A_478 : i32
      %add3A_480 = arith.constant 4 : i32
      %add3A_481 = arith.addi %add3A_480, %mul3A_479 : i32
      %add3A_482 = arith.constant 2 : i32
      %add3A_483 = arith.addi %add3A_481, %add3A_482 : i32
      %dma_wait3A_484 = arith.constant 0 : i32
      %dma_wait3A_485 = arith.constant 0 : i32
      %dma_wait3A_486 = tpu.memref_slice %arg32[%dma_wait3A_484, %dma_wait3A_485] : memref<50176x32xf32, #tpu.memory_space<vmem_shared>> -> memref<50176x32xf32, #tpu.memory_space<vmem_shared>>
      tpu.wait_indirect_dma semaphore(%arg40 : memref<!tpu.dma_semaphore, #tpu.memory_space<semaphore_mem>>) src(%arg29 : memref<200x32xf32, #tpu.memory_space<vmem>>) dst(%dma_wait3A_486 : memref<50176x32xf32, #tpu.memory_space<vmem_shared>>)
      %dma_wait3A_487 = arith.constant 0 : i32
      %dma_wait3A_488 = tpu.memref_slice %arg33[%dma_wait3A_487] : memref<50176xf32, #tpu.memory_space<vmem_shared>> -> memref<50176xf32, #tpu.memory_space<vmem_shared>>
      tpu.wait_indirect_dma semaphore(%arg40 : memref<!tpu.dma_semaphore, #tpu.memory_space<semaphore_mem>>) src(%arg31 : memref<200xf32, #tpu.memory_space<vmem>>) dst(%dma_wait3A_488 : memref<50176xf32, #tpu.memory_space<vmem_shared>>)
      %mul3A_489 = arith.constant 25600 : i32
      %mul3A_490 = arith.muli %add3A, %mul3A_489 : i32
      %mul3A_491 = arith.constant 200 : i32
      %mul3A_492 = arith.muli %add3A_483, %mul3A_491 : i32
      %add3A_493 = arith.addi %mul3A_490, %mul3A_492 : i32
      %dma_start3A_494 = tpu.memref_slice %arg6[%add3A_493] : memref<819200xi32, #tpu.memory_space<hbm>> -> memref<200xi32, #tpu.memory_space<hbm>>
      %dma_start3A_495 = tpu.memref_slice %arg6[%add3A_493] : memref<819200xi32, #tpu.memory_space<hbm>> -> memref<200xi32, #tpu.memory_space<hbm>>
      tpu.enqueue_dma source(%dma_start3A_495 : memref<200xi32, #tpu.memory_space<hbm>>) target(%arg21 : memref<200xi32, #tpu.memory_space<vmem>>) target_semaphore(%arg42 : memref<!tpu.dma_semaphore, #tpu.memory_space<semaphore_mem>>)
      %dma_start3A_496 = tpu.memref_slice %arg7[%add3A_493] : memref<819200xi32, #tpu.memory_space<hbm>> -> memref<200xi32, #tpu.memory_space<hbm>>
      %dma_start3A_497 = tpu.memref_slice %arg7[%add3A_493] : memref<819200xi32, #tpu.memory_space<hbm>> -> memref<200xi32, #tpu.memory_space<hbm>>
      tpu.enqueue_dma source(%dma_start3A_497 : memref<200xi32, #tpu.memory_space<hbm>>) target(%arg25 : memref<200xi32, #tpu.memory_space<vmem>>) target_semaphore(%arg42 : memref<!tpu.dma_semaphore, #tpu.memory_space<semaphore_mem>>)
      %dma_wait3A_498 = tpu.memref_slice %arg6[%add3A_493] : memref<819200xi32, #tpu.memory_space<hbm>> -> memref<200xi32, #tpu.memory_space<hbm>>
      %dma_wait3A_499 = tpu.memref_slice %arg6[%add3A_493] : memref<819200xi32, #tpu.memory_space<hbm>> -> memref<200xi32, #tpu.memory_space<hbm>>
      tpu.wait_dma2 semaphore(%arg42 : memref<!tpu.dma_semaphore, #tpu.memory_space<semaphore_mem>>) src(%dma_wait3A_499 : memref<200xi32, #tpu.memory_space<hbm>>) dst(%arg21 : memref<200xi32, #tpu.memory_space<vmem>>)
      %dma_wait3A_500 = tpu.memref_slice %arg7[%add3A_493] : memref<819200xi32, #tpu.memory_space<hbm>> -> memref<200xi32, #tpu.memory_space<hbm>>
      %dma_wait3A_501 = tpu.memref_slice %arg7[%add3A_493] : memref<819200xi32, #tpu.memory_space<hbm>> -> memref<200xi32, #tpu.memory_space<hbm>>
      tpu.wait_dma2 semaphore(%arg42 : memref<!tpu.dma_semaphore, #tpu.memory_space<semaphore_mem>>) src(%dma_wait3A_501 : memref<200xi32, #tpu.memory_space<hbm>>) dst(%arg25 : memref<200xi32, #tpu.memory_space<vmem>>)
      %dma_start3A_502 = arith.constant 0 : i32
      %dma_start3A_503 = arith.constant 0 : i32
      %dma_start3A_504 = tpu.memref_slice %arg10[%dma_start3A_502, %dma_start3A_503] : memref<50176x32xf32, #tpu.memory_space<hbm>> -> memref<50176x32xf32, #tpu.memory_space<hbm>>
      tpu.enqueue_indirect_dma source(%dma_start3A_504 : memref<50176x32xf32, #tpu.memory_space<hbm>>) target(%arg29 : memref<200x32xf32, #tpu.memory_space<vmem>>) offsets(%arg21 : memref<200xi32, #tpu.memory_space<vmem>>) semaphore(%arg36 : memref<!tpu.dma_semaphore, #tpu.memory_space<semaphore_mem>>)
      %dma_wait3A_505 = arith.constant 0 : i32
      %dma_wait3A_506 = arith.constant 0 : i32
      %dma_wait3A_507 = tpu.memref_slice %arg10[%dma_wait3A_505, %dma_wait3A_506] : memref<50176x32xf32, #tpu.memory_space<hbm>> -> memref<50176x32xf32, #tpu.memory_space<hbm>>
      tpu.wait_indirect_dma semaphore(%arg37 : memref<!tpu.dma_semaphore, #tpu.memory_space<semaphore_mem>>) src(%dma_wait3A_507 : memref<50176x32xf32, #tpu.memory_space<hbm>>) dst(%arg30 : memref<200x32xf32, #tpu.memory_space<vmem>>)
      %dma_start3A_508 = arith.constant 0 : i32
      %dma_start3A_509 = arith.constant 0 : i32
      %dma_start3A_510 = tpu.memref_slice %arg32[%dma_start3A_508, %dma_start3A_509] : memref<50176x32xf32, #tpu.memory_space<vmem_shared>> -> memref<50176x32xf32, #tpu.memory_space<vmem_shared>>
      tpu.enqueue_indirect_dma source(%arg30 : memref<200x32xf32, #tpu.memory_space<vmem>>) target(%dma_start3A_510 : memref<50176x32xf32, #tpu.memory_space<vmem_shared>>) offsets(%arg26 : memref<200xi32, #tpu.memory_space<vmem>>) semaphore(%arg41 : memref<!tpu.dma_semaphore, #tpu.memory_space<semaphore_mem>>) {add = true}
      %dma_start3A_511 = arith.constant 0 : i32
      %dma_start3A_512 = tpu.memref_slice %arg33[%dma_start3A_511] : memref<50176xf32, #tpu.memory_space<vmem_shared>> -> memref<50176xf32, #tpu.memory_space<vmem_shared>>
      tpu.enqueue_indirect_dma source(%arg31 : memref<200xf32, #tpu.memory_space<vmem>>) target(%dma_start3A_512 : memref<50176xf32, #tpu.memory_space<vmem_shared>>) offsets(%arg26 : memref<200xi32, #tpu.memory_space<vmem>>) semaphore(%arg41 : memref<!tpu.dma_semaphore, #tpu.memory_space<semaphore_mem>>) {add = true}
      %mul3A_513 = arith.constant 4 : i32
      %mul3A_514 = arith.muli %scan3A_407, %mul3A_513 : i32
      %add3A_515 = arith.constant 4 : i32
      %add3A_516 = arith.addi %add3A_515, %mul3A_514 : i32
      %add3A_517 = arith.constant 3 : i32
      %add3A_518 = arith.addi %add3A_516, %add3A_517 : i32
      %dma_wait3A_519 = arith.constant 0 : i32
      %dma_wait3A_520 = arith.constant 0 : i32
      %dma_wait3A_521 = tpu.memref_slice %arg32[%dma_wait3A_519, %dma_wait3A_520] : memref<50176x32xf32, #tpu.memory_space<vmem_shared>> -> memref<50176x32xf32, #tpu.memory_space<vmem_shared>>
      tpu.wait_indirect_dma semaphore(%arg41 : memref<!tpu.dma_semaphore, #tpu.memory_space<semaphore_mem>>) src(%arg30 : memref<200x32xf32, #tpu.memory_space<vmem>>) dst(%dma_wait3A_521 : memref<50176x32xf32, #tpu.memory_space<vmem_shared>>)
      %dma_wait3A_522 = arith.constant 0 : i32
      %dma_wait3A_523 = tpu.memref_slice %arg33[%dma_wait3A_522] : memref<50176xf32, #tpu.memory_space<vmem_shared>> -> memref<50176xf32, #tpu.memory_space<vmem_shared>>
      tpu.wait_indirect_dma semaphore(%arg41 : memref<!tpu.dma_semaphore, #tpu.memory_space<semaphore_mem>>) src(%arg31 : memref<200xf32, #tpu.memory_space<vmem>>) dst(%dma_wait3A_523 : memref<50176xf32, #tpu.memory_space<vmem_shared>>)
      %mul3A_524 = arith.constant 25600 : i32
      %mul3A_525 = arith.muli %add3A, %mul3A_524 : i32
      %mul3A_526 = arith.constant 200 : i32
      %mul3A_527 = arith.muli %add3A_518, %mul3A_526 : i32
      %add3A_528 = arith.addi %mul3A_525, %mul3A_527 : i32
      %dma_start3A_529 = tpu.memref_slice %arg6[%add3A_528] : memref<819200xi32, #tpu.memory_space<hbm>> -> memref<200xi32, #tpu.memory_space<hbm>>
      %dma_start3A_530 = tpu.memref_slice %arg6[%add3A_528] : memref<819200xi32, #tpu.memory_space<hbm>> -> memref<200xi32, #tpu.memory_space<hbm>>
      tpu.enqueue_dma source(%dma_start3A_530 : memref<200xi32, #tpu.memory_space<hbm>>) target(%arg22 : memref<200xi32, #tpu.memory_space<vmem>>) target_semaphore(%arg42 : memref<!tpu.dma_semaphore, #tpu.memory_space<semaphore_mem>>)
      %dma_start3A_531 = tpu.memref_slice %arg7[%add3A_528] : memref<819200xi32, #tpu.memory_space<hbm>> -> memref<200xi32, #tpu.memory_space<hbm>>
      %dma_start3A_532 = tpu.memref_slice %arg7[%add3A_528] : memref<819200xi32, #tpu.memory_space<hbm>> -> memref<200xi32, #tpu.memory_space<hbm>>
      tpu.enqueue_dma source(%dma_start3A_532 : memref<200xi32, #tpu.memory_space<hbm>>) target(%arg26 : memref<200xi32, #tpu.memory_space<vmem>>) target_semaphore(%arg42 : memref<!tpu.dma_semaphore, #tpu.memory_space<semaphore_mem>>)
      %dma_wait3A_533 = tpu.memref_slice %arg6[%add3A_528] : memref<819200xi32, #tpu.memory_space<hbm>> -> memref<200xi32, #tpu.memory_space<hbm>>
      %dma_wait3A_534 = tpu.memref_slice %arg6[%add3A_528] : memref<819200xi32, #tpu.memory_space<hbm>> -> memref<200xi32, #tpu.memory_space<hbm>>
      tpu.wait_dma2 semaphore(%arg42 : memref<!tpu.dma_semaphore, #tpu.memory_space<semaphore_mem>>) src(%dma_wait3A_534 : memref<200xi32, #tpu.memory_space<hbm>>) dst(%arg22 : memref<200xi32, #tpu.memory_space<vmem>>)
      %dma_wait3A_535 = tpu.memref_slice %arg7[%add3A_528] : memref<819200xi32, #tpu.memory_space<hbm>> -> memref<200xi32, #tpu.memory_space<hbm>>
      %dma_wait3A_536 = tpu.memref_slice %arg7[%add3A_528] : memref<819200xi32, #tpu.memory_space<hbm>> -> memref<200xi32, #tpu.memory_space<hbm>>
      tpu.wait_dma2 semaphore(%arg42 : memref<!tpu.dma_semaphore, #tpu.memory_space<semaphore_mem>>) src(%dma_wait3A_536 : memref<200xi32, #tpu.memory_space<hbm>>) dst(%arg26 : memref<200xi32, #tpu.memory_space<vmem>>)
      %dma_start3A_537 = arith.constant 0 : i32
      %dma_start3A_538 = arith.constant 0 : i32
      %dma_start3A_539 = tpu.memref_slice %arg10[%dma_start3A_537, %dma_start3A_538] : memref<50176x32xf32, #tpu.memory_space<hbm>> -> memref<50176x32xf32, #tpu.memory_space<hbm>>
      tpu.enqueue_indirect_dma source(%dma_start3A_539 : memref<50176x32xf32, #tpu.memory_space<hbm>>) target(%arg30 : memref<200x32xf32, #tpu.memory_space<vmem>>) offsets(%arg22 : memref<200xi32, #tpu.memory_space<vmem>>) semaphore(%arg37 : memref<!tpu.dma_semaphore, #tpu.memory_space<semaphore_mem>>)
      %dma_wait3A_540 = arith.constant 0 : i32
      %dma_wait3A_541 = arith.constant 0 : i32
      %dma_wait3A_542 = tpu.memref_slice %arg10[%dma_wait3A_540, %dma_wait3A_541] : memref<50176x32xf32, #tpu.memory_space<hbm>> -> memref<50176x32xf32, #tpu.memory_space<hbm>>
      tpu.wait_indirect_dma semaphore(%arg34 : memref<!tpu.dma_semaphore, #tpu.memory_space<semaphore_mem>>) src(%dma_wait3A_542 : memref<50176x32xf32, #tpu.memory_space<hbm>>) dst(%arg27 : memref<200x32xf32, #tpu.memory_space<vmem>>)
      %dma_start3A_543 = arith.constant 0 : i32
      %dma_start3A_544 = arith.constant 0 : i32
      %dma_start3A_545 = tpu.memref_slice %arg32[%dma_start3A_543, %dma_start3A_544] : memref<50176x32xf32, #tpu.memory_space<vmem_shared>> -> memref<50176x32xf32, #tpu.memory_space<vmem_shared>>
      tpu.enqueue_indirect_dma source(%arg27 : memref<200x32xf32, #tpu.memory_space<vmem>>) target(%dma_start3A_545 : memref<50176x32xf32, #tpu.memory_space<vmem_shared>>) offsets(%arg23 : memref<200xi32, #tpu.memory_space<vmem>>) semaphore(%arg38 : memref<!tpu.dma_semaphore, #tpu.memory_space<semaphore_mem>>) {add = true}
      %dma_start3A_546 = arith.constant 0 : i32
      %dma_start3A_547 = tpu.memref_slice %arg33[%dma_start3A_546] : memref<50176xf32, #tpu.memory_space<vmem_shared>> -> memref<50176xf32, #tpu.memory_space<vmem_shared>>
      tpu.enqueue_indirect_dma source(%arg31 : memref<200xf32, #tpu.memory_space<vmem>>) target(%dma_start3A_547 : memref<50176xf32, #tpu.memory_space<vmem_shared>>) offsets(%arg23 : memref<200xi32, #tpu.memory_space<vmem>>) semaphore(%arg38 : memref<!tpu.dma_semaphore, #tpu.memory_space<semaphore_mem>>) {add = true}
    }
    %scan3A_349 = arith.constant 31 : i32
    %dma_wait3A_350 = arith.constant 0 : i32
    %dma_wait3A_351 = arith.constant 0 : i32
    %dma_wait3A_352 = tpu.memref_slice %arg10[%dma_wait3A_350, %dma_wait3A_351] : memref<50176x32xf32, #tpu.memory_space<hbm>> -> memref<50176x32xf32, #tpu.memory_space<hbm>>
    tpu.wait_indirect_dma semaphore(%arg35 : memref<!tpu.dma_semaphore, #tpu.memory_space<semaphore_mem>>) src(%dma_wait3A_352 : memref<50176x32xf32, #tpu.memory_space<hbm>>) dst(%arg28 : memref<200x32xf32, #tpu.memory_space<vmem>>)
    %dma_start3A_353 = arith.constant 0 : i32
    %dma_start3A_354 = arith.constant 0 : i32
    %dma_start3A_355 = tpu.memref_slice %arg32[%dma_start3A_353, %dma_start3A_354] : memref<50176x32xf32, #tpu.memory_space<vmem_shared>> -> memref<50176x32xf32, #tpu.memory_space<vmem_shared>>
    tpu.enqueue_indirect_dma source(%arg28 : memref<200x32xf32, #tpu.memory_space<vmem>>) target(%dma_start3A_355 : memref<50176x32xf32, #tpu.memory_space<vmem_shared>>) offsets(%arg24 : memref<200xi32, #tpu.memory_space<vmem>>) semaphore(%arg39 : memref<!tpu.dma_semaphore, #tpu.memory_space<semaphore_mem>>) {add = true}
    %dma_start3A_356 = arith.constant 0 : i32
    %dma_start3A_357 = tpu.memref_slice %arg33[%dma_start3A_356] : memref<50176xf32, #tpu.memory_space<vmem_shared>> -> memref<50176xf32, #tpu.memory_space<vmem_shared>>
    tpu.enqueue_indirect_dma source(%arg31 : memref<200xf32, #tpu.memory_space<vmem>>) target(%dma_start3A_357 : memref<50176xf32, #tpu.memory_space<vmem_shared>>) offsets(%arg24 : memref<200xi32, #tpu.memory_space<vmem>>) semaphore(%arg39 : memref<!tpu.dma_semaphore, #tpu.memory_space<semaphore_mem>>) {add = true}
    %dma_wait3A_358 = arith.constant 0 : i32
    %dma_wait3A_359 = arith.constant 0 : i32
    %dma_wait3A_360 = tpu.memref_slice %arg10[%dma_wait3A_358, %dma_wait3A_359] : memref<50176x32xf32, #tpu.memory_space<hbm>> -> memref<50176x32xf32, #tpu.memory_space<hbm>>
    tpu.wait_indirect_dma semaphore(%arg36 : memref<!tpu.dma_semaphore, #tpu.memory_space<semaphore_mem>>) src(%dma_wait3A_360 : memref<50176x32xf32, #tpu.memory_space<hbm>>) dst(%arg29 : memref<200x32xf32, #tpu.memory_space<vmem>>)
    %dma_start3A_361 = arith.constant 0 : i32
    %dma_start3A_362 = arith.constant 0 : i32
    %dma_start3A_363 = tpu.memref_slice %arg32[%dma_start3A_361, %dma_start3A_362] : memref<50176x32xf32, #tpu.memory_space<vmem_shared>> -> memref<50176x32xf32, #tpu.memory_space<vmem_shared>>
    tpu.enqueue_indirect_dma source(%arg29 : memref<200x32xf32, #tpu.memory_space<vmem>>) target(%dma_start3A_363 : memref<50176x32xf32, #tpu.memory_space<vmem_shared>>) offsets(%arg25 : memref<200xi32, #tpu.memory_space<vmem>>) semaphore(%arg40 : memref<!tpu.dma_semaphore, #tpu.memory_space<semaphore_mem>>) {add = true}
    %dma_start3A_364 = arith.constant 0 : i32
    %dma_start3A_365 = tpu.memref_slice %arg33[%dma_start3A_364] : memref<50176xf32, #tpu.memory_space<vmem_shared>> -> memref<50176xf32, #tpu.memory_space<vmem_shared>>
    tpu.enqueue_indirect_dma source(%arg31 : memref<200xf32, #tpu.memory_space<vmem>>) target(%dma_start3A_365 : memref<50176xf32, #tpu.memory_space<vmem_shared>>) offsets(%arg25 : memref<200xi32, #tpu.memory_space<vmem>>) semaphore(%arg40 : memref<!tpu.dma_semaphore, #tpu.memory_space<semaphore_mem>>) {add = true}
    %dma_wait3A_366 = arith.constant 0 : i32
    %dma_wait3A_367 = arith.constant 0 : i32
    %dma_wait3A_368 = tpu.memref_slice %arg10[%dma_wait3A_366, %dma_wait3A_367] : memref<50176x32xf32, #tpu.memory_space<hbm>> -> memref<50176x32xf32, #tpu.memory_space<hbm>>
    tpu.wait_indirect_dma semaphore(%arg37 : memref<!tpu.dma_semaphore, #tpu.memory_space<semaphore_mem>>) src(%dma_wait3A_368 : memref<50176x32xf32, #tpu.memory_space<hbm>>) dst(%arg30 : memref<200x32xf32, #tpu.memory_space<vmem>>)
    %dma_start3A_369 = arith.constant 0 : i32
    %dma_start3A_370 = arith.constant 0 : i32
    %dma_start3A_371 = tpu.memref_slice %arg32[%dma_start3A_369, %dma_start3A_370] : memref<50176x32xf32, #tpu.memory_space<vmem_shared>> -> memref<50176x32xf32, #tpu.memory_space<vmem_shared>>
    tpu.enqueue_indirect_dma source(%arg30 : memref<200x32xf32, #tpu.memory_space<vmem>>) target(%dma_start3A_371 : memref<50176x32xf32, #tpu.memory_space<vmem_shared>>) offsets(%arg26 : memref<200xi32, #tpu.memory_space<vmem>>) semaphore(%arg41 : memref<!tpu.dma_semaphore, #tpu.memory_space<semaphore_mem>>) {add = true}
    %dma_start3A_372 = arith.constant 0 : i32
    %dma_start3A_373 = tpu.memref_slice %arg33[%dma_start3A_372] : memref<50176xf32, #tpu.memory_space<vmem_shared>> -> memref<50176xf32, #tpu.memory_space<vmem_shared>>
    tpu.enqueue_indirect_dma source(%arg31 : memref<200xf32, #tpu.memory_space<vmem>>) target(%dma_start3A_373 : memref<50176xf32, #tpu.memory_space<vmem_shared>>) offsets(%arg26 : memref<200xi32, #tpu.memory_space<vmem>>) semaphore(%arg41 : memref<!tpu.dma_semaphore, #tpu.memory_space<semaphore_mem>>) {add = true}
    %dma_wait3A_374 = arith.constant 0 : i32
    %dma_wait3A_375 = arith.constant 0 : i32
    %dma_wait3A_376 = tpu.memref_slice %arg32[%dma_wait3A_374, %dma_wait3A_375] : memref<50176x32xf32, #tpu.memory_space<vmem_shared>> -> memref<50176x32xf32, #tpu.memory_space<vmem_shared>>
    tpu.wait_indirect_dma semaphore(%arg38 : memref<!tpu.dma_semaphore, #tpu.memory_space<semaphore_mem>>) src(%arg27 : memref<200x32xf32, #tpu.memory_space<vmem>>) dst(%dma_wait3A_376 : memref<50176x32xf32, #tpu.memory_space<vmem_shared>>)
    %dma_wait3A_377 = arith.constant 0 : i32
    %dma_wait3A_378 = tpu.memref_slice %arg33[%dma_wait3A_377] : memref<50176xf32, #tpu.memory_space<vmem_shared>> -> memref<50176xf32, #tpu.memory_space<vmem_shared>>
    tpu.wait_indirect_dma semaphore(%arg38 : memref<!tpu.dma_semaphore, #tpu.memory_space<semaphore_mem>>) src(%arg31 : memref<200xf32, #tpu.memory_space<vmem>>) dst(%dma_wait3A_378 : memref<50176xf32, #tpu.memory_space<vmem_shared>>)
    %dma_wait3A_379 = arith.constant 0 : i32
    %dma_wait3A_380 = arith.constant 0 : i32
    %dma_wait3A_381 = tpu.memref_slice %arg32[%dma_wait3A_379, %dma_wait3A_380] : memref<50176x32xf32, #tpu.memory_space<vmem_shared>> -> memref<50176x32xf32, #tpu.memory_space<vmem_shared>>
    tpu.wait_indirect_dma semaphore(%arg39 : memref<!tpu.dma_semaphore, #tpu.memory_space<semaphore_mem>>) src(%arg28 : memref<200x32xf32, #tpu.memory_space<vmem>>) dst(%dma_wait3A_381 : memref<50176x32xf32, #tpu.memory_space<vmem_shared>>)
    %dma_wait3A_382 = arith.constant 0 : i32
    %dma_wait3A_383 = tpu.memref_slice %arg33[%dma_wait3A_382] : memref<50176xf32, #tpu.memory_space<vmem_shared>> -> memref<50176xf32, #tpu.memory_space<vmem_shared>>
    tpu.wait_indirect_dma semaphore(%arg39 : memref<!tpu.dma_semaphore, #tpu.memory_space<semaphore_mem>>) src(%arg31 : memref<200xf32, #tpu.memory_space<vmem>>) dst(%dma_wait3A_383 : memref<50176xf32, #tpu.memory_space<vmem_shared>>)
    %dma_wait3A_384 = arith.constant 0 : i32
    %dma_wait3A_385 = arith.constant 0 : i32
    %dma_wait3A_386 = tpu.memref_slice %arg32[%dma_wait3A_384, %dma_wait3A_385] : memref<50176x32xf32, #tpu.memory_space<vmem_shared>> -> memref<50176x32xf32, #tpu.memory_space<vmem_shared>>
    tpu.wait_indirect_dma semaphore(%arg40 : memref<!tpu.dma_semaphore, #tpu.memory_space<semaphore_mem>>) src(%arg29 : memref<200x32xf32, #tpu.memory_space<vmem>>) dst(%dma_wait3A_386 : memref<50176x32xf32, #tpu.memory_space<vmem_shared>>)
    %dma_wait3A_387 = arith.constant 0 : i32
    %dma_wait3A_388 = tpu.memref_slice %arg33[%dma_wait3A_387] : memref<50176xf32, #tpu.memory_space<vmem_shared>> -> memref<50176xf32, #tpu.memory_space<vmem_shared>>
    tpu.wait_indirect_dma semaphore(%arg40 : memref<!tpu.dma_semaphore, #tpu.memory_space<semaphore_mem>>) src(%arg31 : memref<200xf32, #tpu.memory_space<vmem>>) dst(%dma_wait3A_388 : memref<50176xf32, #tpu.memory_space<vmem_shared>>)
    %dma_wait3A_389 = arith.constant 0 : i32
    %dma_wait3A_390 = arith.constant 0 : i32
    %dma_wait3A_391 = tpu.memref_slice %arg32[%dma_wait3A_389, %dma_wait3A_390] : memref<50176x32xf32, #tpu.memory_space<vmem_shared>> -> memref<50176x32xf32, #tpu.memory_space<vmem_shared>>
    tpu.wait_indirect_dma semaphore(%arg41 : memref<!tpu.dma_semaphore, #tpu.memory_space<semaphore_mem>>) src(%arg30 : memref<200x32xf32, #tpu.memory_space<vmem>>) dst(%dma_wait3A_391 : memref<50176x32xf32, #tpu.memory_space<vmem_shared>>)
    %dma_wait3A_392 = arith.constant 0 : i32
    %dma_wait3A_393 = tpu.memref_slice %arg33[%dma_wait3A_392] : memref<50176xf32, #tpu.memory_space<vmem_shared>> -> memref<50176xf32, #tpu.memory_space<vmem_shared>>
    tpu.wait_indirect_dma semaphore(%arg41 : memref<!tpu.dma_semaphore, #tpu.memory_space<semaphore_mem>>) src(%arg31 : memref<200xf32, #tpu.memory_space<vmem>>) dst(%dma_wait3A_393 : memref<50176xf32, #tpu.memory_space<vmem_shared>>)
    %barrier3A_394 = arith.constant 0 : index
    tpu.barrier barrier_id(%barrier3A_394)
    %mul3A_395 = arith.constant 3136 : i32
    %mul3A_396 = arith.muli %arg1, %mul3A_395 : i32
    %mul3A_397 = arith.constant 3136 : i32
    %mul3A_398 = arith.muli %arg1, %mul3A_397 : i32
    "tpu.region"() ({
      %run_scoped3A = tpu.sem_alloc : memref<!tpu.dma_semaphore, #tpu.memory_space<semaphore_mem>>
      %dma_start3A_407 = arith.constant 0 : i32
      %dma_start3A_408 = tpu.memref_slice %arg15[%arg0, %mul3A_398, %dma_start3A_407] : memref<2x50176x32xf32, #tpu.memory_space<hbm>> -> memref<1x3136x32xf32, #tpu.memory_space<hbm>>
      %dma_start3A_409 = tpu.memref_squeeze %dma_start3A_408 : memref<1x3136x32xf32, #tpu.memory_space<hbm>> -> memref<3136x32xf32, #tpu.memory_space<hbm>>
      %dma_start3A_410 = arith.constant 0 : i32
      %dma_start3A_411 = tpu.memref_slice %arg32[%mul3A_396, %dma_start3A_410] : memref<50176x32xf32, #tpu.memory_space<vmem_shared>> -> memref<3136x32xf32, #tpu.memory_space<vmem_shared>>
      tpu.enqueue_dma source(%dma_start3A_411 : memref<3136x32xf32, #tpu.memory_space<vmem_shared>>) target(%dma_start3A_409 : memref<3136x32xf32, #tpu.memory_space<hbm>>) target_semaphore(%run_scoped3A : memref<!tpu.dma_semaphore, #tpu.memory_space<semaphore_mem>>)
      %dma_wait3A_412 = arith.constant 0 : i32
      %dma_wait3A_413 = tpu.memref_slice %arg15[%arg0, %mul3A_398, %dma_wait3A_412] : memref<2x50176x32xf32, #tpu.memory_space<hbm>> -> memref<1x3136x32xf32, #tpu.memory_space<hbm>>
      %dma_wait3A_414 = tpu.memref_squeeze %dma_wait3A_413 : memref<1x3136x32xf32, #tpu.memory_space<hbm>> -> memref<3136x32xf32, #tpu.memory_space<hbm>>
      %dma_wait3A_415 = arith.constant 0 : i32
      %dma_wait3A_416 = tpu.memref_slice %arg32[%mul3A_396, %dma_wait3A_415] : memref<50176x32xf32, #tpu.memory_space<vmem_shared>> -> memref<3136x32xf32, #tpu.memory_space<vmem_shared>>
      tpu.wait_dma2 semaphore(%run_scoped3A : memref<!tpu.dma_semaphore, #tpu.memory_space<semaphore_mem>>) src(%dma_wait3A_416 : memref<3136x32xf32, #tpu.memory_space<vmem_shared>>) dst(%dma_wait3A_414 : memref<3136x32xf32, #tpu.memory_space<hbm>>)
      tpu.yield
    }) : () -> ()
    %mul3A_399 = arith.constant 3136 : i32
    %mul3A_400 = arith.muli %arg1, %mul3A_399 : i32
    %mul3A_401 = arith.constant 50176 : i32
    %mul3A_402 = arith.muli %arg0, %mul3A_401 : i32
    %mul3A_403 = arith.constant 3136 : i32
    %mul3A_404 = arith.muli %arg1, %mul3A_403 : i32
    %add3A_405 = arith.addi %mul3A_402, %mul3A_404 : i32
    "tpu.region"() ({
      %run_scoped3A = tpu.sem_alloc : memref<!tpu.dma_semaphore, #tpu.memory_space<semaphore_mem>>
      %dma_start3A_407 = tpu.memref_slice %arg18[%add3A_405] : memref<100352xf32, #tpu.memory_space<hbm>> -> memref<3136xf32, #tpu.memory_space<hbm>>
      %dma_start3A_408 = tpu.memref_slice %arg33[%mul3A_400] : memref<50176xf32, #tpu.memory_space<vmem_shared>> -> memref<3136xf32, #tpu.memory_space<vmem_shared>>
      tpu.enqueue_dma source(%dma_start3A_408 : memref<3136xf32, #tpu.memory_space<vmem_shared>>) target(%dma_start3A_407 : memref<3136xf32, #tpu.memory_space<hbm>>) target_semaphore(%run_scoped3A : memref<!tpu.dma_semaphore, #tpu.memory_space<semaphore_mem>>)
      %dma_wait3A_409 = tpu.memref_slice %arg18[%add3A_405] : memref<100352xf32, #tpu.memory_space<hbm>> -> memref<3136xf32, #tpu.memory_space<hbm>>
      %dma_wait3A_410 = tpu.memref_slice %arg33[%mul3A_400] : memref<50176xf32, #tpu.memory_space<vmem_shared>> -> memref<3136xf32, #tpu.memory_space<vmem_shared>>
      tpu.wait_dma2 semaphore(%run_scoped3A : memref<!tpu.dma_semaphore, #tpu.memory_space<semaphore_mem>>) src(%dma_wait3A_410 : memref<3136xf32, #tpu.memory_space<vmem_shared>>) dst(%dma_wait3A_409 : memref<3136xf32, #tpu.memory_space<hbm>>)
      tpu.yield
    }) : () -> ()
    %barrier3A_406 = arith.constant 0 : index
    tpu.barrier barrier_id(%barrier3A_406)
    return
  }
}

#map = affine_map<(d0, d1) -> (0, 0)>
#map1 = affine_map<(d0, d1) -> (0)>
#map2 = affine_map<(d0, d1) -> (0, 0, 0)>
module attributes {stable_mosaic.version = 14 : i64} {
  func.func @_k4(%arg0: i32, %arg1: i32, %arg2: memref<50176x32xf32, #tpu.memory_space<hbm>>, %arg3: memref<50176x32xf32, #tpu.memory_space<hbm>>, %arg4: memref<50176x32xf32, #tpu.memory_space<hbm>>, %arg5: memref<50176xi32, #tpu.memory_space<hbm>>, %arg6: memref<50176xi32, #tpu.memory_space<hbm>>, %arg7: memref<50176xi32, #tpu.memory_space<hbm>>, %arg8: memref<2x1152x32xf32, #tpu.memory_space<hbm>>, %arg9: memref<2x1152x32xf32, #tpu.memory_space<hbm>>, %arg10: memref<2x1152x32xf32, #tpu.memory_space<hbm>>, %arg11: memref<1568xi32, #tpu.memory_space<vmem>>, %arg12: memref<1568x32xf32, #tpu.memory_space<vmem>>, %arg13: memref<72x32xf32, #tpu.memory_space<vmem>>, %arg14: memref<72x32xf32, #tpu.memory_space<vmem>>, %arg15: memref<1152x32xf32, #tpu.memory_space<vmem_shared>>, %arg16: memref<1152x32xf32, #tpu.memory_space<vmem_shared>>, %arg17: memref<1152x32xf32, #tpu.memory_space<vmem_shared>>, %arg18: memref<!tpu.dma_semaphore, #tpu.memory_space<semaphore_mem>>) attributes {dimension_semantics = [#tpu.dimension_semantics<core_parallel>, #tpu.dimension_semantics<subcore_parallel>], iteration_bounds = array<i64: 2, 16>, scalar_prefetch = 0 : i64, scratch_operands = 8 : i64, tpu.core_type = #tpu.core_type<sc_vector_subcore>, window_params = [{transform_indices = #map}, {transform_indices = #map}, {transform_indices = #map}, {transform_indices = #map1}, {transform_indices = #map1}, {transform_indices = #map1}, {transform_indices = #map2}, {transform_indices = #map2}, {transform_indices = #map2}]} {
    %mul3A = arith.constant 2 : i32
    %mul3A_0 = arith.muli %arg1, %mul3A : i32
    %add3A = arith.addi %mul3A_0, %arg0 : i32
    %scan3A = arith.constant 0 : i32
    %scan3A_1 = arith.constant 144 : i32
    %scan3A_2 = arith.addi %scan3A, %scan3A_1 : i32
    %scan3A_3 = arith.constant 1 : i32
    scf.for %scan3A_52 = %scan3A to %scan3A_2 step %scan3A_3  : i32 {
      %jit3A = arith.constant 2 : i32
      %div3A = arith.divsi %scan3A_52, %jit3A : i32
      %sign3A = arith.constant 0 : i32
      %sign3A_53 = arith.cmpi sgt, %scan3A_52, %sign3A : i32
      %sign3A_54 = arith.extui %sign3A_53 : i1 to i32
      %sign3A_55 = arith.constant 0 : i32
      %sign3A_56 = arith.cmpi slt, %scan3A_52, %sign3A_55 : i32
      %sign3A_57 = arith.extui %sign3A_56 : i1 to i32
      %sign3A_58 = arith.subi %sign3A_54, %sign3A_57 : i32
      %sign3A_59 = arith.constant 0 : i32
      %sign3A_60 = arith.cmpi sgt, %jit3A, %sign3A_59 : i32
      %sign3A_61 = arith.extui %sign3A_60 : i1 to i32
      %sign3A_62 = arith.constant 0 : i32
      %sign3A_63 = arith.cmpi slt, %jit3A, %sign3A_62 : i32
      %sign3A_64 = arith.extui %sign3A_63 : i1 to i32
      %sign3A_65 = arith.subi %sign3A_61, %sign3A_64 : i32
      %ne3A = arith.cmpi ne, %sign3A_58, %sign3A_65 : i32
      %rem3A = arith.remsi %scan3A_52, %jit3A : i32
      %ne3A_66 = arith.constant 0 : i32
      %ne3A_67 = arith.cmpi ne, %rem3A, %ne3A_66 : i32
      %and3A = arith.andi %ne3A, %ne3A_67 : i1
      %sub3A = arith.constant 1 : i32
      %sub3A_68 = arith.subi %div3A, %sub3A : i32
      %select_n3A = arith.select %and3A, %sub3A_68, %div3A : i32
      %jit3A_69 = arith.constant 2 : i32
      %eq3A = arith.constant 0 : i32
      %eq3A_70 = arith.cmpi eq, %jit3A_69, %eq3A : i32
      %jit3A_71 = arith.constant 1 : i32
      %select_n3A_72 = arith.select %eq3A_70, %jit3A_71, %jit3A_69 : i32
      %rem3A_73 = arith.remsi %scan3A_52, %select_n3A_72 : i32
      %ne3A_74 = arith.constant 0 : i32
      %ne3A_75 = arith.cmpi ne, %rem3A_73, %ne3A_74 : i32
      %lt3A = arith.constant 0 : i32
      %lt3A_76 = arith.cmpi slt, %rem3A_73, %lt3A : i32
      %lt3A_77 = arith.constant 0 : i32
      %lt3A_78 = arith.cmpi slt, %select_n3A_72, %lt3A_77 : i32
      %ne3A_79 = arith.xori %lt3A_76, %lt3A_78 : i1
      %and3A_80 = arith.andi %ne3A_79, %ne3A_75 : i1
      %add3A_81 = arith.addi %rem3A_73, %select_n3A_72 : i32
      %select_n3A_82 = arith.select %and3A_80, %add3A_81, %rem3A_73 : i32
      %mul3A_83 = arith.constant 16 : i32
      %mul3A_84 = arith.muli %select_n3A_82, %mul3A_83 : i32
      %broadcast_in_dim3A = arith.constant 0.000000e+00 : f32
      %broadcast_in_dim3A_85 = vector.broadcast %broadcast_in_dim3A : f32 to vector<16xf32>
      %swap3A = arith.index_cast %select_n3A : i32 to index
      %swap3A_86 = arith.index_cast %mul3A_84 : i32 to index
      %swap3A_87 = tpu.vector_load %arg13[%swap3A, %swap3A_86] {strides = array<i32>} : memref<72x32xf32, #tpu.memory_space<vmem>>, vector<1x16xf32>,
      %swap3A_88 = vector.shape_cast %swap3A_87 : vector<1x16xf32> to vector<16xf32>
      %swap3A_89 = vector.shape_cast %broadcast_in_dim3A_85 : vector<16xf32> to vector<1x16xf32>
      tpu.vector_store %arg13[%swap3A, %swap3A_86], %swap3A_89 {strides = array<i32>} : memref<72x32xf32, #tpu.memory_space<vmem>>, vector<1x16xf32>,
    }
    %scan3A_4 = arith.constant 144 : i32
    %mul3A_5 = arith.constant 72 : i32
    %mul3A_6 = arith.muli %arg1, %mul3A_5 : i32
    "tpu.region"() ({
      %run_scoped3A = tpu.sem_alloc : memref<!tpu.dma_semaphore, #tpu.memory_space<semaphore_mem>>
      %dma_start3A_52 = arith.constant 0 : i32
      %dma_start3A_53 = tpu.memref_slice %arg15[%mul3A_6, %dma_start3A_52] : memref<1152x32xf32, #tpu.memory_space<vmem_shared>> -> memref<72x32xf32, #tpu.memory_space<vmem_shared>>
      %dma_start3A_54 = arith.constant 0 : i32
      %dma_start3A_55 = tpu.memref_slice %arg15[%mul3A_6, %dma_start3A_54] : memref<1152x32xf32, #tpu.memory_space<vmem_shared>> -> memref<72x32xf32, #tpu.memory_space<vmem_shared>>
      tpu.enqueue_dma source(%arg13 : memref<72x32xf32, #tpu.memory_space<vmem>>) target(%dma_start3A_55 : memref<72x32xf32, #tpu.memory_space<vmem_shared>>) target_semaphore(%run_scoped3A : memref<!tpu.dma_semaphore, #tpu.memory_space<semaphore_mem>>)
      %dma_wait3A_56 = arith.constant 0 : i32
      %dma_wait3A_57 = tpu.memref_slice %arg15[%mul3A_6, %dma_wait3A_56] : memref<1152x32xf32, #tpu.memory_space<vmem_shared>> -> memref<72x32xf32, #tpu.memory_space<vmem_shared>>
      %dma_wait3A_58 = arith.constant 0 : i32
      %dma_wait3A_59 = tpu.memref_slice %arg15[%mul3A_6, %dma_wait3A_58] : memref<1152x32xf32, #tpu.memory_space<vmem_shared>> -> memref<72x32xf32, #tpu.memory_space<vmem_shared>>
      tpu.wait_dma2 semaphore(%run_scoped3A : memref<!tpu.dma_semaphore, #tpu.memory_space<semaphore_mem>>) src(%arg13 : memref<72x32xf32, #tpu.memory_space<vmem>>) dst(%dma_wait3A_59 : memref<72x32xf32, #tpu.memory_space<vmem_shared>>)
      tpu.yield
    }) : () -> ()
    %mul3A_7 = arith.constant 72 : i32
    %mul3A_8 = arith.muli %arg1, %mul3A_7 : i32
    "tpu.region"() ({
      %run_scoped3A = tpu.sem_alloc : memref<!tpu.dma_semaphore, #tpu.memory_space<semaphore_mem>>
      %dma_start3A_52 = arith.constant 0 : i32
      %dma_start3A_53 = tpu.memref_slice %arg16[%mul3A_8, %dma_start3A_52] : memref<1152x32xf32, #tpu.memory_space<vmem_shared>> -> memref<72x32xf32, #tpu.memory_space<vmem_shared>>
      %dma_start3A_54 = arith.constant 0 : i32
      %dma_start3A_55 = tpu.memref_slice %arg16[%mul3A_8, %dma_start3A_54] : memref<1152x32xf32, #tpu.memory_space<vmem_shared>> -> memref<72x32xf32, #tpu.memory_space<vmem_shared>>
      tpu.enqueue_dma source(%arg13 : memref<72x32xf32, #tpu.memory_space<vmem>>) target(%dma_start3A_55 : memref<72x32xf32, #tpu.memory_space<vmem_shared>>) target_semaphore(%run_scoped3A : memref<!tpu.dma_semaphore, #tpu.memory_space<semaphore_mem>>)
      %dma_wait3A_56 = arith.constant 0 : i32
      %dma_wait3A_57 = tpu.memref_slice %arg16[%mul3A_8, %dma_wait3A_56] : memref<1152x32xf32, #tpu.memory_space<vmem_shared>> -> memref<72x32xf32, #tpu.memory_space<vmem_shared>>
      %dma_wait3A_58 = arith.constant 0 : i32
      %dma_wait3A_59 = tpu.memref_slice %arg16[%mul3A_8, %dma_wait3A_58] : memref<1152x32xf32, #tpu.memory_space<vmem_shared>> -> memref<72x32xf32, #tpu.memory_space<vmem_shared>>
      tpu.wait_dma2 semaphore(%run_scoped3A : memref<!tpu.dma_semaphore, #tpu.memory_space<semaphore_mem>>) src(%arg13 : memref<72x32xf32, #tpu.memory_space<vmem>>) dst(%dma_wait3A_59 : memref<72x32xf32, #tpu.memory_space<vmem_shared>>)
      tpu.yield
    }) : () -> ()
    %mul3A_9 = arith.constant 72 : i32
    %mul3A_10 = arith.muli %arg1, %mul3A_9 : i32
    "tpu.region"() ({
      %run_scoped3A = tpu.sem_alloc : memref<!tpu.dma_semaphore, #tpu.memory_space<semaphore_mem>>
      %dma_start3A_52 = arith.constant 0 : i32
      %dma_start3A_53 = tpu.memref_slice %arg17[%mul3A_10, %dma_start3A_52] : memref<1152x32xf32, #tpu.memory_space<vmem_shared>> -> memref<72x32xf32, #tpu.memory_space<vmem_shared>>
      %dma_start3A_54 = arith.constant 0 : i32
      %dma_start3A_55 = tpu.memref_slice %arg17[%mul3A_10, %dma_start3A_54] : memref<1152x32xf32, #tpu.memory_space<vmem_shared>> -> memref<72x32xf32, #tpu.memory_space<vmem_shared>>
      tpu.enqueue_dma source(%arg13 : memref<72x32xf32, #tpu.memory_space<vmem>>) target(%dma_start3A_55 : memref<72x32xf32, #tpu.memory_space<vmem_shared>>) target_semaphore(%run_scoped3A : memref<!tpu.dma_semaphore, #tpu.memory_space<semaphore_mem>>)
      %dma_wait3A_56 = arith.constant 0 : i32
      %dma_wait3A_57 = tpu.memref_slice %arg17[%mul3A_10, %dma_wait3A_56] : memref<1152x32xf32, #tpu.memory_space<vmem_shared>> -> memref<72x32xf32, #tpu.memory_space<vmem_shared>>
      %dma_wait3A_58 = arith.constant 0 : i32
      %dma_wait3A_59 = tpu.memref_slice %arg17[%mul3A_10, %dma_wait3A_58] : memref<1152x32xf32, #tpu.memory_space<vmem_shared>> -> memref<72x32xf32, #tpu.memory_space<vmem_shared>>
      tpu.wait_dma2 semaphore(%run_scoped3A : memref<!tpu.dma_semaphore, #tpu.memory_space<semaphore_mem>>) src(%arg13 : memref<72x32xf32, #tpu.memory_space<vmem>>) dst(%dma_wait3A_59 : memref<72x32xf32, #tpu.memory_space<vmem_shared>>)
      tpu.yield
    }) : () -> ()
    %barrier3A = arith.constant 0 : index
    tpu.barrier barrier_id(%barrier3A)
    %mul3A_11 = arith.constant 1568 : i32
    %mul3A_12 = arith.muli %add3A, %mul3A_11 : i32
    "tpu.region"() ({
      %run_scoped3A = tpu.sem_alloc : memref<!tpu.dma_semaphore, #tpu.memory_space<semaphore_mem>>
      %dma_start3A_52 = tpu.memref_slice %arg5[%mul3A_12] : memref<50176xi32, #tpu.memory_space<hbm>> -> memref<1568xi32, #tpu.memory_space<hbm>>
      %dma_start3A_53 = tpu.memref_slice %arg5[%mul3A_12] : memref<50176xi32, #tpu.memory_space<hbm>> -> memref<1568xi32, #tpu.memory_space<hbm>>
      tpu.enqueue_dma source(%dma_start3A_53 : memref<1568xi32, #tpu.memory_space<hbm>>) target(%arg11 : memref<1568xi32, #tpu.memory_space<vmem>>) target_semaphore(%run_scoped3A : memref<!tpu.dma_semaphore, #tpu.memory_space<semaphore_mem>>)
      %dma_wait3A_54 = tpu.memref_slice %arg5[%mul3A_12] : memref<50176xi32, #tpu.memory_space<hbm>> -> memref<1568xi32, #tpu.memory_space<hbm>>
      %dma_wait3A_55 = tpu.memref_slice %arg5[%mul3A_12] : memref<50176xi32, #tpu.memory_space<hbm>> -> memref<1568xi32, #tpu.memory_space<hbm>>
      tpu.wait_dma2 semaphore(%run_scoped3A : memref<!tpu.dma_semaphore, #tpu.memory_space<semaphore_mem>>) src(%dma_wait3A_55 : memref<1568xi32, #tpu.memory_space<hbm>>) dst(%arg11 : memref<1568xi32, #tpu.memory_space<vmem>>)
      tpu.yield
    }) : () -> ()
    %mul3A_13 = arith.constant 1568 : i32
    %mul3A_14 = arith.muli %add3A, %mul3A_13 : i32
    "tpu.region"() ({
      %run_scoped3A = tpu.sem_alloc : memref<!tpu.dma_semaphore, #tpu.memory_space<semaphore_mem>>
      %dma_start3A_52 = arith.constant 0 : i32
      %dma_start3A_53 = tpu.memref_slice %arg2[%mul3A_14, %dma_start3A_52] : memref<50176x32xf32, #tpu.memory_space<hbm>> -> memref<1568x32xf32, #tpu.memory_space<hbm>>
      %dma_start3A_54 = arith.constant 0 : i32
      %dma_start3A_55 = tpu.memref_slice %arg2[%mul3A_14, %dma_start3A_54] : memref<50176x32xf32, #tpu.memory_space<hbm>> -> memref<1568x32xf32, #tpu.memory_space<hbm>>
      tpu.enqueue_dma source(%dma_start3A_55 : memref<1568x32xf32, #tpu.memory_space<hbm>>) target(%arg12 : memref<1568x32xf32, #tpu.memory_space<vmem>>) target_semaphore(%run_scoped3A : memref<!tpu.dma_semaphore, #tpu.memory_space<semaphore_mem>>)
      %dma_wait3A_56 = arith.constant 0 : i32
      %dma_wait3A_57 = tpu.memref_slice %arg2[%mul3A_14, %dma_wait3A_56] : memref<50176x32xf32, #tpu.memory_space<hbm>> -> memref<1568x32xf32, #tpu.memory_space<hbm>>
      %dma_wait3A_58 = arith.constant 0 : i32
      %dma_wait3A_59 = tpu.memref_slice %arg2[%mul3A_14, %dma_wait3A_58] : memref<50176x32xf32, #tpu.memory_space<hbm>> -> memref<1568x32xf32, #tpu.memory_space<hbm>>
      tpu.wait_dma2 semaphore(%run_scoped3A : memref<!tpu.dma_semaphore, #tpu.memory_space<semaphore_mem>>) src(%dma_wait3A_59 : memref<1568x32xf32, #tpu.memory_space<hbm>>) dst(%arg12 : memref<1568x32xf32, #tpu.memory_space<vmem>>)
      tpu.yield
    }) : () -> ()
    %dma_start3A = arith.constant 0 : i32
    %dma_start3A_15 = arith.constant 0 : i32
    %dma_start3A_16 = tpu.memref_slice %arg15[%dma_start3A, %dma_start3A_15] : memref<1152x32xf32, #tpu.memory_space<vmem_shared>> -> memref<1152x32xf32, #tpu.memory_space<vmem_shared>>
    tpu.enqueue_indirect_dma source(%arg12 : memref<1568x32xf32, #tpu.memory_space<vmem>>) target(%dma_start3A_16 : memref<1152x32xf32, #tpu.memory_space<vmem_shared>>) offsets(%arg11 : memref<1568xi32, #tpu.memory_space<vmem>>) semaphore(%arg18 : memref<!tpu.dma_semaphore, #tpu.memory_space<semaphore_mem>>) {add = true}
    %dma_wait3A = arith.constant 0 : i32
    %dma_wait3A_17 = arith.constant 0 : i32
    %dma_wait3A_18 = tpu.memref_slice %arg15[%dma_wait3A, %dma_wait3A_17] : memref<1152x32xf32, #tpu.memory_space<vmem_shared>> -> memref<1152x32xf32, #tpu.memory_space<vmem_shared>>
    tpu.wait_indirect_dma semaphore(%arg18 : memref<!tpu.dma_semaphore, #tpu.memory_space<semaphore_mem>>) src(%arg12 : memref<1568x32xf32, #tpu.memory_space<vmem>>) dst(%dma_wait3A_18 : memref<1152x32xf32, #tpu.memory_space<vmem_shared>>)
    %mul3A_19 = arith.constant 1568 : i32
    %mul3A_20 = arith.muli %add3A, %mul3A_19 : i32
    "tpu.region"() ({
      %run_scoped3A = tpu.sem_alloc : memref<!tpu.dma_semaphore, #tpu.memory_space<semaphore_mem>>
      %dma_start3A_52 = tpu.memref_slice %arg6[%mul3A_20] : memref<50176xi32, #tpu.memory_space<hbm>> -> memref<1568xi32, #tpu.memory_space<hbm>>
      %dma_start3A_53 = tpu.memref_slice %arg6[%mul3A_20] : memref<50176xi32, #tpu.memory_space<hbm>> -> memref<1568xi32, #tpu.memory_space<hbm>>
      tpu.enqueue_dma source(%dma_start3A_53 : memref<1568xi32, #tpu.memory_space<hbm>>) target(%arg11 : memref<1568xi32, #tpu.memory_space<vmem>>) target_semaphore(%run_scoped3A : memref<!tpu.dma_semaphore, #tpu.memory_space<semaphore_mem>>)
      %dma_wait3A_54 = tpu.memref_slice %arg6[%mul3A_20] : memref<50176xi32, #tpu.memory_space<hbm>> -> memref<1568xi32, #tpu.memory_space<hbm>>
      %dma_wait3A_55 = tpu.memref_slice %arg6[%mul3A_20] : memref<50176xi32, #tpu.memory_space<hbm>> -> memref<1568xi32, #tpu.memory_space<hbm>>
      tpu.wait_dma2 semaphore(%run_scoped3A : memref<!tpu.dma_semaphore, #tpu.memory_space<semaphore_mem>>) src(%dma_wait3A_55 : memref<1568xi32, #tpu.memory_space<hbm>>) dst(%arg11 : memref<1568xi32, #tpu.memory_space<vmem>>)
      tpu.yield
    }) : () -> ()
    %mul3A_21 = arith.constant 1568 : i32
    %mul3A_22 = arith.muli %add3A, %mul3A_21 : i32
    "tpu.region"() ({
      %run_scoped3A = tpu.sem_alloc : memref<!tpu.dma_semaphore, #tpu.memory_space<semaphore_mem>>
      %dma_start3A_52 = arith.constant 0 : i32
      %dma_start3A_53 = tpu.memref_slice %arg3[%mul3A_22, %dma_start3A_52] : memref<50176x32xf32, #tpu.memory_space<hbm>> -> memref<1568x32xf32, #tpu.memory_space<hbm>>
      %dma_start3A_54 = arith.constant 0 : i32
      %dma_start3A_55 = tpu.memref_slice %arg3[%mul3A_22, %dma_start3A_54] : memref<50176x32xf32, #tpu.memory_space<hbm>> -> memref<1568x32xf32, #tpu.memory_space<hbm>>
      tpu.enqueue_dma source(%dma_start3A_55 : memref<1568x32xf32, #tpu.memory_space<hbm>>) target(%arg12 : memref<1568x32xf32, #tpu.memory_space<vmem>>) target_semaphore(%run_scoped3A : memref<!tpu.dma_semaphore, #tpu.memory_space<semaphore_mem>>)
      %dma_wait3A_56 = arith.constant 0 : i32
      %dma_wait3A_57 = tpu.memref_slice %arg3[%mul3A_22, %dma_wait3A_56] : memref<50176x32xf32, #tpu.memory_space<hbm>> -> memref<1568x32xf32, #tpu.memory_space<hbm>>
      %dma_wait3A_58 = arith.constant 0 : i32
      %dma_wait3A_59 = tpu.memref_slice %arg3[%mul3A_22, %dma_wait3A_58] : memref<50176x32xf32, #tpu.memory_space<hbm>> -> memref<1568x32xf32, #tpu.memory_space<hbm>>
      tpu.wait_dma2 semaphore(%run_scoped3A : memref<!tpu.dma_semaphore, #tpu.memory_space<semaphore_mem>>) src(%dma_wait3A_59 : memref<1568x32xf32, #tpu.memory_space<hbm>>) dst(%arg12 : memref<1568x32xf32, #tpu.memory_space<vmem>>)
      tpu.yield
    }) : () -> ()
    %dma_start3A_23 = arith.constant 0 : i32
    %dma_start3A_24 = arith.constant 0 : i32
    %dma_start3A_25 = tpu.memref_slice %arg16[%dma_start3A_23, %dma_start3A_24] : memref<1152x32xf32, #tpu.memory_space<vmem_shared>> -> memref<1152x32xf32, #tpu.memory_space<vmem_shared>>
    tpu.enqueue_indirect_dma source(%arg12 : memref<1568x32xf32, #tpu.memory_space<vmem>>) target(%dma_start3A_25 : memref<1152x32xf32, #tpu.memory_space<vmem_shared>>) offsets(%arg11 : memref<1568xi32, #tpu.memory_space<vmem>>) semaphore(%arg18 : memref<!tpu.dma_semaphore, #tpu.memory_space<semaphore_mem>>) {add = true}
    %dma_wait3A_26 = arith.constant 0 : i32
    %dma_wait3A_27 = arith.constant 0 : i32
    %dma_wait3A_28 = tpu.memref_slice %arg16[%dma_wait3A_26, %dma_wait3A_27] : memref<1152x32xf32, #tpu.memory_space<vmem_shared>> -> memref<1152x32xf32, #tpu.memory_space<vmem_shared>>
    tpu.wait_indirect_dma semaphore(%arg18 : memref<!tpu.dma_semaphore, #tpu.memory_space<semaphore_mem>>) src(%arg12 : memref<1568x32xf32, #tpu.memory_space<vmem>>) dst(%dma_wait3A_28 : memref<1152x32xf32, #tpu.memory_space<vmem_shared>>)
    %mul3A_29 = arith.constant 1568 : i32
    %mul3A_30 = arith.muli %add3A, %mul3A_29 : i32
    "tpu.region"() ({
      %run_scoped3A = tpu.sem_alloc : memref<!tpu.dma_semaphore, #tpu.memory_space<semaphore_mem>>
      %dma_start3A_52 = tpu.memref_slice %arg7[%mul3A_30] : memref<50176xi32, #tpu.memory_space<hbm>> -> memref<1568xi32, #tpu.memory_space<hbm>>
      %dma_start3A_53 = tpu.memref_slice %arg7[%mul3A_30] : memref<50176xi32, #tpu.memory_space<hbm>> -> memref<1568xi32, #tpu.memory_space<hbm>>
      tpu.enqueue_dma source(%dma_start3A_53 : memref<1568xi32, #tpu.memory_space<hbm>>) target(%arg11 : memref<1568xi32, #tpu.memory_space<vmem>>) target_semaphore(%run_scoped3A : memref<!tpu.dma_semaphore, #tpu.memory_space<semaphore_mem>>)
      %dma_wait3A_54 = tpu.memref_slice %arg7[%mul3A_30] : memref<50176xi32, #tpu.memory_space<hbm>> -> memref<1568xi32, #tpu.memory_space<hbm>>
      %dma_wait3A_55 = tpu.memref_slice %arg7[%mul3A_30] : memref<50176xi32, #tpu.memory_space<hbm>> -> memref<1568xi32, #tpu.memory_space<hbm>>
      tpu.wait_dma2 semaphore(%run_scoped3A : memref<!tpu.dma_semaphore, #tpu.memory_space<semaphore_mem>>) src(%dma_wait3A_55 : memref<1568xi32, #tpu.memory_space<hbm>>) dst(%arg11 : memref<1568xi32, #tpu.memory_space<vmem>>)
      tpu.yield
    }) : () -> ()
    %mul3A_31 = arith.constant 1568 : i32
    %mul3A_32 = arith.muli %add3A, %mul3A_31 : i32
    "tpu.region"() ({
      %run_scoped3A = tpu.sem_alloc : memref<!tpu.dma_semaphore, #tpu.memory_space<semaphore_mem>>
      %dma_start3A_52 = arith.constant 0 : i32
      %dma_start3A_53 = tpu.memref_slice %arg4[%mul3A_32, %dma_start3A_52] : memref<50176x32xf32, #tpu.memory_space<hbm>> -> memref<1568x32xf32, #tpu.memory_space<hbm>>
      %dma_start3A_54 = arith.constant 0 : i32
      %dma_start3A_55 = tpu.memref_slice %arg4[%mul3A_32, %dma_start3A_54] : memref<50176x32xf32, #tpu.memory_space<hbm>> -> memref<1568x32xf32, #tpu.memory_space<hbm>>
      tpu.enqueue_dma source(%dma_start3A_55 : memref<1568x32xf32, #tpu.memory_space<hbm>>) target(%arg12 : memref<1568x32xf32, #tpu.memory_space<vmem>>) target_semaphore(%run_scoped3A : memref<!tpu.dma_semaphore, #tpu.memory_space<semaphore_mem>>)
      %dma_wait3A_56 = arith.constant 0 : i32
      %dma_wait3A_57 = tpu.memref_slice %arg4[%mul3A_32, %dma_wait3A_56] : memref<50176x32xf32, #tpu.memory_space<hbm>> -> memref<1568x32xf32, #tpu.memory_space<hbm>>
      %dma_wait3A_58 = arith.constant 0 : i32
      %dma_wait3A_59 = tpu.memref_slice %arg4[%mul3A_32, %dma_wait3A_58] : memref<50176x32xf32, #tpu.memory_space<hbm>> -> memref<1568x32xf32, #tpu.memory_space<hbm>>
      tpu.wait_dma2 semaphore(%run_scoped3A : memref<!tpu.dma_semaphore, #tpu.memory_space<semaphore_mem>>) src(%dma_wait3A_59 : memref<1568x32xf32, #tpu.memory_space<hbm>>) dst(%arg12 : memref<1568x32xf32, #tpu.memory_space<vmem>>)
      tpu.yield
    }) : () -> ()
    %dma_start3A_33 = arith.constant 0 : i32
    %dma_start3A_34 = arith.constant 0 : i32
    %dma_start3A_35 = tpu.memref_slice %arg17[%dma_start3A_33, %dma_start3A_34] : memref<1152x32xf32, #tpu.memory_space<vmem_shared>> -> memref<1152x32xf32, #tpu.memory_space<vmem_shared>>
    tpu.enqueue_indirect_dma source(%arg12 : memref<1568x32xf32, #tpu.memory_space<vmem>>) target(%dma_start3A_35 : memref<1152x32xf32, #tpu.memory_space<vmem_shared>>) offsets(%arg11 : memref<1568xi32, #tpu.memory_space<vmem>>) semaphore(%arg18 : memref<!tpu.dma_semaphore, #tpu.memory_space<semaphore_mem>>) {add = true}
    %dma_wait3A_36 = arith.constant 0 : i32
    %dma_wait3A_37 = arith.constant 0 : i32
    %dma_wait3A_38 = tpu.memref_slice %arg17[%dma_wait3A_36, %dma_wait3A_37] : memref<1152x32xf32, #tpu.memory_space<vmem_shared>> -> memref<1152x32xf32, #tpu.memory_space<vmem_shared>>
    tpu.wait_indirect_dma semaphore(%arg18 : memref<!tpu.dma_semaphore, #tpu.memory_space<semaphore_mem>>) src(%arg12 : memref<1568x32xf32, #tpu.memory_space<vmem>>) dst(%dma_wait3A_38 : memref<1152x32xf32, #tpu.memory_space<vmem_shared>>)
    %barrier3A_39 = arith.constant 0 : index
    tpu.barrier barrier_id(%barrier3A_39)
    %mul3A_40 = arith.constant 72 : i32
    %mul3A_41 = arith.muli %arg1, %mul3A_40 : i32
    "tpu.region"() ({
      %run_scoped3A = tpu.sem_alloc : memref<!tpu.dma_semaphore, #tpu.memory_space<semaphore_mem>>
      %dma_start3A_52 = arith.constant 0 : i32
      %dma_start3A_53 = tpu.memref_slice %arg15[%mul3A_41, %dma_start3A_52] : memref<1152x32xf32, #tpu.memory_space<vmem_shared>> -> memref<72x32xf32, #tpu.memory_space<vmem_shared>>
      %dma_start3A_54 = arith.constant 0 : i32
      %dma_start3A_55 = tpu.memref_slice %arg15[%mul3A_41, %dma_start3A_54] : memref<1152x32xf32, #tpu.memory_space<vmem_shared>> -> memref<72x32xf32, #tpu.memory_space<vmem_shared>>
      tpu.enqueue_dma source(%dma_start3A_55 : memref<72x32xf32, #tpu.memory_space<vmem_shared>>) target(%arg14 : memref<72x32xf32, #tpu.memory_space<vmem>>) target_semaphore(%run_scoped3A : memref<!tpu.dma_semaphore, #tpu.memory_space<semaphore_mem>>)
      %dma_wait3A_56 = arith.constant 0 : i32
      %dma_wait3A_57 = tpu.memref_slice %arg15[%mul3A_41, %dma_wait3A_56] : memref<1152x32xf32, #tpu.memory_space<vmem_shared>> -> memref<72x32xf32, #tpu.memory_space<vmem_shared>>
      %dma_wait3A_58 = arith.constant 0 : i32
      %dma_wait3A_59 = tpu.memref_slice %arg15[%mul3A_41, %dma_wait3A_58] : memref<1152x32xf32, #tpu.memory_space<vmem_shared>> -> memref<72x32xf32, #tpu.memory_space<vmem_shared>>
      tpu.wait_dma2 semaphore(%run_scoped3A : memref<!tpu.dma_semaphore, #tpu.memory_space<semaphore_mem>>) src(%dma_wait3A_59 : memref<72x32xf32, #tpu.memory_space<vmem_shared>>) dst(%arg14 : memref<72x32xf32, #tpu.memory_space<vmem>>)
      tpu.yield
    }) : () -> ()
    %mul3A_42 = arith.constant 72 : i32
    %mul3A_43 = arith.muli %arg1, %mul3A_42 : i32
    "tpu.region"() ({
      %run_scoped3A = tpu.sem_alloc : memref<!tpu.dma_semaphore, #tpu.memory_space<semaphore_mem>>
      %dma_start3A_52 = arith.constant 0 : i32
      %dma_start3A_53 = tpu.memref_slice %arg8[%arg0, %mul3A_43, %dma_start3A_52] : memref<2x1152x32xf32, #tpu.memory_space<hbm>> -> memref<1x72x32xf32, #tpu.memory_space<hbm>>
      %dma_start3A_54 = tpu.memref_squeeze %dma_start3A_53 : memref<1x72x32xf32, #tpu.memory_space<hbm>> -> memref<72x32xf32, #tpu.memory_space<hbm>>
      %dma_start3A_55 = arith.constant 0 : i32
      %dma_start3A_56 = tpu.memref_slice %arg8[%arg0, %mul3A_43, %dma_start3A_55] : memref<2x1152x32xf32, #tpu.memory_space<hbm>> -> memref<1x72x32xf32, #tpu.memory_space<hbm>>
      %dma_start3A_57 = tpu.memref_squeeze %dma_start3A_56 : memref<1x72x32xf32, #tpu.memory_space<hbm>> -> memref<72x32xf32, #tpu.memory_space<hbm>>
      tpu.enqueue_dma source(%arg14 : memref<72x32xf32, #tpu.memory_space<vmem>>) target(%dma_start3A_57 : memref<72x32xf32, #tpu.memory_space<hbm>>) target_semaphore(%run_scoped3A : memref<!tpu.dma_semaphore, #tpu.memory_space<semaphore_mem>>)
      %dma_wait3A_58 = arith.constant 0 : i32
      %dma_wait3A_59 = tpu.memref_slice %arg8[%arg0, %mul3A_43, %dma_wait3A_58] : memref<2x1152x32xf32, #tpu.memory_space<hbm>> -> memref<1x72x32xf32, #tpu.memory_space<hbm>>
      %dma_wait3A_60 = tpu.memref_squeeze %dma_wait3A_59 : memref<1x72x32xf32, #tpu.memory_space<hbm>> -> memref<72x32xf32, #tpu.memory_space<hbm>>
      %dma_wait3A_61 = arith.constant 0 : i32
      %dma_wait3A_62 = tpu.memref_slice %arg8[%arg0, %mul3A_43, %dma_wait3A_61] : memref<2x1152x32xf32, #tpu.memory_space<hbm>> -> memref<1x72x32xf32, #tpu.memory_space<hbm>>
      %dma_wait3A_63 = tpu.memref_squeeze %dma_wait3A_62 : memref<1x72x32xf32, #tpu.memory_space<hbm>> -> memref<72x32xf32, #tpu.memory_space<hbm>>
      tpu.wait_dma2 semaphore(%run_scoped3A : memref<!tpu.dma_semaphore, #tpu.memory_space<semaphore_mem>>) src(%arg14 : memref<72x32xf32, #tpu.memory_space<vmem>>) dst(%dma_wait3A_63 : memref<72x32xf32, #tpu.memory_space<hbm>>)
      tpu.yield
    }) : () -> ()
    %mul3A_44 = arith.constant 72 : i32
    %mul3A_45 = arith.muli %arg1, %mul3A_44 : i32
    "tpu.region"() ({
      %run_scoped3A = tpu.sem_alloc : memref<!tpu.dma_semaphore, #tpu.memory_space<semaphore_mem>>
      %dma_start3A_52 = arith.constant 0 : i32
      %dma_start3A_53 = tpu.memref_slice %arg16[%mul3A_45, %dma_start3A_52] : memref<1152x32xf32, #tpu.memory_space<vmem_shared>> -> memref<72x32xf32, #tpu.memory_space<vmem_shared>>
      %dma_start3A_54 = arith.constant 0 : i32
      %dma_start3A_55 = tpu.memref_slice %arg16[%mul3A_45, %dma_start3A_54] : memref<1152x32xf32, #tpu.memory_space<vmem_shared>> -> memref<72x32xf32, #tpu.memory_space<vmem_shared>>
      tpu.enqueue_dma source(%dma_start3A_55 : memref<72x32xf32, #tpu.memory_space<vmem_shared>>) target(%arg14 : memref<72x32xf32, #tpu.memory_space<vmem>>) target_semaphore(%run_scoped3A : memref<!tpu.dma_semaphore, #tpu.memory_space<semaphore_mem>>)
      %dma_wait3A_56 = arith.constant 0 : i32
      %dma_wait3A_57 = tpu.memref_slice %arg16[%mul3A_45, %dma_wait3A_56] : memref<1152x32xf32, #tpu.memory_space<vmem_shared>> -> memref<72x32xf32, #tpu.memory_space<vmem_shared>>
      %dma_wait3A_58 = arith.constant 0 : i32
      %dma_wait3A_59 = tpu.memref_slice %arg16[%mul3A_45, %dma_wait3A_58] : memref<1152x32xf32, #tpu.memory_space<vmem_shared>> -> memref<72x32xf32, #tpu.memory_space<vmem_shared>>
      tpu.wait_dma2 semaphore(%run_scoped3A : memref<!tpu.dma_semaphore, #tpu.memory_space<semaphore_mem>>) src(%dma_wait3A_59 : memref<72x32xf32, #tpu.memory_space<vmem_shared>>) dst(%arg14 : memref<72x32xf32, #tpu.memory_space<vmem>>)
      tpu.yield
    }) : () -> ()
    %mul3A_46 = arith.constant 72 : i32
    %mul3A_47 = arith.muli %arg1, %mul3A_46 : i32
    "tpu.region"() ({
      %run_scoped3A = tpu.sem_alloc : memref<!tpu.dma_semaphore, #tpu.memory_space<semaphore_mem>>
      %dma_start3A_52 = arith.constant 0 : i32
      %dma_start3A_53 = tpu.memref_slice %arg9[%arg0, %mul3A_47, %dma_start3A_52] : memref<2x1152x32xf32, #tpu.memory_space<hbm>> -> memref<1x72x32xf32, #tpu.memory_space<hbm>>
      %dma_start3A_54 = tpu.memref_squeeze %dma_start3A_53 : memref<1x72x32xf32, #tpu.memory_space<hbm>> -> memref<72x32xf32, #tpu.memory_space<hbm>>
      %dma_start3A_55 = arith.constant 0 : i32
      %dma_start3A_56 = tpu.memref_slice %arg9[%arg0, %mul3A_47, %dma_start3A_55] : memref<2x1152x32xf32, #tpu.memory_space<hbm>> -> memref<1x72x32xf32, #tpu.memory_space<hbm>>
      %dma_start3A_57 = tpu.memref_squeeze %dma_start3A_56 : memref<1x72x32xf32, #tpu.memory_space<hbm>> -> memref<72x32xf32, #tpu.memory_space<hbm>>
      tpu.enqueue_dma source(%arg14 : memref<72x32xf32, #tpu.memory_space<vmem>>) target(%dma_start3A_57 : memref<72x32xf32, #tpu.memory_space<hbm>>) target_semaphore(%run_scoped3A : memref<!tpu.dma_semaphore, #tpu.memory_space<semaphore_mem>>)
      %dma_wait3A_58 = arith.constant 0 : i32
      %dma_wait3A_59 = tpu.memref_slice %arg9[%arg0, %mul3A_47, %dma_wait3A_58] : memref<2x1152x32xf32, #tpu.memory_space<hbm>> -> memref<1x72x32xf32, #tpu.memory_space<hbm>>
      %dma_wait3A_60 = tpu.memref_squeeze %dma_wait3A_59 : memref<1x72x32xf32, #tpu.memory_space<hbm>> -> memref<72x32xf32, #tpu.memory_space<hbm>>
      %dma_wait3A_61 = arith.constant 0 : i32
      %dma_wait3A_62 = tpu.memref_slice %arg9[%arg0, %mul3A_47, %dma_wait3A_61] : memref<2x1152x32xf32, #tpu.memory_space<hbm>> -> memref<1x72x32xf32, #tpu.memory_space<hbm>>
      %dma_wait3A_63 = tpu.memref_squeeze %dma_wait3A_62 : memref<1x72x32xf32, #tpu.memory_space<hbm>> -> memref<72x32xf32, #tpu.memory_space<hbm>>
      tpu.wait_dma2 semaphore(%run_scoped3A : memref<!tpu.dma_semaphore, #tpu.memory_space<semaphore_mem>>) src(%arg14 : memref<72x32xf32, #tpu.memory_space<vmem>>) dst(%dma_wait3A_63 : memref<72x32xf32, #tpu.memory_space<hbm>>)
      tpu.yield
    }) : () -> ()
    %mul3A_48 = arith.constant 72 : i32
    %mul3A_49 = arith.muli %arg1, %mul3A_48 : i32
    "tpu.region"() ({
      %run_scoped3A = tpu.sem_alloc : memref<!tpu.dma_semaphore, #tpu.memory_space<semaphore_mem>>
      %dma_start3A_52 = arith.constant 0 : i32
      %dma_start3A_53 = tpu.memref_slice %arg17[%mul3A_49, %dma_start3A_52] : memref<1152x32xf32, #tpu.memory_space<vmem_shared>> -> memref<72x32xf32, #tpu.memory_space<vmem_shared>>
      %dma_start3A_54 = arith.constant 0 : i32
      %dma_start3A_55 = tpu.memref_slice %arg17[%mul3A_49, %dma_start3A_54] : memref<1152x32xf32, #tpu.memory_space<vmem_shared>> -> memref<72x32xf32, #tpu.memory_space<vmem_shared>>
      tpu.enqueue_dma source(%dma_start3A_55 : memref<72x32xf32, #tpu.memory_space<vmem_shared>>) target(%arg14 : memref<72x32xf32, #tpu.memory_space<vmem>>) target_semaphore(%run_scoped3A : memref<!tpu.dma_semaphore, #tpu.memory_space<semaphore_mem>>)
      %dma_wait3A_56 = arith.constant 0 : i32
      %dma_wait3A_57 = tpu.memref_slice %arg17[%mul3A_49, %dma_wait3A_56] : memref<1152x32xf32, #tpu.memory_space<vmem_shared>> -> memref<72x32xf32, #tpu.memory_space<vmem_shared>>
      %dma_wait3A_58 = arith.constant 0 : i32
      %dma_wait3A_59 = tpu.memref_slice %arg17[%mul3A_49, %dma_wait3A_58] : memref<1152x32xf32, #tpu.memory_space<vmem_shared>> -> memref<72x32xf32, #tpu.memory_space<vmem_shared>>
      tpu.wait_dma2 semaphore(%run_scoped3A : memref<!tpu.dma_semaphore, #tpu.memory_space<semaphore_mem>>) src(%dma_wait3A_59 : memref<72x32xf32, #tpu.memory_space<vmem_shared>>) dst(%arg14 : memref<72x32xf32, #tpu.memory_space<vmem>>)
      tpu.yield
    }) : () -> ()
    %mul3A_50 = arith.constant 72 : i32
    %mul3A_51 = arith.muli %arg1, %mul3A_50 : i32
    "tpu.region"() ({
      %run_scoped3A = tpu.sem_alloc : memref<!tpu.dma_semaphore, #tpu.memory_space<semaphore_mem>>
      %dma_start3A_52 = arith.constant 0 : i32
      %dma_start3A_53 = tpu.memref_slice %arg10[%arg0, %mul3A_51, %dma_start3A_52] : memref<2x1152x32xf32, #tpu.memory_space<hbm>> -> memref<1x72x32xf32, #tpu.memory_space<hbm>>
      %dma_start3A_54 = tpu.memref_squeeze %dma_start3A_53 : memref<1x72x32xf32, #tpu.memory_space<hbm>> -> memref<72x32xf32, #tpu.memory_space<hbm>>
      %dma_start3A_55 = arith.constant 0 : i32
      %dma_start3A_56 = tpu.memref_slice %arg10[%arg0, %mul3A_51, %dma_start3A_55] : memref<2x1152x32xf32, #tpu.memory_space<hbm>> -> memref<1x72x32xf32, #tpu.memory_space<hbm>>
      %dma_start3A_57 = tpu.memref_squeeze %dma_start3A_56 : memref<1x72x32xf32, #tpu.memory_space<hbm>> -> memref<72x32xf32, #tpu.memory_space<hbm>>
      tpu.enqueue_dma source(%arg14 : memref<72x32xf32, #tpu.memory_space<vmem>>) target(%dma_start3A_57 : memref<72x32xf32, #tpu.memory_space<hbm>>) target_semaphore(%run_scoped3A : memref<!tpu.dma_semaphore, #tpu.memory_space<semaphore_mem>>)
      %dma_wait3A_58 = arith.constant 0 : i32
      %dma_wait3A_59 = tpu.memref_slice %arg10[%arg0, %mul3A_51, %dma_wait3A_58] : memref<2x1152x32xf32, #tpu.memory_space<hbm>> -> memref<1x72x32xf32, #tpu.memory_space<hbm>>
      %dma_wait3A_60 = tpu.memref_squeeze %dma_wait3A_59 : memref<1x72x32xf32, #tpu.memory_space<hbm>> -> memref<72x32xf32, #tpu.memory_space<hbm>>
      %dma_wait3A_61 = arith.constant 0 : i32
      %dma_wait3A_62 = tpu.memref_slice %arg10[%arg0, %mul3A_51, %dma_wait3A_61] : memref<2x1152x32xf32, #tpu.memory_space<hbm>> -> memref<1x72x32xf32, #tpu.memory_space<hbm>>
      %dma_wait3A_63 = tpu.memref_squeeze %dma_wait3A_62 : memref<1x72x32xf32, #tpu.memory_space<hbm>> -> memref<72x32xf32, #tpu.memory_space<hbm>>
      tpu.wait_dma2 semaphore(%run_scoped3A : memref<!tpu.dma_semaphore, #tpu.memory_space<semaphore_mem>>) src(%arg14 : memref<72x32xf32, #tpu.memory_space<vmem>>) dst(%dma_wait3A_63 : memref<72x32xf32, #tpu.memory_space<hbm>>)
      tpu.yield
    }) : () -> ()
    return
  }
}

module attributes {stable_mosaic.version = 14 : i64} {
  func.func @_k3_body(%arg0: i32, %arg1: memref<1792x32xf32, #tpu.memory_space<vmem>>, %arg2: memref<1792x32xf32, #tpu.memory_space<vmem>>, %arg3: memref<1792x32xf32, #tpu.memory_space<vmem>>, %arg4: memref<2x1792x32xf32, #tpu.memory_space<vmem>>, %arg5: memref<2x1792x32xf32, #tpu.memory_space<vmem>>, %arg6: memref<2x1792x32xf32, #tpu.memory_space<vmem>>, %arg7: memref<2x1792xf32, #tpu.memory_space<vmem>>, %arg8: memref<2x1792xf32, #tpu.memory_space<vmem>>, %arg9: memref<2x1792xf32, #tpu.memory_space<vmem>>, %arg10: memref<32x64xf32, #tpu.memory_space<vmem>>, %arg11: memref<64xf32, #tpu.memory_space<vmem>>, %arg12: memref<64x32xf32, #tpu.memory_space<vmem>>, %arg13: memref<32xf32, #tpu.memory_space<vmem>>, %arg14: memref<32x64xf32, #tpu.memory_space<vmem>>, %arg15: memref<64xf32, #tpu.memory_space<vmem>>, %arg16: memref<64x32xf32, #tpu.memory_space<vmem>>, %arg17: memref<32xf32, #tpu.memory_space<vmem>>, %arg18: memref<32x64xf32, #tpu.memory_space<vmem>>, %arg19: memref<64xf32, #tpu.memory_space<vmem>>, %arg20: memref<64x32xf32, #tpu.memory_space<vmem>>, %arg21: memref<32xf32, #tpu.memory_space<vmem>>, %arg22: memref<1792x32xf32, #tpu.memory_space<vmem>>, %arg23: memref<1792x32xf32, #tpu.memory_space<vmem>>, %arg24: memref<1792x32xf32, #tpu.memory_space<vmem>>) attributes {dimension_semantics = [#tpu.dimension_semantics<arbitrary>], iteration_bounds = array<i64: 28>, scalar_prefetch = 0 : i64, scratch_operands = 0 : i64, tpu.core_type = #tpu.core_type<tc>, window_params = [{transform_indices = @transform_0, window_bounds = array<i64: 1792, 32>}, {transform_indices = @transform_1, window_bounds = array<i64: 1792, 32>}, {transform_indices = @transform_2, window_bounds = array<i64: 1792, 32>}, {transform_indices = @transform_3, window_bounds = array<i64: 2, 1792, 32>}, {transform_indices = @transform_4, window_bounds = array<i64: 2, 1792, 32>}, {transform_indices = @transform_5, window_bounds = array<i64: 2, 1792, 32>}, {transform_indices = @transform_6, window_bounds = array<i64: 2, 1792>}, {transform_indices = @transform_7, window_bounds = array<i64: 2, 1792>}, {transform_indices = @transform_8, window_bounds = array<i64: 2, 1792>}, {pipeline_mode = #tpu.pipeline_mode<synchronous>, transform_indices = @transform_9, window_bounds = array<i64: 32, 64>}, {pipeline_mode = #tpu.pipeline_mode<synchronous>, transform_indices = @transform_10, window_bounds = array<i64: 64>}, {pipeline_mode = #tpu.pipeline_mode<synchronous>, transform_indices = @transform_11, window_bounds = array<i64: 64, 32>}, {pipeline_mode = #tpu.pipeline_mode<synchronous>, transform_indices = @transform_12, window_bounds = array<i64: 32>}, {pipeline_mode = #tpu.pipeline_mode<synchronous>, transform_indices = @transform_13, window_bounds = array<i64: 32, 64>}, {pipeline_mode = #tpu.pipeline_mode<synchronous>, transform_indices = @transform_14, window_bounds = array<i64: 64>}, {pipeline_mode = #tpu.pipeline_mode<synchronous>, transform_indices = @transform_15, window_bounds = array<i64: 64, 32>}, {pipeline_mode = #tpu.pipeline_mode<synchronous>, transform_indices = @transform_16, window_bounds = array<i64: 32>}, {pipeline_mode = #tpu.pipeline_mode<synchronous>, transform_indices = @transform_17, window_bounds = array<i64: 32, 64>}, {pipeline_mode = #tpu.pipeline_mode<synchronous>, transform_indices = @transform_18, window_bounds = array<i64: 64>}, {pipeline_mode = #tpu.pipeline_mode<synchronous>, transform_indices = @transform_19, window_bounds = array<i64: 64, 32>}, {pipeline_mode = #tpu.pipeline_mode<synchronous>, transform_indices = @transform_20, window_bounds = array<i64: 32>}, {transform_indices = @transform_21, window_bounds = array<i64: 1792, 32>}, {transform_indices = @transform_22, window_bounds = array<i64: 1792, 32>}, {transform_indices = @transform_23, window_bounds = array<i64: 1792, 32>}]} {
    %get3A = arith.constant 0 : index
    %get3A_0 = arith.constant 0 : index
    %get3A_1 = vector.load %arg1[%get3A, %get3A_0] : memref<1792x32xf32, #tpu.memory_space<vmem>>, vector<1792x32xf32>
    %get3A_2 = arith.constant 0 : index
    %get3A_3 = arith.constant 0 : index
    %get3A_4 = arith.constant 0 : index
    %get3A_5 = vector.load %arg4[%get3A_2, %get3A_3, %get3A_4] : memref<2x1792x32xf32, #tpu.memory_space<vmem>>, vector<1x1792x32xf32>
    %get3A_6 = vector.shape_cast %get3A_5 : vector<1x1792x32xf32> to vector<1792x32xf32>
    %get3A_7 = arith.constant 1 : index
    %get3A_8 = arith.constant 0 : index
    %get3A_9 = arith.constant 0 : index
    %get3A_10 = vector.load %arg4[%get3A_7, %get3A_8, %get3A_9] : memref<2x1792x32xf32, #tpu.memory_space<vmem>>, vector<1x1792x32xf32>
    %get3A_11 = vector.shape_cast %get3A_10 : vector<1x1792x32xf32> to vector<1792x32xf32>
    %add3A = arith.addf %get3A_6, %get3A_11 : vector<1792x32xf32>
    %get3A_12 = arith.constant 0 : index
    %get3A_13 = arith.constant 0 : index
    %get3A_14 = vector.load %arg7[%get3A_12, %get3A_13] : memref<2x1792xf32, #tpu.memory_space<vmem>>, vector<1x1792xf32>
    %get3A_15 = vector.shape_cast %get3A_14 : vector<1x1792xf32> to vector<1792xf32>
    %get3A_16 = arith.constant 1 : index
    %get3A_17 = arith.constant 0 : index
    %get3A_18 = vector.load %arg7[%get3A_16, %get3A_17] : memref<2x1792xf32, #tpu.memory_space<vmem>>, vector<1x1792xf32>
    %get3A_19 = vector.shape_cast %get3A_18 : vector<1x1792xf32> to vector<1792xf32>
    %add3A_20 = arith.addf %get3A_15, %get3A_19 : vector<1792xf32>
    %max3A = arith.constant 1.000000e+00 : f32
    %max3A_21 = vector.broadcast %max3A : f32 to vector<1792xf32>
    %max3A_22 = arith.maximumf %add3A_20, %max3A_21 : vector<1792xf32>
    %broadcast_in_dim3A = vector.shape_cast %max3A_22 : vector<1792xf32> to vector<1792x1xf32>
    %div3A = vector.broadcast %broadcast_in_dim3A : vector<1792x1xf32> to vector<1792x32xf32>
    %div3A_23 = arith.divf %add3A, %div3A : vector<1792x32xf32>
    %add3A_24 = arith.addf %get3A_1, %div3A_23 : vector<1792x32xf32>
    %get3A_25 = arith.constant 0 : index
    %get3A_26 = arith.constant 0 : index
    %get3A_27 = vector.load %arg10[%get3A_25, %get3A_26] : memref<32x64xf32, #tpu.memory_space<vmem>>, vector<32x64xf32>
    %dot_general3A = arith.constant dense<0.000000e+00> : vector<1792x64xf32>
    %dot_general3A_28 = tpu.matmul %add3A_24, %get3A_27, %dot_general3A {dimension_numbers = #tpu.dot_dimension_numbers<[1], [0], [0], [1], [0, 0, 1, 1], [], []>, precision = #tpu.contract_precision<fp32>, transpose_lhs_hint = false} : vector<1792x32xf32>, vector<32x64xf32>, vector<1792x64xf32> -> vector<1792x64xf32>
    %get3A_29 = arith.constant 0 : index
    %get3A_30 = vector.load %arg11[%get3A_29] : memref<64xf32, #tpu.memory_space<vmem>>, vector<64xf32>
    %broadcast_in_dim3A_31 = vector.shape_cast %get3A_30 : vector<64xf32> to vector<1x64xf32>
    %add3A_32 = vector.broadcast %broadcast_in_dim3A_31 : vector<1x64xf32> to vector<1792x64xf32>
    %add3A_33 = arith.addf %dot_general3A_28, %add3A_32 : vector<1792x64xf32>
    %max3A_34 = arith.constant 0.000000e+00 : f32
    %max3A_35 = vector.broadcast %max3A_34 : f32 to vector<1792x64xf32>
    %max3A_36 = arith.maximumf %add3A_33, %max3A_35 : vector<1792x64xf32>
    %get3A_37 = arith.constant 0 : index
    %get3A_38 = arith.constant 0 : index
    %get3A_39 = vector.load %arg12[%get3A_37, %get3A_38] : memref<64x32xf32, #tpu.memory_space<vmem>>, vector<64x32xf32>
    %dot_general3A_40 = arith.constant dense<0.000000e+00> : vector<1792x32xf32>
    %dot_general3A_41 = tpu.matmul %max3A_36, %get3A_39, %dot_general3A_40 {dimension_numbers = #tpu.dot_dimension_numbers<[1], [0], [0], [1], [0, 0, 1, 1], [], []>, precision = #tpu.contract_precision<fp32>, transpose_lhs_hint = false} : vector<1792x64xf32>, vector<64x32xf32>, vector<1792x32xf32> -> vector<1792x32xf32>
    %get3A_42 = arith.constant 0 : index
    %get3A_43 = vector.load %arg13[%get3A_42] : memref<32xf32, #tpu.memory_space<vmem>>, vector<32xf32>
    %broadcast_in_dim3A_44 = vector.shape_cast %get3A_43 : vector<32xf32> to vector<1x32xf32>
    %add3A_45 = vector.broadcast %broadcast_in_dim3A_44 : vector<1x32xf32> to vector<1792x32xf32>
    %add3A_46 = arith.addf %dot_general3A_41, %add3A_45 : vector<1792x32xf32>
    %swap3A = arith.constant 0 : index
    %swap3A_47 = arith.constant 0 : index
    %swap3A_48 = vector.load %arg22[%swap3A, %swap3A_47] : memref<1792x32xf32, #tpu.memory_space<vmem>>, vector<1792x32xf32>
    tpu.vector_store %arg22[%swap3A, %swap3A_47], %add3A_46 {strides = array<i32>} : memref<1792x32xf32, #tpu.memory_space<vmem>>, vector<1792x32xf32>,
    %get3A_49 = arith.constant 0 : index
    %get3A_50 = arith.constant 0 : index
    %get3A_51 = vector.load %arg2[%get3A_49, %get3A_50] : memref<1792x32xf32, #tpu.memory_space<vmem>>, vector<1792x32xf32>
    %get3A_52 = arith.constant 0 : index
    %get3A_53 = arith.constant 0 : index
    %get3A_54 = arith.constant 0 : index
    %get3A_55 = vector.load %arg5[%get3A_52, %get3A_53, %get3A_54] : memref<2x1792x32xf32, #tpu.memory_space<vmem>>, vector<1x1792x32xf32>
    %get3A_56 = vector.shape_cast %get3A_55 : vector<1x1792x32xf32> to vector<1792x32xf32>
    %get3A_57 = arith.constant 1 : index
    %get3A_58 = arith.constant 0 : index
    %get3A_59 = arith.constant 0 : index
    %get3A_60 = vector.load %arg5[%get3A_57, %get3A_58, %get3A_59] : memref<2x1792x32xf32, #tpu.memory_space<vmem>>, vector<1x1792x32xf32>
    %get3A_61 = vector.shape_cast %get3A_60 : vector<1x1792x32xf32> to vector<1792x32xf32>
    %add3A_62 = arith.addf %get3A_56, %get3A_61 : vector<1792x32xf32>
    %get3A_63 = arith.constant 0 : index
    %get3A_64 = arith.constant 0 : index
    %get3A_65 = vector.load %arg8[%get3A_63, %get3A_64] : memref<2x1792xf32, #tpu.memory_space<vmem>>, vector<1x1792xf32>
    %get3A_66 = vector.shape_cast %get3A_65 : vector<1x1792xf32> to vector<1792xf32>
    %get3A_67 = arith.constant 1 : index
    %get3A_68 = arith.constant 0 : index
    %get3A_69 = vector.load %arg8[%get3A_67, %get3A_68] : memref<2x1792xf32, #tpu.memory_space<vmem>>, vector<1x1792xf32>
    %get3A_70 = vector.shape_cast %get3A_69 : vector<1x1792xf32> to vector<1792xf32>
    %add3A_71 = arith.addf %get3A_66, %get3A_70 : vector<1792xf32>
    %max3A_72 = arith.constant 1.000000e+00 : f32
    %max3A_73 = vector.broadcast %max3A_72 : f32 to vector<1792xf32>
    %max3A_74 = arith.maximumf %add3A_71, %max3A_73 : vector<1792xf32>
    %broadcast_in_dim3A_75 = vector.shape_cast %max3A_74 : vector<1792xf32> to vector<1792x1xf32>
    %div3A_76 = vector.broadcast %broadcast_in_dim3A_75 : vector<1792x1xf32> to vector<1792x32xf32>
    %div3A_77 = arith.divf %add3A_62, %div3A_76 : vector<1792x32xf32>
    %add3A_78 = arith.addf %get3A_51, %div3A_77 : vector<1792x32xf32>
    %get3A_79 = arith.constant 0 : index
    %get3A_80 = arith.constant 0 : index
    %get3A_81 = vector.load %arg14[%get3A_79, %get3A_80] : memref<32x64xf32, #tpu.memory_space<vmem>>, vector<32x64xf32>
    %dot_general3A_82 = arith.constant dense<0.000000e+00> : vector<1792x64xf32>
    %dot_general3A_83 = tpu.matmul %add3A_78, %get3A_81, %dot_general3A_82 {dimension_numbers = #tpu.dot_dimension_numbers<[1], [0], [0], [1], [0, 0, 1, 1], [], []>, precision = #tpu.contract_precision<fp32>, transpose_lhs_hint = false} : vector<1792x32xf32>, vector<32x64xf32>, vector<1792x64xf32> -> vector<1792x64xf32>
    %get3A_84 = arith.constant 0 : index
    %get3A_85 = vector.load %arg15[%get3A_84] : memref<64xf32, #tpu.memory_space<vmem>>, vector<64xf32>
    %broadcast_in_dim3A_86 = vector.shape_cast %get3A_85 : vector<64xf32> to vector<1x64xf32>
    %add3A_87 = vector.broadcast %broadcast_in_dim3A_86 : vector<1x64xf32> to vector<1792x64xf32>
    %add3A_88 = arith.addf %dot_general3A_83, %add3A_87 : vector<1792x64xf32>
    %max3A_89 = arith.constant 0.000000e+00 : f32
    %max3A_90 = vector.broadcast %max3A_89 : f32 to vector<1792x64xf32>
    %max3A_91 = arith.maximumf %add3A_88, %max3A_90 : vector<1792x64xf32>
    %get3A_92 = arith.constant 0 : index
    %get3A_93 = arith.constant 0 : index
    %get3A_94 = vector.load %arg16[%get3A_92, %get3A_93] : memref<64x32xf32, #tpu.memory_space<vmem>>, vector<64x32xf32>
    %dot_general3A_95 = arith.constant dense<0.000000e+00> : vector<1792x32xf32>
    %dot_general3A_96 = tpu.matmul %max3A_91, %get3A_94, %dot_general3A_95 {dimension_numbers = #tpu.dot_dimension_numbers<[1], [0], [0], [1], [0, 0, 1, 1], [], []>, precision = #tpu.contract_precision<fp32>, transpose_lhs_hint = false} : vector<1792x64xf32>, vector<64x32xf32>, vector<1792x32xf32> -> vector<1792x32xf32>
    %get3A_97 = arith.constant 0 : index
    %get3A_98 = vector.load %arg17[%get3A_97] : memref<32xf32, #tpu.memory_space<vmem>>, vector<32xf32>
    %broadcast_in_dim3A_99 = vector.shape_cast %get3A_98 : vector<32xf32> to vector<1x32xf32>
    %add3A_100 = vector.broadcast %broadcast_in_dim3A_99 : vector<1x32xf32> to vector<1792x32xf32>
    %add3A_101 = arith.addf %dot_general3A_96, %add3A_100 : vector<1792x32xf32>
    %swap3A_102 = arith.constant 0 : index
    %swap3A_103 = arith.constant 0 : index
    %swap3A_104 = vector.load %arg23[%swap3A_102, %swap3A_103] : memref<1792x32xf32, #tpu.memory_space<vmem>>, vector<1792x32xf32>
    tpu.vector_store %arg23[%swap3A_102, %swap3A_103], %add3A_101 {strides = array<i32>} : memref<1792x32xf32, #tpu.memory_space<vmem>>, vector<1792x32xf32>,
    %get3A_105 = arith.constant 0 : index
    %get3A_106 = arith.constant 0 : index
    %get3A_107 = vector.load %arg3[%get3A_105, %get3A_106] : memref<1792x32xf32, #tpu.memory_space<vmem>>, vector<1792x32xf32>
    %get3A_108 = arith.constant 0 : index
    %get3A_109 = arith.constant 0 : index
    %get3A_110 = arith.constant 0 : index
    %get3A_111 = vector.load %arg6[%get3A_108, %get3A_109, %get3A_110] : memref<2x1792x32xf32, #tpu.memory_space<vmem>>, vector<1x1792x32xf32>
    %get3A_112 = vector.shape_cast %get3A_111 : vector<1x1792x32xf32> to vector<1792x32xf32>
    %get3A_113 = arith.constant 1 : index
    %get3A_114 = arith.constant 0 : index
    %get3A_115 = arith.constant 0 : index
    %get3A_116 = vector.load %arg6[%get3A_113, %get3A_114, %get3A_115] : memref<2x1792x32xf32, #tpu.memory_space<vmem>>, vector<1x1792x32xf32>
    %get3A_117 = vector.shape_cast %get3A_116 : vector<1x1792x32xf32> to vector<1792x32xf32>
    %add3A_118 = arith.addf %get3A_112, %get3A_117 : vector<1792x32xf32>
    %get3A_119 = arith.constant 0 : index
    %get3A_120 = arith.constant 0 : index
    %get3A_121 = vector.load %arg9[%get3A_119, %get3A_120] : memref<2x1792xf32, #tpu.memory_space<vmem>>, vector<1x1792xf32>
    %get3A_122 = vector.shape_cast %get3A_121 : vector<1x1792xf32> to vector<1792xf32>
    %get3A_123 = arith.constant 1 : index
    %get3A_124 = arith.constant 0 : index
    %get3A_125 = vector.load %arg9[%get3A_123, %get3A_124] : memref<2x1792xf32, #tpu.memory_space<vmem>>, vector<1x1792xf32>
    %get3A_126 = vector.shape_cast %get3A_125 : vector<1x1792xf32> to vector<1792xf32>
    %add3A_127 = arith.addf %get3A_122, %get3A_126 : vector<1792xf32>
    %max3A_128 = arith.constant 1.000000e+00 : f32
    %max3A_129 = vector.broadcast %max3A_128 : f32 to vector<1792xf32>
    %max3A_130 = arith.maximumf %add3A_127, %max3A_129 : vector<1792xf32>
    %broadcast_in_dim3A_131 = vector.shape_cast %max3A_130 : vector<1792xf32> to vector<1792x1xf32>
    %div3A_132 = vector.broadcast %broadcast_in_dim3A_131 : vector<1792x1xf32> to vector<1792x32xf32>
    %div3A_133 = arith.divf %add3A_118, %div3A_132 : vector<1792x32xf32>
    %add3A_134 = arith.addf %get3A_107, %div3A_133 : vector<1792x32xf32>
    %get3A_135 = arith.constant 0 : index
    %get3A_136 = arith.constant 0 : index
    %get3A_137 = vector.load %arg18[%get3A_135, %get3A_136] : memref<32x64xf32, #tpu.memory_space<vmem>>, vector<32x64xf32>
    %dot_general3A_138 = arith.constant dense<0.000000e+00> : vector<1792x64xf32>
    %dot_general3A_139 = tpu.matmul %add3A_134, %get3A_137, %dot_general3A_138 {dimension_numbers = #tpu.dot_dimension_numbers<[1], [0], [0], [1], [0, 0, 1, 1], [], []>, precision = #tpu.contract_precision<fp32>, transpose_lhs_hint = false} : vector<1792x32xf32>, vector<32x64xf32>, vector<1792x64xf32> -> vector<1792x64xf32>
    %get3A_140 = arith.constant 0 : index
    %get3A_141 = vector.load %arg19[%get3A_140] : memref<64xf32, #tpu.memory_space<vmem>>, vector<64xf32>
    %broadcast_in_dim3A_142 = vector.shape_cast %get3A_141 : vector<64xf32> to vector<1x64xf32>
    %add3A_143 = vector.broadcast %broadcast_in_dim3A_142 : vector<1x64xf32> to vector<1792x64xf32>
    %add3A_144 = arith.addf %dot_general3A_139, %add3A_143 : vector<1792x64xf32>
    %max3A_145 = arith.constant 0.000000e+00 : f32
    %max3A_146 = vector.broadcast %max3A_145 : f32 to vector<1792x64xf32>
    %max3A_147 = arith.maximumf %add3A_144, %max3A_146 : vector<1792x64xf32>
    %get3A_148 = arith.constant 0 : index
    %get3A_149 = arith.constant 0 : index
    %get3A_150 = vector.load %arg20[%get3A_148, %get3A_149] : memref<64x32xf32, #tpu.memory_space<vmem>>, vector<64x32xf32>
    %dot_general3A_151 = arith.constant dense<0.000000e+00> : vector<1792x32xf32>
    %dot_general3A_152 = tpu.matmul %max3A_147, %get3A_150, %dot_general3A_151 {dimension_numbers = #tpu.dot_dimension_numbers<[1], [0], [0], [1], [0, 0, 1, 1], [], []>, precision = #tpu.contract_precision<fp32>, transpose_lhs_hint = false} : vector<1792x64xf32>, vector<64x32xf32>, vector<1792x32xf32> -> vector<1792x32xf32>
    %get3A_153 = arith.constant 0 : index
    %get3A_154 = vector.load %arg21[%get3A_153] : memref<32xf32, #tpu.memory_space<vmem>>, vector<32xf32>
    %broadcast_in_dim3A_155 = vector.shape_cast %get3A_154 : vector<32xf32> to vector<1x32xf32>
    %add3A_156 = vector.broadcast %broadcast_in_dim3A_155 : vector<1x32xf32> to vector<1792x32xf32>
    %add3A_157 = arith.addf %dot_general3A_152, %add3A_156 : vector<1792x32xf32>
    %swap3A_158 = arith.constant 0 : index
    %swap3A_159 = arith.constant 0 : index
    %swap3A_160 = vector.load %arg24[%swap3A_158, %swap3A_159] : memref<1792x32xf32, #tpu.memory_space<vmem>>, vector<1792x32xf32>
    tpu.vector_store %arg24[%swap3A_158, %swap3A_159], %add3A_157 {strides = array<i32>} : memref<1792x32xf32, #tpu.memory_space<vmem>>, vector<1792x32xf32>,
    return
  }
  func.func @transform_0(%arg0: i32) -> (i32, i32) {
    %c0_i32 = arith.constant 0 : i32
    %c0_i32_0 = arith.constant 0 : i32
    return %arg0, %c0_i32 : i32, i32
  }
  func.func @transform_1(%arg0: i32) -> (i32, i32) {
    %c0_i32 = arith.constant 0 : i32
    %c0_i32_0 = arith.constant 0 : i32
    return %arg0, %c0_i32 : i32, i32
  }
  func.func @transform_2(%arg0: i32) -> (i32, i32) {
    %c0_i32 = arith.constant 0 : i32
    %c0_i32_0 = arith.constant 0 : i32
    return %arg0, %c0_i32 : i32, i32
  }
  func.func @transform_3(%arg0: i32) -> (i32, i32, i32) {
    %c0_i32 = arith.constant 0 : i32
    %c0_i32_0 = arith.constant 0 : i32
    %c0_i32_1 = arith.constant 0 : i32
    return %c0_i32, %arg0, %c0_i32_0 : i32, i32, i32
  }
  func.func @transform_4(%arg0: i32) -> (i32, i32, i32) {
    %c0_i32 = arith.constant 0 : i32
    %c0_i32_0 = arith.constant 0 : i32
    %c0_i32_1 = arith.constant 0 : i32
    return %c0_i32, %arg0, %c0_i32_0 : i32, i32, i32
  }
  func.func @transform_5(%arg0: i32) -> (i32, i32, i32) {
    %c0_i32 = arith.constant 0 : i32
    %c0_i32_0 = arith.constant 0 : i32
    %c0_i32_1 = arith.constant 0 : i32
    return %c0_i32, %arg0, %c0_i32_0 : i32, i32, i32
  }
  func.func @transform_6(%arg0: i32) -> (i32, i32) {
    %c0_i32 = arith.constant 0 : i32
    %c0_i32_0 = arith.constant 0 : i32
    return %c0_i32, %arg0 : i32, i32
  }
  func.func @transform_7(%arg0: i32) -> (i32, i32) {
    %c0_i32 = arith.constant 0 : i32
    %c0_i32_0 = arith.constant 0 : i32
    return %c0_i32, %arg0 : i32, i32
  }
  func.func @transform_8(%arg0: i32) -> (i32, i32) {
    %c0_i32 = arith.constant 0 : i32
    %c0_i32_0 = arith.constant 0 : i32
    return %c0_i32, %arg0 : i32, i32
  }
  func.func @transform_9(%arg0: i32) -> (i32, i32) {
    %c0_i32 = arith.constant 0 : i32
    %c0_i32_0 = arith.constant 0 : i32
    %c0_i32_1 = arith.constant 0 : i32
    return %c0_i32, %c0_i32_0 : i32, i32
  }
  func.func @transform_10(%arg0: i32) -> i32 {
    %c0_i32 = arith.constant 0 : i32
    %c0_i32_0 = arith.constant 0 : i32
    return %c0_i32 : i32
  }
  func.func @transform_11(%arg0: i32) -> (i32, i32) {
    %c0_i32 = arith.constant 0 : i32
    %c0_i32_0 = arith.constant 0 : i32
    %c0_i32_1 = arith.constant 0 : i32
    return %c0_i32, %c0_i32_0 : i32, i32
  }
  func.func @transform_12(%arg0: i32) -> i32 {
    %c0_i32 = arith.constant 0 : i32
    %c0_i32_0 = arith.constant 0 : i32
    return %c0_i32 : i32
  }
  func.func @transform_13(%arg0: i32) -> (i32, i32) {
    %c0_i32 = arith.constant 0 : i32
    %c0_i32_0 = arith.constant 0 : i32
    %c0_i32_1 = arith.constant 0 : i32
    return %c0_i32, %c0_i32_0 : i32, i32
  }
  func.func @transform_14(%arg0: i32) -> i32 {
    %c0_i32 = arith.constant 0 : i32
    %c0_i32_0 = arith.constant 0 : i32
    return %c0_i32 : i32
  }
  func.func @transform_15(%arg0: i32) -> (i32, i32) {
    %c0_i32 = arith.constant 0 : i32
    %c0_i32_0 = arith.constant 0 : i32
    %c0_i32_1 = arith.constant 0 : i32
    return %c0_i32, %c0_i32_0 : i32, i32
  }
  func.func @transform_16(%arg0: i32) -> i32 {
    %c0_i32 = arith.constant 0 : i32
    %c0_i32_0 = arith.constant 0 : i32
    return %c0_i32 : i32
  }
  func.func @transform_17(%arg0: i32) -> (i32, i32) {
    %c0_i32 = arith.constant 0 : i32
    %c0_i32_0 = arith.constant 0 : i32
    %c0_i32_1 = arith.constant 0 : i32
    return %c0_i32, %c0_i32_0 : i32, i32
  }
  func.func @transform_18(%arg0: i32) -> i32 {
    %c0_i32 = arith.constant 0 : i32
    %c0_i32_0 = arith.constant 0 : i32
    return %c0_i32 : i32
  }
  func.func @transform_19(%arg0: i32) -> (i32, i32) {
    %c0_i32 = arith.constant 0 : i32
    %c0_i32_0 = arith.constant 0 : i32
    %c0_i32_1 = arith.constant 0 : i32
    return %c0_i32, %c0_i32_0 : i32, i32
  }
  func.func @transform_20(%arg0: i32) -> i32 {
    %c0_i32 = arith.constant 0 : i32
    %c0_i32_0 = arith.constant 0 : i32
    return %c0_i32 : i32
  }
  func.func @transform_21(%arg0: i32) -> (i32, i32) {
    %c0_i32 = arith.constant 0 : i32
    %c0_i32_0 = arith.constant 0 : i32
    return %arg0, %c0_i32 : i32, i32
  }
  func.func @transform_22(%arg0: i32) -> (i32, i32) {
    %c0_i32 = arith.constant 0 : i32
    %c0_i32_0 = arith.constant 0 : i32
    return %arg0, %c0_i32 : i32, i32
  }
  func.func @transform_23(%arg0: i32) -> (i32, i32) {
    %c0_i32 = arith.constant 0 : i32
    %c0_i32_0 = arith.constant 0 : i32
    return %arg0, %c0_i32 : i32, i32
  }
}

module attributes {stable_mosaic.version = 14 : i64} {
  func.func @_k5_body(%arg0: memref<2x1152x32xf32, #tpu.memory_space<vmem>>, %arg1: memref<2x1152x32xf32, #tpu.memory_space<vmem>>, %arg2: memref<2x1152x32xf32, #tpu.memory_space<vmem>>, %arg3: memref<2304xf32, #tpu.memory_space<vmem>>, %arg4: memref<2304xf32, #tpu.memory_space<vmem>>, %arg5: memref<2304xf32, #tpu.memory_space<vmem>>, %arg6: memref<2304xf32, #tpu.memory_space<vmem>>, %arg7: memref<2304xf32, #tpu.memory_space<vmem>>, %arg8: memref<2304xf32, #tpu.memory_space<vmem>>, %arg9: memref<32x64xf32, #tpu.memory_space<vmem>>, %arg10: memref<64xf32, #tpu.memory_space<vmem>>, %arg11: memref<64x64xf32, #tpu.memory_space<vmem>>, %arg12: memref<64xf32, #tpu.memory_space<vmem>>, %arg13: memref<32x64xf32, #tpu.memory_space<vmem>>, %arg14: memref<64xf32, #tpu.memory_space<vmem>>, %arg15: memref<64x64xf32, #tpu.memory_space<vmem>>, %arg16: memref<64xf32, #tpu.memory_space<vmem>>, %arg17: memref<32x64xf32, #tpu.memory_space<vmem>>, %arg18: memref<64x32xf32, #tpu.memory_space<vmem>>, %arg19: memref<32x64xf32, #tpu.memory_space<vmem>>, %arg20: memref<64x32xf32, #tpu.memory_space<vmem>>, %arg21: memref<1024xf32, #tpu.memory_space<vmem>>, %arg22: memref<4xf32, #tpu.memory_space<vmem>>) attributes {dimension_semantics = [], scalar_prefetch = 0 : i64, scratch_operands = 0 : i64, tpu.core_type = #tpu.core_type<tc>} {
    %get3A = arith.constant 0 : index
    %get3A_0 = arith.constant 0 : index
    %get3A_1 = arith.constant 0 : index
    %get3A_2 = vector.load %arg0[%get3A, %get3A_0, %get3A_1] : memref<2x1152x32xf32, #tpu.memory_space<vmem>>, vector<1x1152x32xf32>
    %get3A_3 = vector.shape_cast %get3A_2 : vector<1x1152x32xf32> to vector<1152x32xf32>
    %get3A_4 = arith.constant 1 : index
    %get3A_5 = arith.constant 0 : index
    %get3A_6 = arith.constant 0 : index
    %get3A_7 = vector.load %arg0[%get3A_4, %get3A_5, %get3A_6] : memref<2x1152x32xf32, #tpu.memory_space<vmem>>, vector<1x1152x32xf32>
    %get3A_8 = vector.shape_cast %get3A_7 : vector<1x1152x32xf32> to vector<1152x32xf32>
    %add3A = arith.addf %get3A_3, %get3A_8 : vector<1152x32xf32>
    %slice3A = vector.extract_strided_slice %add3A {offsets = [0, 0], sizes = [1024, 32], strides = [1, 1]} : vector<1152x32xf32> to vector<1024x32xf32>
    %get3A_9 = arith.constant 0 : index
    %get3A_10 = vector.load %arg3[%get3A_9] : memref<2304xf32, #tpu.memory_space<vmem>>, vector<1024xf32>
    %get3A_11 = arith.constant 1152 : index
    %get3A_12 = vector.load %arg3[%get3A_11] : memref<2304xf32, #tpu.memory_space<vmem>>, vector<1024xf32>
    %add3A_13 = arith.addf %get3A_10, %get3A_12 : vector<1024xf32>
    %max3A = arith.constant 1.000000e+00 : f32
    %max3A_14 = vector.broadcast %max3A : f32 to vector<1024xf32>
    %max3A_15 = arith.maximumf %add3A_13, %max3A_14 : vector<1024xf32>
    %broadcast_in_dim3A = vector.shape_cast %max3A_15 : vector<1024xf32> to vector<1024x1xf32>
    %div3A = vector.broadcast %broadcast_in_dim3A : vector<1024x1xf32> to vector<1024x32xf32>
    %div3A_16 = arith.divf %slice3A, %div3A : vector<1024x32xf32>
    %get3A_17 = arith.constant 0 : index
    %get3A_18 = arith.constant 0 : index
    %get3A_19 = arith.constant 0 : index
    %get3A_20 = vector.load %arg1[%get3A_17, %get3A_18, %get3A_19] : memref<2x1152x32xf32, #tpu.memory_space<vmem>>, vector<1x1152x32xf32>
    %get3A_21 = vector.shape_cast %get3A_20 : vector<1x1152x32xf32> to vector<1152x32xf32>
    %get3A_22 = arith.constant 1 : index
    %get3A_23 = arith.constant 0 : index
    %get3A_24 = arith.constant 0 : index
    %get3A_25 = vector.load %arg1[%get3A_22, %get3A_23, %get3A_24] : memref<2x1152x32xf32, #tpu.memory_space<vmem>>, vector<1x1152x32xf32>
    %get3A_26 = vector.shape_cast %get3A_25 : vector<1x1152x32xf32> to vector<1152x32xf32>
    %add3A_27 = arith.addf %get3A_21, %get3A_26 : vector<1152x32xf32>
    %slice3A_28 = vector.extract_strided_slice %add3A_27 {offsets = [0, 0], sizes = [1024, 32], strides = [1, 1]} : vector<1152x32xf32> to vector<1024x32xf32>
    %get3A_29 = arith.constant 0 : index
    %get3A_30 = vector.load %arg4[%get3A_29] : memref<2304xf32, #tpu.memory_space<vmem>>, vector<1024xf32>
    %get3A_31 = arith.constant 1152 : index
    %get3A_32 = vector.load %arg4[%get3A_31] : memref<2304xf32, #tpu.memory_space<vmem>>, vector<1024xf32>
    %add3A_33 = arith.addf %get3A_30, %get3A_32 : vector<1024xf32>
    %max3A_34 = arith.constant 1.000000e+00 : f32
    %max3A_35 = vector.broadcast %max3A_34 : f32 to vector<1024xf32>
    %max3A_36 = arith.maximumf %add3A_33, %max3A_35 : vector<1024xf32>
    %broadcast_in_dim3A_37 = vector.shape_cast %max3A_36 : vector<1024xf32> to vector<1024x1xf32>
    %div3A_38 = vector.broadcast %broadcast_in_dim3A_37 : vector<1024x1xf32> to vector<1024x32xf32>
    %div3A_39 = arith.divf %slice3A_28, %div3A_38 : vector<1024x32xf32>
    %get3A_40 = arith.constant 0 : index
    %get3A_41 = arith.constant 0 : index
    %get3A_42 = arith.constant 0 : index
    %get3A_43 = vector.load %arg2[%get3A_40, %get3A_41, %get3A_42] : memref<2x1152x32xf32, #tpu.memory_space<vmem>>, vector<1x1152x32xf32>
    %get3A_44 = vector.shape_cast %get3A_43 : vector<1x1152x32xf32> to vector<1152x32xf32>
    %get3A_45 = arith.constant 1 : index
    %get3A_46 = arith.constant 0 : index
    %get3A_47 = arith.constant 0 : index
    %get3A_48 = vector.load %arg2[%get3A_45, %get3A_46, %get3A_47] : memref<2x1152x32xf32, #tpu.memory_space<vmem>>, vector<1x1152x32xf32>
    %get3A_49 = vector.shape_cast %get3A_48 : vector<1x1152x32xf32> to vector<1152x32xf32>
    %add3A_50 = arith.addf %get3A_44, %get3A_49 : vector<1152x32xf32>
    %slice3A_51 = vector.extract_strided_slice %add3A_50 {offsets = [0, 0], sizes = [1024, 32], strides = [1, 1]} : vector<1152x32xf32> to vector<1024x32xf32>
    %get3A_52 = arith.constant 0 : index
    %get3A_53 = vector.load %arg5[%get3A_52] : memref<2304xf32, #tpu.memory_space<vmem>>, vector<1024xf32>
    %get3A_54 = arith.constant 1152 : index
    %get3A_55 = vector.load %arg5[%get3A_54] : memref<2304xf32, #tpu.memory_space<vmem>>, vector<1024xf32>
    %add3A_56 = arith.addf %get3A_53, %get3A_55 : vector<1024xf32>
    %max3A_57 = arith.constant 1.000000e+00 : f32
    %max3A_58 = vector.broadcast %max3A_57 : f32 to vector<1024xf32>
    %max3A_59 = arith.maximumf %add3A_56, %max3A_58 : vector<1024xf32>
    %broadcast_in_dim3A_60 = vector.shape_cast %max3A_59 : vector<1024xf32> to vector<1024x1xf32>
    %div3A_61 = vector.broadcast %broadcast_in_dim3A_60 : vector<1024x1xf32> to vector<1024x32xf32>
    %div3A_62 = arith.divf %slice3A_51, %div3A_61 : vector<1024x32xf32>
    %mul3A = arith.mulf %div3A_16, %div3A_62 : vector<1024x32xf32>
    %get3A_63 = arith.constant 0 : index
    %get3A_64 = arith.constant 0 : index
    %get3A_65 = vector.load %arg9[%get3A_63, %get3A_64] : memref<32x64xf32, #tpu.memory_space<vmem>>, vector<32x64xf32>
    %dot_general3A = arith.constant dense<0.000000e+00> : vector<1024x64xf32>
    %dot_general3A_66 = tpu.matmul %mul3A, %get3A_65, %dot_general3A {dimension_numbers = #tpu.dot_dimension_numbers<[1], [0], [0], [1], [0, 0, 1, 1], [], []>, precision = #tpu.contract_precision<fp32>, transpose_lhs_hint = false} : vector<1024x32xf32>, vector<32x64xf32>, vector<1024x64xf32> -> vector<1024x64xf32>
    %get3A_67 = arith.constant 0 : index
    %get3A_68 = vector.load %arg10[%get3A_67] : memref<64xf32, #tpu.memory_space<vmem>>, vector<64xf32>
    %broadcast_in_dim3A_69 = vector.shape_cast %get3A_68 : vector<64xf32> to vector<1x64xf32>
    %add3A_70 = vector.broadcast %broadcast_in_dim3A_69 : vector<1x64xf32> to vector<1024x64xf32>
    %add3A_71 = arith.addf %dot_general3A_66, %add3A_70 : vector<1024x64xf32>
    %max3A_72 = arith.constant 0.000000e+00 : f32
    %max3A_73 = vector.broadcast %max3A_72 : f32 to vector<1024x64xf32>
    %max3A_74 = arith.maximumf %add3A_71, %max3A_73 : vector<1024x64xf32>
    %get3A_75 = arith.constant 0 : index
    %get3A_76 = arith.constant 0 : index
    %get3A_77 = vector.load %arg11[%get3A_75, %get3A_76] : memref<64x64xf32, #tpu.memory_space<vmem>>, vector<64x64xf32>
    %dot_general3A_78 = arith.constant dense<0.000000e+00> : vector<1024x64xf32>
    %dot_general3A_79 = tpu.matmul %max3A_74, %get3A_77, %dot_general3A_78 {dimension_numbers = #tpu.dot_dimension_numbers<[1], [0], [0], [1], [0, 0, 1, 1], [], []>, precision = #tpu.contract_precision<fp32>, transpose_lhs_hint = false} : vector<1024x64xf32>, vector<64x64xf32>, vector<1024x64xf32> -> vector<1024x64xf32>
    %get3A_80 = arith.constant 0 : index
    %get3A_81 = vector.load %arg12[%get3A_80] : memref<64xf32, #tpu.memory_space<vmem>>, vector<64xf32>
    %broadcast_in_dim3A_82 = vector.shape_cast %get3A_81 : vector<64xf32> to vector<1x64xf32>
    %add3A_83 = vector.broadcast %broadcast_in_dim3A_82 : vector<1x64xf32> to vector<1024x64xf32>
    %add3A_84 = arith.addf %dot_general3A_79, %add3A_83 : vector<1024x64xf32>
    %mul3A_85 = arith.mulf %div3A_39, %div3A_62 : vector<1024x32xf32>
    %get3A_86 = arith.constant 0 : index
    %get3A_87 = arith.constant 0 : index
    %get3A_88 = vector.load %arg13[%get3A_86, %get3A_87] : memref<32x64xf32, #tpu.memory_space<vmem>>, vector<32x64xf32>
    %dot_general3A_89 = arith.constant dense<0.000000e+00> : vector<1024x64xf32>
    %dot_general3A_90 = tpu.matmul %mul3A_85, %get3A_88, %dot_general3A_89 {dimension_numbers = #tpu.dot_dimension_numbers<[1], [0], [0], [1], [0, 0, 1, 1], [], []>, precision = #tpu.contract_precision<fp32>, transpose_lhs_hint = false} : vector<1024x32xf32>, vector<32x64xf32>, vector<1024x64xf32> -> vector<1024x64xf32>
    %get3A_91 = arith.constant 0 : index
    %get3A_92 = vector.load %arg14[%get3A_91] : memref<64xf32, #tpu.memory_space<vmem>>, vector<64xf32>
    %broadcast_in_dim3A_93 = vector.shape_cast %get3A_92 : vector<64xf32> to vector<1x64xf32>
    %add3A_94 = vector.broadcast %broadcast_in_dim3A_93 : vector<1x64xf32> to vector<1024x64xf32>
    %add3A_95 = arith.addf %dot_general3A_90, %add3A_94 : vector<1024x64xf32>
    %max3A_96 = arith.constant 0.000000e+00 : f32
    %max3A_97 = vector.broadcast %max3A_96 : f32 to vector<1024x64xf32>
    %max3A_98 = arith.maximumf %add3A_95, %max3A_97 : vector<1024x64xf32>
    %get3A_99 = arith.constant 0 : index
    %get3A_100 = arith.constant 0 : index
    %get3A_101 = vector.load %arg15[%get3A_99, %get3A_100] : memref<64x64xf32, #tpu.memory_space<vmem>>, vector<64x64xf32>
    %dot_general3A_102 = arith.constant dense<0.000000e+00> : vector<1024x64xf32>
    %dot_general3A_103 = tpu.matmul %max3A_98, %get3A_101, %dot_general3A_102 {dimension_numbers = #tpu.dot_dimension_numbers<[1], [0], [0], [1], [0, 0, 1, 1], [], []>, precision = #tpu.contract_precision<fp32>, transpose_lhs_hint = false} : vector<1024x64xf32>, vector<64x64xf32>, vector<1024x64xf32> -> vector<1024x64xf32>
    %get3A_104 = arith.constant 0 : index
    %get3A_105 = vector.load %arg16[%get3A_104] : memref<64xf32, #tpu.memory_space<vmem>>, vector<64xf32>
    %broadcast_in_dim3A_106 = vector.shape_cast %get3A_105 : vector<64xf32> to vector<1x64xf32>
    %add3A_107 = vector.broadcast %broadcast_in_dim3A_106 : vector<1x64xf32> to vector<1024x64xf32>
    %add3A_108 = arith.addf %dot_general3A_103, %add3A_107 : vector<1024x64xf32>
    %slice3A_109 = vector.extract_strided_slice %add3A_84 {offsets = [0, 0], sizes = [1024, 32], strides = [1, 1]} : vector<1024x64xf32> to vector<1024x32xf32>
    %slice3A_110 = vector.extract_strided_slice %add3A_84 {offsets = [0, 32], sizes = [1024, 32], strides = [1, 1]} : vector<1024x64xf32> to vector<1024x32xf32>
    %slice3A_111 = vector.extract_strided_slice %add3A_108 {offsets = [0, 0], sizes = [1024, 32], strides = [1, 1]} : vector<1024x64xf32> to vector<1024x32xf32>
    %slice3A_112 = vector.extract_strided_slice %add3A_108 {offsets = [0, 32], sizes = [1024, 32], strides = [1, 1]} : vector<1024x64xf32> to vector<1024x32xf32>
    %add3A_113 = arith.addf %slice3A_109, %slice3A_110 : vector<1024x32xf32>
    %add3A_114 = arith.addf %slice3A_111, %slice3A_112 : vector<1024x32xf32>
    %mul3A_115 = arith.mulf %add3A_113, %add3A_114 : vector<1024x32xf32>
    %reduce_sum3A = arith.constant dense<0.000000e+00> : vector<1024xf32>
    %reduce_sum3A_116 = vector.multi_reduction <add>, %mul3A_115, %reduce_sum3A [1] : vector<1024x32xf32> to vector<1024xf32>
    %get3A_117 = arith.constant 0 : index
    %get3A_118 = vector.load %arg6[%get3A_117] : memref<2304xf32, #tpu.memory_space<vmem>>, vector<1024xf32>
    %get3A_119 = arith.constant 1152 : index
    %get3A_120 = vector.load %arg6[%get3A_119] : memref<2304xf32, #tpu.memory_space<vmem>>, vector<1024xf32>
    %add3A_121 = arith.addf %get3A_118, %get3A_120 : vector<1024xf32>
    %get3A_122 = arith.constant 0 : index
    %get3A_123 = vector.load %arg7[%get3A_122] : memref<2304xf32, #tpu.memory_space<vmem>>, vector<1024xf32>
    %get3A_124 = arith.constant 1152 : index
    %get3A_125 = vector.load %arg7[%get3A_124] : memref<2304xf32, #tpu.memory_space<vmem>>, vector<1024xf32>
    %add3A_126 = arith.addf %get3A_123, %get3A_125 : vector<1024xf32>
    %get3A_127 = arith.constant 0 : index
    %get3A_128 = vector.load %arg8[%get3A_127] : memref<2304xf32, #tpu.memory_space<vmem>>, vector<1024xf32>
    %get3A_129 = arith.constant 1152 : index
    %get3A_130 = vector.load %arg8[%get3A_129] : memref<2304xf32, #tpu.memory_space<vmem>>, vector<1024xf32>
    %add3A_131 = arith.addf %get3A_128, %get3A_130 : vector<1024xf32>
    %add3A_132 = arith.addf %reduce_sum3A_116, %add3A_121 : vector<1024xf32>
    %add3A_133 = arith.addf %add3A_132, %add3A_126 : vector<1024xf32>
    %add3A_134 = arith.addf %add3A_133, %add3A_131 : vector<1024xf32>
    %logistic3A = arith.negf %add3A_134 : vector<1024xf32>
    %logistic3A_135 = math.exp %logistic3A : vector<1024xf32>
    %logistic3A_136 = arith.constant 1.000000e+00 : f32
    %logistic3A_137 = vector.broadcast %logistic3A_136 : f32 to vector<1024xf32>
    %logistic3A_138 = arith.addf %logistic3A_137, %logistic3A_135 : vector<1024xf32>
    %logistic3A_139 = arith.divf %logistic3A_137, %logistic3A_138 : vector<1024xf32>
    %swap3A = arith.constant 0 : index
    %swap3A_140 = vector.load %arg21[%swap3A] : memref<1024xf32, #tpu.memory_space<vmem>>, vector<1024xf32>
    tpu.vector_store %arg21[%swap3A], %logistic3A_139 {strides = array<i32>} : memref<1024xf32, #tpu.memory_space<vmem>>, vector<1024xf32>,
    %get3A_141 = arith.constant 0 : index
    %get3A_142 = arith.constant 0 : index
    %get3A_143 = vector.load %arg17[%get3A_141, %get3A_142] : memref<32x64xf32, #tpu.memory_space<vmem>>, vector<32x64xf32>
    %dot_general3A_144 = arith.constant dense<0.000000e+00> : vector<1024x64xf32>
    %dot_general3A_145 = tpu.matmul %slice3A_109, %get3A_143, %dot_general3A_144 {dimension_numbers = #tpu.dot_dimension_numbers<[1], [0], [0], [1], [0, 0, 1, 1], [], []>, precision = #tpu.contract_precision<fp32>, transpose_lhs_hint = false} : vector<1024x32xf32>, vector<32x64xf32>, vector<1024x64xf32> -> vector<1024x64xf32>
    %max3A_146 = arith.constant 0.000000e+00 : f32
    %max3A_147 = vector.broadcast %max3A_146 : f32 to vector<1024x64xf32>
    %max3A_148 = arith.maximumf %dot_general3A_145, %max3A_147 : vector<1024x64xf32>
    %get3A_149 = arith.constant 0 : index
    %get3A_150 = arith.constant 0 : index
    %get3A_151 = vector.load %arg18[%get3A_149, %get3A_150] : memref<64x32xf32, #tpu.memory_space<vmem>>, vector<64x32xf32>
    %dot_general3A_152 = arith.constant dense<0.000000e+00> : vector<1024x32xf32>
    %dot_general3A_153 = tpu.matmul %max3A_148, %get3A_151, %dot_general3A_152 {dimension_numbers = #tpu.dot_dimension_numbers<[1], [0], [0], [1], [0, 0, 1, 1], [], []>, precision = #tpu.contract_precision<fp32>, transpose_lhs_hint = false} : vector<1024x64xf32>, vector<64x32xf32>, vector<1024x32xf32> -> vector<1024x32xf32>
    %slice3A_154 = vector.extract_strided_slice %slice3A_110 {offsets = [1023, 0], sizes = [1, 32], strides = [1, 1]} : vector<1024x32xf32> to vector<1x32xf32>
    %slice3A_155 = vector.extract_strided_slice %slice3A_110 {offsets = [0, 0], sizes = [1023, 32], strides = [1, 1]} : vector<1024x32xf32> to vector<1023x32xf32>
    %concatenate3A = tpu.concatenate %slice3A_154, %slice3A_155 in 0 : vector<1x32xf32>, vector<1023x32xf32> -> vector<1024x32xf32>
    %sub3A = arith.subf %dot_general3A_153, %slice3A_110 : vector<1024x32xf32>
    %integer_pow3A = arith.mulf %sub3A, %sub3A : vector<1024x32xf32>
    %reduce_sum3A_156 = vector.shape_cast %integer_pow3A : vector<1024x32xf32> to vector<1x1024x32xf32>
    %reduce_sum3A_157 = arith.constant dense<0.000000e+00> : vector<1xf32>
    %reduce_sum3A_158 = vector.multi_reduction <add>, %reduce_sum3A_156, %reduce_sum3A_157 [1, 2] : vector<1x1024x32xf32> to vector<1xf32>
    %reduce_sum3A_159 = vector.shape_cast %reduce_sum3A_158 : vector<1xf32> to vector<1x1x1xf32>
    %reduce_sum3A_160 = vector.extract %reduce_sum3A_159[0, 0, 0] : f32 from vector<1x1x1xf32>
    %div3A_161 = arith.constant 3.276800e+04 : f32
    %div3A_162 = arith.divf %reduce_sum3A_160, %div3A_161 : f32
    %neg3A = arith.constant 0.000000e+00 : f32
    %neg3A_163 = arith.subf %neg3A, %div3A_162 : f32
    %sub3A_164 = arith.subf %dot_general3A_153, %concatenate3A : vector<1024x32xf32>
    %integer_pow3A_165 = arith.mulf %sub3A_164, %sub3A_164 : vector<1024x32xf32>
    %reduce_sum3A_166 = vector.shape_cast %integer_pow3A_165 : vector<1024x32xf32> to vector<1x1024x32xf32>
    %reduce_sum3A_167 = arith.constant dense<0.000000e+00> : vector<1xf32>
    %reduce_sum3A_168 = vector.multi_reduction <add>, %reduce_sum3A_166, %reduce_sum3A_167 [1, 2] : vector<1x1024x32xf32> to vector<1xf32>
    %reduce_sum3A_169 = vector.shape_cast %reduce_sum3A_168 : vector<1xf32> to vector<1x1x1xf32>
    %reduce_sum3A_170 = vector.extract %reduce_sum3A_169[0, 0, 0] : f32 from vector<1x1x1xf32>
    %div3A_171 = arith.constant 3.276800e+04 : f32
    %div3A_172 = arith.divf %reduce_sum3A_170, %div3A_171 : f32
    %neg3A_173 = arith.constant 0.000000e+00 : f32
    %neg3A_174 = arith.subf %neg3A_173, %div3A_172 : f32
    %get3A_175 = arith.constant 0 : index
    %get3A_176 = arith.constant 0 : index
    %get3A_177 = vector.load %arg19[%get3A_175, %get3A_176] : memref<32x64xf32, #tpu.memory_space<vmem>>, vector<32x64xf32>
    %dot_general3A_178 = arith.constant dense<0.000000e+00> : vector<1024x64xf32>
    %dot_general3A_179 = tpu.matmul %slice3A_111, %get3A_177, %dot_general3A_178 {dimension_numbers = #tpu.dot_dimension_numbers<[1], [0], [0], [1], [0, 0, 1, 1], [], []>, precision = #tpu.contract_precision<fp32>, transpose_lhs_hint = false} : vector<1024x32xf32>, vector<32x64xf32>, vector<1024x64xf32> -> vector<1024x64xf32>
    %max3A_180 = arith.constant 0.000000e+00 : f32
    %max3A_181 = vector.broadcast %max3A_180 : f32 to vector<1024x64xf32>
    %max3A_182 = arith.maximumf %dot_general3A_179, %max3A_181 : vector<1024x64xf32>
    %get3A_183 = arith.constant 0 : index
    %get3A_184 = arith.constant 0 : index
    %get3A_185 = vector.load %arg20[%get3A_183, %get3A_184] : memref<64x32xf32, #tpu.memory_space<vmem>>, vector<64x32xf32>
    %dot_general3A_186 = arith.constant dense<0.000000e+00> : vector<1024x32xf32>
    %dot_general3A_187 = tpu.matmul %max3A_182, %get3A_185, %dot_general3A_186 {dimension_numbers = #tpu.dot_dimension_numbers<[1], [0], [0], [1], [0, 0, 1, 1], [], []>, precision = #tpu.contract_precision<fp32>, transpose_lhs_hint = false} : vector<1024x64xf32>, vector<64x32xf32>, vector<1024x32xf32> -> vector<1024x32xf32>
    %slice3A_188 = vector.extract_strided_slice %slice3A_112 {offsets = [1023, 0], sizes = [1, 32], strides = [1, 1]} : vector<1024x32xf32> to vector<1x32xf32>
    %slice3A_189 = vector.extract_strided_slice %slice3A_112 {offsets = [0, 0], sizes = [1023, 32], strides = [1, 1]} : vector<1024x32xf32> to vector<1023x32xf32>
    %concatenate3A_190 = tpu.concatenate %slice3A_188, %slice3A_189 in 0 : vector<1x32xf32>, vector<1023x32xf32> -> vector<1024x32xf32>
    %sub3A_191 = arith.subf %dot_general3A_187, %slice3A_112 : vector<1024x32xf32>
    %integer_pow3A_192 = arith.mulf %sub3A_191, %sub3A_191 : vector<1024x32xf32>
    %reduce_sum3A_193 = vector.shape_cast %integer_pow3A_192 : vector<1024x32xf32> to vector<1x1024x32xf32>
    %reduce_sum3A_194 = arith.constant dense<0.000000e+00> : vector<1xf32>
    %reduce_sum3A_195 = vector.multi_reduction <add>, %reduce_sum3A_193, %reduce_sum3A_194 [1, 2] : vector<1x1024x32xf32> to vector<1xf32>
    %reduce_sum3A_196 = vector.shape_cast %reduce_sum3A_195 : vector<1xf32> to vector<1x1x1xf32>
    %reduce_sum3A_197 = vector.extract %reduce_sum3A_196[0, 0, 0] : f32 from vector<1x1x1xf32>
    %div3A_198 = arith.constant 3.276800e+04 : f32
    %div3A_199 = arith.divf %reduce_sum3A_197, %div3A_198 : f32
    %neg3A_200 = arith.constant 0.000000e+00 : f32
    %neg3A_201 = arith.subf %neg3A_200, %div3A_199 : f32
    %sub3A_202 = arith.subf %dot_general3A_187, %concatenate3A_190 : vector<1024x32xf32>
    %integer_pow3A_203 = arith.mulf %sub3A_202, %sub3A_202 : vector<1024x32xf32>
    %reduce_sum3A_204 = vector.shape_cast %integer_pow3A_203 : vector<1024x32xf32> to vector<1x1024x32xf32>
    %reduce_sum3A_205 = arith.constant dense<0.000000e+00> : vector<1xf32>
    %reduce_sum3A_206 = vector.multi_reduction <add>, %reduce_sum3A_204, %reduce_sum3A_205 [1, 2] : vector<1x1024x32xf32> to vector<1xf32>
    %reduce_sum3A_207 = vector.shape_cast %reduce_sum3A_206 : vector<1xf32> to vector<1x1x1xf32>
    %reduce_sum3A_208 = vector.extract %reduce_sum3A_207[0, 0, 0] : f32 from vector<1x1x1xf32>
    %div3A_209 = arith.constant 3.276800e+04 : f32
    %div3A_210 = arith.divf %reduce_sum3A_208, %div3A_209 : f32
    %neg3A_211 = arith.constant 0.000000e+00 : f32
    %neg3A_212 = arith.subf %neg3A_211, %div3A_210 : f32
    %stack3A = vector.broadcast %neg3A_163 : f32 to vector<1xf32>
    %stack3A_213 = vector.broadcast %neg3A_174 : f32 to vector<1xf32>
    %stack3A_214 = vector.broadcast %neg3A_201 : f32 to vector<1xf32>
    %stack3A_215 = vector.broadcast %neg3A_212 : f32 to vector<1xf32>
    %stack3A_216 = tpu.concatenate %stack3A, %stack3A_213, %stack3A_214, %stack3A_215 in 0 : vector<1xf32>, vector<1xf32>, vector<1xf32>, vector<1xf32> -> vector<4xf32>
    %swap3A_217 = arith.constant 0 : index
    %swap3A_218 = vector.load %arg22[%swap3A_217] : memref<4xf32, #tpu.memory_space<vmem>>, vector<4xf32>
    tpu.vector_store %arg22[%swap3A_217], %stack3A_216 {strides = array<i32>} : memref<4xf32, #tpu.memory_space<vmem>>, vector<4xf32>,
    return
  }
}

</mosaic_0001>

<sc_bundles>
// kernel: kernel.10.cloned.1.call-start
scs
__scs_entry_jumppad:
0x0: {  	(pc) =	sbr.rel $0x88, $3  }
0x1: {  	(tag) =	ssettag $0x0;
	lr =	simm.s32 $0x1  }
0x2: {  	[smem:$0x3F7E] =	sst lr;
	_ =	strace $0xD0000000  }
0x3: {  	_ = 	snop  }
0x4: {  	_ = 	snop  }
0x5: {  	_ = 	snop  }
0x6: {  	_ = 	snop  }
0x7: {  	_ = 	snop  }
__scs_overlays_trampoline_lowered:
0x8: {  	[smem:$0x3F8D] =	sst s0  }
0x9: {  	[smem:$0x3F8E] =	sst s1  }
0xa: {  	[smem:$0x3F8F] =	sst s2  }
0xb: {  	[smem:$0x3F90] =	sst s3  }
0xc: {  	[smem:$0x3F91] =	sst s4  }
0xd: {  	[smem:$0x3F92] =	sst s5  }
0xe: {  	[smem:$0x3F93] =	sst s6  }
0xf: {  	[smem:$0x3F94] =	sst s7  }
0x10: {  	[smem:$0x3F95] =	sst s8  }
0x11: {  	[smem:$0x3F96] =	sst s9;
	s0 =	simm.s32 @!p0 $0x0  }
0x12: {  	s1 =	sld [smem:$0x3F7C];
	s0 =	simm.s32 @p0 $0x1  }
0x13: {  	[smem:$0x3F97] =	sst s0;
	s0 =	simm.s32 @!p1 $0x0  }
0x14: {  	s2 =	sld [smem:$0x3F7B];
	s0 =	simm.s32 @p1 $0x1  }
0x15: {  	[smem:$0x3F98] =	sst s0;
	s0 =	simm.s32 @!p2 $0x0  }
0x16: {  	s3 =	sld [smem:$0x3FDB];
	s0 =	simm.s32 @p2 $0x1  }
0x17: {  	s4 =	simm.s32 $0x1BF5;
	[smem:$0x3F9A] =	sst s0  }
0x18: {  	s0 =	sld [smem:$0x3F7D];
	_ =	swait.ge [sflag:s4], $0x0  }
0x19: {  	s7 =	sld [smem:$0x3F7E]  }
0x1a: {  	s8 =	sadd.s32 $0xFFFFE003, lr  }
0x1b: {  	s9 =	sadd.s32 $0xFFFFFEF7, lr;
	s5 =	simm.s32 $0xFFFFFFFF;
	p2 =	slt.u32 s8, $0xFFFFF086  }
0x1c: {  	p1 =	slt.u32 s9, $0xF7A;
	s5 =	simm.s32 @!p2 $0x0  }
0x1d: {  	s5 =	simm.s32 @p1 $0x1;
	p0 =	seq.s32 s7, s2  }
0x1e: {  	s7 =	smul.u32 @!p0 $0xF7A, s2;
	p2 =	seq.s32 @!p0 s5, $0x0  }
0x1f: {  	s9 =	smul.u32 $0xF7A, s1;
	s8 =	simm.s32 @!p0 $0x1BF5;
	p2 =	por !p2, p0  }
0x20: {  	[sflag:s8] =	ssyncset.s32 @!p0 $0xFFFFF086;
	s6 =	sadd.s32 @!p0 s3, s7;
	s7 =	simm.s32 @!p0 $0x108  }
0x21: {  	s3 =	sadd.s32 s3, s9;
	s6 =	sadd.s32 @!p0 $0x88, s6;
	s7 =	simm.s32 @p2 $0x1082  }
0x22: {  	[simem:s7], [sflag:s8] =	dma.local @!p0 [hbm:s6], $0xF7A  }
0x23: {  	s9 =	sor.u32 $0xD0000000, s2;
	s6 =	simm.s32 $0x108;
	_ =	swait.ge @!p0 [sflag:s8], $0x0  }
0x24: {  	s3 =	sadd.s32 $0x88, s3;
	s6 =	simm.s32 @!p1 $0x1082;
	[sflag:s4] =	ssyncset.s32 $0xFFFFF086  }
0x25: {  	[simem:s6], [sflag:s4] =	dma.local [hbm:s3], $0xF7A  }
0x26: {  	[smem:$0x3F7E] =	sst s1;
	(tag) =	ssettag s2;
	_ =	strace s9  }
0x27: {  	s1 =	sld [smem:$0x3F8E]  }
0x28: {  	s2 =	sld [smem:$0x3F8F]  }
0x29: {  	s4 =	sld [smem:$0x3F91]  }
0x2a: {  	p0 =	seq.s32 s5, $0x0;
	s5 =	sld [smem:$0x3F92]  }
0x2b: {  	s6 =	sld [smem:$0x3F93]  }
0x2c: {  	s7 =	sld [smem:$0x3F94]  }
0x2d: {  	s3 =	simm.s32 $0x108;
	s8 =	sld [smem:$0x3F95]  }
0x2e: {  	s3 =	simm.s32 @!p0 $0x1082;
	s9 =	sld [smem:$0x3F96]  }
0x2f: {  	lr =	sadd.s32 s0, s3;
	s0 =	sld [smem:$0x3F8D]  }
0x30: {  	s3 =	sld [smem:$0x3F90]  }
0x31: {  	[smem:$0x3F99] =	sst s10  }
0x32: {  	s10 =	sld [smem:$0x3F97];
	_ =	sdelay $0x3  }
0x33: {  	p0 =	seq.s32 s10, $0x1;
	s10 =	sld [smem:$0x3F99];
	_ =	sdelay $0x3  }
0x34: {  	[smem:$0x3F99] =	sst s10  }
0x35: {  	s10 =	sld [smem:$0x3F98];
	_ =	sdelay $0x3  }
0x36: {  	p1 =	seq.s32 s10, $0x1;
	s10 =	sld [smem:$0x3F99];
	_ =	sdelay $0x3  }
0x37: {  	[smem:$0x3F99] =	sst s10  }
0x38: {  	s10 =	sld [smem:$0x3F9A]  }
0x39: {  	_ = 	snop;
	(pc) =	sbr.ind lr, $3  }
0x3a: {  	_ = 	snop  }
0x3b: {  	_ = 	snop  }
0x3c: {  	p2 =	seq.s32 s10, $0x1;
	s10 =	sld [smem:$0x3F99]  }
0x3d: {  	_ =	shalt  }
0x3e: {  	_ =	shalt  }
0x3f: {  	_ =	shalt  }
0x40: {  	_ =	shalt  }
0x41: {  	_ =	shalt  }
0x42: {  	_ =	shalt  }
0x43: {  	_ =	shalt  }
0x44: {  	_ =	shalt  }
0x45: {  	_ =	shalt  }
0x46: {  	_ =	shalt  }
0x47: {  	_ =	shalt  }
0x48: {  	_ =	shalt  }
0x49: {  	_ =	shalt  }
0x4a: {  	_ =	shalt  }
0x4b: {  	_ =	shalt  }
0x4c: {  	_ =	shalt  }
0x4d: {  	_ =	shalt  }
0x4e: {  	_ =	shalt  }
0x4f: {  	_ =	shalt  }
0x50: {  	_ =	shalt  }
0x51: {  	_ =	shalt  }
0x52: {  	_ =	shalt  }
0x53: {  	_ =	shalt  }
0x54: {  	_ =	shalt  }
0x55: {  	_ =	shalt  }
0x56: {  	_ =	shalt  }
0x57: {  	_ =	shalt  }
0x58: {  	_ =	shalt  }
0x59: {  	_ =	shalt  }
0x5a: {  	_ =	shalt  }
0x5b: {  	_ =	shalt  }
0x5c: {  	_ =	shalt  }
0x5d: {  	_ =	shalt  }
0x5e: {  	_ =	shalt  }
0x5f: {  	_ =	shalt  }
0x60: {  	_ =	shalt  }
0x61: {  	_ =	shalt  }
0x62: {  	_ =	shalt  }
0x63: {  	_ =	shalt  }
0x64: {  	_ =	shalt  }
0x65: {  	_ =	shalt  }
0x66: {  	_ =	shalt  }
0x67: {  	_ =	shalt  }
0x68: {  	_ =	shalt  }
0x69: {  	_ =	shalt  }
0x6a: {  	_ =	shalt  }
0x6b: {  	_ =	shalt  }
0x6c: {  	_ =	shalt  }
0x6d: {  	_ =	shalt  }
0x6e: {  	_ =	shalt  }
0x6f: {  	_ =	shalt  }
0x70: {  	_ =	shalt  }
0x71: {  	_ =	shalt  }
0x72: {  	_ =	shalt  }
0x73: {  	_ =	shalt  }
0x74: {  	_ =	shalt  }
0x75: {  	_ =	shalt  }
0x76: {  	_ =	shalt  }
0x77: {  	_ =	shalt  }
0x78: {  	_ =	shalt  }
0x79: {  	_ =	shalt  }
0x7a: {  	_ =	shalt  }
0x7b: {  	_ =	shalt  }
0x7c: {  	_ =	shalt  }
0x7d: {  	_ =	shalt  }
0x7e: {  	_ =	shalt  }
0x7f: {  	_ =	shalt  }
0x80: {  	_ =	shalt  }
0x81: {  	_ =	shalt  }
0x82: {  	_ =	shalt  }
0x83: {  	_ =	shalt  }
0x84: {  	_ =	shalt  }
0x85: {  	_ =	shalt  }
0x86: {  	_ =	shalt  }
0x87: {  	_ =	shalt  }
.Lfunc_end0:
.L_simem_size_0:
called_computation.1_lowered:
.L_overlay_start_0:
0x88: {  	s2 =	sld [smem:$0x3FD9]  }
0x89: {  	s3 =	sld [smem:$0x3FFE];
	_ =	sdelay $0x1  }
0x8a: {  	s1 =	srdreg.scid  }
0x8b: {  	s0 =	sand.u32 $0x1, s1  }
0x8c: {  	s16 =	sshll.u32 s0, $0xA;
	s2 =	sadd.s32 s3, s2  }
0x8d: {  	s2 =	sadd.s32 s2, s16  }
0x8e: {  	[smem:$0x3FA5] =	sst s2  }
0x8f: {  	_ = 	snop  }
0x90: {  	(tm) =	ssettm $0x1  }
0x91: {  	s17 =	sld [smem:$0x3FFB];
	_ =	sdelay $0x3  }
0x92: {  	_ =	strace s17  }
0x93: {  	s2 =	sld [smem:$0x3FFC];
	_ =	sdelay $0x3  }
0x94: {  	_ =	strace s2  }
0x95: {  	s2 =	sld [smem:$0x3FFD];
	_ =	sdelay $0x3  }
0x96: {  	_ =	strace s2  }
0x97: {  	_ =	strace $0x8FFFFFFF  }
0x98: {  	s18 =	sld [smem:$0x3FDB];
	_ =	sdelay $0x1  }
0x99: {  	s19 =	simm.s32 $_scs_section_size  }
0x9a: {  	s4 =	simm.s32 $_size__tile_overlayer_lowered;
	s5 =	simm.s32 $_tile_overlayer_lowered  }
0x9b: {  	s22 =	simm.s32 $0x1BFF;
	s21 =	sshll.u32 s5, $0x1;
	s2 =	sadd.s32 s19, s18  }
0x9c: {  	s6 =	simm.s32 $0x0;
	s20 =	sshll.u32 s4, $0x1;
	s4 =	sadd.s32 s21, s2  }
0x9d: {  	[timem:s6], [sflag:s22] =	dma.local [hbm:s4], s20  }
0x9e: {  	_ =	swait.ge [sflag:s22], s20  }
0x9f: {  	s3 =	ssub.s32 $0x0, s20;
	[sflag:s22] =	ssyncset.done $0x0  }
0xa0: {  	[sflag:s22] =	ssyncadd.s32 s3;
	_ =	sdelay $0x1  }
0xa1: {  	s23 =	simm.s32 $0x1B8B  }
0xa2: {  	_ =	swait.ge [sflag:s23], $0x1  }
0xa3: {  	[sflag:s23] =	ssyncset.done $0x0  }
0xa4: {  	s25 =	simm.s32 $0x1B8E;
	s24 =	sld [smem:$0x3FFE];
	[sflag:s23] =	ssyncadd.s32 $0xFFFFFFFF  }
0xa5: {  	s26 =	simm.s32 $execute0_lowered;
	[smem:$0x3FD2] =	sst s25  }
0xa6: {  	s4 =	sshll.u32 s26, $0x1;
	_ =	strace $0x80000049;
	[dreg:$0x1] =	wrdreg $0xFFFFFFFF  }
0xa7: {  	s28 =	simm.s32 $_size_execute0_lowered;
	s2 =	sadd.s32 s2, s4;
	[dreg:$0x0] =	wrdreg $0x0  }
0xa8: {  	s4 =	sshll.u32 s28, $0x1;
	[dreg:$0x2] =	wrdreg s2  }
0xa9: {  	[dreg:$0x3] =	wrdreg s4  }
0xaa: {  	[dreg:$0x4] =	wrdreg $0xC0  }
0xab: {  	_ =	task [dreg:s6], $0x5FFFF  }
0xac: {  	[dreg:$0x1] =	wrdreg $0xFFFFFFFF  }
0xad: {  	[dreg:$0x0] =	wrdreg $0x60  }
0xae: {  	[dreg:$0x2] =	wrdreg s24  }
0xaf: {  	[dreg:$0x3] =	wrdreg $0x6B080  }
0xb0: {  	[dreg:$0x4] =	wrdreg $0x1F3080  }
0xb1: {  	[dreg:$0x5] =	wrdreg $0x9  }
0xb2: {  	_ =	task.clear_ibuf [dreg:s6], $0x6FFFF;
	_ =	strace $0x90000049  }
0xb3: {  	s29 =	simm.s32 $0x9;
	_ =	strace $0x8000004B  }
0xb4: {  	_ =	swait.ge [sflag:s29], $0x1  }
0xb5: {  	[sflag:s29] =	ssyncadd.s32 $0xFFFFFFFF  }
0xb6: {  	_ =	strace $0x9000004B  }
0xb7: {  	_ =	sfence  }
0xb8: {  	s30 =	sld [smem:$0x0];
	_ =	sdelay $0x2  }
0xb9: {  	s31 =	sshll.u32 s1, $0xD;
	s1 =	sshrl.u32 s1, $0x2  }
0xba: {  	s3 =	sand.u32 $0x4000, s31;
	s1 =	sadd.s32 s1, s30  }
0xbb: {  	s0 =	sor.u32 s3, s0;
	s1 =	sshll.u32 s1, $0x11  }
0xbc: {  	s0 =	sor.u32 s1, s0  }
0xbd: {  	s0 =	sadd.s32 $0x8F2B, s0  }
0xbe: {  	[sflag:s0] =	ssyncadd.remote.s32 $0x1  }
0xbf: {  	_ =	sfence.sel $0xFFFF  }
0xc0: {  	[dreg:$0x0] =	wrdreg $0xFFFFFFFF;
	(pc) =	sbr.abs _section_cstart, $3  }
0xc1: {  	[dreg:$0x1] =	wrdreg $0xFFFFFFFF  }
0xc2: {  	_ =	task.clear_ibuf [dreg:s6], $0x2FFFF;
	_ =	strace $0x9FFFFFFF  }
0xc3: {  	(tm) =	ssettm $0x7FFFFFFF  }
tec
execute0_lowered:
.L_overlay_start_1:
0x0: {  	(tag) =	ssettag $0x1  }
0x1: {  	s1 =	srdreg.scid;
	s23 =	stileid.u32  }
0x2: {  	s14 =	sand.u32 $0x1, s1;
	s21 =	smul.u32 $0xC800, s23  }
0x3: {  	s0 =	rddreg [dreg:$0x0];
	s5 =	smul.u32 $0x6400, s14  }
0x4: {  	s2 =	rddreg [dreg:$0x1]  }
0x5: {  	s3 =	rddreg [dreg:$0x2];
	s4 =	simm.s32 $0x0;
	s7 =	sadd.s32 s5, s21  }
0x6: {  	[smem:$0x7FF] =	sst s4;
	s5 =	sadd.s32 $0x578, s7  }
0x7: {  	s11 =	sadd.s32 $0x126000, s0;
	s10 =	sadd.s32 $0x10D000, s0;
	s15 =	sshrl.u32 s5, $0x3  }
0x8: {  	_ =	strace $0x8000004A;
	s12 =	sadd.s32 $0x4B0, s7;
	s9 =	sadd.s32 s15, s10  }
0x9: {  	s16 =	sshrl.u32 s12, $0x3;
	s22 =	sadd.s32 s15, s11;
	[dreg:$0x4] =	wrdreg s9  }
0xa: {  	s25 =	sor.u32 $0x3E8, s7;
	s24 =	sadd.s32 s16, s10;
	[dreg:$0x5] =	wrdreg s22  }
0xb: {  	s17 =	sshrl.u32 s25, $0x3;
	s26 =	sadd.s32 s16, s11;
	[dreg:$0x6] =	wrdreg s24  }
0xc: {  	s7 =	sor.u32 $0x320, s7;
	s13 =	sadd.s32 s17, s10;
	[dreg:$0x7] =	wrdreg s26  }
0xd: {  	s12 =	sshrl.u32 s7, $0x3;
	s18 =	sadd.s32 s17, s11;
	[dreg:$0x8] =	wrdreg s13  }
0xe: {  	s6 =	sadd.s32 $0xDB000, s0;
	s19 =	sadd.s32 s12, s10;
	[dreg:$0x9] =	wrdreg s18  }
0xf: {  	s8 =	sadd.s32 $0xF4000, s0;
	s20 =	sadd.s32 s15, s6;
	[dreg:$0xa] =	wrdreg s19  }
0x10: {  	s21 =	sadd.s32 s15, s8;
	[dreg:$0xc] =	wrdreg s20  }
0x11: {  	s25 =	sadd.s32 s17, s6;
	[dreg:$0xd] =	wrdreg s21  }
0x12: {  	s1 =	sadd.s32 $0xA9000, s0;
	s18 =	sadd.s32 s12, s11;
	[dreg:$0x10] =	wrdreg s25  }
0x13: {  	s5 =	sadd.s32 $0xC2000, s0;
	s22 =	sadd.s32 s16, s6;
	[dreg:$0xb] =	wrdreg s18  }
0x14: {  	s7 =	smul.u32 $0x18800, s23;
	s24 =	sadd.s32 s16, s8;
	[dreg:$0xe] =	wrdreg s22  }
0x15: {  	s13 =	smul.u32 $0x188000, s14;
	s26 =	sadd.s32 s17, s8;
	[dreg:$0xf] =	wrdreg s24  }
0x16: {  	s19 =	smul.u32 $0xC400, s14;
	s25 =	sadd.s32 s12, s8;
	[dreg:$0x11] =	wrdreg s26  }
0x17: {  	s20 =	ssub.s32 $0x2, s14;
	s24 =	sadd.s32 s12, s6;
	[dreg:$0x13] =	wrdreg s25  }
0x18: {  	s21 =	sshrl.u32 s20, $0x1;
	s26 =	sadd.s32 s15, s5;
	[dreg:$0x12] =	wrdreg s24  }
0x19: {  	s22 =	sshll.u32 s23, $0x1;
	s15 =	sadd.s32 s15, s1;
	[dreg:$0x14] =	wrdreg s26  }
0x1a: {  	s13 =	sadd.s32 s7, s13;
	[dreg:$0x15] =	wrdreg s15;
	s24 =	sadd.s32 s16, s5  }
0x1b: {  	s14 =	sor.u32 s14, s22;
	s26 =	sadd.s32 s16, s1;
	[dreg:$0x16] =	wrdreg s24  }
0x1c: {  	s7 =	sadd.s32 s7, s2;
	s22 =	smul.u32 $0x6400, s14;
	[dreg:$0x17] =	wrdreg s26  }
0x1d: {  	s14 =	ssub.s32 s20, s21;
	s21 =	sadd.s32 s17, s5;
	[smem:$0x7F4] =	sst s7  }
0x1e: {  	[dreg:$0x18] =	wrdreg s21;
	s18 =	sshrl.u32 s22, $0x3;
	s22 =	sadd.s32 s17, s1  }
0x1f: {  	s25 =	sadd.s32 s11, s18;
	[dreg:$0x19] =	wrdreg s22  }
0x20: {  	s20 =	sadd.s32 s10, s18;
	s16 =	sor.u32 $0x19, s18;
	[dreg:$0x1c] =	wrdreg s25  }
0x21: {  	[dreg:$0x1d] =	wrdreg s20;
	s24 =	sadd.s32 s11, s16  }
0x22: {  	s17 =	sor.u32 $0x32, s18;
	s25 =	sadd.s32 s12, s5;
	[dreg:$0x1e] =	wrdreg s24  }
0x23: {  	s26 =	sadd.s32 s11, s17;
	[dreg:$0x1a] =	wrdreg s25  }
0x24: {  	s21 =	sadd.s32 s10, s16;
	[dreg:$0x1f] =	wrdreg s26  }
0x25: {  	s22 =	sadd.s32 s10, s17;
	[smem:$0x7DF] =	sst s21  }
0x26: {  	s20 =	sor.u32 $0x4B, s18;
	s15 =	sadd.s32 s6, s16;
	[smem:$0x7E0] =	sst s22  }
0x27: {  	s11 =	sadd.s32 s11, s20;
	[smem:$0x7E7] =	sst s15  }
0x28: {  	s10 =	sadd.s32 s10, s20;
	[smem:$0x7DE] =	sst s11  }
0x29: {  	s24 =	sadd.s32 s8, s18;
	[smem:$0x7E1] =	sst s10  }
0x2a: {  	s25 =	sadd.s32 s8, s16;
	[smem:$0x7E2] =	sst s24  }
0x2b: {  	s28 =	simm.s32 $0x578;
	s26 =	sadd.s32 s8, s17;
	[smem:$0x7E3] =	sst s25  }
0x2c: {  	s29 =	simm.s32 $0x5140;
	s8 =	sadd.s32 s8, s20;
	[smem:$0x7E4] =	sst s26  }
0x2d: {  	s30 =	sadd.s32 $0x15400, s0;
	s21 =	sadd.s32 s6, s17;
	[smem:$0x7E5] =	sst s8  }
0x2e: {  	s9 =	smul.u32 $0xC40, s23;
	s22 =	sadd.s32 s1, s18;
	[smem:$0x7E8] =	sst s21  }
0x2f: {  	s31 =	sadd.s32 $0x46400, s0;
	s11 =	sadd.s32 s6, s18;
	[smem:$0x7EA] =	sst s22  }
0x30: {  	s19 =	sadd.s32 s9, s19;
	s6 =	sadd.s32 s6, s20;
	[smem:$0x7E6] =	sst s11  }
0x31: {  	s15 =	sshrl.u32 s13, $0x3;
	s24 =	sadd.s32 s5, s18;
	[smem:$0x7E9] =	sst s6  }
0x32: {  	s13 =	simm.s32 $0x7;
	s25 =	sadd.s32 s1, s16;
	[smem:$0x7EB] =	sst s24  }
0x33: {  	s26 =	sadd.s32 s5, s16;
	s8 =	sadd.s32 s1, s17;
	[smem:$0x7EC] =	sst s25  }
0x34: {  	s10 =	sadd.s32 s5, s17;
	s5 =	sadd.s32 s5, s20;
	[smem:$0x7ED] =	sst s26  }
0x35: {  	s16 =	sshrl.u32 s19, $0x3;
	s17 =	sadd.s32 $0xD200, s0;
	[smem:$0x7EE] =	sst s8  }
0x36: {  	s18 =	sshll.u32 s23, $0x6;
	s19 =	sadd.s32 s9, s3;
	[smem:$0x7EF] =	sst s10  }
0x37: {  	s9 =	simm.s32 $0x5;
	[smem:$0x7F0] =	sst s5;
	s11 =	sadd.s32 s1, s20  }
0x38: {  	s1 =	sadd.s32 s12, s1;
	s5 =	sadd.s32 s15, s0;
	[smem:$0x7F2] =	sst s17  }
0x39: {  	s6 =	sadd.s32 s16, s0;
	s7 =	sor.u32 $0x1C0A, s18;
	[smem:$0x7F5] =	sst s19  }
0x3a: {  	s26 =	smax.u32 s14, $0x1;
	s17 =	simm.s32 $0x320;
	[smem:$0x7F1] =	sst s11  }
0x3b: {  	s18 =	simm.s32 $0x9;
	s19 =	simm.s32 $0xC8;
	[dreg:$0x1b] =	wrdreg s1  }
0x3c: {  	s8 =	simm.s32 $0x6A40;
	s10 =	simm.s32 $0x2;
	[smem:$0x7FC] =	sst s26  }
0x3d: {  	s1 =	sadd.s32 $0x77400, s0;
	s0 =	sadd.s32 $0x15200, s0;
	[smem:$0x7FD] =	sst s7  }
0x3e: {  	s12 =	simm.s32 $0x3;
	s20 =	sadd.s32 $0x1A1000, s5;
	[smem:$0x7F3] =	sst s0  }
0x3f: {  	s14 =	simm.s32 $0x4;
	s21 =	sadd.s32 $0x13F000, s5;
	[smem:$0x7F6] =	sst s20  }
0x40: {  	s15 =	simm.s32 $0x8;
	s22 =	sadd.s32 $0x203000, s5;
	[smem:$0x7F7] =	sst s21  }
0x41: {  	s16 =	simm.s32 $0x0;
	s23 =	sadd.s32 $0x10400, s6;
	[smem:$0x7F8] =	sst s22  }
0x42: {  	s24 =	sadd.s32 $0x265000, s6;
	s25 =	sadd.s32 $0x268200, s6;
	[smem:$0x7F9] =	sst s23  }
0x43: {  	s5 =	simm.s32 $0xA;
	s26 =	simm.s32 $0x258;
	[smem:$0x7FA] =	sst s24  }
0x44: {  	s6 =	simm.s32 $0x1;
	s11 =	simm.s32 $0x6;
	[smem:$0x7FB] =	sst s25  }
0x45: {  	s20 =	simm.s32 $0x640;
	s21 =	simm.s32 $0x3E8;
	s22 =	simm.s32 $0x1F40  }
0x46: {  	v0 =	vimm.f32 $1.000000000e+00;
	s23 =	simm.s32 $0x190;
	s24 =	simm.s32 $0x4B0;
	s25 =	simm.s32 $0x3840  }
.LBB2_1:
0x47: {  	[tilespmem:$0x6A40] =	vst v0  }
0x48: {  	[tilespmem:$0x6A50] =	vst v0  }
0x49: {  	[tilespmem:$0x6A60] =	vst v0  }
0x4a: {  	[tilespmem:$0x6A70] =	vst v0  }
0x4b: {  	[tilespmem:$0x6A80] =	vst v0  }
0x4c: {  	[tilespmem:$0x6A90] =	vst v0  }
0x4d: {  	[tilespmem:$0x6AA0] =	vst v0;
	s0 =	sld [smem:$0x7F4]  }
0x4e: {  	[tilespmem:$0x6AB0] =	vst v0  }
0x4f: {  	[smem:$0x7DB] =	sst s16;
	[tilespmem:$0x6AC0] =	vst v0  }
0x50: {  	[tilespmem:$0x6AD0] =	vst v0;
	s16 =	sshrl.u32 s0, $0x3;
	s0 =	sld [smem:$0x7F2]  }
0x51: {  	[tilespmem:$0x6AE0] =	vst v0  }
0x52: {  	[tilespmem:$0x6AF0] =	vst v0;
	[smem:$0x7DC] =	sst s16  }
0x53: {  	[spmem:s16], [sflag:s7] =	dma.local [hbm:s0], $0x3100  }
0x54: {  	_ =	swait.ge [sflag:s5], $0x3100  }
0x55: {  	s16 =	sld [smem:$0x7F5];
	_ =	sdelay $0x1  }
0x56: {  	s0 =	sld [smem:$0x7F3]  }
0x57: {  	[sflag:s5] =	ssyncset.done $0x0;
	s16 =	sshrl.u32 s16, $0x3  }
0x58: {  	[sflag:s5] =	ssyncadd.s32 $0xFFFFCF00;
	[smem:$0x7DD] =	sst s16  }
0x59: {  	[spmem:s16], [sflag:s7] =	dma.local [hbm:s0], $0x188  }
0x5a: {  	_ =	swait.ge [sflag:s5], $0x188  }
0x5b: {  	[sflag:s5] =	ssyncset.done $0x0  }
0x5c: {  	[sflag:s5] =	ssyncadd.s32 $0xFFFFFE78  }
0x5d: {  	[bflag:$0x0] =	sbarrier.arrive $0xFFFF  }
0x5e: {  	s7 =	rddreg [dreg:$0x1c]  }
0x5f: {  	[tilespmem:s4], [sflag:$0x9] =	stream.linear.gather [hbm4b:s7+s4], $0xC8, $0x38;
	[tilespmem:$0x1FF48] =	vst v63  }
0x60: {  	s16 =	rddreg [dreg:$0x1d]  }
0x61: {  	[tilespmem:s17], [sflag:$0x9] =	stream.linear.gather [hbm4b:s16+s4], $0xC8, $0x38;
	[tilespmem:$0x1FF48] =	vst v63  }
0x62: {  	_ =	swait.ge [sflag:s18], $0xC8  }
0x63: {  	[sflag:s18] =	ssyncset.done $0x0  }
0x64: {  	[sflag:s18] =	ssyncadd.s32 $0xFFFFFF38  }
0x65: {  	_ =	swait.ge [sflag:s18], $0xC8  }
0x66: {  	[sflag:s18] =	ssyncset.done $0x0  }
0x67: {  	s5 =	rddreg [dreg:$0x1e];
	[sflag:s18] =	ssyncadd.s32 $0xFFFFFF38  }
0x68: {  	[tilespmem:s20], [sflag:$0x1] =	stream.indirect.gather [hbm4b:s30+s19], $0x20, s4, s19, $0xb8;
	[tilespmem:$0x1FF48] =	vst v63  }
0x69: {  	s7 =	sld [smem:$0x7DF]  }
0x6a: {  	[tilespmem:s19], [sflag:$0x9] =	stream.linear.gather [hbm4b:s5+s4], $0xC8, $0x38;
	[tilespmem:$0x1FF48] =	vst v63  }
0x6b: {  	_ = 	snop  }
0x6c: {  	[tilespmem:s21], [sflag:$0x9] =	stream.linear.gather [hbm4b:s7+s4], $0xC8, $0x38;
	[tilespmem:$0x1FF48] =	vst v63  }
0x6d: {  	_ =	swait.ge [sflag:s18], $0xC8  }
0x6e: {  	[sflag:s18] =	ssyncset.done $0x0  }
0x6f: {  	[sflag:s18] =	ssyncadd.s32 $0xFFFFFF38  }
0x70: {  	_ =	swait.ge [sflag:s18], $0xC8  }
0x71: {  	[sflag:s18] =	ssyncset.done $0x0  }
0x72: {  	s16 =	rddreg [dreg:$0x1f];
	[sflag:s18] =	ssyncadd.s32 $0xFFFFFF38  }
0x73: {  	[tilespmem:s22], [sflag:$0x2] =	stream.indirect.gather [hbm4b:s30+s19], $0x20, s19, s19, $0xb8;
	[tilespmem:$0x1FF48] =	vst v63  }
0x74: {  	s5 =	sld [smem:$0x7E0]  }
0x75: {  	[tilespmem:s23], [sflag:$0x9] =	stream.linear.gather [hbm4b:s16+s4], $0xC8, $0x38;
	[tilespmem:$0x1FF48] =	vst v63  }
0x76: {  	_ = 	snop  }
0x77: {  	[tilespmem:s24], [sflag:$0x9] =	stream.linear.gather [hbm4b:s5+s4], $0xC8, $0x38;
	[tilespmem:$0x1FF48] =	vst v63  }
0x78: {  	_ =	swait.ge [sflag:s18], $0xC8  }
0x79: {  	[sflag:s18] =	ssyncset.done $0x0  }
0x7a: {  	[sflag:s18] =	ssyncadd.s32 $0xFFFFFF38  }
0x7b: {  	_ =	swait.ge [sflag:s18], $0xC8  }
0x7c: {  	[sflag:s18] =	ssyncset.done $0x0  }
0x7d: {  	s7 =	sld [smem:$0x7DE];
	[sflag:s18] =	ssyncadd.s32 $0xFFFFFF38  }
0x7e: {  	[tilespmem:s25], [sflag:$0x3] =	stream.indirect.gather [hbm4b:s30+s19], $0x20, s23, s19, $0xb8;
	[tilespmem:$0x1FF48] =	vst v63  }
0x7f: {  	s16 =	sld [smem:$0x7E1]  }
0x80: {  	[tilespmem:s26], [sflag:$0x9] =	stream.linear.gather [hbm4b:s7+s4], $0xC8, $0x38;
	[tilespmem:$0x1FF48] =	vst v63  }
0x81: {  	_ = 	snop  }
0x82: {  	[tilespmem:s28], [sflag:$0x9] =	stream.linear.gather [hbm4b:s16+s4], $0xC8, $0x38;
	[tilespmem:$0x1FF48] =	vst v63  }
0x83: {  	_ =	swait.ge [sflag:s18], $0xC8  }
0x84: {  	[sflag:s18] =	ssyncset.done $0x0  }
0x85: {  	[sflag:s18] =	ssyncadd.s32 $0xFFFFFF38  }
0x86: {  	_ =	swait.ge [sflag:s18], $0xC8  }
0x87: {  	[sflag:s18] =	ssyncset.done $0x0  }
0x88: {  	[sflag:s18] =	ssyncadd.s32 $0xFFFFFF38  }
0x89: {  	[tilespmem:s29], [sflag:$0x4] =	stream.indirect.gather [hbm4b:s30+s19], $0x20, s26, s19, $0xb8;
	[tilespmem:$0x1FF48] =	vst v63  }
0x8a: {  	_ =	swait.ge [sflag:s6], $0x1900  }
0x8b: {  	[sflag:s6] =	ssyncset.done $0x0  }
0x8c: {  	[sflag:s6] =	ssyncadd.s32 $0xFFFFE700  }
0x8d: {  	[spmem:s2] =	stream.indirect.scatter.add.f32 [tilespmem:s20], [sflag:$0x5], $0x20, s17, s19, $0xb8;
	[tilespmem:$0x1FF48] =	vst v63  }
0x8e: {  	_ = 	snop  }
0x8f: {  	[spmem:s3] =	stream.indirect.scatter.add.f32 [tilespmem:s8], [sflag:$0x5], $0x1, s17, s19, $0xb8;
	[tilespmem:$0x1FF48] =	vst v63  }
0x90: {  	_ =	swait.ge [sflag:s9], $0x1900  }
0x91: {  	[sflag:s9] =	ssyncset.done $0x0  }
0x92: {  	[sflag:s9] =	ssyncadd.s32 $0xFFFFE700  }
0x93: {  	_ =	swait.ge [sflag:s9], $0xC8  }
0x94: {  	s5 =	rddreg [dreg:$0xb];
	[sflag:s9] =	ssyncset.done $0x0  }
0x95: {  	s7 =	rddreg [dreg:$0xa];
	[sflag:s9] =	ssyncadd.s32 $0xFFFFFF38;
	s0 =	sadd.s32 $0x0, s5  }
0x96: {  	[tilespmem:s4], [sflag:$0x9] =	stream.linear.gather [hbm4b:s0+s4], $0xC8, $0x38;
	[tilespmem:$0x1FF48] =	vst v63  }
0x97: {  	s16 =	sadd.s32 $0x0, s7  }
0x98: {  	[tilespmem:s17], [sflag:$0x9] =	stream.linear.gather [hbm4b:s16+s4], $0xC8, $0x38;
	[tilespmem:$0x1FF48] =	vst v63  }
0x99: {  	_ =	swait.ge [sflag:s18], $0xC8  }
0x9a: {  	[sflag:s18] =	ssyncset.done $0x0  }
0x9b: {  	[sflag:s18] =	ssyncadd.s32 $0xFFFFFF38  }
0x9c: {  	_ =	swait.ge [sflag:s18], $0xC8  }
0x9d: {  	[sflag:s18] =	ssyncset.done $0x0  }
0x9e: {  	[sflag:s18] =	ssyncadd.s32 $0xFFFFFF38  }
0x9f: {  	[tilespmem:s20], [sflag:$0x1] =	stream.indirect.gather [hbm4b:s30+s19], $0x20, s4, s19, $0xb8;
	[tilespmem:$0x1FF48] =	vst v63  }
0xa0: {  	_ =	swait.ge [sflag:s10], $0x1900  }
0xa1: {  	[sflag:s10] =	ssyncset.done $0x0  }
0xa2: {  	[sflag:s10] =	ssyncadd.s32 $0xFFFFE700  }
0xa3: {  	[spmem:s2] =	stream.indirect.scatter.add.f32 [tilespmem:s22], [sflag:$0x6], $0x20, s21, s19, $0xb8;
	[tilespmem:$0x1FF48] =	vst v63  }
0xa4: {  	_ = 	snop  }
0xa5: {  	[spmem:s3] =	stream.indirect.scatter.add.f32 [tilespmem:s8], [sflag:$0x6], $0x1, s21, s19, $0xb8;
	[tilespmem:$0x1FF48] =	vst v63  }
0xa6: {  	_ =	swait.ge [sflag:s11], $0x1900  }
0xa7: {  	[sflag:s11] =	ssyncset.done $0x0  }
0xa8: {  	[sflag:s11] =	ssyncadd.s32 $0xFFFFE700  }
0xa9: {  	_ =	swait.ge [sflag:s11], $0xC8  }
0xaa: {  	s5 =	rddreg [dreg:$0x9];
	[sflag:s11] =	ssyncset.done $0x0  }
0xab: {  	s7 =	rddreg [dreg:$0x8];
	[sflag:s11] =	ssyncadd.s32 $0xFFFFFF38;
	s0 =	sadd.s32 $0x0, s5  }
0xac: {  	[tilespmem:s19], [sflag:$0x9] =	stream.linear.gather [hbm4b:s0+s4], $0xC8, $0x38;
	[tilespmem:$0x1FF48] =	vst v63  }
0xad: {  	s16 =	sadd.s32 $0x0, s7  }
0xae: {  	[tilespmem:s21], [sflag:$0x9] =	stream.linear.gather [hbm4b:s16+s4], $0xC8, $0x38;
	[tilespmem:$0x1FF48] =	vst v63  }
0xaf: {  	_ =	swait.ge [sflag:s18], $0xC8  }
0xb0: {  	[sflag:s18] =	ssyncset.done $0x0  }
0xb1: {  	[sflag:s18] =	ssyncadd.s32 $0xFFFFFF38  }
0xb2: {  	_ =	swait.ge [sflag:s18], $0xC8  }
0xb3: {  	[sflag:s18] =	ssyncset.done $0x0  }
0xb4: {  	[sflag:s18] =	ssyncadd.s32 $0xFFFFFF38  }
0xb5: {  	[tilespmem:s22], [sflag:$0x2] =	stream.indirect.gather [hbm4b:s30+s19], $0x20, s19, s19, $0xb8;
	[tilespmem:$0x1FF48] =	vst v63  }
0xb6: {  	_ =	swait.ge [sflag:s12], $0x1900  }
0xb7: {  	[sflag:s12] =	ssyncset.done $0x0  }
0xb8: {  	[sflag:s12] =	ssyncadd.s32 $0xFFFFE700  }
0xb9: {  	[spmem:s2] =	stream.indirect.scatter.add.f32 [tilespmem:s25], [sflag:$0x7], $0x20, s24, s19, $0xb8;
	[tilespmem:$0x1FF48] =	vst v63  }
0xba: {  	_ = 	snop  }
0xbb: {  	[spmem:s3] =	stream.indirect.scatter.add.f32 [tilespmem:s8], [sflag:$0x7], $0x1, s24, s19, $0xb8;
	[tilespmem:$0x1FF48] =	vst v63  }
0xbc: {  	_ =	swait.ge [sflag:s13], $0x1900  }
0xbd: {  	[sflag:s13] =	ssyncset.done $0x0  }
0xbe: {  	[sflag:s13] =	ssyncadd.s32 $0xFFFFE700  }
0xbf: {  	_ =	swait.ge [sflag:s13], $0xC8  }
0xc0: {  	s5 =	rddreg [dreg:$0x7];
	[sflag:s13] =	ssyncset.done $0x0  }
0xc1: {  	s7 =	rddreg [dreg:$0x6];
	[sflag:s13] =	ssyncadd.s32 $0xFFFFFF38;
	s0 =	sadd.s32 $0x0, s5  }
0xc2: {  	[tilespmem:s23], [sflag:$0x9] =	stream.linear.gather [hbm4b:s0+s4], $0xC8, $0x38;
	[tilespmem:$0x1FF48] =	vst v63  }
0xc3: {  	s16 =	sadd.s32 $0x0, s7  }
0xc4: {  	[tilespmem:s24], [sflag:$0x9] =	stream.linear.gather [hbm4b:s16+s4], $0xC8, $0x38;
	[tilespmem:$0x1FF48] =	vst v63  }
0xc5: {  	_ =	swait.ge [sflag:s18], $0xC8  }
0xc6: {  	[sflag:s18] =	ssyncset.done $0x0  }
0xc7: {  	[sflag:s18] =	ssyncadd.s32 $0xFFFFFF38  }
0xc8: {  	_ =	swait.ge [sflag:s18], $0xC8  }
0xc9: {  	[sflag:s18] =	ssyncset.done $0x0  }
0xca: {  	[sflag:s18] =	ssyncadd.s32 $0xFFFFFF38  }
0xcb: {  	[tilespmem:s25], [sflag:$0x3] =	stream.indirect.gather [hbm4b:s30+s19], $0x20, s23, s19, $0xb8;
	[tilespmem:$0x1FF48] =	vst v63  }
0xcc: {  	_ =	swait.ge [sflag:s14], $0x1900  }
0xcd: {  	[sflag:s14] =	ssyncset.done $0x0  }
0xce: {  	[sflag:s14] =	ssyncadd.s32 $0xFFFFE700  }
0xcf: {  	[spmem:s2] =	stream.indirect.scatter.add.f32 [tilespmem:s29], [sflag:$0x8], $0x20, s28, s19, $0xb8;
	[tilespmem:$0x1FF48] =	vst v63  }
0xd0: {  	_ = 	snop  }
0xd1: {  	[spmem:s3] =	stream.indirect.scatter.add.f32 [tilespmem:s8], [sflag:$0x8], $0x1, s28, s19, $0xb8;
	[tilespmem:$0x1FF48] =	vst v63  }
0xd2: {  	_ =	swait.ge [sflag:s15], $0x1900  }
0xd3: {  	[sflag:s15] =	ssyncset.done $0x0  }
0xd4: {  	[sflag:s15] =	ssyncadd.s32 $0xFFFFE700  }
0xd5: {  	_ =	swait.ge [sflag:s15], $0xC8  }
0xd6: {  	s5 =	rddreg [dreg:$0x5];
	[sflag:s15] =	ssyncset.done $0x0  }
0xd7: {  	s7 =	rddreg [dreg:$0x4];
	[sflag:s15] =	ssyncadd.s32 $0xFFFFFF38;
	s0 =	sadd.s32 $0x0, s5  }
0xd8: {  	[tilespmem:s26], [sflag:$0x9] =	stream.linear.gather [hbm4b:s0+s4], $0xC8, $0x38;
	[tilespmem:$0x1FF48] =	vst v63  }
0xd9: {  	s16 =	sadd.s32 $0x0, s7  }
0xda: {  	[tilespmem:s28], [sflag:$0x9] =	stream.linear.gather [hbm4b:s16+s4], $0xC8, $0x38;
	[tilespmem:$0x1FF48] =	vst v63  }
0xdb: {  	_ =	swait.ge [sflag:s18], $0xC8  }
0xdc: {  	[sflag:s18] =	ssyncset.done $0x0  }
0xdd: {  	[sflag:s18] =	ssyncadd.s32 $0xFFFFFF38  }
0xde: {  	_ =	swait.ge [sflag:s18], $0xC8  }
0xdf: {  	[sflag:s18] =	ssyncset.done $0x0  }
0xe0: {  	[sflag:s18] =	ssyncadd.s32 $0xFFFFFF38  }
0xe1: {  	[tilespmem:s29], [sflag:$0x4] =	stream.indirect.gather [hbm4b:s30+s19], $0x20, s26, s19, $0xb8;
	[tilespmem:$0x1FF48] =	vst v63  }
0xe2: {  	_ =	swait.ge [sflag:s6], $0x1900  }
0xe3: {  	[sflag:s6] =	ssyncset.done $0x0  }
0xe4: {  	s5 =	simm.s32 $0x64;
	[sflag:s6] =	ssyncadd.s32 $0xFFFFE700  }
0xe5: {  	[spmem:s2] =	stream.indirect.scatter.add.f32 [tilespmem:s20], [sflag:$0x5], $0x20, s17, s19, $0xb8;
	[tilespmem:$0x1FF48] =	vst v63  }
.LBB2_2:
0xe6: {  	[spmem:s3] =	stream.indirect.scatter.add.f32 [tilespmem:s8], [sflag:$0x5], $0x1, s17, s19, $0xb8;
	[tilespmem:$0x1FF48] =	vst v63  }
0xe7: {  	_ =	swait.ge [sflag:s9], $0x1900  }
0xe8: {  	[sflag:s9] =	ssyncset.done $0x0  }
0xe9: {  	[sflag:s9] =	ssyncadd.s32 $0xFFFFE700  }
0xea: {  	_ =	swait.ge [sflag:s9], $0xC8  }
0xeb: {  	s0 =	smov.u32 s5;
	s7 =	rddreg [dreg:$0xb];
	[sflag:s9] =	ssyncset.done $0x0  }
0xec: {  	s16 =	rddreg [dreg:$0xa];
	[sflag:s9] =	ssyncadd.s32 $0xFFFFFF38;
	s7 =	sadd.s32 s0, s7  }
0xed: {  	[tilespmem:s4], [sflag:$0x9] =	stream.linear.gather [hbm4b:s7+s4], $0xC8, $0x38;
	[tilespmem:$0x1FF48] =	vst v63  }
0xee: {  	s16 =	sadd.s32 s0, s16  }
0xef: {  	[tilespmem:s17], [sflag:$0x9] =	stream.linear.gather [hbm4b:s16+s4], $0xC8, $0x38;
	[tilespmem:$0x1FF48] =	vst v63  }
0xf0: {  	_ =	swait.ge [sflag:s18], $0xC8  }
0xf1: {  	[sflag:s18] =	ssyncset.done $0x0  }
0xf2: {  	[sflag:s18] =	ssyncadd.s32 $0xFFFFFF38  }
0xf3: {  	_ =	swait.ge [sflag:s18], $0xC8  }
0xf4: {  	[sflag:s18] =	ssyncset.done $0x0  }
0xf5: {  	[sflag:s18] =	ssyncadd.s32 $0xFFFFFF38  }
0xf6: {  	[tilespmem:s20], [sflag:$0x1] =	stream.indirect.gather [hbm4b:s30+s19], $0x20, s4, s19, $0xb8;
	[tilespmem:$0x1FF48] =	vst v63  }
0xf7: {  	_ =	swait.ge [sflag:s10], $0x1900  }
0xf8: {  	[sflag:s10] =	ssyncset.done $0x0  }
0xf9: {  	[sflag:s10] =	ssyncadd.s32 $0xFFFFE700  }
0xfa: {  	[spmem:s2] =	stream.indirect.scatter.add.f32 [tilespmem:s22], [sflag:$0x6], $0x20, s21, s19, $0xb8;
	[tilespmem:$0x1FF48] =	vst v63  }
0xfb: {  	_ = 	snop  }
0xfc: {  	[spmem:s3] =	stream.indirect.scatter.add.f32 [tilespmem:s8], [sflag:$0x6], $0x1, s21, s19, $0xb8;
	[tilespmem:$0x1FF48] =	vst v63  }
0xfd: {  	_ =	swait.ge [sflag:s11], $0x1900  }
0xfe: {  	[sflag:s11] =	ssyncset.done $0x0  }
0xff: {  	[sflag:s11] =	ssyncadd.s32 $0xFFFFE700  }
0x100: {  	_ =	swait.ge [sflag:s11], $0xC8  }
0x101: {  	s7 =	rddreg [dreg:$0x9];
	[sflag:s11] =	ssyncset.done $0x0  }
0x102: {  	s16 =	rddreg [dreg:$0x8];
	[sflag:s11] =	ssyncadd.s32 $0xFFFFFF38;
	s7 =	sadd.s32 s0, s7  }
0x103: {  	[tilespmem:s19], [sflag:$0x9] =	stream.linear.gather [hbm4b:s7+s4], $0xC8, $0x38;
	[tilespmem:$0x1FF48] =	vst v63  }
0x104: {  	s16 =	sadd.s32 s0, s16  }
0x105: {  	[tilespmem:s21], [sflag:$0x9] =	stream.linear.gather [hbm4b:s16+s4], $0xC8, $0x38;
	[tilespmem:$0x1FF48] =	vst v63  }
0x106: {  	_ =	swait.ge [sflag:s18], $0xC8  }
0x107: {  	[sflag:s18] =	ssyncset.done $0x0  }
0x108: {  	[sflag:s18] =	ssyncadd.s32 $0xFFFFFF38  }
0x109: {  	_ =	swait.ge [sflag:s18], $0xC8  }
0x10a: {  	[sflag:s18] =	ssyncset.done $0x0  }
0x10b: {  	[sflag:s18] =	ssyncadd.s32 $0xFFFFFF38  }
0x10c: {  	[tilespmem:s22], [sflag:$0x2] =	stream.indirect.gather [hbm4b:s30+s19], $0x20, s19, s19, $0xb8;
	[tilespmem:$0x1FF48] =	vst v63  }
0x10d: {  	_ =	swait.ge [sflag:s12], $0x1900  }
0x10e: {  	[sflag:s12] =	ssyncset.done $0x0  }
0x10f: {  	[sflag:s12] =	ssyncadd.s32 $0xFFFFE700  }
0x110: {  	[spmem:s2] =	stream.indirect.scatter.add.f32 [tilespmem:s25], [sflag:$0x7], $0x20, s24, s19, $0xb8;
	[tilespmem:$0x1FF48] =	vst v63  }
0x111: {  	_ = 	snop  }
0x112: {  	[spmem:s3] =	stream.indirect.scatter.add.f32 [tilespmem:s8], [sflag:$0x7], $0x1, s24, s19, $0xb8;
	[tilespmem:$0x1FF48] =	vst v63  }
0x113: {  	_ =	swait.ge [sflag:s13], $0x1900  }
0x114: {  	[sflag:s13] =	ssyncset.done $0x0  }
0x115: {  	[sflag:s13] =	ssyncadd.s32 $0xFFFFE700  }
0x116: {  	_ =	swait.ge [sflag:s13], $0xC8  }
0x117: {  	s7 =	rddreg [dreg:$0x7];
	[sflag:s13] =	ssyncset.done $0x0  }
0x118: {  	s16 =	rddreg [dreg:$0x6];
	[sflag:s13] =	ssyncadd.s32 $0xFFFFFF38;
	s7 =	sadd.s32 s0, s7  }
0x119: {  	[tilespmem:s23], [sflag:$0x9] =	stream.linear.gather [hbm4b:s7+s4], $0xC8, $0x38;
	[tilespmem:$0x1FF48] =	vst v63  }
0x11a: {  	s16 =	sadd.s32 s0, s16  }
0x11b: {  	[tilespmem:s24], [sflag:$0x9] =	stream.linear.gather [hbm4b:s16+s4], $0xC8, $0x38;
	[tilespmem:$0x1FF48] =	vst v63  }
0x11c: {  	_ =	swait.ge [sflag:s18], $0xC8  }
0x11d: {  	[sflag:s18] =	ssyncset.done $0x0  }
0x11e: {  	[sflag:s18] =	ssyncadd.s32 $0xFFFFFF38  }
0x11f: {  	_ =	swait.ge [sflag:s18], $0xC8  }
0x120: {  	[sflag:s18] =	ssyncset.done $0x0  }
0x121: {  	[sflag:s18] =	ssyncadd.s32 $0xFFFFFF38  }
0x122: {  	[tilespmem:s25], [sflag:$0x3] =	stream.indirect.gather [hbm4b:s30+s19], $0x20, s23, s19, $0xb8;
	[tilespmem:$0x1FF48] =	vst v63  }
0x123: {  	_ =	swait.ge [sflag:s14], $0x1900  }
0x124: {  	[sflag:s14] =	ssyncset.done $0x0  }
0x125: {  	[sflag:s14] =	ssyncadd.s32 $0xFFFFE700  }
0x126: {  	[spmem:s2] =	stream.indirect.scatter.add.f32 [tilespmem:s29], [sflag:$0x8], $0x20, s28, s19, $0xb8;
	[tilespmem:$0x1FF48] =	vst v63  }
0x127: {  	_ = 	snop  }
0x128: {  	[spmem:s3] =	stream.indirect.scatter.add.f32 [tilespmem:s8], [sflag:$0x8], $0x1, s28, s19, $0xb8;
	[tilespmem:$0x1FF48] =	vst v63  }
0x129: {  	_ =	swait.ge [sflag:s15], $0x1900  }
0x12a: {  	[sflag:s15] =	ssyncset.done $0x0  }
0x12b: {  	[sflag:s15] =	ssyncadd.s32 $0xFFFFE700  }
0x12c: {  	_ =	swait.ge [sflag:s15], $0xC8  }
0x12d: {  	s7 =	rddreg [dreg:$0x5];
	[sflag:s15] =	ssyncset.done $0x0  }
0x12e: {  	s16 =	rddreg [dreg:$0x4];
	[sflag:s15] =	ssyncadd.s32 $0xFFFFFF38;
	s7 =	sadd.s32 s0, s7  }
0x12f: {  	[tilespmem:s26], [sflag:$0x9] =	stream.linear.gather [hbm4b:s7+s4], $0xC8, $0x38;
	[tilespmem:$0x1FF48] =	vst v63  }
0x130: {  	s0 =	sadd.s32 s0, s16  }
0x131: {  	[tilespmem:s28], [sflag:$0x9] =	stream.linear.gather [hbm4b:s0+s4], $0xC8, $0x38;
	[tilespmem:$0x1FF48] =	vst v63  }
0x132: {  	_ =	swait.ge [sflag:s18], $0xC8  }
0x133: {  	[sflag:s18] =	ssyncset.done $0x0  }
0x134: {  	[sflag:s18] =	ssyncadd.s32 $0xFFFFFF38  }
0x135: {  	_ =	swait.ge [sflag:s18], $0xC8  }
0x136: {  	[sflag:s18] =	ssyncset.done $0x0  }
0x137: {  	p0 =	sne.s32 s5, $0xBB8;
	[sflag:s18] =	ssyncadd.s32 $0xFFFFFF38  }
0x138: {  	[tilespmem:s29], [sflag:$0x4] =	stream.indirect.gather [hbm4b:s30+s19], $0x20, s26, s19, $0xb8;
	[tilespmem:$0x1FF48] =	vst v63  }
.Ltmp0:
0x139: {  	_ = 	snop;
	(pc) =	sbr.rel @p0 .LBB2_2-.Ltmp0, $4  }
0x13a: {  	_ =	swait.ge [sflag:s6], $0x1900  }
0x13b: {  	[sflag:s6] =	ssyncset.done $0x0  }
0x13c: {  	s5 =	sadd.s32 $0x64, s5;
	[sflag:s6] =	ssyncadd.s32 $0xFFFFE700  }
0x13d: {  	[spmem:s2] =	stream.indirect.scatter.add.f32 [tilespmem:s20], [sflag:$0x5], $0x20, s17, s19, $0xb8;
	[tilespmem:$0x1FF48] =	vst v63  }
0x13e: {  	[spmem:s3] =	stream.indirect.scatter.add.f32 [tilespmem:s8], [sflag:$0x5], $0x1, s17, s19, $0xb8;
	[tilespmem:$0x1FF48] =	vst v63  }
0x13f: {  	_ =	swait.ge [sflag:s10], $0x1900  }
0x140: {  	[sflag:s10] =	ssyncset.done $0x0  }
0x141: {  	[sflag:s10] =	ssyncadd.s32 $0xFFFFE700  }
0x142: {  	[spmem:s2] =	stream.indirect.scatter.add.f32 [tilespmem:s22], [sflag:$0x6], $0x20, s21, s19, $0xb8;
	[tilespmem:$0x1FF48] =	vst v63  }
0x143: {  	_ = 	snop  }
0x144: {  	[spmem:s3] =	stream.indirect.scatter.add.f32 [tilespmem:s8], [sflag:$0x6], $0x1, s21, s19, $0xb8;
	[tilespmem:$0x1FF48] =	vst v63  }
0x145: {  	_ =	swait.ge [sflag:s12], $0x1900  }
0x146: {  	[sflag:s12] =	ssyncset.done $0x0  }
0x147: {  	[sflag:s12] =	ssyncadd.s32 $0xFFFFE700  }
0x148: {  	[spmem:s2] =	stream.indirect.scatter.add.f32 [tilespmem:s25], [sflag:$0x7], $0x20, s24, s19, $0xb8;
	[tilespmem:$0x1FF48] =	vst v63  }
0x149: {  	_ = 	snop  }
0x14a: {  	[spmem:s3] =	stream.indirect.scatter.add.f32 [tilespmem:s8], [sflag:$0x7], $0x1, s24, s19, $0xb8;
	[tilespmem:$0x1FF48] =	vst v63  }
0x14b: {  	_ =	swait.ge [sflag:s14], $0x1900  }
0x14c: {  	[sflag:s14] =	ssyncset.done $0x0  }
0x14d: {  	[sflag:s14] =	ssyncadd.s32 $0xFFFFE700  }
0x14e: {  	[spmem:s2] =	stream.indirect.scatter.add.f32 [tilespmem:s29], [sflag:$0x8], $0x20, s28, s19, $0xb8;
	[tilespmem:$0x1FF48] =	vst v63  }
0x14f: {  	_ = 	snop  }
0x150: {  	[spmem:s3] =	stream.indirect.scatter.add.f32 [tilespmem:s8], [sflag:$0x8], $0x1, s28, s19, $0xb8;
	[tilespmem:$0x1FF48] =	vst v63  }
0x151: {  	_ =	swait.ge [sflag:s9], $0x1900  }
0x152: {  	[sflag:s9] =	ssyncset.done $0x0  }
0x153: {  	[sflag:s9] =	ssyncadd.s32 $0xFFFFE700  }
0x154: {  	_ =	swait.ge [sflag:s9], $0xC8  }
0x155: {  	[sflag:s9] =	ssyncset.done $0x0  }
0x156: {  	[sflag:s9] =	ssyncadd.s32 $0xFFFFFF38  }
0x157: {  	_ =	swait.ge [sflag:s11], $0x1900  }
0x158: {  	[sflag:s11] =	ssyncset.done $0x0  }
0x159: {  	[sflag:s11] =	ssyncadd.s32 $0xFFFFE700  }
0x15a: {  	_ =	swait.ge [sflag:s11], $0xC8  }
0x15b: {  	[sflag:s11] =	ssyncset.done $0x0  }
0x15c: {  	[sflag:s11] =	ssyncadd.s32 $0xFFFFFF38  }
0x15d: {  	_ =	swait.ge [sflag:s13], $0x1900  }
0x15e: {  	[sflag:s13] =	ssyncset.done $0x0  }
0x15f: {  	[sflag:s13] =	ssyncadd.s32 $0xFFFFE700  }
0x160: {  	_ =	swait.ge [sflag:s13], $0xC8  }
0x161: {  	[sflag:s13] =	ssyncset.done $0x0  }
0x162: {  	[sflag:s13] =	ssyncadd.s32 $0xFFFFFF38  }
0x163: {  	_ =	swait.ge [sflag:s15], $0x1900  }
0x164: {  	[sflag:s15] =	ssyncset.done $0x0  }
0x165: {  	[sflag:s15] =	ssyncadd.s32 $0xFFFFE700  }
0x166: {  	_ =	swait.ge [sflag:s15], $0xC8  }
0x167: {  	[sflag:s15] =	ssyncset.done $0x0  }
0x168: {  	[sflag:s15] =	ssyncadd.s32 $0xFFFFFF38  }
0x169: {  	[bflag:$0x0] =	sbarrier.arrive $0xFFFF  }
0x16a: {  	s16 =	sld [smem:$0x7FD]  }
0x16b: {  	s0 =	sld [smem:$0x7F6]  }
0x16c: {  	s5 =	sld [smem:$0x7DC];
	_ =	sdelay $0x1  }
0x16d: {  	s7 =	simm.s32 $0xA  }
0x16e: {  	[hbm:s0], [sflag:s16] =	dma.local [spmem:s5], $0x3100  }
0x16f: {  	_ =	swait.ge [sflag:s7], $0x3100  }
0x170: {  	s0 =	sld [smem:$0x7F9]  }
0x171: {  	s5 =	sld [smem:$0x7DD]  }
0x172: {  	[sflag:s7] =	ssyncset.done $0x0  }
0x173: {  	[sflag:s7] =	ssyncadd.s32 $0xFFFFCF00  }
0x174: {  	[hbm:s0], [sflag:s16] =	dma.local [spmem:s5], $0x188  }
0x175: {  	_ =	swait.ge [sflag:s7], $0x188  }
0x176: {  	[sflag:s7] =	ssyncset.done $0x0  }
0x177: {  	[sflag:s7] =	ssyncadd.s32 $0xFFFFFE78  }
0x178: {  	[bflag:$0x0] =	sbarrier.arrive $0xFFFF  }
0x179: {  	s0 =	sld [smem:$0x7F2]  }
0x17a: {  	s5 =	sld [smem:$0x7DC];
	_ =	sdelay $0x2  }
0x17b: {  	[spmem:s5], [sflag:s16] =	dma.local [hbm:s0], $0x3100  }
0x17c: {  	_ =	swait.ge [sflag:s7], $0x3100  }
0x17d: {  	s0 =	sld [smem:$0x7F3]  }
0x17e: {  	s5 =	sld [smem:$0x7DD]  }
0x17f: {  	[sflag:s7] =	ssyncset.done $0x0  }
0x180: {  	[sflag:s7] =	ssyncadd.s32 $0xFFFFCF00  }
0x181: {  	[spmem:s5], [sflag:s16] =	dma.local [hbm:s0], $0x188  }
0x182: {  	_ =	swait.ge [sflag:s7], $0x188  }
0x183: {  	[sflag:s7] =	ssyncset.done $0x0  }
0x184: {  	[sflag:s7] =	ssyncadd.s32 $0xFFFFFE78  }
0x185: {  	[bflag:$0x0] =	sbarrier.arrive $0xFFFF  }
0x186: {  	s7 =	sld [smem:$0x7E2];
	_ =	sdelay $0x1  }
0x187: {  	s0 =	simm.s32 $0x0;
	s16 =	sld [smem:$0x7E6]  }
0x188: {  	[tilespmem:s0], [sflag:$0x9] =	stream.linear.gather [hbm4b:s7+s0], $0xC8, $0x38;
	[tilespmem:$0x1FF48] =	vst v63  }
0x189: {  	_ = 	snop  }
0x18a: {  	[tilespmem:s17], [sflag:$0x9] =	stream.linear.gather [hbm4b:s16+s0], $0xC8, $0x38;
	[tilespmem:$0x1FF48] =	vst v63  }
0x18b: {  	_ =	swait.ge [sflag:s18], $0xC8  }
0x18c: {  	[sflag:s18] =	ssyncset.done $0x0  }
0x18d: {  	[sflag:s18] =	ssyncadd.s32 $0xFFFFFF38  }
0x18e: {  	_ =	swait.ge [sflag:s18], $0xC8  }
0x18f: {  	[sflag:s18] =	ssyncset.done $0x0  }
0x190: {  	s7 =	sld [smem:$0x7E3];
	[sflag:s18] =	ssyncadd.s32 $0xFFFFFF38  }
0x191: {  	[tilespmem:s20], [sflag:$0x1] =	stream.indirect.gather [hbm4b:s31+s19], $0x20, s0, s19, $0xb8;
	[tilespmem:$0x1FF48] =	vst v63  }
0x192: {  	s16 =	sld [smem:$0x7E7]  }
0x193: {  	[tilespmem:s19], [sflag:$0x9] =	stream.linear.gather [hbm4b:s7+s0], $0xC8, $0x38;
	[tilespmem:$0x1FF48] =	vst v63  }
0x194: {  	_ = 	snop  }
0x195: {  	[tilespmem:s21], [sflag:$0x9] =	stream.linear.gather [hbm4b:s16+s0], $0xC8, $0x38;
	[tilespmem:$0x1FF48] =	vst v63  }
0x196: {  	_ =	swait.ge [sflag:s18], $0xC8  }
0x197: {  	[sflag:s18] =	ssyncset.done $0x0  }
0x198: {  	[sflag:s18] =	ssyncadd.s32 $0xFFFFFF38  }
0x199: {  	_ =	swait.ge [sflag:s18], $0xC8  }
0x19a: {  	[sflag:s18] =	ssyncset.done $0x0  }
0x19b: {  	s7 =	sld [smem:$0x7E4];
	[sflag:s18] =	ssyncadd.s32 $0xFFFFFF38  }
0x19c: {  	[tilespmem:s22], [sflag:$0x2] =	stream.indirect.gather [hbm4b:s31+s19], $0x20, s19, s19, $0xb8;
	[tilespmem:$0x1FF48] =	vst v63  }
0x19d: {  	s16 =	sld [smem:$0x7E8]  }
0x19e: {  	[tilespmem:s23], [sflag:$0x9] =	stream.linear.gather [hbm4b:s7+s0], $0xC8, $0x38;
	[tilespmem:$0x1FF48] =	vst v63  }
0x19f: {  	_ = 	snop  }
0x1a0: {  	[tilespmem:s24], [sflag:$0x9] =	stream.linear.gather [hbm4b:s16+s0], $0xC8, $0x38;
	[tilespmem:$0x1FF48] =	vst v63  }
0x1a1: {  	_ =	swait.ge [sflag:s18], $0xC8  }
0x1a2: {  	[sflag:s18] =	ssyncset.done $0x0  }
0x1a3: {  	[sflag:s18] =	ssyncadd.s32 $0xFFFFFF38  }
0x1a4: {  	_ =	swait.ge [sflag:s18], $0xC8  }
0x1a5: {  	[sflag:s18] =	ssyncset.done $0x0  }
0x1a6: {  	s7 =	sld [smem:$0x7E5];
	[sflag:s18] =	ssyncadd.s32 $0xFFFFFF38  }
0x1a7: {  	[tilespmem:s25], [sflag:$0x3] =	stream.indirect.gather [hbm4b:s31+s19], $0x20, s23, s19, $0xb8;
	[tilespmem:$0x1FF48] =	vst v63  }
0x1a8: {  	s16 =	sld [smem:$0x7E9]  }
0x1a9: {  	[tilespmem:s26], [sflag:$0x9] =	stream.linear.gather [hbm4b:s7+s0], $0xC8, $0x38;
	[tilespmem:$0x1FF48] =	vst v63  }
0x1aa: {  	_ = 	snop  }
0x1ab: {  	[tilespmem:s28], [sflag:$0x9] =	stream.linear.gather [hbm4b:s16+s0], $0xC8, $0x38;
	[tilespmem:$0x1FF48] =	vst v63  }
0x1ac: {  	_ =	swait.ge [sflag:s18], $0xC8  }
0x1ad: {  	[sflag:s18] =	ssyncset.done $0x0  }
0x1ae: {  	[sflag:s18] =	ssyncadd.s32 $0xFFFFFF38  }
0x1af: {  	_ =	swait.ge [sflag:s18], $0xC8  }
0x1b0: {  	[sflag:s18] =	ssyncset.done $0x0  }
0x1b1: {  	[sflag:s18] =	ssyncadd.s32 $0xFFFFFF38  }
0x1b2: {  	[tilespmem:s29], [sflag:$0x4] =	stream.indirect.gather [hbm4b:s31+s19], $0x20, s26, s19, $0xb8;
	[tilespmem:$0x1FF48] =	vst v63  }
0x1b3: {  	_ =	swait.ge [sflag:s6], $0x1900  }
0x1b4: {  	[sflag:s6] =	ssyncset.done $0x0  }
0x1b5: {  	[sflag:s6] =	ssyncadd.s32 $0xFFFFE700  }
0x1b6: {  	[spmem:s2] =	stream.indirect.scatter.add.f32 [tilespmem:s20], [sflag:$0x5], $0x20, s17, s19, $0xb8;
	[tilespmem:$0x1FF48] =	vst v63  }
0x1b7: {  	_ = 	snop  }
0x1b8: {  	[spmem:s3] =	stream.indirect.scatter.add.f32 [tilespmem:s8], [sflag:$0x5], $0x1, s17, s19, $0xb8;
	[tilespmem:$0x1FF48] =	vst v63  }
0x1b9: {  	_ =	swait.ge [sflag:s9], $0x1900  }
0x1ba: {  	[sflag:s9] =	ssyncset.done $0x0  }
0x1bb: {  	[sflag:s9] =	ssyncadd.s32 $0xFFFFE700  }
0x1bc: {  	_ =	swait.ge [sflag:s9], $0xC8  }
0x1bd: {  	s5 =	rddreg [dreg:$0x13];
	[sflag:s9] =	ssyncset.done $0x0  }
0x1be: {  	s7 =	rddreg [dreg:$0x12];
	[sflag:s9] =	ssyncadd.s32 $0xFFFFFF38;
	s0 =	sadd.s32 $0x0, s5  }
0x1bf: {  	[tilespmem:s4], [sflag:$0x9] =	stream.linear.gather [hbm4b:s0+s4], $0xC8, $0x38;
	[tilespmem:$0x1FF48] =	vst v63  }
0x1c0: {  	s16 =	sadd.s32 $0x0, s7  }
0x1c1: {  	[tilespmem:s17], [sflag:$0x9] =	stream.linear.gather [hbm4b:s16+s4], $0xC8, $0x38;
	[tilespmem:$0x1FF48] =	vst v63  }
0x1c2: {  	_ =	swait.ge [sflag:s18], $0xC8  }
0x1c3: {  	[sflag:s18] =	ssyncset.done $0x0  }
0x1c4: {  	[sflag:s18] =	ssyncadd.s32 $0xFFFFFF38  }
0x1c5: {  	_ =	swait.ge [sflag:s18], $0xC8  }
0x1c6: {  	[sflag:s18] =	ssyncset.done $0x0  }
0x1c7: {  	[sflag:s18] =	ssyncadd.s32 $0xFFFFFF38  }
0x1c8: {  	[tilespmem:s20], [sflag:$0x1] =	stream.indirect.gather [hbm4b:s31+s19], $0x20, s4, s19, $0xb8;
	[tilespmem:$0x1FF48] =	vst v63  }
0x1c9: {  	_ =	swait.ge [sflag:s10], $0x1900  }
0x1ca: {  	[sflag:s10] =	ssyncset.done $0x0  }
0x1cb: {  	[sflag:s10] =	ssyncadd.s32 $0xFFFFE700  }
0x1cc: {  	[spmem:s2] =	stream.indirect.scatter.add.f32 [tilespmem:s22], [sflag:$0x6], $0x20, s21, s19, $0xb8;
	[tilespmem:$0x1FF48] =	vst v63  }
0x1cd: {  	_ = 	snop  }
0x1ce: {  	[spmem:s3] =	stream.indirect.scatter.add.f32 [tilespmem:s8], [sflag:$0x6], $0x1, s21, s19, $0xb8;
	[tilespmem:$0x1FF48] =	vst v63  }
0x1cf: {  	_ =	swait.ge [sflag:s11], $0x1900  }
0x1d0: {  	[sflag:s11] =	ssyncset.done $0x0  }
0x1d1: {  	[sflag:s11] =	ssyncadd.s32 $0xFFFFE700  }
0x1d2: {  	_ =	swait.ge [sflag:s11], $0xC8  }
0x1d3: {  	s5 =	rddreg [dreg:$0x11];
	[sflag:s11] =	ssyncset.done $0x0  }
0x1d4: {  	s7 =	rddreg [dreg:$0x10];
	[sflag:s11] =	ssyncadd.s32 $0xFFFFFF38;
	s0 =	sadd.s32 $0x0, s5  }
0x1d5: {  	[tilespmem:s19], [sflag:$0x9] =	stream.linear.gather [hbm4b:s0+s4], $0xC8, $0x38;
	[tilespmem:$0x1FF48] =	vst v63  }
0x1d6: {  	s16 =	sadd.s32 $0x0, s7  }
0x1d7: {  	[tilespmem:s21], [sflag:$0x9] =	stream.linear.gather [hbm4b:s16+s4], $0xC8, $0x38;
	[tilespmem:$0x1FF48] =	vst v63  }
0x1d8: {  	_ =	swait.ge [sflag:s18], $0xC8  }
0x1d9: {  	[sflag:s18] =	ssyncset.done $0x0  }
0x1da: {  	[sflag:s18] =	ssyncadd.s32 $0xFFFFFF38  }
0x1db: {  	_ =	swait.ge [sflag:s18], $0xC8  }
0x1dc: {  	[sflag:s18] =	ssyncset.done $0x0  }
0x1dd: {  	[sflag:s18] =	ssyncadd.s32 $0xFFFFFF38  }
0x1de: {  	[tilespmem:s22], [sflag:$0x2] =	stream.indirect.gather [hbm4b:s31+s19], $0x20, s19, s19, $0xb8;
	[tilespmem:$0x1FF48] =	vst v63  }
0x1df: {  	_ =	swait.ge [sflag:s12], $0x1900  }
0x1e0: {  	[sflag:s12] =	ssyncset.done $0x0  }
0x1e1: {  	[sflag:s12] =	ssyncadd.s32 $0xFFFFE700  }
0x1e2: {  	[spmem:s2] =	stream.indirect.scatter.add.f32 [tilespmem:s25], [sflag:$0x7], $0x20, s24, s19, $0xb8;
	[tilespmem:$0x1FF48] =	vst v63  }
0x1e3: {  	_ = 	snop  }
0x1e4: {  	[spmem:s3] =	stream.indirect.scatter.add.f32 [tilespmem:s8], [sflag:$0x7], $0x1, s24, s19, $0xb8;
	[tilespmem:$0x1FF48] =	vst v63  }
0x1e5: {  	_ =	swait.ge [sflag:s13], $0x1900  }
0x1e6: {  	[sflag:s13] =	ssyncset.done $0x0  }
0x1e7: {  	[sflag:s13] =	ssyncadd.s32 $0xFFFFE700  }
0x1e8: {  	_ =	swait.ge [sflag:s13], $0xC8  }
0x1e9: {  	s5 =	rddreg [dreg:$0xf];
	[sflag:s13] =	ssyncset.done $0x0  }
0x1ea: {  	s7 =	rddreg [dreg:$0xe];
	[sflag:s13] =	ssyncadd.s32 $0xFFFFFF38;
	s0 =	sadd.s32 $0x0, s5  }
0x1eb: {  	[tilespmem:s23], [sflag:$0x9] =	stream.linear.gather [hbm4b:s0+s4], $0xC8, $0x38;
	[tilespmem:$0x1FF48] =	vst v63  }
0x1ec: {  	s16 =	sadd.s32 $0x0, s7  }
0x1ed: {  	[tilespmem:s24], [sflag:$0x9] =	stream.linear.gather [hbm4b:s16+s4], $0xC8, $0x38;
	[tilespmem:$0x1FF48] =	vst v63  }
0x1ee: {  	_ =	swait.ge [sflag:s18], $0xC8  }
0x1ef: {  	[sflag:s18] =	ssyncset.done $0x0  }
0x1f0: {  	[sflag:s18] =	ssyncadd.s32 $0xFFFFFF38  }
0x1f1: {  	_ =	swait.ge [sflag:s18], $0xC8  }
0x1f2: {  	[sflag:s18] =	ssyncset.done $0x0  }
0x1f3: {  	[sflag:s18] =	ssyncadd.s32 $0xFFFFFF38  }
0x1f4: {  	[tilespmem:s25], [sflag:$0x3] =	stream.indirect.gather [hbm4b:s31+s19], $0x20, s23, s19, $0xb8;
	[tilespmem:$0x1FF48] =	vst v63  }
0x1f5: {  	_ =	swait.ge [sflag:s14], $0x1900  }
0x1f6: {  	[sflag:s14] =	ssyncset.done $0x0  }
0x1f7: {  	[sflag:s14] =	ssyncadd.s32 $0xFFFFE700  }
0x1f8: {  	[spmem:s2] =	stream.indirect.scatter.add.f32 [tilespmem:s29], [sflag:$0x8], $0x20, s28, s19, $0xb8;
	[tilespmem:$0x1FF48] =	vst v63  }
0x1f9: {  	_ = 	snop  }
0x1fa: {  	[spmem:s3] =	stream.indirect.scatter.add.f32 [tilespmem:s8], [sflag:$0x8], $0x1, s28, s19, $0xb8;
	[tilespmem:$0x1FF48] =	vst v63  }
0x1fb: {  	_ =	swait.ge [sflag:s15], $0x1900  }
0x1fc: {  	[sflag:s15] =	ssyncset.done $0x0  }
0x1fd: {  	[sflag:s15] =	ssyncadd.s32 $0xFFFFE700  }
0x1fe: {  	_ =	swait.ge [sflag:s15], $0xC8  }
0x1ff: {  	s5 =	rddreg [dreg:$0xd];
	[sflag:s15] =	ssyncset.done $0x0  }
0x200: {  	s7 =	rddreg [dreg:$0xc];
	[sflag:s15] =	ssyncadd.s32 $0xFFFFFF38;
	s0 =	sadd.s32 $0x0, s5  }
0x201: {  	[tilespmem:s26], [sflag:$0x9] =	stream.linear.gather [hbm4b:s0+s4], $0xC8, $0x38;
	[tilespmem:$0x1FF48] =	vst v63  }
0x202: {  	s16 =	sadd.s32 $0x0, s7  }
0x203: {  	[tilespmem:s28], [sflag:$0x9] =	stream.linear.gather [hbm4b:s16+s4], $0xC8, $0x38;
	[tilespmem:$0x1FF48] =	vst v63  }
0x204: {  	_ =	swait.ge [sflag:s18], $0xC8  }
0x205: {  	[sflag:s18] =	ssyncset.done $0x0  }
0x206: {  	[sflag:s18] =	ssyncadd.s32 $0xFFFFFF38  }
0x207: {  	_ =	swait.ge [sflag:s18], $0xC8  }
0x208: {  	[sflag:s18] =	ssyncset.done $0x0  }
0x209: {  	[sflag:s18] =	ssyncadd.s32 $0xFFFFFF38  }
0x20a: {  	[tilespmem:s29], [sflag:$0x4] =	stream.indirect.gather [hbm4b:s31+s19], $0x20, s26, s19, $0xb8;
	[tilespmem:$0x1FF48] =	vst v63  }
0x20b: {  	_ =	swait.ge [sflag:s6], $0x1900  }
0x20c: {  	[sflag:s6] =	ssyncset.done $0x0  }
0x20d: {  	s5 =	simm.s32 $0x64;
	[sflag:s6] =	ssyncadd.s32 $0xFFFFE700  }
0x20e: {  	[spmem:s2] =	stream.indirect.scatter.add.f32 [tilespmem:s20], [sflag:$0x5], $0x20, s17, s19, $0xb8;
	[tilespmem:$0x1FF48] =	vst v63  }
.LBB2_4:
0x20f: {  	[spmem:s3] =	stream.indirect.scatter.add.f32 [tilespmem:s8], [sflag:$0x5], $0x1, s17, s19, $0xb8;
	[tilespmem:$0x1FF48] =	vst v63  }
0x210: {  	_ =	swait.ge [sflag:s9], $0x1900  }
0x211: {  	[sflag:s9] =	ssyncset.done $0x0  }
0x212: {  	[sflag:s9] =	ssyncadd.s32 $0xFFFFE700  }
0x213: {  	_ =	swait.ge [sflag:s9], $0xC8  }
0x214: {  	s0 =	smov.u32 s5;
	s7 =	rddreg [dreg:$0x13];
	[sflag:s9] =	ssyncset.done $0x0  }
0x215: {  	s16 =	rddreg [dreg:$0x12];
	[sflag:s9] =	ssyncadd.s32 $0xFFFFFF38;
	s7 =	sadd.s32 s0, s7  }
0x216: {  	[tilespmem:s4], [sflag:$0x9] =	stream.linear.gather [hbm4b:s7+s4], $0xC8, $0x38;
	[tilespmem:$0x1FF48] =	vst v63  }
0x217: {  	s16 =	sadd.s32 s0, s16  }
0x218: {  	[tilespmem:s17], [sflag:$0x9] =	stream.linear.gather [hbm4b:s16+s4], $0xC8, $0x38;
	[tilespmem:$0x1FF48] =	vst v63  }
0x219: {  	_ =	swait.ge [sflag:s18], $0xC8  }
0x21a: {  	[sflag:s18] =	ssyncset.done $0x0  }
0x21b: {  	[sflag:s18] =	ssyncadd.s32 $0xFFFFFF38  }
0x21c: {  	_ =	swait.ge [sflag:s18], $0xC8  }
0x21d: {  	[sflag:s18] =	ssyncset.done $0x0  }
0x21e: {  	[sflag:s18] =	ssyncadd.s32 $0xFFFFFF38  }
0x21f: {  	[tilespmem:s20], [sflag:$0x1] =	stream.indirect.gather [hbm4b:s31+s19], $0x20, s4, s19, $0xb8;
	[tilespmem:$0x1FF48] =	vst v63  }
0x220: {  	_ =	swait.ge [sflag:s10], $0x1900  }
0x221: {  	[sflag:s10] =	ssyncset.done $0x0  }
0x222: {  	[sflag:s10] =	ssyncadd.s32 $0xFFFFE700  }
0x223: {  	[spmem:s2] =	stream.indirect.scatter.add.f32 [tilespmem:s22], [sflag:$0x6], $0x20, s21, s19, $0xb8;
	[tilespmem:$0x1FF48] =	vst v63  }
0x224: {  	_ = 	snop  }
0x225: {  	[spmem:s3] =	stream.indirect.scatter.add.f32 [tilespmem:s8], [sflag:$0x6], $0x1, s21, s19, $0xb8;
	[tilespmem:$0x1FF48] =	vst v63  }
0x226: {  	_ =	swait.ge [sflag:s11], $0x1900  }
0x227: {  	[sflag:s11] =	ssyncset.done $0x0  }
0x228: {  	[sflag:s11] =	ssyncadd.s32 $0xFFFFE700  }
0x229: {  	_ =	swait.ge [sflag:s11], $0xC8  }
0x22a: {  	s7 =	rddreg [dreg:$0x11];
	[sflag:s11] =	ssyncset.done $0x0  }
0x22b: {  	s16 =	rddreg [dreg:$0x10];
	[sflag:s11] =	ssyncadd.s32 $0xFFFFFF38;
	s7 =	sadd.s32 s0, s7  }
0x22c: {  	[tilespmem:s19], [sflag:$0x9] =	stream.linear.gather [hbm4b:s7+s4], $0xC8, $0x38;
	[tilespmem:$0x1FF48] =	vst v63  }
0x22d: {  	s16 =	sadd.s32 s0, s16  }
0x22e: {  	[tilespmem:s21], [sflag:$0x9] =	stream.linear.gather [hbm4b:s16+s4], $0xC8, $0x38;
	[tilespmem:$0x1FF48] =	vst v63  }
0x22f: {  	_ =	swait.ge [sflag:s18], $0xC8  }
0x230: {  	[sflag:s18] =	ssyncset.done $0x0  }
0x231: {  	[sflag:s18] =	ssyncadd.s32 $0xFFFFFF38  }
0x232: {  	_ =	swait.ge [sflag:s18], $0xC8  }
0x233: {  	[sflag:s18] =	ssyncset.done $0x0  }
0x234: {  	[sflag:s18] =	ssyncadd.s32 $0xFFFFFF38  }
0x235: {  	[tilespmem:s22], [sflag:$0x2] =	stream.indirect.gather [hbm4b:s31+s19], $0x20, s19, s19, $0xb8;
	[tilespmem:$0x1FF48] =	vst v63  }
0x236: {  	_ =	swait.ge [sflag:s12], $0x1900  }
0x237: {  	[sflag:s12] =	ssyncset.done $0x0  }
0x238: {  	[sflag:s12] =	ssyncadd.s32 $0xFFFFE700  }
0x239: {  	[spmem:s2] =	stream.indirect.scatter.add.f32 [tilespmem:s25], [sflag:$0x7], $0x20, s24, s19, $0xb8;
	[tilespmem:$0x1FF48] =	vst v63  }
0x23a: {  	_ = 	snop  }
0x23b: {  	[spmem:s3] =	stream.indirect.scatter.add.f32 [tilespmem:s8], [sflag:$0x7], $0x1, s24, s19, $0xb8;
	[tilespmem:$0x1FF48] =	vst v63  }
0x23c: {  	_ =	swait.ge [sflag:s13], $0x1900  }
0x23d: {  	[sflag:s13] =	ssyncset.done $0x0  }
0x23e: {  	[sflag:s13] =	ssyncadd.s32 $0xFFFFE700  }
0x23f: {  	_ =	swait.ge [sflag:s13], $0xC8  }
0x240: {  	s7 =	rddreg [dreg:$0xf];
	[sflag:s13] =	ssyncset.done $0x0  }
0x241: {  	s16 =	rddreg [dreg:$0xe];
	[sflag:s13] =	ssyncadd.s32 $0xFFFFFF38;
	s7 =	sadd.s32 s0, s7  }
0x242: {  	[tilespmem:s23], [sflag:$0x9] =	stream.linear.gather [hbm4b:s7+s4], $0xC8, $0x38;
	[tilespmem:$0x1FF48] =	vst v63  }
0x243: {  	s16 =	sadd.s32 s0, s16  }
0x244: {  	[tilespmem:s24], [sflag:$0x9] =	stream.linear.gather [hbm4b:s16+s4], $0xC8, $0x38;
	[tilespmem:$0x1FF48] =	vst v63  }
0x245: {  	_ =	swait.ge [sflag:s18], $0xC8  }
0x246: {  	[sflag:s18] =	ssyncset.done $0x0  }
0x247: {  	[sflag:s18] =	ssyncadd.s32 $0xFFFFFF38  }
0x248: {  	_ =	swait.ge [sflag:s18], $0xC8  }
0x249: {  	[sflag:s18] =	ssyncset.done $0x0  }
0x24a: {  	[sflag:s18] =	ssyncadd.s32 $0xFFFFFF38  }
0x24b: {  	[tilespmem:s25], [sflag:$0x3] =	stream.indirect.gather [hbm4b:s31+s19], $0x20, s23, s19, $0xb8;
	[tilespmem:$0x1FF48] =	vst v63  }
0x24c: {  	_ =	swait.ge [sflag:s14], $0x1900  }
0x24d: {  	[sflag:s14] =	ssyncset.done $0x0  }
0x24e: {  	[sflag:s14] =	ssyncadd.s32 $0xFFFFE700  }
0x24f: {  	[spmem:s2] =	stream.indirect.scatter.add.f32 [tilespmem:s29], [sflag:$0x8], $0x20, s28, s19, $0xb8;
	[tilespmem:$0x1FF48] =	vst v63  }
0x250: {  	_ = 	snop  }
0x251: {  	[spmem:s3] =	stream.indirect.scatter.add.f32 [tilespmem:s8], [sflag:$0x8], $0x1, s28, s19, $0xb8;
	[tilespmem:$0x1FF48] =	vst v63  }
0x252: {  	_ =	swait.ge [sflag:s15], $0x1900  }
0x253: {  	[sflag:s15] =	ssyncset.done $0x0  }
0x254: {  	[sflag:s15] =	ssyncadd.s32 $0xFFFFE700  }
0x255: {  	_ =	swait.ge [sflag:s15], $0xC8  }
0x256: {  	s7 =	rddreg [dreg:$0xd];
	[sflag:s15] =	ssyncset.done $0x0  }
0x257: {  	s16 =	rddreg [dreg:$0xc];
	[sflag:s15] =	ssyncadd.s32 $0xFFFFFF38;
	s7 =	sadd.s32 s0, s7  }
0x258: {  	[tilespmem:s26], [sflag:$0x9] =	stream.linear.gather [hbm4b:s7+s4], $0xC8, $0x38;
	[tilespmem:$0x1FF48] =	vst v63  }
0x259: {  	s0 =	sadd.s32 s0, s16  }
0x25a: {  	[tilespmem:s28], [sflag:$0x9] =	stream.linear.gather [hbm4b:s0+s4], $0xC8, $0x38;
	[tilespmem:$0x1FF48] =	vst v63  }
0x25b: {  	_ =	swait.ge [sflag:s18], $0xC8  }
0x25c: {  	[sflag:s18] =	ssyncset.done $0x0  }
0x25d: {  	[sflag:s18] =	ssyncadd.s32 $0xFFFFFF38  }
0x25e: {  	_ =	swait.ge [sflag:s18], $0xC8  }
0x25f: {  	[sflag:s18] =	ssyncset.done $0x0  }
0x260: {  	p0 =	sne.s32 s5, $0xBB8;
	[sflag:s18] =	ssyncadd.s32 $0xFFFFFF38  }
0x261: {  	[tilespmem:s29], [sflag:$0x4] =	stream.indirect.gather [hbm4b:s31+s19], $0x20, s26, s19, $0xb8;
	[tilespmem:$0x1FF48] =	vst v63  }
.Ltmp1:
0x262: {  	_ = 	snop;
	(pc) =	sbr.rel @p0 .LBB2_4-.Ltmp1, $4  }
0x263: {  	_ =	swait.ge [sflag:s6], $0x1900  }
0x264: {  	[sflag:s6] =	ssyncset.done $0x0  }
0x265: {  	s5 =	sadd.s32 $0x64, s5;
	[sflag:s6] =	ssyncadd.s32 $0xFFFFE700  }
0x266: {  	[spmem:s2] =	stream.indirect.scatter.add.f32 [tilespmem:s20], [sflag:$0x5], $0x20, s17, s19, $0xb8;
	[tilespmem:$0x1FF48] =	vst v63  }
0x267: {  	[spmem:s3] =	stream.indirect.scatter.add.f32 [tilespmem:s8], [sflag:$0x5], $0x1, s17, s19, $0xb8;
	[tilespmem:$0x1FF48] =	vst v63  }
0x268: {  	_ =	swait.ge [sflag:s10], $0x1900  }
0x269: {  	[sflag:s10] =	ssyncset.done $0x0  }
0x26a: {  	[sflag:s10] =	ssyncadd.s32 $0xFFFFE700  }
0x26b: {  	[spmem:s2] =	stream.indirect.scatter.add.f32 [tilespmem:s22], [sflag:$0x6], $0x20, s21, s19, $0xb8;
	[tilespmem:$0x1FF48] =	vst v63  }
0x26c: {  	_ = 	snop  }
0x26d: {  	[spmem:s3] =	stream.indirect.scatter.add.f32 [tilespmem:s8], [sflag:$0x6], $0x1, s21, s19, $0xb8;
	[tilespmem:$0x1FF48] =	vst v63  }
0x26e: {  	_ =	swait.ge [sflag:s12], $0x1900  }
0x26f: {  	[sflag:s12] =	ssyncset.done $0x0  }
0x270: {  	[sflag:s12] =	ssyncadd.s32 $0xFFFFE700  }
0x271: {  	[spmem:s2] =	stream.indirect.scatter.add.f32 [tilespmem:s25], [sflag:$0x7], $0x20, s24, s19, $0xb8;
	[tilespmem:$0x1FF48] =	vst v63  }
0x272: {  	_ = 	snop  }
0x273: {  	[spmem:s3] =	stream.indirect.scatter.add.f32 [tilespmem:s8], [sflag:$0x7], $0x1, s24, s19, $0xb8;
	[tilespmem:$0x1FF48] =	vst v63  }
0x274: {  	_ =	swait.ge [sflag:s14], $0x1900  }
0x275: {  	[sflag:s14] =	ssyncset.done $0x0  }
0x276: {  	[sflag:s14] =	ssyncadd.s32 $0xFFFFE700  }
0x277: {  	[spmem:s2] =	stream.indirect.scatter.add.f32 [tilespmem:s29], [sflag:$0x8], $0x20, s28, s19, $0xb8;
	[tilespmem:$0x1FF48] =	vst v63  }
0x278: {  	_ = 	snop  }
0x279: {  	[spmem:s3] =	stream.indirect.scatter.add.f32 [tilespmem:s8], [sflag:$0x8], $0x1, s28, s19, $0xb8;
	[tilespmem:$0x1FF48] =	vst v63  }
0x27a: {  	_ =	swait.ge [sflag:s9], $0x1900  }
0x27b: {  	[sflag:s9] =	ssyncset.done $0x0  }
0x27c: {  	[sflag:s9] =	ssyncadd.s32 $0xFFFFE700  }
0x27d: {  	_ =	swait.ge [sflag:s9], $0xC8  }
0x27e: {  	[sflag:s9] =	ssyncset.done $0x0  }
0x27f: {  	[sflag:s9] =	ssyncadd.s32 $0xFFFFFF38  }
0x280: {  	_ =	swait.ge [sflag:s11], $0x1900  }
0x281: {  	[sflag:s11] =	ssyncset.done $0x0  }
0x282: {  	[sflag:s11] =	ssyncadd.s32 $0xFFFFE700  }
0x283: {  	_ =	swait.ge [sflag:s11], $0xC8  }
0x284: {  	[sflag:s11] =	ssyncset.done $0x0  }
0x285: {  	[sflag:s11] =	ssyncadd.s32 $0xFFFFFF38  }
0x286: {  	_ =	swait.ge [sflag:s13], $0x1900  }
0x287: {  	[sflag:s13] =	ssyncset.done $0x0  }
0x288: {  	[sflag:s13] =	ssyncadd.s32 $0xFFFFE700  }
0x289: {  	_ =	swait.ge [sflag:s13], $0xC8  }
0x28a: {  	[sflag:s13] =	ssyncset.done $0x0  }
0x28b: {  	[sflag:s13] =	ssyncadd.s32 $0xFFFFFF38  }
0x28c: {  	_ =	swait.ge [sflag:s15], $0x1900  }
0x28d: {  	[sflag:s15] =	ssyncset.done $0x0  }
0x28e: {  	[sflag:s15] =	ssyncadd.s32 $0xFFFFE700  }
0x28f: {  	_ =	swait.ge [sflag:s15], $0xC8  }
0x290: {  	[sflag:s15] =	ssyncset.done $0x0  }
0x291: {  	[sflag:s15] =	ssyncadd.s32 $0xFFFFFF38  }
0x292: {  	[bflag:$0x0] =	sbarrier.arrive $0xFFFF  }
0x293: {  	s16 =	sld [smem:$0x7FD]  }
0x294: {  	s0 =	sld [smem:$0x7F7]  }
0x295: {  	s5 =	sld [smem:$0x7DC];
	_ =	sdelay $0x1  }
0x296: {  	s7 =	simm.s32 $0xA  }
0x297: {  	[hbm:s0], [sflag:s16] =	dma.local [spmem:s5], $0x3100  }
0x298: {  	_ =	swait.ge [sflag:s7], $0x3100  }
0x299: {  	s0 =	sld [smem:$0x7FA]  }
0x29a: {  	s5 =	sld [smem:$0x7DD]  }
0x29b: {  	[sflag:s7] =	ssyncset.done $0x0  }
0x29c: {  	[sflag:s7] =	ssyncadd.s32 $0xFFFFCF00  }
0x29d: {  	[hbm:s0], [sflag:s16] =	dma.local [spmem:s5], $0x188  }
0x29e: {  	_ =	swait.ge [sflag:s7], $0x188  }
0x29f: {  	[sflag:s7] =	ssyncset.done $0x0  }
0x2a0: {  	[sflag:s7] =	ssyncadd.s32 $0xFFFFFE78  }
0x2a1: {  	[bflag:$0x0] =	sbarrier.arrive $0xFFFF  }
0x2a2: {  	s0 =	sld [smem:$0x7F2]  }
0x2a3: {  	s5 =	sld [smem:$0x7DC];
	_ =	sdelay $0x2  }
0x2a4: {  	[spmem:s5], [sflag:s16] =	dma.local [hbm:s0], $0x3100  }
0x2a5: {  	_ =	swait.ge [sflag:s7], $0x3100  }
0x2a6: {  	s0 =	sld [smem:$0x7F3]  }
0x2a7: {  	s5 =	sld [smem:$0x7DD]  }
0x2a8: {  	[sflag:s7] =	ssyncset.done $0x0  }
0x2a9: {  	[sflag:s7] =	ssyncadd.s32 $0xFFFFCF00  }
0x2aa: {  	[spmem:s5], [sflag:s16] =	dma.local [hbm:s0], $0x188  }
0x2ab: {  	_ =	swait.ge [sflag:s7], $0x188  }
0x2ac: {  	[sflag:s7] =	ssyncset.done $0x0  }
0x2ad: {  	[sflag:s7] =	ssyncadd.s32 $0xFFFFFE78  }
0x2ae: {  	[bflag:$0x0] =	sbarrier.arrive $0xFFFF  }
0x2af: {  	s7 =	sld [smem:$0x7EA];
	_ =	sdelay $0x1  }
0x2b0: {  	s0 =	simm.s32 $0x0;
	s16 =	sld [smem:$0x7EB]  }
0x2b1: {  	[tilespmem:s0], [sflag:$0x9] =	stream.linear.gather [hbm4b:s7+s0], $0xC8, $0x38;
	[tilespmem:$0x1FF48] =	vst v63  }
0x2b2: {  	_ = 	snop  }
0x2b3: {  	[tilespmem:s17], [sflag:$0x9] =	stream.linear.gather [hbm4b:s16+s0], $0xC8, $0x38;
	[tilespmem:$0x1FF48] =	vst v63  }
0x2b4: {  	_ =	swait.ge [sflag:s18], $0xC8  }
0x2b5: {  	[sflag:s18] =	ssyncset.done $0x0  }
0x2b6: {  	[sflag:s18] =	ssyncadd.s32 $0xFFFFFF38  }
0x2b7: {  	_ =	swait.ge [sflag:s18], $0xC8  }
0x2b8: {  	[sflag:s18] =	ssyncset.done $0x0  }
0x2b9: {  	s7 =	sld [smem:$0x7EC];
	[sflag:s18] =	ssyncadd.s32 $0xFFFFFF38  }
0x2ba: {  	[tilespmem:s20], [sflag:$0x1] =	stream.indirect.gather [hbm4b:s1+s19], $0x20, s0, s19, $0xb8;
	[tilespmem:$0x1FF48] =	vst v63  }
0x2bb: {  	s16 =	sld [smem:$0x7ED]  }
0x2bc: {  	[tilespmem:s19], [sflag:$0x9] =	stream.linear.gather [hbm4b:s7+s0], $0xC8, $0x38;
	[tilespmem:$0x1FF48] =	vst v63  }
0x2bd: {  	_ = 	snop  }
0x2be: {  	[tilespmem:s21], [sflag:$0x9] =	stream.linear.gather [hbm4b:s16+s0], $0xC8, $0x38;
	[tilespmem:$0x1FF48] =	vst v63  }
0x2bf: {  	_ =	swait.ge [sflag:s18], $0xC8  }
0x2c0: {  	[sflag:s18] =	ssyncset.done $0x0  }
0x2c1: {  	[sflag:s18] =	ssyncadd.s32 $0xFFFFFF38  }
0x2c2: {  	_ =	swait.ge [sflag:s18], $0xC8  }
0x2c3: {  	[sflag:s18] =	ssyncset.done $0x0  }
0x2c4: {  	s7 =	sld [smem:$0x7EE];
	[sflag:s18] =	ssyncadd.s32 $0xFFFFFF38  }
0x2c5: {  	[tilespmem:s22], [sflag:$0x2] =	stream.indirect.gather [hbm4b:s1+s19], $0x20, s19, s19, $0xb8;
	[tilespmem:$0x1FF48] =	vst v63  }
0x2c6: {  	s16 =	sld [smem:$0x7EF]  }
0x2c7: {  	[tilespmem:s23], [sflag:$0x9] =	stream.linear.gather [hbm4b:s7+s0], $0xC8, $0x38;
	[tilespmem:$0x1FF48] =	vst v63  }
0x2c8: {  	_ = 	snop  }
0x2c9: {  	[tilespmem:s24], [sflag:$0x9] =	stream.linear.gather [hbm4b:s16+s0], $0xC8, $0x38;
	[tilespmem:$0x1FF48] =	vst v63  }
0x2ca: {  	_ =	swait.ge [sflag:s18], $0xC8  }
0x2cb: {  	[sflag:s18] =	ssyncset.done $0x0  }
0x2cc: {  	[sflag:s18] =	ssyncadd.s32 $0xFFFFFF38  }
0x2cd: {  	_ =	swait.ge [sflag:s18], $0xC8  }
0x2ce: {  	[sflag:s18] =	ssyncset.done $0x0  }
0x2cf: {  	s7 =	sld [smem:$0x7F1];
	[sflag:s18] =	ssyncadd.s32 $0xFFFFFF38  }
0x2d0: {  	[tilespmem:s25], [sflag:$0x3] =	stream.indirect.gather [hbm4b:s1+s19], $0x20, s23, s19, $0xb8;
	[tilespmem:$0x1FF48] =	vst v63  }
0x2d1: {  	s16 =	sld [smem:$0x7F0]  }
0x2d2: {  	[tilespmem:s26], [sflag:$0x9] =	stream.linear.gather [hbm4b:s7+s0], $0xC8, $0x38;
	[tilespmem:$0x1FF48] =	vst v63  }
0x2d3: {  	_ = 	snop  }
0x2d4: {  	[tilespmem:s28], [sflag:$0x9] =	stream.linear.gather [hbm4b:s16+s0], $0xC8, $0x38;
	[tilespmem:$0x1FF48] =	vst v63  }
0x2d5: {  	_ =	swait.ge [sflag:s18], $0xC8  }
0x2d6: {  	[sflag:s18] =	ssyncset.done $0x0  }
0x2d7: {  	[sflag:s18] =	ssyncadd.s32 $0xFFFFFF38  }
0x2d8: {  	_ =	swait.ge [sflag:s18], $0xC8  }
0x2d9: {  	[sflag:s18] =	ssyncset.done $0x0  }
0x2da: {  	[sflag:s18] =	ssyncadd.s32 $0xFFFFFF38  }
0x2db: {  	[tilespmem:s29], [sflag:$0x4] =	stream.indirect.gather [hbm4b:s1+s19], $0x20, s26, s19, $0xb8;
	[tilespmem:$0x1FF48] =	vst v63  }
0x2dc: {  	_ =	swait.ge [sflag:s6], $0x1900  }
0x2dd: {  	[sflag:s6] =	ssyncset.done $0x0  }
0x2de: {  	[sflag:s6] =	ssyncadd.s32 $0xFFFFE700  }
0x2df: {  	[spmem:s2] =	stream.indirect.scatter.add.f32 [tilespmem:s20], [sflag:$0x5], $0x20, s17, s19, $0xb8;
	[tilespmem:$0x1FF48] =	vst v63  }
0x2e0: {  	_ = 	snop  }
0x2e1: {  	[spmem:s3] =	stream.indirect.scatter.add.f32 [tilespmem:s8], [sflag:$0x5], $0x1, s17, s19, $0xb8;
	[tilespmem:$0x1FF48] =	vst v63  }
0x2e2: {  	_ =	swait.ge [sflag:s9], $0x1900  }
0x2e3: {  	[sflag:s9] =	ssyncset.done $0x0  }
0x2e4: {  	[sflag:s9] =	ssyncadd.s32 $0xFFFFE700  }
0x2e5: {  	_ =	swait.ge [sflag:s9], $0xC8  }
0x2e6: {  	s5 =	rddreg [dreg:$0x1b];
	[sflag:s9] =	ssyncset.done $0x0  }
0x2e7: {  	s7 =	rddreg [dreg:$0x1a];
	[sflag:s9] =	ssyncadd.s32 $0xFFFFFF38;
	s0 =	sadd.s32 $0x0, s5  }
0x2e8: {  	[tilespmem:s4], [sflag:$0x9] =	stream.linear.gather [hbm4b:s0+s4], $0xC8, $0x38;
	[tilespmem:$0x1FF48] =	vst v63  }
0x2e9: {  	s16 =	sadd.s32 $0x0, s7  }
0x2ea: {  	[tilespmem:s17], [sflag:$0x9] =	stream.linear.gather [hbm4b:s16+s4], $0xC8, $0x38;
	[tilespmem:$0x1FF48] =	vst v63  }
0x2eb: {  	_ =	swait.ge [sflag:s18], $0xC8  }
0x2ec: {  	[sflag:s18] =	ssyncset.done $0x0  }
0x2ed: {  	[sflag:s18] =	ssyncadd.s32 $0xFFFFFF38  }
0x2ee: {  	_ =	swait.ge [sflag:s18], $0xC8  }
0x2ef: {  	[sflag:s18] =	ssyncset.done $0x0  }
0x2f0: {  	[sflag:s18] =	ssyncadd.s32 $0xFFFFFF38  }
0x2f1: {  	[tilespmem:s20], [sflag:$0x1] =	stream.indirect.gather [hbm4b:s1+s19], $0x20, s4, s19, $0xb8;
	[tilespmem:$0x1FF48] =	vst v63  }
0x2f2: {  	_ =	swait.ge [sflag:s10], $0x1900  }
0x2f3: {  	[sflag:s10] =	ssyncset.done $0x0  }
0x2f4: {  	[sflag:s10] =	ssyncadd.s32 $0xFFFFE700  }
0x2f5: {  	[spmem:s2] =	stream.indirect.scatter.add.f32 [tilespmem:s22], [sflag:$0x6], $0x20, s21, s19, $0xb8;
	[tilespmem:$0x1FF48] =	vst v63  }
0x2f6: {  	_ = 	snop  }
0x2f7: {  	[spmem:s3] =	stream.indirect.scatter.add.f32 [tilespmem:s8], [sflag:$0x6], $0x1, s21, s19, $0xb8;
	[tilespmem:$0x1FF48] =	vst v63  }
0x2f8: {  	_ =	swait.ge [sflag:s11], $0x1900  }
0x2f9: {  	[sflag:s11] =	ssyncset.done $0x0  }
0x2fa: {  	[sflag:s11] =	ssyncadd.s32 $0xFFFFE700  }
0x2fb: {  	_ =	swait.ge [sflag:s11], $0xC8  }
0x2fc: {  	s5 =	rddreg [dreg:$0x19];
	[sflag:s11] =	ssyncset.done $0x0  }
0x2fd: {  	s7 =	rddreg [dreg:$0x18];
	[sflag:s11] =	ssyncadd.s32 $0xFFFFFF38;
	s0 =	sadd.s32 $0x0, s5  }
0x2fe: {  	[tilespmem:s19], [sflag:$0x9] =	stream.linear.gather [hbm4b:s0+s4], $0xC8, $0x38;
	[tilespmem:$0x1FF48] =	vst v63  }
0x2ff: {  	s16 =	sadd.s32 $0x0, s7  }
0x300: {  	[tilespmem:s21], [sflag:$0x9] =	stream.linear.gather [hbm4b:s16+s4], $0xC8, $0x38;
	[tilespmem:$0x1FF48] =	vst v63  }
0x301: {  	_ =	swait.ge [sflag:s18], $0xC8  }
0x302: {  	[sflag:s18] =	ssyncset.done $0x0  }
0x303: {  	[sflag:s18] =	ssyncadd.s32 $0xFFFFFF38  }
0x304: {  	_ =	swait.ge [sflag:s18], $0xC8  }
0x305: {  	[sflag:s18] =	ssyncset.done $0x0  }
0x306: {  	[sflag:s18] =	ssyncadd.s32 $0xFFFFFF38  }
0x307: {  	[tilespmem:s22], [sflag:$0x2] =	stream.indirect.gather [hbm4b:s1+s19], $0x20, s19, s19, $0xb8;
	[tilespmem:$0x1FF48] =	vst v63  }
0x308: {  	_ =	swait.ge [sflag:s12], $0x1900  }
0x309: {  	[sflag:s12] =	ssyncset.done $0x0  }
0x30a: {  	[sflag:s12] =	ssyncadd.s32 $0xFFFFE700  }
0x30b: {  	[spmem:s2] =	stream.indirect.scatter.add.f32 [tilespmem:s25], [sflag:$0x7], $0x20, s24, s19, $0xb8;
	[tilespmem:$0x1FF48] =	vst v63  }
0x30c: {  	_ = 	snop  }
0x30d: {  	[spmem:s3] =	stream.indirect.scatter.add.f32 [tilespmem:s8], [sflag:$0x7], $0x1, s24, s19, $0xb8;
	[tilespmem:$0x1FF48] =	vst v63  }
0x30e: {  	_ =	swait.ge [sflag:s13], $0x1900  }
0x30f: {  	[sflag:s13] =	ssyncset.done $0x0  }
0x310: {  	[sflag:s13] =	ssyncadd.s32 $0xFFFFE700  }
0x311: {  	_ =	swait.ge [sflag:s13], $0xC8  }
0x312: {  	s5 =	rddreg [dreg:$0x17];
	[sflag:s13] =	ssyncset.done $0x0  }
0x313: {  	s7 =	rddreg [dreg:$0x16];
	[sflag:s13] =	ssyncadd.s32 $0xFFFFFF38;
	s0 =	sadd.s32 $0x0, s5  }
0x314: {  	[tilespmem:s23], [sflag:$0x9] =	stream.linear.gather [hbm4b:s0+s4], $0xC8, $0x38;
	[tilespmem:$0x1FF48] =	vst v63  }
0x315: {  	s16 =	sadd.s32 $0x0, s7  }
0x316: {  	[tilespmem:s24], [sflag:$0x9] =	stream.linear.gather [hbm4b:s16+s4], $0xC8, $0x38;
	[tilespmem:$0x1FF48] =	vst v63  }
0x317: {  	_ =	swait.ge [sflag:s18], $0xC8  }
0x318: {  	[sflag:s18] =	ssyncset.done $0x0  }
0x319: {  	[sflag:s18] =	ssyncadd.s32 $0xFFFFFF38  }
0x31a: {  	_ =	swait.ge [sflag:s18], $0xC8  }
0x31b: {  	[sflag:s18] =	ssyncset.done $0x0  }
0x31c: {  	[sflag:s18] =	ssyncadd.s32 $0xFFFFFF38  }
0x31d: {  	[tilespmem:s25], [sflag:$0x3] =	stream.indirect.gather [hbm4b:s1+s19], $0x20, s23, s19, $0xb8;
	[tilespmem:$0x1FF48] =	vst v63  }
0x31e: {  	_ =	swait.ge [sflag:s14], $0x1900  }
0x31f: {  	[sflag:s14] =	ssyncset.done $0x0  }
0x320: {  	[sflag:s14] =	ssyncadd.s32 $0xFFFFE700  }
0x321: {  	[spmem:s2] =	stream.indirect.scatter.add.f32 [tilespmem:s29], [sflag:$0x8], $0x20, s28, s19, $0xb8;
	[tilespmem:$0x1FF48] =	vst v63  }
0x322: {  	_ = 	snop  }
0x323: {  	[spmem:s3] =	stream.indirect.scatter.add.f32 [tilespmem:s8], [sflag:$0x8], $0x1, s28, s19, $0xb8;
	[tilespmem:$0x1FF48] =	vst v63  }
0x324: {  	_ =	swait.ge [sflag:s15], $0x1900  }
0x325: {  	[sflag:s15] =	ssyncset.done $0x0  }
0x326: {  	[sflag:s15] =	ssyncadd.s32 $0xFFFFE700  }
0x327: {  	_ =	swait.ge [sflag:s15], $0xC8  }
0x328: {  	s5 =	rddreg [dreg:$0x15];
	[sflag:s15] =	ssyncset.done $0x0  }
0x329: {  	s7 =	rddreg [dreg:$0x14];
	[sflag:s15] =	ssyncadd.s32 $0xFFFFFF38;
	s0 =	sadd.s32 $0x0, s5  }
0x32a: {  	[tilespmem:s26], [sflag:$0x9] =	stream.linear.gather [hbm4b:s0+s4], $0xC8, $0x38;
	[tilespmem:$0x1FF48] =	vst v63  }
0x32b: {  	s16 =	sadd.s32 $0x0, s7  }
0x32c: {  	[tilespmem:s28], [sflag:$0x9] =	stream.linear.gather [hbm4b:s16+s4], $0xC8, $0x38;
	[tilespmem:$0x1FF48] =	vst v63  }
0x32d: {  	_ =	swait.ge [sflag:s18], $0xC8  }
0x32e: {  	[sflag:s18] =	ssyncset.done $0x0  }
0x32f: {  	[sflag:s18] =	ssyncadd.s32 $0xFFFFFF38  }
0x330: {  	_ =	swait.ge [sflag:s18], $0xC8  }
0x331: {  	[sflag:s18] =	ssyncset.done $0x0  }
0x332: {  	[sflag:s18] =	ssyncadd.s32 $0xFFFFFF38  }
0x333: {  	[tilespmem:s29], [sflag:$0x4] =	stream.indirect.gather [hbm4b:s1+s19], $0x20, s26, s19, $0xb8;
	[tilespmem:$0x1FF48] =	vst v63  }
0x334: {  	_ =	swait.ge [sflag:s6], $0x1900  }
0x335: {  	[sflag:s6] =	ssyncset.done $0x0  }
0x336: {  	s5 =	simm.s32 $0x64;
	[sflag:s6] =	ssyncadd.s32 $0xFFFFE700  }
0x337: {  	[spmem:s2] =	stream.indirect.scatter.add.f32 [tilespmem:s20], [sflag:$0x5], $0x20, s17, s19, $0xb8;
	[tilespmem:$0x1FF48] =	vst v63  }
.LBB2_6:
0x338: {  	[spmem:s3] =	stream.indirect.scatter.add.f32 [tilespmem:s8], [sflag:$0x5], $0x1, s17, s19, $0xb8;
	[tilespmem:$0x1FF48] =	vst v63  }
0x339: {  	_ =	swait.ge [sflag:s9], $0x1900  }
0x33a: {  	[sflag:s9] =	ssyncset.done $0x0  }
0x33b: {  	[sflag:s9] =	ssyncadd.s32 $0xFFFFE700  }
0x33c: {  	_ =	swait.ge [sflag:s9], $0xC8  }
0x33d: {  	s0 =	smov.u32 s5;
	s7 =	rddreg [dreg:$0x1b];
	[sflag:s9] =	ssyncset.done $0x0  }
0x33e: {  	s16 =	rddreg [dreg:$0x1a];
	[sflag:s9] =	ssyncadd.s32 $0xFFFFFF38;
	s7 =	sadd.s32 s0, s7  }
0x33f: {  	[tilespmem:s4], [sflag:$0x9] =	stream.linear.gather [hbm4b:s7+s4], $0xC8, $0x38;
	[tilespmem:$0x1FF48] =	vst v63  }
0x340: {  	s16 =	sadd.s32 s0, s16  }
0x341: {  	[tilespmem:s17], [sflag:$0x9] =	stream.linear.gather [hbm4b:s16+s4], $0xC8, $0x38;
	[tilespmem:$0x1FF48] =	vst v63  }
0x342: {  	_ =	swait.ge [sflag:s18], $0xC8  }
0x343: {  	[sflag:s18] =	ssyncset.done $0x0  }
0x344: {  	[sflag:s18] =	ssyncadd.s32 $0xFFFFFF38  }
0x345: {  	_ =	swait.ge [sflag:s18], $0xC8  }
0x346: {  	[sflag:s18] =	ssyncset.done $0x0  }
0x347: {  	[sflag:s18] =	ssyncadd.s32 $0xFFFFFF38  }
0x348: {  	[tilespmem:s20], [sflag:$0x1] =	stream.indirect.gather [hbm4b:s1+s19], $0x20, s4, s19, $0xb8;
	[tilespmem:$0x1FF48] =	vst v63  }
0x349: {  	_ =	swait.ge [sflag:s10], $0x1900  }
0x34a: {  	[sflag:s10] =	ssyncset.done $0x0  }
0x34b: {  	[sflag:s10] =	ssyncadd.s32 $0xFFFFE700  }
0x34c: {  	[spmem:s2] =	stream.indirect.scatter.add.f32 [tilespmem:s22], [sflag:$0x6], $0x20, s21, s19, $0xb8;
	[tilespmem:$0x1FF48] =	vst v63  }
0x34d: {  	_ = 	snop  }
0x34e: {  	[spmem:s3] =	stream.indirect.scatter.add.f32 [tilespmem:s8], [sflag:$0x6], $0x1, s21, s19, $0xb8;
	[tilespmem:$0x1FF48] =	vst v63  }
0x34f: {  	_ =	swait.ge [sflag:s11], $0x1900  }
0x350: {  	[sflag:s11] =	ssyncset.done $0x0  }
0x351: {  	[sflag:s11] =	ssyncadd.s32 $0xFFFFE700  }
0x352: {  	_ =	swait.ge [sflag:s11], $0xC8  }
0x353: {  	s7 =	rddreg [dreg:$0x19];
	[sflag:s11] =	ssyncset.done $0x0  }
0x354: {  	s16 =	rddreg [dreg:$0x18];
	[sflag:s11] =	ssyncadd.s32 $0xFFFFFF38;
	s7 =	sadd.s32 s0, s7  }
0x355: {  	[tilespmem:s19], [sflag:$0x9] =	stream.linear.gather [hbm4b:s7+s4], $0xC8, $0x38;
	[tilespmem:$0x1FF48] =	vst v63  }
0x356: {  	s16 =	sadd.s32 s0, s16  }
0x357: {  	[tilespmem:s21], [sflag:$0x9] =	stream.linear.gather [hbm4b:s16+s4], $0xC8, $0x38;
	[tilespmem:$0x1FF48] =	vst v63  }
0x358: {  	_ =	swait.ge [sflag:s18], $0xC8  }
0x359: {  	[sflag:s18] =	ssyncset.done $0x0  }
0x35a: {  	[sflag:s18] =	ssyncadd.s32 $0xFFFFFF38  }
0x35b: {  	_ =	swait.ge [sflag:s18], $0xC8  }
0x35c: {  	[sflag:s18] =	ssyncset.done $0x0  }
0x35d: {  	[sflag:s18] =	ssyncadd.s32 $0xFFFFFF38  }
0x35e: {  	[tilespmem:s22], [sflag:$0x2] =	stream.indirect.gather [hbm4b:s1+s19], $0x20, s19, s19, $0xb8;
	[tilespmem:$0x1FF48] =	vst v63  }
0x35f: {  	_ =	swait.ge [sflag:s12], $0x1900  }
0x360: {  	[sflag:s12] =	ssyncset.done $0x0  }
0x361: {  	[sflag:s12] =	ssyncadd.s32 $0xFFFFE700  }
0x362: {  	[spmem:s2] =	stream.indirect.scatter.add.f32 [tilespmem:s25], [sflag:$0x7], $0x20, s24, s19, $0xb8;
	[tilespmem:$0x1FF48] =	vst v63  }
0x363: {  	_ = 	snop  }
0x364: {  	[spmem:s3] =	stream.indirect.scatter.add.f32 [tilespmem:s8], [sflag:$0x7], $0x1, s24, s19, $0xb8;
	[tilespmem:$0x1FF48] =	vst v63  }
0x365: {  	_ =	swait.ge [sflag:s13], $0x1900  }
0x366: {  	[sflag:s13] =	ssyncset.done $0x0  }
0x367: {  	[sflag:s13] =	ssyncadd.s32 $0xFFFFE700  }
0x368: {  	_ =	swait.ge [sflag:s13], $0xC8  }
0x369: {  	s7 =	rddreg [dreg:$0x17];
	[sflag:s13] =	ssyncset.done $0x0  }
0x36a: {  	s16 =	rddreg [dreg:$0x16];
	[sflag:s13] =	ssyncadd.s32 $0xFFFFFF38;
	s7 =	sadd.s32 s0, s7  }
0x36b: {  	[tilespmem:s23], [sflag:$0x9] =	stream.linear.gather [hbm4b:s7+s4], $0xC8, $0x38;
	[tilespmem:$0x1FF48] =	vst v63  }
0x36c: {  	s16 =	sadd.s32 s0, s16  }
0x36d: {  	[tilespmem:s24], [sflag:$0x9] =	stream.linear.gather [hbm4b:s16+s4], $0xC8, $0x38;
	[tilespmem:$0x1FF48] =	vst v63  }
0x36e: {  	_ =	swait.ge [sflag:s18], $0xC8  }
0x36f: {  	[sflag:s18] =	ssyncset.done $0x0  }
0x370: {  	[sflag:s18] =	ssyncadd.s32 $0xFFFFFF38  }
0x371: {  	_ =	swait.ge [sflag:s18], $0xC8  }
0x372: {  	[sflag:s18] =	ssyncset.done $0x0  }
0x373: {  	[sflag:s18] =	ssyncadd.s32 $0xFFFFFF38  }
0x374: {  	[tilespmem:s25], [sflag:$0x3] =	stream.indirect.gather [hbm4b:s1+s19], $0x20, s23, s19, $0xb8;
	[tilespmem:$0x1FF48] =	vst v63  }
0x375: {  	_ =	swait.ge [sflag:s14], $0x1900  }
0x376: {  	[sflag:s14] =	ssyncset.done $0x0  }
0x377: {  	[sflag:s14] =	ssyncadd.s32 $0xFFFFE700  }
0x378: {  	[spmem:s2] =	stream.indirect.scatter.add.f32 [tilespmem:s29], [sflag:$0x8], $0x20, s28, s19, $0xb8;
	[tilespmem:$0x1FF48] =	vst v63  }
0x379: {  	_ = 	snop  }
0x37a: {  	[spmem:s3] =	stream.indirect.scatter.add.f32 [tilespmem:s8], [sflag:$0x8], $0x1, s28, s19, $0xb8;
	[tilespmem:$0x1FF48] =	vst v63  }
0x37b: {  	_ =	swait.ge [sflag:s15], $0x1900  }
0x37c: {  	[sflag:s15] =	ssyncset.done $0x0  }
0x37d: {  	[sflag:s15] =	ssyncadd.s32 $0xFFFFE700  }
0x37e: {  	_ =	swait.ge [sflag:s15], $0xC8  }
0x37f: {  	s7 =	rddreg [dreg:$0x15];
	[sflag:s15] =	ssyncset.done $0x0  }
0x380: {  	s16 =	rddreg [dreg:$0x14];
	[sflag:s15] =	ssyncadd.s32 $0xFFFFFF38;
	s7 =	sadd.s32 s0, s7  }
0x381: {  	[tilespmem:s26], [sflag:$0x9] =	stream.linear.gather [hbm4b:s7+s4], $0xC8, $0x38;
	[tilespmem:$0x1FF48] =	vst v63  }
0x382: {  	s0 =	sadd.s32 s0, s16  }
0x383: {  	[tilespmem:s28], [sflag:$0x9] =	stream.linear.gather [hbm4b:s0+s4], $0xC8, $0x38;
	[tilespmem:$0x1FF48] =	vst v63  }
0x384: {  	_ =	swait.ge [sflag:s18], $0xC8  }
0x385: {  	[sflag:s18] =	ssyncset.done $0x0  }
0x386: {  	[sflag:s18] =	ssyncadd.s32 $0xFFFFFF38  }
0x387: {  	_ =	swait.ge [sflag:s18], $0xC8  }
0x388: {  	[sflag:s18] =	ssyncset.done $0x0  }
0x389: {  	p0 =	sne.s32 s5, $0xBB8;
	[sflag:s18] =	ssyncadd.s32 $0xFFFFFF38  }
0x38a: {  	[tilespmem:s29], [sflag:$0x4] =	stream.indirect.gather [hbm4b:s1+s19], $0x20, s26, s19, $0xb8;
	[tilespmem:$0x1FF48] =	vst v63  }
.Ltmp2:
0x38b: {  	_ = 	snop;
	(pc) =	sbr.rel @p0 .LBB2_6-.Ltmp2, $4  }
0x38c: {  	_ =	swait.ge [sflag:s6], $0x1900  }
0x38d: {  	[sflag:s6] =	ssyncset.done $0x0  }
0x38e: {  	s5 =	sadd.s32 $0x64, s5;
	[sflag:s6] =	ssyncadd.s32 $0xFFFFE700  }
0x38f: {  	[spmem:s2] =	stream.indirect.scatter.add.f32 [tilespmem:s20], [sflag:$0x5], $0x20, s17, s19, $0xb8;
	[tilespmem:$0x1FF48] =	vst v63  }
0x390: {  	[spmem:s3] =	stream.indirect.scatter.add.f32 [tilespmem:s8], [sflag:$0x5], $0x1, s17, s19, $0xb8;
	[tilespmem:$0x1FF48] =	vst v63  }
0x391: {  	_ =	swait.ge [sflag:s10], $0x1900  }
0x392: {  	[sflag:s10] =	ssyncset.done $0x0  }
0x393: {  	[sflag:s10] =	ssyncadd.s32 $0xFFFFE700  }
0x394: {  	[spmem:s2] =	stream.indirect.scatter.add.f32 [tilespmem:s22], [sflag:$0x6], $0x20, s21, s19, $0xb8;
	[tilespmem:$0x1FF48] =	vst v63  }
0x395: {  	_ = 	snop  }
0x396: {  	[spmem:s3] =	stream.indirect.scatter.add.f32 [tilespmem:s8], [sflag:$0x6], $0x1, s21, s19, $0xb8;
	[tilespmem:$0x1FF48] =	vst v63  }
0x397: {  	_ =	swait.ge [sflag:s12], $0x1900  }
0x398: {  	[sflag:s12] =	ssyncset.done $0x0  }
0x399: {  	[sflag:s12] =	ssyncadd.s32 $0xFFFFE700  }
0x39a: {  	[spmem:s2] =	stream.indirect.scatter.add.f32 [tilespmem:s25], [sflag:$0x7], $0x20, s24, s19, $0xb8;
	[tilespmem:$0x1FF48] =	vst v63  }
0x39b: {  	_ = 	snop  }
0x39c: {  	[spmem:s3] =	stream.indirect.scatter.add.f32 [tilespmem:s8], [sflag:$0x7], $0x1, s24, s19, $0xb8;
	[tilespmem:$0x1FF48] =	vst v63  }
0x39d: {  	_ =	swait.ge [sflag:s14], $0x1900  }
0x39e: {  	[sflag:s14] =	ssyncset.done $0x0  }
0x39f: {  	[sflag:s14] =	ssyncadd.s32 $0xFFFFE700  }
0x3a0: {  	[spmem:s2] =	stream.indirect.scatter.add.f32 [tilespmem:s29], [sflag:$0x8], $0x20, s28, s19, $0xb8;
	[tilespmem:$0x1FF48] =	vst v63  }
0x3a1: {  	_ = 	snop  }
0x3a2: {  	[spmem:s3] =	stream.indirect.scatter.add.f32 [tilespmem:s8], [sflag:$0x8], $0x1, s28, s19, $0xb8;
	[tilespmem:$0x1FF48] =	vst v63  }
0x3a3: {  	_ =	swait.ge [sflag:s9], $0x1900  }
0x3a4: {  	[sflag:s9] =	ssyncset.done $0x0  }
0x3a5: {  	[sflag:s9] =	ssyncadd.s32 $0xFFFFE700  }
0x3a6: {  	_ =	swait.ge [sflag:s9], $0xC8  }
0x3a7: {  	[sflag:s9] =	ssyncset.done $0x0  }
0x3a8: {  	[sflag:s9] =	ssyncadd.s32 $0xFFFFFF38  }
0x3a9: {  	_ =	swait.ge [sflag:s11], $0x1900  }
0x3aa: {  	[sflag:s11] =	ssyncset.done $0x0  }
0x3ab: {  	[sflag:s11] =	ssyncadd.s32 $0xFFFFE700  }
0x3ac: {  	_ =	swait.ge [sflag:s11], $0xC8  }
0x3ad: {  	[sflag:s11] =	ssyncset.done $0x0  }
0x3ae: {  	[sflag:s11] =	ssyncadd.s32 $0xFFFFFF38  }
0x3af: {  	_ =	swait.ge [sflag:s13], $0x1900  }
0x3b0: {  	[sflag:s13] =	ssyncset.done $0x0  }
0x3b1: {  	[sflag:s13] =	ssyncadd.s32 $0xFFFFE700  }
0x3b2: {  	_ =	swait.ge [sflag:s13], $0xC8  }
0x3b3: {  	[sflag:s13] =	ssyncset.done $0x0  }
0x3b4: {  	[sflag:s13] =	ssyncadd.s32 $0xFFFFFF38  }
0x3b5: {  	_ =	swait.ge [sflag:s15], $0x1900  }
0x3b6: {  	[sflag:s15] =	ssyncset.done $0x0  }
0x3b7: {  	[sflag:s15] =	ssyncadd.s32 $0xFFFFE700  }
0x3b8: {  	_ =	swait.ge [sflag:s15], $0xC8  }
0x3b9: {  	[sflag:s15] =	ssyncset.done $0x0  }
0x3ba: {  	[sflag:s15] =	ssyncadd.s32 $0xFFFFFF38  }
0x3bb: {  	[bflag:$0x0] =	sbarrier.arrive $0xFFFF  }
0x3bc: {  	s7 =	sld [smem:$0x7FD]  }
0x3bd: {  	s0 =	sld [smem:$0x7F8]  }
0x3be: {  	s5 =	sld [smem:$0x7DC];
	_ =	sdelay $0x2  }
0x3bf: {  	[hbm:s0], [sflag:s7] =	dma.local [spmem:s5], $0x3100  }
0x3c0: {  	s5 =	simm.s32 $0xA  }
0x3c1: {  	_ =	swait.ge [sflag:s5], $0x3100  }
0x3c2: {  	s0 =	sld [smem:$0x7FB]  }
0x3c3: {  	s16 =	sld [smem:$0x7DD]  }
0x3c4: {  	[sflag:s5] =	ssyncset.done $0x0  }
0x3c5: {  	[sflag:s5] =	ssyncadd.s32 $0xFFFFCF00  }
0x3c6: {  	[hbm:s0], [sflag:s7] =	dma.local [spmem:s16], $0x188  }
0x3c7: {  	_ =	swait.ge [sflag:s5], $0x188  }
0x3c8: {  	s0 =	sld [smem:$0x7DB];
	_ =	sdelay $0x2  }
0x3c9: {  	s16 =	sadd.s32 $0x1, s0;
	s0 =	sld [smem:$0x7FC];
	_ =	sdelay $0x2  }
0x3ca: {  	p0 =	sne.s32 s16, s0  }
.Ltmp3:
0x3cb: {  	_ = 	snop;
	(pc) =	sbr.rel @p0 .LBB2_1-.Ltmp3, $3  }
0x3cc: {  	[sflag:s5] =	ssyncset.done $0x0  }
0x3cd: {  	[sflag:s5] =	ssyncadd.s32 $0xFFFFFE78  }
0x3ce: {  	[bflag:$0x0] =	sbarrier.arrive $0xFFFF;
	_ =	sdelay $0x1  }
0x3cf: {  	_ =	sfence.sel $0x180000  }
0x3d0: {  	[bflag:$0x0] =	sbarrier.arrive $0xFFFF  }
0x3d1: {  	_ =	strace $0x9000004A  }
0x3d2: {  	s0 =	stileid.u32;
	[bflag:$0x2] =	sbarrier.arrive $0xFFFF  }
0x3d3: {  	p0 =	sne.s32 s0, $0x0;
	s0 =	rddreg [dreg:$0x3]  }
0x3d4: {  	s0 =	sadd.s32 @!p0 $0x100000, s0  }
0x3d5: {  	[sflag:s0] =	ssyncadd.tile.s32 @!p0 $0x1;
	_ =	shalt  }
.Lfunc_end2:
_tile_overlayer_lowered:
.L_overlay_start_2:
0x3d6: {  	(tag) =	ssettag $0x2  }
0x3d7: {  	s0 =	rddreg [dreg:$0x0];
	s2 =	stileid.u32  }
0x3d8: {  	s1 =	rddreg [dreg:$0x1];
	p0 =	sne.s32 s2, $0x0  }
0x3d9: {  	s3 =	rddreg [dreg:$0x2];
	[bflag:$0x3] =	sbarrier.arrive $0xFFFF;
	s2 =	simm.s32 @!p0 $0x1C0A  }
0x3da: {  	[timem:s3], [sflag:s2] =	dma.local @!p0 [hbm:s0], s1  }
0x3db: {  	s0 =	simm.s32 @!p0 $0xA  }
0x3dc: {  	_ =	swait.ge @!p0 [sflag:s0], s1  }
0x3dd: {  	s1 =	ssub.s32 @!p0 $0x0, s1;
	[sflag:s0] =	ssyncset.done @!p0 $0x0  }
0x3de: {  	[sflag:s0] =	ssyncadd.s32 @!p0 s1  }
0x3df: {  	[bflag:$0x3] =	sbarrier.arrive $0xFFFF  }
0x3e0: {  	_ =	shalt  }

// kernel: kernel.13.cloned.1.call-start
scs
__scs_entry_jumppad:
0x0: {  	(pc) =	sbr.rel $0x88, $3  }
0x1: {  	(tag) =	ssettag $0x0;
	lr =	simm.s32 $0x1  }
0x2: {  	[smem:$0x3F7E] =	sst lr;
	_ =	strace $0xD0000000  }
0x3: {  	_ = 	snop  }
0x4: {  	_ = 	snop  }
0x5: {  	_ = 	snop  }
0x6: {  	_ = 	snop  }
0x7: {  	_ = 	snop  }
__scs_overlays_trampoline_lowered:
0x8: {  	[smem:$0x3F8D] =	sst s0  }
0x9: {  	[smem:$0x3F8E] =	sst s1  }
0xa: {  	[smem:$0x3F8F] =	sst s2  }
0xb: {  	[smem:$0x3F90] =	sst s3  }
0xc: {  	[smem:$0x3F91] =	sst s4  }
0xd: {  	[smem:$0x3F92] =	sst s5  }
0xe: {  	[smem:$0x3F93] =	sst s6  }
0xf: {  	[smem:$0x3F94] =	sst s7  }
0x10: {  	[smem:$0x3F95] =	sst s8  }
0x11: {  	[smem:$0x3F96] =	sst s9;
	s0 =	simm.s32 @!p0 $0x0  }
0x12: {  	s1 =	sld [smem:$0x3F7C];
	s0 =	simm.s32 @p0 $0x1  }
0x13: {  	[smem:$0x3F97] =	sst s0;
	s0 =	simm.s32 @!p1 $0x0  }
0x14: {  	s2 =	sld [smem:$0x3F7B];
	s0 =	simm.s32 @p1 $0x1  }
0x15: {  	[smem:$0x3F98] =	sst s0;
	s0 =	simm.s32 @!p2 $0x0  }
0x16: {  	s3 =	sld [smem:$0x3FDB];
	s0 =	simm.s32 @p2 $0x1  }
0x17: {  	s4 =	simm.s32 $0x1BF5;
	[smem:$0x3F9A] =	sst s0  }
0x18: {  	s0 =	sld [smem:$0x3F7D];
	_ =	swait.ge [sflag:s4], $0x0  }
0x19: {  	s7 =	sld [smem:$0x3F7E]  }
0x1a: {  	s8 =	sadd.s32 $0xFFFFE003, lr  }
0x1b: {  	s9 =	sadd.s32 $0xFFFFFEF7, lr;
	s5 =	simm.s32 $0xFFFFFFFF;
	p2 =	slt.u32 s8, $0xFFFFF086  }
0x1c: {  	p1 =	slt.u32 s9, $0xF7A;
	s5 =	simm.s32 @!p2 $0x0  }
0x1d: {  	s5 =	simm.s32 @p1 $0x1;
	p0 =	seq.s32 s7, s2  }
0x1e: {  	s7 =	smul.u32 @!p0 $0xF7A, s2;
	p2 =	seq.s32 @!p0 s5, $0x0  }
0x1f: {  	s9 =	smul.u32 $0xF7A, s1;
	s8 =	simm.s32 @!p0 $0x1BF5;
	p2 =	por !p2, p0  }
0x20: {  	[sflag:s8] =	ssyncset.s32 @!p0 $0xFFFFF086;
	s6 =	sadd.s32 @!p0 s3, s7;
	s7 =	simm.s32 @!p0 $0x108  }
0x21: {  	s3 =	sadd.s32 s3, s9;
	s6 =	sadd.s32 @!p0 $0x88, s6;
	s7 =	simm.s32 @p2 $0x1082  }
0x22: {  	[simem:s7], [sflag:s8] =	dma.local @!p0 [hbm:s6], $0xF7A  }
0x23: {  	s9 =	sor.u32 $0xD0000000, s2;
	s6 =	simm.s32 $0x108;
	_ =	swait.ge @!p0 [sflag:s8], $0x0  }
0x24: {  	s3 =	sadd.s32 $0x88, s3;
	s6 =	simm.s32 @!p1 $0x1082;
	[sflag:s4] =	ssyncset.s32 $0xFFFFF086  }
0x25: {  	[simem:s6], [sflag:s4] =	dma.local [hbm:s3], $0xF7A  }
0x26: {  	[smem:$0x3F7E] =	sst s1;
	(tag) =	ssettag s2;
	_ =	strace s9  }
0x27: {  	s1 =	sld [smem:$0x3F8E]  }
0x28: {  	s2 =	sld [smem:$0x3F8F]  }
0x29: {  	s4 =	sld [smem:$0x3F91]  }
0x2a: {  	p0 =	seq.s32 s5, $0x0;
	s5 =	sld [smem:$0x3F92]  }
0x2b: {  	s6 =	sld [smem:$0x3F93]  }
0x2c: {  	s7 =	sld [smem:$0x3F94]  }
0x2d: {  	s3 =	simm.s32 $0x108;
	s8 =	sld [smem:$0x3F95]  }
0x2e: {  	s3 =	simm.s32 @!p0 $0x1082;
	s9 =	sld [smem:$0x3F96]  }
0x2f: {  	lr =	sadd.s32 s0, s3;
	s0 =	sld [smem:$0x3F8D]  }
0x30: {  	s3 =	sld [smem:$0x3F90]  }
0x31: {  	[smem:$0x3F99] =	sst s10  }
0x32: {  	s10 =	sld [smem:$0x3F97];
	_ =	sdelay $0x3  }
0x33: {  	p0 =	seq.s32 s10, $0x1;
	s10 =	sld [smem:$0x3F99];
	_ =	sdelay $0x3  }
0x34: {  	[smem:$0x3F99] =	sst s10  }
0x35: {  	s10 =	sld [smem:$0x3F98];
	_ =	sdelay $0x3  }
0x36: {  	p1 =	seq.s32 s10, $0x1;
	s10 =	sld [smem:$0x3F99];
	_ =	sdelay $0x3  }
0x37: {  	[smem:$0x3F99] =	sst s10  }
0x38: {  	s10 =	sld [smem:$0x3F9A]  }
0x39: {  	_ = 	snop;
	(pc) =	sbr.ind lr, $3  }
0x3a: {  	_ = 	snop  }
0x3b: {  	_ = 	snop  }
0x3c: {  	p2 =	seq.s32 s10, $0x1;
	s10 =	sld [smem:$0x3F99]  }
0x3d: {  	_ =	shalt  }
0x3e: {  	_ =	shalt  }
0x3f: {  	_ =	shalt  }
0x40: {  	_ =	shalt  }
0x41: {  	_ =	shalt  }
0x42: {  	_ =	shalt  }
0x43: {  	_ =	shalt  }
0x44: {  	_ =	shalt  }
0x45: {  	_ =	shalt  }
0x46: {  	_ =	shalt  }
0x47: {  	_ =	shalt  }
0x48: {  	_ =	shalt  }
0x49: {  	_ =	shalt  }
0x4a: {  	_ =	shalt  }
0x4b: {  	_ =	shalt  }
0x4c: {  	_ =	shalt  }
0x4d: {  	_ =	shalt  }
0x4e: {  	_ =	shalt  }
0x4f: {  	_ =	shalt  }
0x50: {  	_ =	shalt  }
0x51: {  	_ =	shalt  }
0x52: {  	_ =	shalt  }
0x53: {  	_ =	shalt  }
0x54: {  	_ =	shalt  }
0x55: {  	_ =	shalt  }
0x56: {  	_ =	shalt  }
0x57: {  	_ =	shalt  }
0x58: {  	_ =	shalt  }
0x59: {  	_ =	shalt  }
0x5a: {  	_ =	shalt  }
0x5b: {  	_ =	shalt  }
0x5c: {  	_ =	shalt  }
0x5d: {  	_ =	shalt  }
0x5e: {  	_ =	shalt  }
0x5f: {  	_ =	shalt  }
0x60: {  	_ =	shalt  }
0x61: {  	_ =	shalt  }
0x62: {  	_ =	shalt  }
0x63: {  	_ =	shalt  }
0x64: {  	_ =	shalt  }
0x65: {  	_ =	shalt  }
0x66: {  	_ =	shalt  }
0x67: {  	_ =	shalt  }
0x68: {  	_ =	shalt  }
0x69: {  	_ =	shalt  }
0x6a: {  	_ =	shalt  }
0x6b: {  	_ =	shalt  }
0x6c: {  	_ =	shalt  }
0x6d: {  	_ =	shalt  }
0x6e: {  	_ =	shalt  }
0x6f: {  	_ =	shalt  }
0x70: {  	_ =	shalt  }
0x71: {  	_ =	shalt  }
0x72: {  	_ =	shalt  }
0x73: {  	_ =	shalt  }
0x74: {  	_ =	shalt  }
0x75: {  	_ =	shalt  }
0x76: {  	_ =	shalt  }
0x77: {  	_ =	shalt  }
0x78: {  	_ =	shalt  }
0x79: {  	_ =	shalt  }
0x7a: {  	_ =	shalt  }
0x7b: {  	_ =	shalt  }
0x7c: {  	_ =	shalt  }
0x7d: {  	_ =	shalt  }
0x7e: {  	_ =	shalt  }
0x7f: {  	_ =	shalt  }
0x80: {  	_ =	shalt  }
0x81: {  	_ =	shalt  }
0x82: {  	_ =	shalt  }
0x83: {  	_ =	shalt  }
0x84: {  	_ =	shalt  }
0x85: {  	_ =	shalt  }
0x86: {  	_ =	shalt  }
0x87: {  	_ =	shalt  }
.Lfunc_end0:
.L_simem_size_0:
called_computation.2_lowered:
.L_overlay_start_0:
0x88: {  	s2 =	sld [smem:$0x3FD9]  }
0x89: {  	s3 =	sld [smem:$0x3FFE];
	_ =	sdelay $0x1  }
0x8a: {  	s1 =	srdreg.scid  }
0x8b: {  	s0 =	sand.u32 $0x1, s1  }
0x8c: {  	s16 =	sshll.u32 s0, $0xA;
	s2 =	sadd.s32 s3, s2  }
0x8d: {  	s2 =	sadd.s32 s2, s16  }
0x8e: {  	[smem:$0x3FA5] =	sst s2  }
0x8f: {  	_ = 	snop  }
0x90: {  	(tm) =	ssettm $0x1  }
0x91: {  	s17 =	sld [smem:$0x3FFB];
	_ =	sdelay $0x3  }
0x92: {  	_ =	strace s17  }
0x93: {  	s2 =	sld [smem:$0x3FFC];
	_ =	sdelay $0x3  }
0x94: {  	_ =	strace s2  }
0x95: {  	s2 =	sld [smem:$0x3FFD];
	_ =	sdelay $0x3  }
0x96: {  	_ =	strace s2  }
0x97: {  	_ =	strace $0x8FFFFFFF  }
0x98: {  	s18 =	sld [smem:$0x3FDB];
	_ =	sdelay $0x1  }
0x99: {  	s19 =	simm.s32 $_scs_section_size  }
0x9a: {  	s4 =	simm.s32 $_size__tile_overlayer_lowered;
	s5 =	simm.s32 $_tile_overlayer_lowered  }
0x9b: {  	s22 =	simm.s32 $0x1BFF;
	s21 =	sshll.u32 s5, $0x1;
	s2 =	sadd.s32 s19, s18  }
0x9c: {  	s6 =	simm.s32 $0x0;
	s20 =	sshll.u32 s4, $0x1;
	s4 =	sadd.s32 s21, s2  }
0x9d: {  	[timem:s6], [sflag:s22] =	dma.local [hbm:s4], s20  }
0x9e: {  	_ =	swait.ge [sflag:s22], s20  }
0x9f: {  	s3 =	ssub.s32 $0x0, s20;
	[sflag:s22] =	ssyncset.done $0x0  }
0xa0: {  	[sflag:s22] =	ssyncadd.s32 s3;
	_ =	sdelay $0x1  }
0xa1: {  	s23 =	simm.s32 $0x1B8B  }
0xa2: {  	_ =	swait.ge [sflag:s23], $0x1  }
0xa3: {  	[sflag:s23] =	ssyncset.done $0x0  }
0xa4: {  	s25 =	simm.s32 $0x1B8E;
	s24 =	sld [smem:$0x3FFE];
	[sflag:s23] =	ssyncadd.s32 $0xFFFFFFFF  }
0xa5: {  	s26 =	simm.s32 $execute0_lowered;
	[smem:$0x3FD2] =	sst s25  }
0xa6: {  	s4 =	sshll.u32 s26, $0x1;
	_ =	strace $0x8000004C;
	[dreg:$0x1] =	wrdreg $0xFFFFFFFF  }
0xa7: {  	s28 =	simm.s32 $_size_execute0_lowered;
	s2 =	sadd.s32 s2, s4;
	[dreg:$0x0] =	wrdreg $0x0  }
0xa8: {  	s4 =	sshll.u32 s28, $0x1;
	[dreg:$0x2] =	wrdreg s2  }
0xa9: {  	[dreg:$0x3] =	wrdreg s4  }
0xaa: {  	[dreg:$0x4] =	wrdreg $0xC0  }
0xab: {  	_ =	task [dreg:s6], $0x5FFFF  }
0xac: {  	[dreg:$0x1] =	wrdreg $0xFFFFFFFF  }
0xad: {  	[dreg:$0x0] =	wrdreg $0x60  }
0xae: {  	[dreg:$0x2] =	wrdreg s24  }
0xaf: {  	[dreg:$0x3] =	wrdreg $0xDC200  }
0xb0: {  	[dreg:$0x4] =	wrdreg $0xE5200  }
0xb1: {  	[dreg:$0x5] =	wrdreg $0xEE200  }
0xb2: {  	[dreg:$0x6] =	wrdreg $0x9  }
0xb3: {  	_ =	task.clear_ibuf [dreg:s6], $0x7FFFF;
	_ =	strace $0x9000004C  }
0xb4: {  	s29 =	simm.s32 $0x9;
	_ =	strace $0x8000004E  }
0xb5: {  	_ =	swait.ge [sflag:s29], $0x1  }
0xb6: {  	[sflag:s29] =	ssyncadd.s32 $0xFFFFFFFF  }
0xb7: {  	_ =	strace $0x9000004E  }
0xb8: {  	_ =	sfence  }
0xb9: {  	s30 =	sld [smem:$0x0];
	_ =	sdelay $0x2  }
0xba: {  	s31 =	sshll.u32 s1, $0xD;
	s1 =	sshrl.u32 s1, $0x2  }
0xbb: {  	s3 =	sand.u32 $0x4000, s31;
	s1 =	sadd.s32 s1, s30  }
0xbc: {  	s0 =	sor.u32 s3, s0;
	s1 =	sshll.u32 s1, $0x11  }
0xbd: {  	s0 =	sor.u32 s1, s0  }
0xbe: {  	s0 =	sadd.s32 $0x8F2B, s0  }
0xbf: {  	[sflag:s0] =	ssyncadd.remote.s32 $0x1  }
0xc0: {  	_ =	sfence.sel $0xFFFF  }
0xc1: {  	[dreg:$0x0] =	wrdreg $0xFFFFFFFF;
	(pc) =	sbr.abs _section_cstart, $3  }
0xc2: {  	[dreg:$0x1] =	wrdreg $0xFFFFFFFF  }
0xc3: {  	_ =	task.clear_ibuf [dreg:s6], $0x2FFFF;
	_ =	strace $0x9FFFFFFF  }
0xc4: {  	(tm) =	ssettm $0x7FFFFFFF  }
0xc5: {  	_ =	shalt  }
tec
execute0_lowered:
.L_overlay_start_1:
0x0: {  	(tag) =	ssettag $0x1  }
0x1: {  	s6 =	rddreg [dreg:$0x0]  }
0x2: {  	s2 =	srdreg.scid;
	s1 =	rddreg [dreg:$0x1]  }
0x3: {  	s0 =	stileid.u32;
	s3 =	rddreg [dreg:$0x2]  }
0x4: {  	s4 =	rddreg [dreg:$0x3];
	s5 =	simm.s32 $0x0;
	s19 =	simm.s32 $0xCA20  }
0x5: {  	s20 =	simm.s32 $0x2;
	s21 =	simm.s32 $0x620;
	s22 =	simm.s32 $0x1  }
0x6: {  	s23 =	simm.s32 $0xD320;
	s24 =	simm.s32 $0x0;
	s7 =	sand.u32 $0x1, s2  }
0x7: {  	s28 =	sshll.u32 s0, $0x1;
	s2 =	rddreg [dreg:$0x4];
	s10 =	smul.u32 $0x900, s0  }
0x8: {  	[smem:$0x7FF] =	sst s5;
	s8 =	sor.u32 s7, s28;
	s11 =	smul.u32 $0x9000, s7  }
0x9: {  	_ =	strace $0x8000004D;
	s7 =	ssub.s32 $0x2, s7;
	s9 =	smul.u32 $0x1880, s8  }
0xa: {  	s8 =	smul.u32 $0xC4, s8;
	s31 =	sshrl.u32 s7, $0x1;
	s29 =	sadd.s32 s10, s11  }
0xb: {  	s18 =	ssub.s32 s7, s31;
	s7 =	sadd.s32 s10, s3;
	s14 =	sadd.s32 s9, s6  }
0xc: {  	s13 =	sadd.s32 s8, s6;
	s30 =	sshrl.u32 s29, $0x3;
	s8 =	sadd.s32 s10, s4  }
0xd: {  	s18 =	smax.u32 s18, $0x1;
	s17 =	sadd.s32 s30, s6;
	s6 =	sadd.s32 s10, s1  }
0xe: {  	s9 =	sadd.s32 $0xB800, s13;
	s10 =	sadd.s32 $0x6F200, s14;
	s11 =	sadd.s32 $0x9E00, s13  }
0xf: {  	s12 =	sadd.s32 $0x3E200, s14;
	s13 =	sadd.s32 $0x8400, s13;
	s14 =	sadd.s32 $0xD200, s14  }
0x10: {  	v0 =	vimm.f32 $0.0e+00;
	s15 =	sadd.s32 $0xA4A00, s17;
	s16 =	sadd.s32 $0xA2600, s17;
	s17 =	sadd.s32 $0xA0200, s17  }
.LBB2_1:
0x11: {  	s25 =	sand.u32 $0x3F80, s5  }
0x12: {  	s26 =	sand.u32 $0x10, s5;
	s28 =	sshrl.u32 s25, $0x2  }
0x13: {  	s25 =	simm.s32 $0x40;
	s28 =	sor.u32 s26, s28;
	s26 =	simm.s32 $0x0  }
.LBB2_2:
0x14: {  	p0 =	sne.s32 s25, $0x23C0  }
0x15: {  	[tilespmem:s28+$0xCA20] =	vst v0;
	s26 =	sadd.s32 $0x10, s26;
	s28 =	smov.u32 s25;
	s25 =	sadd.s32 $0x40, s25  }
.Ltmp0:
0x16: {  	(pc) =	sbr.rel @p0 .LBB2_2-.Ltmp0, $4  }
0x17: {  	_ = 	snop  }
0x18: {  	s28 =	sand.u32 $0x3F80, s28  }
0x19: {  	s29 =	sand.u32 $0x10, s26;
	s28 =	sshrl.u32 s28, $0x2  }
0x1a: {  	s28 =	sor.u32 s29, s28  }
0x1b: {  	[tilespmem:s28+$0xCA20] =	vst v0  }
0x1c: {  	[spmem:s6] =	stream.linear.scatter [tilespmem:s19], [sflag:$0x2], $0x900, $0x38;
	[tilespmem:$0xF720] =	vst v63  }
0x1d: {  	_ =	swait.ge [sflag:s20], $0x900  }
0x1e: {  	[sflag:s20] =	ssyncset.done $0x0  }
0x1f: {  	[sflag:s20] =	ssyncadd.s32 $0xFFFFF700  }
0x20: {  	[spmem:s7] =	stream.linear.scatter [tilespmem:s19], [sflag:$0x2], $0x900, $0x38;
	[tilespmem:$0xF720] =	vst v63  }
0x21: {  	_ =	swait.ge [sflag:s20], $0x900  }
0x22: {  	[sflag:s20] =	ssyncset.done $0x0  }
0x23: {  	[sflag:s20] =	ssyncadd.s32 $0xFFFFF700  }
0x24: {  	[spmem:s8] =	stream.linear.scatter [tilespmem:s19], [sflag:$0x2], $0x900, $0x38;
	[tilespmem:$0xF720] =	vst v63  }
0x25: {  	_ =	swait.ge [sflag:s20], $0x900  }
0x26: {  	[sflag:s20] =	ssyncset.done $0x0  }
0x27: {  	[sflag:s20] =	ssyncadd.s32 $0xFFFFF700  }
0x28: {  	[bflag:$0x0] =	sbarrier.arrive $0xFFFF  }
0x29: {  	[tilespmem:s5], [sflag:$0x2] =	stream.linear.gather [hbm4b:s9+s5], $0x620, $0x38;
	[tilespmem:$0xF720] =	vst v63  }
0x2a: {  	_ =	swait.ge [sflag:s20], $0x620  }
0x2b: {  	[sflag:s20] =	ssyncset.done $0x0  }
0x2c: {  	[sflag:s20] =	ssyncadd.s32 $0xFFFFF9E0  }
0x2d: {  	[tilespmem:s21], [sflag:$0x2] =	stream.linear.gather [hbm4b:s10+s5], $0xC400, $0x38;
	[tilespmem:$0xF720] =	vst v63  }
0x2e: {  	_ =	swait.ge [sflag:s20], $0xC400  }
0x2f: {  	[sflag:s20] =	ssyncset.done $0x0  }
0x30: {  	[sflag:s20] =	ssyncadd.s32 $0xFFFF3C00  }
0x31: {  	[spmem:s1] =	stream.indirect.scatter.add.f32 [tilespmem:s21], [sflag:$0x1], $0x20, s5, s21, $0xb8;
	[tilespmem:$0xF720] =	vst v63  }
0x32: {  	_ =	swait.ge [sflag:s22], $0xC400  }
0x33: {  	[sflag:s22] =	ssyncset.done $0x0  }
0x34: {  	[sflag:s22] =	ssyncadd.s32 $0xFFFF3C00  }
0x35: {  	[tilespmem:s5], [sflag:$0x2] =	stream.linear.gather [hbm4b:s11+s5], $0x620, $0x38;
	[tilespmem:$0xF720] =	vst v63  }
0x36: {  	_ =	swait.ge [sflag:s20], $0x620  }
0x37: {  	[sflag:s20] =	ssyncset.done $0x0  }
0x38: {  	[sflag:s20] =	ssyncadd.s32 $0xFFFFF9E0  }
0x39: {  	[tilespmem:s21], [sflag:$0x2] =	stream.linear.gather [hbm4b:s12+s5], $0xC400, $0x38;
	[tilespmem:$0xF720] =	vst v63  }
0x3a: {  	_ =	swait.ge [sflag:s20], $0xC400  }
0x3b: {  	[sflag:s20] =	ssyncset.done $0x0  }
0x3c: {  	[sflag:s20] =	ssyncadd.s32 $0xFFFF3C00  }
0x3d: {  	[spmem:s3] =	stream.indirect.scatter.add.f32 [tilespmem:s21], [sflag:$0x1], $0x20, s5, s21, $0xb8;
	[tilespmem:$0xF720] =	vst v63  }
0x3e: {  	_ =	swait.ge [sflag:s22], $0xC400  }
0x3f: {  	[sflag:s22] =	ssyncset.done $0x0  }
0x40: {  	[sflag:s22] =	ssyncadd.s32 $0xFFFF3C00  }
0x41: {  	[tilespmem:s5], [sflag:$0x2] =	stream.linear.gather [hbm4b:s13+s5], $0x620, $0x38;
	[tilespmem:$0xF720] =	vst v63  }
0x42: {  	_ =	swait.ge [sflag:s20], $0x620  }
0x43: {  	[sflag:s20] =	ssyncset.done $0x0  }
0x44: {  	[sflag:s20] =	ssyncadd.s32 $0xFFFFF9E0  }
0x45: {  	[tilespmem:s21], [sflag:$0x2] =	stream.linear.gather [hbm4b:s14+s5], $0xC400, $0x38;
	[tilespmem:$0xF720] =	vst v63  }
0x46: {  	_ =	swait.ge [sflag:s20], $0xC400  }
0x47: {  	[sflag:s20] =	ssyncset.done $0x0  }
0x48: {  	[sflag:s20] =	ssyncadd.s32 $0xFFFF3C00  }
0x49: {  	[spmem:s4] =	stream.indirect.scatter.add.f32 [tilespmem:s21], [sflag:$0x1], $0x20, s5, s21, $0xb8;
	[tilespmem:$0xF720] =	vst v63  }
0x4a: {  	_ =	swait.ge [sflag:s22], $0xC400  }
0x4b: {  	[sflag:s22] =	ssyncset.done $0x0  }
0x4c: {  	[sflag:s22] =	ssyncadd.s32 $0xFFFF3C00  }
0x4d: {  	[bflag:$0x0] =	sbarrier.arrive $0xFFFF  }
0x4e: {  	[tilespmem:s23], [sflag:$0x2] =	stream.linear.gather [spmem:s6], $0x900, $0x38;
	[tilespmem:$0xF720] =	vst v63  }
0x4f: {  	_ =	swait.ge [sflag:s20], $0x900  }
0x50: {  	[sflag:s20] =	ssyncset.done $0x0  }
0x51: {  	[sflag:s20] =	ssyncadd.s32 $0xFFFFF700  }
0x52: {  	[hbm4b:s15+s5] =	stream.linear.scatter [tilespmem:s23], [sflag:$0x2], $0x900, $0x38;
	[tilespmem:$0xF720] =	vst v63  }
0x53: {  	_ =	swait.ge [sflag:s20], $0x900  }
0x54: {  	[sflag:s20] =	ssyncset.done $0x0  }
0x55: {  	[sflag:s20] =	ssyncadd.s32 $0xFFFFF700  }
0x56: {  	[tilespmem:s23], [sflag:$0x2] =	stream.linear.gather [spmem:s7], $0x900, $0x38;
	[tilespmem:$0xF720] =	vst v63  }
0x57: {  	_ =	swait.ge [sflag:s20], $0x900  }
0x58: {  	[sflag:s20] =	ssyncset.done $0x0  }
0x59: {  	[sflag:s20] =	ssyncadd.s32 $0xFFFFF700  }
0x5a: {  	[hbm4b:s16+s5] =	stream.linear.scatter [tilespmem:s23], [sflag:$0x2], $0x900, $0x38;
	[tilespmem:$0xF720] =	vst v63  }
0x5b: {  	_ =	swait.ge [sflag:s20], $0x900  }
0x5c: {  	[sflag:s20] =	ssyncset.done $0x0  }
0x5d: {  	[sflag:s20] =	ssyncadd.s32 $0xFFFFF700  }
0x5e: {  	[tilespmem:s23], [sflag:$0x2] =	stream.linear.gather [spmem:s8], $0x900, $0x38;
	[tilespmem:$0xF720] =	vst v63  }
0x5f: {  	s24 =	sadd.s32 $0x1, s24;
	_ =	swait.ge [sflag:s20], $0x900  }
0x60: {  	p0 =	sne.s32 s24, s18;
	[sflag:s20] =	ssyncset.done $0x0  }
.Ltmp1:
0x61: {  	[sflag:s20] =	ssyncadd.s32 $0xFFFFF700;
	(pc) =	sbr.rel @p0 .LBB2_1-.Ltmp1, $4  }
0x62: {  	[hbm4b:s17+s5] =	stream.linear.scatter [tilespmem:s23], [sflag:$0x2], $0x900, $0x38;
	[tilespmem:$0xF720] =	vst v63  }
0x63: {  	_ =	swait.ge [sflag:s20], $0x900  }
0x64: {  	[sflag:s20] =	ssyncset.done $0x0  }
0x65: {  	[sflag:s20] =	ssyncadd.s32 $0xFFFFF700  }
0x66: {  	_ =	sfence.sel $0x180000  }
0x67: {  	[bflag:$0x0] =	sbarrier.arrive $0xFFFF  }
0x68: {  	p0 =	sne.s32 s0, $0x0;
	_ =	strace $0x9000004D  }
0x69: {  	s0 =	sadd.s32 @!p0 $0x100000, s2;
	[bflag:$0x2] =	sbarrier.arrive $0xFFFF  }
0x6a: {  	[sflag:s0] =	ssyncadd.tile.s32 @!p0 $0x1;
	_ =	shalt  }
.Lfunc_end2:
_tile_overlayer_lowered:
.L_overlay_start_2:
0x6b: {  	(tag) =	ssettag $0x2  }
0x6c: {  	s0 =	rddreg [dreg:$0x0];
	s2 =	stileid.u32  }
0x6d: {  	s1 =	rddreg [dreg:$0x1];
	p0 =	sne.s32 s2, $0x0  }
0x6e: {  	s3 =	rddreg [dreg:$0x2];
	[bflag:$0x3] =	sbarrier.arrive $0xFFFF;
	s2 =	simm.s32 @!p0 $0x1C02  }
0x6f: {  	[timem:s3], [sflag:s2] =	dma.local @!p0 [hbm:s0], s1  }
0x70: {  	s0 =	simm.s32 @!p0 $0x2  }
0x71: {  	_ =	swait.ge @!p0 [sflag:s0], s1  }
0x72: {  	s1 =	ssub.s32 @!p0 $0x0, s1;
	[sflag:s0] =	ssyncset.done @!p0 $0x0  }
0x73: {  	[sflag:s0] =	ssyncadd.s32 @!p0 s1  }
0x74: {  	[bflag:$0x3] =	sbarrier.arrive $0xFFFF  }
0x75: {  	_ =	shalt  }

// kernel: kernel.7.cloned.1.call-start
scs
__scs_entry_jumppad:
0x0: {  	(pc) =	sbr.rel $0x88, $3  }
0x1: {  	(tag) =	ssettag $0x0;
	lr =	simm.s32 $0x1  }
0x2: {  	[smem:$0x3F7E] =	sst lr;
	_ =	strace $0xD0000000  }
0x3: {  	_ = 	snop  }
0x4: {  	_ = 	snop  }
0x5: {  	_ = 	snop  }
0x6: {  	_ = 	snop  }
0x7: {  	_ = 	snop  }
__scs_overlays_trampoline_lowered:
0x8: {  	[smem:$0x3F8D] =	sst s0  }
0x9: {  	[smem:$0x3F8E] =	sst s1  }
0xa: {  	[smem:$0x3F8F] =	sst s2  }
0xb: {  	[smem:$0x3F90] =	sst s3  }
0xc: {  	[smem:$0x3F91] =	sst s4  }
0xd: {  	[smem:$0x3F92] =	sst s5  }
0xe: {  	[smem:$0x3F93] =	sst s6  }
0xf: {  	[smem:$0x3F94] =	sst s7  }
0x10: {  	[smem:$0x3F95] =	sst s8  }
0x11: {  	[smem:$0x3F96] =	sst s9;
	s0 =	simm.s32 @!p0 $0x0  }
0x12: {  	s1 =	sld [smem:$0x3F7C];
	s0 =	simm.s32 @p0 $0x1  }
0x13: {  	[smem:$0x3F97] =	sst s0;
	s0 =	simm.s32 @!p1 $0x0  }
0x14: {  	s2 =	sld [smem:$0x3F7B];
	s0 =	simm.s32 @p1 $0x1  }
0x15: {  	[smem:$0x3F98] =	sst s0;
	s0 =	simm.s32 @!p2 $0x0  }
0x16: {  	s3 =	sld [smem:$0x3FDB];
	s0 =	simm.s32 @p2 $0x1  }
0x17: {  	s4 =	simm.s32 $0x1BF5;
	[smem:$0x3F9A] =	sst s0  }
0x18: {  	s0 =	sld [smem:$0x3F7D];
	_ =	swait.ge [sflag:s4], $0x0  }
0x19: {  	s7 =	sld [smem:$0x3F7E]  }
0x1a: {  	s8 =	sadd.s32 $0xFFFFE003, lr  }
0x1b: {  	s9 =	sadd.s32 $0xFFFFFEF7, lr;
	s5 =	simm.s32 $0xFFFFFFFF;
	p2 =	slt.u32 s8, $0xFFFFF086  }
0x1c: {  	p1 =	slt.u32 s9, $0xF7A;
	s5 =	simm.s32 @!p2 $0x0  }
0x1d: {  	s5 =	simm.s32 @p1 $0x1;
	p0 =	seq.s32 s7, s2  }
0x1e: {  	s7 =	smul.u32 @!p0 $0xF7A, s2;
	p2 =	seq.s32 @!p0 s5, $0x0  }
0x1f: {  	s9 =	smul.u32 $0xF7A, s1;
	s8 =	simm.s32 @!p0 $0x1BF5;
	p2 =	por !p2, p0  }
0x20: {  	[sflag:s8] =	ssyncset.s32 @!p0 $0xFFFFF086;
	s6 =	sadd.s32 @!p0 s3, s7;
	s7 =	simm.s32 @!p0 $0x108  }
0x21: {  	s3 =	sadd.s32 s3, s9;
	s6 =	sadd.s32 @!p0 $0x88, s6;
	s7 =	simm.s32 @p2 $0x1082  }
0x22: {  	[simem:s7], [sflag:s8] =	dma.local @!p0 [hbm:s6], $0xF7A  }
0x23: {  	s9 =	sor.u32 $0xD0000000, s2;
	s6 =	simm.s32 $0x108;
	_ =	swait.ge @!p0 [sflag:s8], $0x0  }
0x24: {  	s3 =	sadd.s32 $0x88, s3;
	s6 =	simm.s32 @!p1 $0x1082;
	[sflag:s4] =	ssyncset.s32 $0xFFFFF086  }
0x25: {  	[simem:s6], [sflag:s4] =	dma.local [hbm:s3], $0xF7A  }
0x26: {  	[smem:$0x3F7E] =	sst s1;
	(tag) =	ssettag s2;
	_ =	strace s9  }
0x27: {  	s1 =	sld [smem:$0x3F8E]  }
0x28: {  	s2 =	sld [smem:$0x3F8F]  }
0x29: {  	s4 =	sld [smem:$0x3F91]  }
0x2a: {  	p0 =	seq.s32 s5, $0x0;
	s5 =	sld [smem:$0x3F92]  }
0x2b: {  	s6 =	sld [smem:$0x3F93]  }
0x2c: {  	s7 =	sld [smem:$0x3F94]  }
0x2d: {  	s3 =	simm.s32 $0x108;
	s8 =	sld [smem:$0x3F95]  }
0x2e: {  	s3 =	simm.s32 @!p0 $0x1082;
	s9 =	sld [smem:$0x3F96]  }
0x2f: {  	lr =	sadd.s32 s0, s3;
	s0 =	sld [smem:$0x3F8D]  }
0x30: {  	s3 =	sld [smem:$0x3F90]  }
0x31: {  	[smem:$0x3F99] =	sst s10  }
0x32: {  	s10 =	sld [smem:$0x3F97];
	_ =	sdelay $0x3  }
0x33: {  	p0 =	seq.s32 s10, $0x1;
	s10 =	sld [smem:$0x3F99];
	_ =	sdelay $0x3  }
0x34: {  	[smem:$0x3F99] =	sst s10  }
0x35: {  	s10 =	sld [smem:$0x3F98];
	_ =	sdelay $0x3  }
0x36: {  	p1 =	seq.s32 s10, $0x1;
	s10 =	sld [smem:$0x3F99];
	_ =	sdelay $0x3  }
0x37: {  	[smem:$0x3F99] =	sst s10  }
0x38: {  	s10 =	sld [smem:$0x3F9A]  }
0x39: {  	_ = 	snop;
	(pc) =	sbr.ind lr, $3  }
0x3a: {  	_ = 	snop  }
0x3b: {  	_ = 	snop  }
0x3c: {  	p2 =	seq.s32 s10, $0x1;
	s10 =	sld [smem:$0x3F99]  }
0x3d: {  	_ =	shalt  }
0x3e: {  	_ =	shalt  }
0x3f: {  	_ =	shalt  }
0x40: {  	_ =	shalt  }
0x41: {  	_ =	shalt  }
0x42: {  	_ =	shalt  }
0x43: {  	_ =	shalt  }
0x44: {  	_ =	shalt  }
0x45: {  	_ =	shalt  }
0x46: {  	_ =	shalt  }
0x47: {  	_ =	shalt  }
0x48: {  	_ =	shalt  }
0x49: {  	_ =	shalt  }
0x4a: {  	_ =	shalt  }
0x4b: {  	_ =	shalt  }
0x4c: {  	_ =	shalt  }
0x4d: {  	_ =	shalt  }
0x4e: {  	_ =	shalt  }
0x4f: {  	_ =	shalt  }
0x50: {  	_ =	shalt  }
0x51: {  	_ =	shalt  }
0x52: {  	_ =	shalt  }
0x53: {  	_ =	shalt  }
0x54: {  	_ =	shalt  }
0x55: {  	_ =	shalt  }
0x56: {  	_ =	shalt  }
0x57: {  	_ =	shalt  }
0x58: {  	_ =	shalt  }
0x59: {  	_ =	shalt  }
0x5a: {  	_ =	shalt  }
0x5b: {  	_ =	shalt  }
0x5c: {  	_ =	shalt  }
0x5d: {  	_ =	shalt  }
0x5e: {  	_ =	shalt  }
0x5f: {  	_ =	shalt  }
0x60: {  	_ =	shalt  }
0x61: {  	_ =	shalt  }
0x62: {  	_ =	shalt  }
0x63: {  	_ =	shalt  }
0x64: {  	_ =	shalt  }
0x65: {  	_ =	shalt  }
0x66: {  	_ =	shalt  }
0x67: {  	_ =	shalt  }
0x68: {  	_ =	shalt  }
0x69: {  	_ =	shalt  }
0x6a: {  	_ =	shalt  }
0x6b: {  	_ =	shalt  }
0x6c: {  	_ =	shalt  }
0x6d: {  	_ =	shalt  }
0x6e: {  	_ =	shalt  }
0x6f: {  	_ =	shalt  }
0x70: {  	_ =	shalt  }
0x71: {  	_ =	shalt  }
0x72: {  	_ =	shalt  }
0x73: {  	_ =	shalt  }
0x74: {  	_ =	shalt  }
0x75: {  	_ =	shalt  }
0x76: {  	_ =	shalt  }
0x77: {  	_ =	shalt  }
0x78: {  	_ =	shalt  }
0x79: {  	_ =	shalt  }
0x7a: {  	_ =	shalt  }
0x7b: {  	_ =	shalt  }
0x7c: {  	_ =	shalt  }
0x7d: {  	_ =	shalt  }
0x7e: {  	_ =	shalt  }
0x7f: {  	_ =	shalt  }
0x80: {  	_ =	shalt  }
0x81: {  	_ =	shalt  }
0x82: {  	_ =	shalt  }
0x83: {  	_ =	shalt  }
0x84: {  	_ =	shalt  }
0x85: {  	_ =	shalt  }
0x86: {  	_ =	shalt  }
0x87: {  	_ =	shalt  }
.Lfunc_end0:
.L_simem_size_0:
called_computation_lowered:
.L_overlay_start_0:
0x88: {  	s2 =	sld [smem:$0x3FD9]  }
0x89: {  	s3 =	sld [smem:$0x3FFE];
	_ =	sdelay $0x1  }
0x8a: {  	s1 =	srdreg.scid  }
0x8b: {  	s0 =	sand.u32 $0x1, s1  }
0x8c: {  	s16 =	sshll.u32 s0, $0xA;
	s2 =	sadd.s32 s3, s2  }
0x8d: {  	s2 =	sadd.s32 s2, s16  }
0x8e: {  	[smem:$0x3FA5] =	sst s2  }
0x8f: {  	_ = 	snop  }
0x90: {  	(tm) =	ssettm $0x1  }
0x91: {  	s17 =	sld [smem:$0x3FFB];
	_ =	sdelay $0x3  }
0x92: {  	_ =	strace s17  }
0x93: {  	s2 =	sld [smem:$0x3FFC];
	_ =	sdelay $0x3  }
0x94: {  	_ =	strace s2  }
0x95: {  	s2 =	sld [smem:$0x3FFD];
	_ =	sdelay $0x3  }
0x96: {  	_ =	strace s2  }
0x97: {  	_ =	strace $0x8FFFFFFF  }
0x98: {  	s18 =	sld [smem:$0x3FDB];
	_ =	sdelay $0x1  }
0x99: {  	s19 =	simm.s32 $_scs_section_size  }
0x9a: {  	s4 =	simm.s32 $_size__tile_overlayer_lowered;
	s5 =	simm.s32 $_tile_overlayer_lowered  }
0x9b: {  	s22 =	simm.s32 $0x1BFF;
	s21 =	sshll.u32 s5, $0x1;
	s2 =	sadd.s32 s19, s18  }
0x9c: {  	s6 =	simm.s32 $0x0;
	s20 =	sshll.u32 s4, $0x1;
	s4 =	sadd.s32 s21, s2  }
0x9d: {  	[timem:s6], [sflag:s22] =	dma.local [hbm:s4], s20  }
0x9e: {  	_ =	swait.ge [sflag:s22], s20  }
0x9f: {  	s3 =	ssub.s32 $0x0, s20;
	[sflag:s22] =	ssyncset.done $0x0  }
0xa0: {  	[sflag:s22] =	ssyncadd.s32 s3;
	_ =	sdelay $0x1  }
0xa1: {  	s23 =	simm.s32 $0x1B8B  }
0xa2: {  	_ =	swait.ge [sflag:s23], $0x1  }
0xa3: {  	[sflag:s23] =	ssyncset.done $0x0  }
0xa4: {  	s25 =	simm.s32 $0x1B8E;
	s24 =	sld [smem:$0x3FFE];
	[sflag:s23] =	ssyncadd.s32 $0xFFFFFFFF  }
0xa5: {  	s26 =	simm.s32 $execute0_lowered;
	[smem:$0x3FD2] =	sst s25  }
0xa6: {  	s4 =	sshll.u32 s26, $0x1;
	_ =	strace $0x80000046;
	[dreg:$0x1] =	wrdreg $0xFFFFFFFF  }
0xa7: {  	s28 =	simm.s32 $_size_execute0_lowered;
	s2 =	sadd.s32 s2, s4;
	[dreg:$0x0] =	wrdreg $0x0  }
0xa8: {  	s4 =	sshll.u32 s28, $0x1;
	[dreg:$0x2] =	wrdreg s2  }
0xa9: {  	[dreg:$0x3] =	wrdreg s4  }
0xaa: {  	[dreg:$0x4] =	wrdreg $0xC0  }
0xab: {  	_ =	task [dreg:s6], $0x5FFFF  }
0xac: {  	[dreg:$0x1] =	wrdreg $0xFFFFFFFF  }
0xad: {  	[dreg:$0x0] =	wrdreg $0x60  }
0xae: {  	[dreg:$0x2] =	wrdreg s24  }
0xaf: {  	[dreg:$0x3] =	wrdreg $0xDCD00  }
0xb0: {  	[dreg:$0x4] =	wrdreg $0xDDA80  }
0xb1: {  	[dreg:$0x5] =	wrdreg $0xDD180  }
0xb2: {  	[dreg:$0x6] =	wrdreg $0xDDF00  }
0xb3: {  	[dreg:$0x7] =	wrdreg $0xDD600  }
0xb4: {  	[dreg:$0x8] =	wrdreg $0xDE380  }
0xb5: {  	[dreg:$0x9] =	wrdreg $0x9  }
0xb6: {  	_ =	task.clear_ibuf [dreg:s6], $0xAFFFF;
	_ =	strace $0x90000046  }
0xb7: {  	s29 =	simm.s32 $0x9;
	_ =	strace $0x80000048  }
0xb8: {  	_ =	swait.ge [sflag:s29], $0x1  }
0xb9: {  	[sflag:s29] =	ssyncadd.s32 $0xFFFFFFFF  }
0xba: {  	_ =	strace $0x90000048  }
0xbb: {  	_ =	sfence  }
0xbc: {  	s30 =	sld [smem:$0x0];
	_ =	sdelay $0x2  }
0xbd: {  	s31 =	sshll.u32 s1, $0xD;
	s1 =	sshrl.u32 s1, $0x2  }
0xbe: {  	s3 =	sand.u32 $0x4000, s31;
	s1 =	sadd.s32 s1, s30  }
0xbf: {  	s0 =	sor.u32 s3, s0;
	s1 =	sshll.u32 s1, $0x11  }
0xc0: {  	s0 =	sor.u32 s1, s0  }
0xc1: {  	s0 =	sadd.s32 $0x8F2B, s0  }
0xc2: {  	[sflag:s0] =	ssyncadd.remote.s32 $0x1  }
0xc3: {  	_ =	sfence.sel $0xFFFF  }
0xc4: {  	[dreg:$0x0] =	wrdreg $0xFFFFFFFF;
	(pc) =	sbr.abs _section_cstart, $3  }
0xc5: {  	[dreg:$0x1] =	wrdreg $0xFFFFFFFF  }
0xc6: {  	_ =	task.clear_ibuf [dreg:s6], $0x2FFFF;
	_ =	strace $0x9FFFFFFF  }
0xc7: {  	(tm) =	ssettm $0x7FFFFFFF  }
tec
execute0_lowered:
.L_overlay_start_1:
0x0: {  	(tag) =	ssettag $0x1  }
0x1: {  	s0 =	rddreg [dreg:$0x0]  }
0x2: {  	s12 =	rddreg [dreg:$0x1]  }
0x3: {  	s14 =	rddreg [dreg:$0x2]  }
0x4: {  	s15 =	rddreg [dreg:$0x3]  }
0x5: {  	s16 =	rddreg [dreg:$0x4]  }
0x6: {  	s1 =	srdreg.scid;
	s17 =	rddreg [dreg:$0x5]  }
0x7: {  	s6 =	stileid.u32;
	s18 =	rddreg [dreg:$0x6];
	s8 =	simm.s32 $0x0  }
0x8: {  	s1 =	sand.u32 $0x1, s1;
	s2 =	sshll.u32 s6, $0x1;
	[smem:$0x7FF] =	sst s8  }
0x9: {  	s4 =	smul.u32 $0x48, s6;
	s9 =	sadd.s32 $0x15200, s0;
	s10 =	sadd.s32 $0x193E00, s0  }
0xa: {  	s11 =	sadd.s32 $0x12000, s0;
	s6 =	sshll.u32 s6, $0x6;
	s2 =	sor.u32 s1, s2  }
0xb: {  	_ =	strace $0x80000047;
	s5 =	smul.u32 $0x480, s1;
	s1 =	ssub.s32 $0x2, s1  }
0xc: {  	s13 =	sor.u32 $0x1C03, s6;
	s6 =	simm.s32 $0xC40;
	s3 =	smul.u32 $0xC4, s2  }
0xd: {  	s2 =	smul.u32 $0x1880, s2;
	s19 =	sshrl.u32 s1, $0x1;
	s12 =	sadd.s32 s4, s12  }
0xe: {  	s14 =	sadd.s32 s4, s14;
	s15 =	sadd.s32 s4, s15;
	s16 =	sadd.s32 s4, s16  }
0xf: {  	s17 =	sadd.s32 s4, s17;
	s18 =	sadd.s32 s4, s18;
	s3 =	sadd.s32 s3, s0  }
0x10: {  	s5 =	sadd.s32 s4, s5;
	s7 =	ssub.s32 s1, s19;
	s20 =	sadd.s32 $0x10600, s3  }
0x11: {  	s4 =	simm.s32 $0x620;
	s21 =	sadd.s32 $0xB800, s3;
	[dreg:$0x8] =	wrdreg s20  }
0x12: {  	s19 =	simm.s32 $0x1;
	s22 =	sadd.s32 $0xEC00, s3;
	[dreg:$0x9] =	wrdreg s21  }
0x13: {  	s2 =	sadd.s32 s2, s0;
	s23 =	sadd.s32 $0x9E00, s3;
	[dreg:$0xa] =	wrdreg s22  }
0x14: {  	s5 =	sshrl.u32 s5, $0x3;
	s24 =	sadd.s32 $0xD200, s3;
	[dreg:$0xb] =	wrdreg s23  }
0x15: {  	s0 =	sadd.s32 s5, s0;
	s25 =	sadd.s32 $0x8400, s3;
	[dreg:$0xc] =	wrdreg s24  }
0x16: {  	s26 =	sadd.s32 $0x15400, s2;
	s28 =	sadd.s32 $0x77400, s2;
	[dreg:$0xd] =	wrdreg s25  }
0x17: {  	s3 =	simm.s32 $0x3;
	[dreg:$0xe] =	wrdreg s26;
	s26 =	sadd.s32 $0x46400, s2  }
0x18: {  	s29 =	sadd.s32 $0xA8400, s0;
	s30 =	sadd.s32 $0xA8A00, s0;
	s31 =	sadd.s32 $0xA8600, s0  }
0x19: {  	s5 =	sadd.s32 $0xA8C00, s0;
	s1 =	sadd.s32 $0xA8800, s0;
	s0 =	sadd.s32 $0xA8E00, s0  }
0x1a: {  	s2 =	smax.u32 s7, $0x1;
	s7 =	simm.s32 $0xD040;
	s20 =	simm.s32 $0x2  }
0x1b: {  	v0 =	vimm.f32 $1.000000000e+00;
	s21 =	simm.s32 $0xD660;
	s22 =	simm.s32 $0xDC80;
	s23 =	simm.s32 $0x0  }
.LBB2_1:
0x1c: {  	s24 =	simm.s32 $0x40;
	s25 =	simm.s32 $0x0  }
.LBB2_2:
0x1d: {  	p0 =	sne.s32 s24, $0x1840;
	[tilespmem:s25+$0xD660] =	vst v0;
	s25 =	smov.u32 s24;
	s24 =	sadd.s32 $0x40, s24  }
.Ltmp0:
0x1e: {  	(pc) =	sbr.rel @p0 .LBB2_2-.Ltmp0, $2  }
0x1f: {  	_ =	sdelay $0x2  }
0x20: {  	s25 =	sshra.s32 s25, $0x2  }
0x21: {  	[tilespmem:s25+$0xD660] =	vst v0;
	s24 =	sshrl.u32 s12, $0x3  }
0x22: {  	[spmem:s24], [sflag:s13] =	dma.local [hbm:s9], $0x9  }
0x23: {  	_ =	swait.ge [sflag:s3], $0x9  }
0x24: {  	[sflag:s3] =	ssyncset.done $0x0  }
0x25: {  	s25 =	sshrl.u32 s14, $0x3;
	[sflag:s3] =	ssyncadd.s32 $0xFFFFFFF7  }
0x26: {  	[spmem:s25], [sflag:s13] =	dma.local [hbm:s9], $0x9  }
0x27: {  	_ =	swait.ge [sflag:s3], $0x9  }
0x28: {  	[sflag:s3] =	ssyncset.done $0x0  }
0x29: {  	s25 =	sshrl.u32 s15, $0x3;
	[sflag:s3] =	ssyncadd.s32 $0xFFFFFFF7  }
0x2a: {  	[spmem:s25], [sflag:s13] =	dma.local [hbm:s9], $0x9  }
0x2b: {  	_ =	swait.ge [sflag:s3], $0x9  }
0x2c: {  	[sflag:s3] =	ssyncset.done $0x0  }
0x2d: {  	s25 =	sshrl.u32 s16, $0x3;
	[sflag:s3] =	ssyncadd.s32 $0xFFFFFFF7  }
0x2e: {  	[spmem:s25], [sflag:s13] =	dma.local [hbm:s9], $0x9  }
0x2f: {  	_ =	swait.ge [sflag:s3], $0x9  }
0x30: {  	[sflag:s3] =	ssyncset.done $0x0  }
0x31: {  	s25 =	sshrl.u32 s17, $0x3;
	[sflag:s3] =	ssyncadd.s32 $0xFFFFFFF7  }
0x32: {  	[spmem:s25], [sflag:s13] =	dma.local [hbm:s9], $0x9  }
0x33: {  	_ =	swait.ge [sflag:s3], $0x9  }
0x34: {  	[sflag:s3] =	ssyncset.done $0x0  }
0x35: {  	s25 =	sshrl.u32 s18, $0x3;
	[sflag:s3] =	ssyncadd.s32 $0xFFFFFFF7  }
0x36: {  	[spmem:s25], [sflag:s13] =	dma.local [hbm:s9], $0x9  }
0x37: {  	_ =	swait.ge [sflag:s3], $0x9  }
0x38: {  	[sflag:s3] =	ssyncset.done $0x0  }
0x39: {  	[sflag:s3] =	ssyncadd.s32 $0xFFFFFFF7  }
0x3a: {  	[bflag:$0x0] =	sbarrier.arrive $0xFFFF  }
0x3b: {  	s25 =	rddreg [dreg:$0x8]  }
0x3c: {  	[tilespmem:s8], [sflag:$0x3] =	stream.linear.gather [hbm4b:s25+s8], $0x620, $0x38;
	[tilespmem:$0xDE80] =	vst v63  }
0x3d: {  	_ =	swait.ge [sflag:s3], $0x620  }
0x3e: {  	[sflag:s3] =	ssyncset.done $0x0  }
0x3f: {  	s25 =	rddreg [dreg:$0x9];
	[sflag:s3] =	ssyncadd.s32 $0xFFFFF9E0  }
0x40: {  	[tilespmem:s4], [sflag:$0x3] =	stream.linear.gather [hbm4b:s25+s8], $0x620, $0x38;
	[tilespmem:$0xDE80] =	vst v63  }
0x41: {  	_ =	swait.ge [sflag:s3], $0x620  }
0x42: {  	[sflag:s3] =	ssyncset.done $0x0  }
0x43: {  	[sflag:s3] =	ssyncadd.s32 $0xFFFFF9E0  }
0x44: {  	[tilespmem:s6], [sflag:$0x1] =	stream.indirect.gather [hbm4b:s10+s4], $0x20, s8, s4, $0xb8;
	[tilespmem:$0xDE80] =	vst v63  }
0x45: {  	_ = 	snop  }
0x46: {  	[tilespmem:s7], [sflag:$0x2] =	stream.indirect.gather [hbm4b:s11+s4], $0x1, s8, s4, $0xb8;
	[tilespmem:$0xDE80] =	vst v63  }
0x47: {  	_ =	swait.ge [sflag:s19], $0xC400  }
0x48: {  	[sflag:s19] =	ssyncset.done $0x0  }
0x49: {  	s25 =	rddreg [dreg:$0xe];
	[sflag:s19] =	ssyncadd.s32 $0xFFFF3C00  }
0x4a: {  	[hbm4b:s25+s8] =	stream.linear.scatter [tilespmem:s6], [sflag:$0x3], $0xC400, $0x38;
	[tilespmem:$0xDE80] =	vst v63  }
0x4b: {  	_ =	swait.ge [sflag:s3], $0xC400  }
0x4c: {  	[sflag:s3] =	ssyncset.done $0x0  }
0x4d: {  	[sflag:s3] =	ssyncadd.s32 $0xFFFF3C00  }
0x4e: {  	_ =	swait.ge [sflag:s20], $0x620  }
0x4f: {  	[sflag:s20] =	ssyncset.done $0x0  }
0x50: {  	[sflag:s20] =	ssyncadd.s32 $0xFFFFF9E0  }
0x51: {  	s25 =	rddreg [dreg:$0x1]  }
0x52: {  	[spmem:s25] =	stream.indirect.scatter.add.f32 [tilespmem:s7], [sflag:$0x1], $0x1, s4, s4, $0xb8;
	[tilespmem:$0xDE80] =	vst v63  }
0x53: {  	_ =	swait.ge [sflag:s19], $0x620  }
0x54: {  	[sflag:s19] =	ssyncset.done $0x0  }
0x55: {  	[sflag:s19] =	ssyncadd.s32 $0xFFFFF9E0  }
0x56: {  	s25 =	rddreg [dreg:$0x2]  }
0x57: {  	[spmem:s25] =	stream.indirect.scatter.add.f32 [tilespmem:s21], [sflag:$0x1], $0x1, s4, s4, $0xb8;
	[tilespmem:$0xDE80] =	vst v63  }
0x58: {  	_ =	swait.ge [sflag:s19], $0x620  }
0x59: {  	[sflag:s19] =	ssyncset.done $0x0  }
0x5a: {  	s25 =	rddreg [dreg:$0xa];
	[sflag:s19] =	ssyncadd.s32 $0xFFFFF9E0  }
0x5b: {  	[tilespmem:s8], [sflag:$0x3] =	stream.linear.gather [hbm4b:s25+s8], $0x620, $0x38;
	[tilespmem:$0xDE80] =	vst v63  }
0x5c: {  	_ =	swait.ge [sflag:s3], $0x620  }
0x5d: {  	[sflag:s3] =	ssyncset.done $0x0  }
0x5e: {  	s25 =	rddreg [dreg:$0xb];
	[sflag:s3] =	ssyncadd.s32 $0xFFFFF9E0  }
0x5f: {  	[tilespmem:s4], [sflag:$0x3] =	stream.linear.gather [hbm4b:s25+s8], $0x620, $0x38;
	[tilespmem:$0xDE80] =	vst v63  }
0x60: {  	_ =	swait.ge [sflag:s3], $0x620  }
0x61: {  	[sflag:s3] =	ssyncset.done $0x0  }
0x62: {  	[sflag:s3] =	ssyncadd.s32 $0xFFFFF9E0  }
0x63: {  	[tilespmem:s6], [sflag:$0x1] =	stream.indirect.gather [hbm4b:s10+s4], $0x20, s8, s4, $0xb8;
	[tilespmem:$0xDE80] =	vst v63  }
0x64: {  	_ = 	snop  }
0x65: {  	[tilespmem:s7], [sflag:$0x2] =	stream.indirect.gather [hbm4b:s11+s4], $0x1, s8, s4, $0xb8;
	[tilespmem:$0xDE80] =	vst v63  }
0x66: {  	_ =	swait.ge [sflag:s19], $0xC400  }
0x67: {  	[sflag:s19] =	ssyncset.done $0x0  }
0x68: {  	[sflag:s19] =	ssyncadd.s32 $0xFFFF3C00  }
0x69: {  	[hbm4b:s26+s8] =	stream.linear.scatter [tilespmem:s6], [sflag:$0x3], $0xC400, $0x38;
	[tilespmem:$0xDE80] =	vst v63  }
0x6a: {  	_ =	swait.ge [sflag:s3], $0xC400  }
0x6b: {  	[sflag:s3] =	ssyncset.done $0x0  }
0x6c: {  	[sflag:s3] =	ssyncadd.s32 $0xFFFF3C00  }
0x6d: {  	_ =	swait.ge [sflag:s20], $0x620  }
0x6e: {  	[sflag:s20] =	ssyncset.done $0x0  }
0x6f: {  	[sflag:s20] =	ssyncadd.s32 $0xFFFFF9E0  }
0x70: {  	s25 =	rddreg [dreg:$0x3]  }
0x71: {  	[spmem:s25] =	stream.indirect.scatter.add.f32 [tilespmem:s7], [sflag:$0x1], $0x1, s4, s4, $0xb8;
	[tilespmem:$0xDE80] =	vst v63  }
0x72: {  	_ =	swait.ge [sflag:s19], $0x620  }
0x73: {  	[sflag:s19] =	ssyncset.done $0x0  }
0x74: {  	[sflag:s19] =	ssyncadd.s32 $0xFFFFF9E0  }
0x75: {  	s25 =	rddreg [dreg:$0x4]  }
0x76: {  	[spmem:s25] =	stream.indirect.scatter.add.f32 [tilespmem:s21], [sflag:$0x1], $0x1, s4, s4, $0xb8;
	[tilespmem:$0xDE80] =	vst v63  }
0x77: {  	_ =	swait.ge [sflag:s19], $0x620  }
0x78: {  	[sflag:s19] =	ssyncset.done $0x0  }
0x79: {  	s25 =	rddreg [dreg:$0xc];
	[sflag:s19] =	ssyncadd.s32 $0xFFFFF9E0  }
0x7a: {  	[tilespmem:s8], [sflag:$0x3] =	stream.linear.gather [hbm4b:s25+s8], $0x620, $0x38;
	[tilespmem:$0xDE80] =	vst v63  }
0x7b: {  	_ =	swait.ge [sflag:s3], $0x620  }
0x7c: {  	[sflag:s3] =	ssyncset.done $0x0  }
0x7d: {  	s25 =	rddreg [dreg:$0xd];
	[sflag:s3] =	ssyncadd.s32 $0xFFFFF9E0  }
0x7e: {  	[tilespmem:s4], [sflag:$0x3] =	stream.linear.gather [hbm4b:s25+s8], $0x620, $0x38;
	[tilespmem:$0xDE80] =	vst v63  }
0x7f: {  	_ =	swait.ge [sflag:s3], $0x620  }
0x80: {  	[sflag:s3] =	ssyncset.done $0x0  }
0x81: {  	[sflag:s3] =	ssyncadd.s32 $0xFFFFF9E0  }
0x82: {  	[tilespmem:s6], [sflag:$0x1] =	stream.indirect.gather [hbm4b:s10+s4], $0x20, s8, s4, $0xb8;
	[tilespmem:$0xDE80] =	vst v63  }
0x83: {  	_ = 	snop  }
0x84: {  	[tilespmem:s7], [sflag:$0x2] =	stream.indirect.gather [hbm4b:s11+s4], $0x1, s8, s4, $0xb8;
	[tilespmem:$0xDE80] =	vst v63  }
0x85: {  	_ =	swait.ge [sflag:s19], $0xC400  }
0x86: {  	[sflag:s19] =	ssyncset.done $0x0  }
0x87: {  	[sflag:s19] =	ssyncadd.s32 $0xFFFF3C00  }
0x88: {  	[hbm4b:s28+s8] =	stream.linear.scatter [tilespmem:s6], [sflag:$0x3], $0xC400, $0x38;
	[tilespmem:$0xDE80] =	vst v63  }
0x89: {  	_ =	swait.ge [sflag:s3], $0xC400  }
0x8a: {  	[sflag:s3] =	ssyncset.done $0x0  }
0x8b: {  	[sflag:s3] =	ssyncadd.s32 $0xFFFF3C00  }
0x8c: {  	_ =	swait.ge [sflag:s20], $0x620  }
0x8d: {  	[sflag:s20] =	ssyncset.done $0x0  }
0x8e: {  	[sflag:s20] =	ssyncadd.s32 $0xFFFFF9E0  }
0x8f: {  	s25 =	rddreg [dreg:$0x5]  }
0x90: {  	[spmem:s25] =	stream.indirect.scatter.add.f32 [tilespmem:s7], [sflag:$0x1], $0x1, s4, s4, $0xb8;
	[tilespmem:$0xDE80] =	vst v63  }
0x91: {  	_ =	swait.ge [sflag:s19], $0x620  }
0x92: {  	[sflag:s19] =	ssyncset.done $0x0  }
0x93: {  	[sflag:s19] =	ssyncadd.s32 $0xFFFFF9E0  }
0x94: {  	s25 =	rddreg [dreg:$0x6]  }
0x95: {  	[spmem:s25] =	stream.indirect.scatter.add.f32 [tilespmem:s21], [sflag:$0x1], $0x1, s4, s4, $0xb8;
	[tilespmem:$0xDE80] =	vst v63  }
0x96: {  	_ =	swait.ge [sflag:s19], $0x620  }
0x97: {  	[sflag:s19] =	ssyncset.done $0x0  }
0x98: {  	[sflag:s19] =	ssyncadd.s32 $0xFFFFF9E0  }
0x99: {  	[bflag:$0x0] =	sbarrier.arrive $0xFFFF  }
0x9a: {  	[tilespmem:s22], [sflag:$0x3] =	stream.linear.gather [spmem:s12], $0x48, $0x38;
	[tilespmem:$0xDE80] =	vst v63  }
0x9b: {  	_ =	swait.ge [sflag:s3], $0x48  }
0x9c: {  	[sflag:s3] =	ssyncset.done $0x0  }
0x9d: {  	[sflag:s3] =	ssyncadd.s32 $0xFFFFFFB8  }
0x9e: {  	[hbm4b:s29+s8] =	stream.linear.scatter [tilespmem:s22], [sflag:$0x3], $0x48, $0x38;
	[tilespmem:$0xDE80] =	vst v63  }
0x9f: {  	_ =	swait.ge [sflag:s3], $0x48  }
0xa0: {  	[sflag:s3] =	ssyncset.done $0x0  }
0xa1: {  	[sflag:s3] =	ssyncadd.s32 $0xFFFFFFB8  }
0xa2: {  	[tilespmem:s22], [sflag:$0x3] =	stream.linear.gather [spmem:s14], $0x48, $0x38;
	[tilespmem:$0xDE80] =	vst v63  }
0xa3: {  	_ =	swait.ge [sflag:s3], $0x48  }
0xa4: {  	[sflag:s3] =	ssyncset.done $0x0  }
0xa5: {  	[sflag:s3] =	ssyncadd.s32 $0xFFFFFFB8  }
0xa6: {  	[hbm4b:s30+s8] =	stream.linear.scatter [tilespmem:s22], [sflag:$0x3], $0x48, $0x38;
	[tilespmem:$0xDE80] =	vst v63  }
0xa7: {  	_ =	swait.ge [sflag:s3], $0x48  }
0xa8: {  	[sflag:s3] =	ssyncset.done $0x0  }
0xa9: {  	[sflag:s3] =	ssyncadd.s32 $0xFFFFFFB8  }
0xaa: {  	[tilespmem:s22], [sflag:$0x3] =	stream.linear.gather [spmem:s15], $0x48, $0x38;
	[tilespmem:$0xDE80] =	vst v63  }
0xab: {  	_ =	swait.ge [sflag:s3], $0x48  }
0xac: {  	[sflag:s3] =	ssyncset.done $0x0  }
0xad: {  	[sflag:s3] =	ssyncadd.s32 $0xFFFFFFB8  }
0xae: {  	[hbm4b:s31+s8] =	stream.linear.scatter [tilespmem:s22], [sflag:$0x3], $0x48, $0x38;
	[tilespmem:$0xDE80] =	vst v63  }
0xaf: {  	_ =	swait.ge [sflag:s3], $0x48  }
0xb0: {  	[sflag:s3] =	ssyncset.done $0x0  }
0xb1: {  	[sflag:s3] =	ssyncadd.s32 $0xFFFFFFB8  }
0xb2: {  	[tilespmem:s22], [sflag:$0x3] =	stream.linear.gather [spmem:s16], $0x48, $0x38;
	[tilespmem:$0xDE80] =	vst v63  }
0xb3: {  	_ =	swait.ge [sflag:s3], $0x48  }
0xb4: {  	[sflag:s3] =	ssyncset.done $0x0  }
0xb5: {  	[sflag:s3] =	ssyncadd.s32 $0xFFFFFFB8  }
0xb6: {  	[hbm4b:s5+s8] =	stream.linear.scatter [tilespmem:s22], [sflag:$0x3], $0x48, $0x38;
	[tilespmem:$0xDE80] =	vst v63  }
0xb7: {  	_ =	swait.ge [sflag:s3], $0x48  }
0xb8: {  	[sflag:s3] =	ssyncset.done $0x0  }
0xb9: {  	[sflag:s3] =	ssyncadd.s32 $0xFFFFFFB8  }
0xba: {  	[tilespmem:s22], [sflag:$0x3] =	stream.linear.gather [spmem:s17], $0x48, $0x38;
	[tilespmem:$0xDE80] =	vst v63  }
0xbb: {  	_ =	swait.ge [sflag:s3], $0x48  }
0xbc: {  	[sflag:s3] =	ssyncset.done $0x0  }
0xbd: {  	[sflag:s3] =	ssyncadd.s32 $0xFFFFFFB8  }
0xbe: {  	[hbm4b:s1+s8] =	stream.linear.scatter [tilespmem:s22], [sflag:$0x3], $0x48, $0x38;
	[tilespmem:$0xDE80] =	vst v63  }
0xbf: {  	_ =	swait.ge [sflag:s3], $0x48  }
0xc0: {  	[sflag:s3] =	ssyncset.done $0x0  }
0xc1: {  	[sflag:s3] =	ssyncadd.s32 $0xFFFFFFB8  }
0xc2: {  	[tilespmem:s22], [sflag:$0x3] =	stream.linear.gather [spmem:s18], $0x48, $0x38;
	[tilespmem:$0xDE80] =	vst v63  }
0xc3: {  	s23 =	sadd.s32 $0x1, s23;
	_ =	swait.ge [sflag:s3], $0x48  }
0xc4: {  	p0 =	sne.s32 s23, s2;
	[sflag:s3] =	ssyncset.done $0x0  }
.Ltmp1:
0xc5: {  	[sflag:s3] =	ssyncadd.s32 $0xFFFFFFB8;
	(pc) =	sbr.rel @p0 .LBB2_1-.Ltmp1, $4  }
0xc6: {  	[hbm4b:s0+s8] =	stream.linear.scatter [tilespmem:s22], [sflag:$0x3], $0x48, $0x38;
	[tilespmem:$0xDE80] =	vst v63  }
0xc7: {  	_ =	swait.ge [sflag:s3], $0x48  }
0xc8: {  	[sflag:s3] =	ssyncset.done $0x0  }
0xc9: {  	[sflag:s3] =	ssyncadd.s32 $0xFFFFFFB8  }
0xca: {  	_ =	sfence.sel $0x180000  }
0xcb: {  	[bflag:$0x0] =	sbarrier.arrive $0xFFFF  }
0xcc: {  	_ =	strace $0x90000047  }
0xcd: {  	s0 =	stileid.u32;
	[bflag:$0x2] =	sbarrier.arrive $0xFFFF  }
0xce: {  	p0 =	sne.s32 s0, $0x0;
	s0 =	rddreg [dreg:$0x7]  }
0xcf: {  	s0 =	sadd.s32 @!p0 $0x100000, s0  }
0xd0: {  	[sflag:s0] =	ssyncadd.tile.s32 @!p0 $0x1;
	_ =	shalt  }
.Lfunc_end2:
_tile_overlayer_lowered:
.L_overlay_start_2:
0xd1: {  	(tag) =	ssettag $0x2  }
0xd2: {  	s0 =	rddreg [dreg:$0x0];
	s2 =	stileid.u32  }
0xd3: {  	s1 =	rddreg [dreg:$0x1];
	p0 =	sne.s32 s2, $0x0  }
0xd4: {  	s3 =	rddreg [dreg:$0x2];
	[bflag:$0x3] =	sbarrier.arrive $0xFFFF;
	s2 =	simm.s32 @!p0 $0x1C03  }
0xd5: {  	[timem:s3], [sflag:s2] =	dma.local @!p0 [hbm:s0], s1  }
0xd6: {  	s0 =	simm.s32 @!p0 $0x3  }
0xd7: {  	_ =	swait.ge @!p0 [sflag:s0], s1  }
0xd8: {  	s1 =	ssub.s32 @!p0 $0x0, s1;
	[sflag:s0] =	ssyncset.done @!p0 $0x0  }
0xd9: {  	[sflag:s0] =	ssyncadd.s32 @!p0 s1  }
0xda: {  	[bflag:$0x3] =	sbarrier.arrive $0xFFFF  }
0xdb: {  	_ =	shalt  }

</sc_bundles>
